<compile_context>
chip_gen: v7x
topology: tpu7x:2x2x1
jax: 0.10.2.dev20260603
libtpu: 0.0.44.dev20260713+nightly
codegen_flags: <defaults>
</compile_context>

<pallas_src>
import jax
import jax.numpy as jnp
from jax import lax
from jax.experimental import pallas as pl
from jax.experimental.pallas import tpu as pltpu
from jax.experimental.pallas import tpu_sc as plsc

D_MODEL = 1024
SEQ = 2048
BATCH = 4
NC, NS = 2, 16
NW = NC * NS
ROWS_PER_W = SEQ // NW
TILE_ROWS = 8
TILE_E = TILE_ROWS * D_MODEL
N_TILES = ROWS_PER_W // TILE_ROWS
NBUF = 3
LOOKAHEAD = 2


def _sc_body(x_hbm, pos_hbm, out_hbm, pos_v, x_v, *sems):
    in_sems, out_sems = sems[:NBUF], sems[NBUF:]
    wid = lax.axis_index("s") * NC + lax.axis_index("c")
    base = wid * ROWS_PER_W

    def start_in(t):
        j = t % NBUF
        s0 = base + t * TILE_ROWS
        ds = [pltpu.async_copy(pos_hbm.at[pl.ds(s0, TILE_ROWS)],
                               pos_v.at[j], in_sems[j])]
        for b in range(BATCH):
            ds.append(pltpu.async_copy(x_hbm.at[b, pl.ds(s0, TILE_ROWS)],
                                       x_v.at[j, b], in_sems[j]))
        return ds

    def start_out(t):
        j = t % NBUF
        s0 = base + t * TILE_ROWS
        return [pltpu.async_copy(x_v.at[j, b],
                                 out_hbm.at[b, pl.ds(s0, TILE_ROWS)],
                                 out_sems[j])
                for b in range(BATCH)]

    in_descs = [None] * N_TILES
    out_descs = [None] * N_TILES
    for t in range(LOOKAHEAD):
        in_descs[t] = start_in(t)

    for t in range(N_TILES):
        j = t % NBUF
        for d in in_descs[t]:
            d.wait()

        @plsc.parallel_loop(0, TILE_E, 16, unroll=4)
        def _(i, j=j):
            r = i >> 10
            c = pl.multiple_of(i & (D_MODEL - 1), 16)
            p = pos_v[j, r, pl.ds(c, 16)]
            for b in range(BATCH):
                plsc.addupdate(x_v.at[j, b, r, pl.ds(c, 16)], p)

        out_descs[t] = start_out(t)
        n = t + LOOKAHEAD
        if n < N_TILES:
            if n >= NBUF:
                for d in out_descs[n - NBUF]:
                    d.wait()
                out_descs[n - NBUF] = None
            in_descs[n] = start_in(n)

    for t in range(N_TILES):
        if out_descs[t] is not None:
            for d in out_descs[t]:
                d.wait()


def kernel(x, pos_embedding):
    batch, seq_len, d_model = x.shape

    mesh = plsc.VectorSubcoreMesh(core_axis_name="c", subcore_axis_name="s")
    out = pl.kernel(
        _sc_body,
        out_type=jax.ShapeDtypeStruct((batch, seq_len, d_model), x.dtype),
        mesh=mesh,
        scratch_types=(
            [pltpu.VMEM((NBUF, TILE_ROWS, d_model), jnp.float32),
             pltpu.VMEM((NBUF, BATCH, TILE_ROWS, d_model), jnp.float32)]
            + [pltpu.SemaphoreType.DMA] * (2 * NBUF)
        ),
    )(x, pos_embedding)
    return out

# --- scband reference (transcript-rebuilt; emitter-appended) ---
"""Pipeline reference for scband-learned-positional-encoding-70291434766461 (READ-ONLY COPY).

The authoritative reference and input builder live on the scoring server;
editing this copy changes nothing except your own understanding.
"""

import jax, jax.numpy as jnp
import numpy as np

D_MODEL = 1024
MAX_LEN = 2048
BATCH = 4
SEQ_LEN = 2048

def setup_inputs(seed: int = 0) -> dict:
    key = jax.random.key(seed)
    k_x, k_emb = jax.random.split(key)
    x = jax.random.normal(k_x, (BATCH, SEQ_LEN, D_MODEL), dtype=jnp.float32)
    pos_embedding = jax.random.normal(k_emb, (MAX_LEN, D_MODEL), dtype=jnp.float32) * 0.02
    return {"x": x, "pos_embedding": pos_embedding}

def reference(x, pos_embedding):
    batch_size, seq_len, _ = x.shape
    positions = jnp.arange(seq_len, dtype=jnp.int32)[None, :]
    positions = jnp.broadcast_to(positions, (batch_size, seq_len))
    pos_enc = jnp.take(pos_embedding, positions, axis=0)  # (batch, seq_len, d_model)
    return x + pos_enc

if __name__ == "__main__":
    import jax
    _d = setup_inputs()
    print(jax.jit(kernel)(*tuple(_d.values())))

</pallas_src>

<mosaic_0001>
#map = affine_map<(d0, d1) -> (0, 0, 0)>
#map1 = affine_map<(d0, d1) -> (0, 0)>
module attributes {stable_mosaic.version = 14 : i64} {
  func.func @_sc_body(%arg0: i32, %arg1: i32, %arg2: memref<4x2048x1024xf32, #tpu.memory_space<hbm>>, %arg3: memref<2048x1024xf32, #tpu.memory_space<hbm>>, %arg4: memref<4x2048x1024xf32, #tpu.memory_space<hbm>>, %arg5: memref<3x8x1024xf32, #tpu.memory_space<vmem>>, %arg6: memref<3x4x8x1024xf32, #tpu.memory_space<vmem>>, %arg7: memref<!tpu.dma_semaphore, #tpu.memory_space<semaphore_mem>>, %arg8: memref<!tpu.dma_semaphore, #tpu.memory_space<semaphore_mem>>, %arg9: memref<!tpu.dma_semaphore, #tpu.memory_space<semaphore_mem>>, %arg10: memref<!tpu.dma_semaphore, #tpu.memory_space<semaphore_mem>>, %arg11: memref<!tpu.dma_semaphore, #tpu.memory_space<semaphore_mem>>, %arg12: memref<!tpu.dma_semaphore, #tpu.memory_space<semaphore_mem>>) attributes {dimension_semantics = [#tpu.dimension_semantics<core_parallel>, #tpu.dimension_semantics<subcore_parallel>], iteration_bounds = array<i64: 2, 16>, scalar_prefetch = 0 : i64, scratch_operands = 8 : i64, tpu.core_type = #tpu.core_type<sc_vector_subcore>, window_params = [{transform_indices = #map}, {transform_indices = #map1}, {transform_indices = #map}]} {
    %mul3A = arith.constant 2 : i32
    %mul3A_0 = arith.muli %arg1, %mul3A : i32
    %add3A = arith.addi %mul3A_0, %arg0 : i32
    %mul3A_1 = arith.constant 64 : i32
    %mul3A_2 = arith.muli %add3A, %mul3A_1 : i32
    %add3A_3 = arith.constant 0 : i32
    %add3A_4 = arith.addi %mul3A_2, %add3A_3 : i32
    %dma_start3A = arith.constant 0 : i32
    %dma_start3A_5 = arith.constant 0 : i32
    %dma_start3A_6 = arith.constant 0 : i32
    %dma_start3A_7 = tpu.memref_slice %arg5[%dma_start3A, %dma_start3A_5, %dma_start3A_6] : memref<3x8x1024xf32, #tpu.memory_space<vmem>> -> memref<1x8x1024xf32, #tpu.memory_space<vmem>>
    %dma_start3A_8 = tpu.memref_squeeze %dma_start3A_7 : memref<1x8x1024xf32, #tpu.memory_space<vmem>> -> memref<8x1024xf32, #tpu.memory_space<vmem>>
    %dma_start3A_9 = arith.constant 0 : i32
    %dma_start3A_10 = tpu.memref_slice %arg3[%add3A_4, %dma_start3A_9] : memref<2048x1024xf32, #tpu.memory_space<hbm>> -> memref<8x1024xf32, #tpu.memory_space<hbm>>
    %dma_start3A_11 = arith.constant 0 : i32
    %dma_start3A_12 = arith.constant 0 : i32
    %dma_start3A_13 = tpu.memref_slice %arg5[%dma_start3A, %dma_start3A_11, %dma_start3A_12] : memref<3x8x1024xf32, #tpu.memory_space<vmem>> -> memref<1x8x1024xf32, #tpu.memory_space<vmem>>
    %dma_start3A_14 = tpu.memref_squeeze %dma_start3A_13 : memref<1x8x1024xf32, #tpu.memory_space<vmem>> -> memref<8x1024xf32, #tpu.memory_space<vmem>>
    %dma_start3A_15 = arith.constant 0 : i32
    %dma_start3A_16 = tpu.memref_slice %arg3[%add3A_4, %dma_start3A_15] : memref<2048x1024xf32, #tpu.memory_space<hbm>> -> memref<8x1024xf32, #tpu.memory_space<hbm>>
    tpu.enqueue_dma source(%dma_start3A_16 : memref<8x1024xf32, #tpu.memory_space<hbm>>) target(%dma_start3A_14 : memref<8x1024xf32, #tpu.memory_space<vmem>>) target_semaphore(%arg7 : memref<!tpu.dma_semaphore, #tpu.memory_space<semaphore_mem>>)
    %dma_start3A_17 = arith.constant 0 : i32
    %dma_start3A_18 = arith.constant 0 : i32
    %dma_start3A_19 = arith.constant 0 : i32
    %dma_start3A_20 = arith.constant 0 : i32
    %dma_start3A_21 = arith.constant 0 : i32
    %dma_start3A_22 = tpu.memref_slice %arg6[%dma_start3A_18, %dma_start3A_19, %dma_start3A_20, %dma_start3A_21] : memref<3x4x8x1024xf32, #tpu.memory_space<vmem>> -> memref<1x1x8x1024xf32, #tpu.memory_space<vmem>>
    %dma_start3A_23 = tpu.memref_squeeze %dma_start3A_22 : memref<1x1x8x1024xf32, #tpu.memory_space<vmem>> -> memref<8x1024xf32, #tpu.memory_space<vmem>>
    %dma_start3A_24 = arith.constant 0 : i32
    %dma_start3A_25 = tpu.memref_slice %arg2[%dma_start3A_17, %add3A_4, %dma_start3A_24] : memref<4x2048x1024xf32, #tpu.memory_space<hbm>> -> memref<1x8x1024xf32, #tpu.memory_space<hbm>>
    %dma_start3A_26 = tpu.memref_squeeze %dma_start3A_25 : memref<1x8x1024xf32, #tpu.memory_space<hbm>> -> memref<8x1024xf32, #tpu.memory_space<hbm>>
    %dma_start3A_27 = arith.constant 0 : i32
    %dma_start3A_28 = arith.constant 0 : i32
    %dma_start3A_29 = tpu.memref_slice %arg6[%dma_start3A_18, %dma_start3A_19, %dma_start3A_27, %dma_start3A_28] : memref<3x4x8x1024xf32, #tpu.memory_space<vmem>> -> memref<1x1x8x1024xf32, #tpu.memory_space<vmem>>
    %dma_start3A_30 = tpu.memref_squeeze %dma_start3A_29 : memref<1x1x8x1024xf32, #tpu.memory_space<vmem>> -> memref<8x1024xf32, #tpu.memory_space<vmem>>
    %dma_start3A_31 = arith.constant 0 : i32
    %dma_start3A_32 = tpu.memref_slice %arg2[%dma_start3A_17, %add3A_4, %dma_start3A_31] : memref<4x2048x1024xf32, #tpu.memory_space<hbm>> -> memref<1x8x1024xf32, #tpu.memory_space<hbm>>
    %dma_start3A_33 = tpu.memref_squeeze %dma_start3A_32 : memref<1x8x1024xf32, #tpu.memory_space<hbm>> -> memref<8x1024xf32, #tpu.memory_space<hbm>>
    tpu.enqueue_dma source(%dma_start3A_33 : memref<8x1024xf32, #tpu.memory_space<hbm>>) target(%dma_start3A_30 : memref<8x1024xf32, #tpu.memory_space<vmem>>) target_semaphore(%arg7 : memref<!tpu.dma_semaphore, #tpu.memory_space<semaphore_mem>>)
    %dma_start3A_34 = arith.constant 1 : i32
    %dma_start3A_35 = arith.constant 0 : i32
    %dma_start3A_36 = arith.constant 1 : i32
    %dma_start3A_37 = arith.constant 0 : i32
    %dma_start3A_38 = arith.constant 0 : i32
    %dma_start3A_39 = tpu.memref_slice %arg6[%dma_start3A_35, %dma_start3A_36, %dma_start3A_37, %dma_start3A_38] : memref<3x4x8x1024xf32, #tpu.memory_space<vmem>> -> memref<1x1x8x1024xf32, #tpu.memory_space<vmem>>
    %dma_start3A_40 = tpu.memref_squeeze %dma_start3A_39 : memref<1x1x8x1024xf32, #tpu.memory_space<vmem>> -> memref<8x1024xf32, #tpu.memory_space<vmem>>
    %dma_start3A_41 = arith.constant 0 : i32
    %dma_start3A_42 = tpu.memref_slice %arg2[%dma_start3A_34, %add3A_4, %dma_start3A_41] : memref<4x2048x1024xf32, #tpu.memory_space<hbm>> -> memref<1x8x1024xf32, #tpu.memory_space<hbm>>
    %dma_start3A_43 = tpu.memref_squeeze %dma_start3A_42 : memref<1x8x1024xf32, #tpu.memory_space<hbm>> -> memref<8x1024xf32, #tpu.memory_space<hbm>>
    %dma_start3A_44 = arith.constant 0 : i32
    %dma_start3A_45 = arith.constant 0 : i32
    %dma_start3A_46 = tpu.memref_slice %arg6[%dma_start3A_35, %dma_start3A_36, %dma_start3A_44, %dma_start3A_45] : memref<3x4x8x1024xf32, #tpu.memory_space<vmem>> -> memref<1x1x8x1024xf32, #tpu.memory_space<vmem>>
    %dma_start3A_47 = tpu.memref_squeeze %dma_start3A_46 : memref<1x1x8x1024xf32, #tpu.memory_space<vmem>> -> memref<8x1024xf32, #tpu.memory_space<vmem>>
    %dma_start3A_48 = arith.constant 0 : i32
    %dma_start3A_49 = tpu.memref_slice %arg2[%dma_start3A_34, %add3A_4, %dma_start3A_48] : memref<4x2048x1024xf32, #tpu.memory_space<hbm>> -> memref<1x8x1024xf32, #tpu.memory_space<hbm>>
    %dma_start3A_50 = tpu.memref_squeeze %dma_start3A_49 : memref<1x8x1024xf32, #tpu.memory_space<hbm>> -> memref<8x1024xf32, #tpu.memory_space<hbm>>
    tpu.enqueue_dma source(%dma_start3A_50 : memref<8x1024xf32, #tpu.memory_space<hbm>>) target(%dma_start3A_47 : memref<8x1024xf32, #tpu.memory_space<vmem>>) target_semaphore(%arg7 : memref<!tpu.dma_semaphore, #tpu.memory_space<semaphore_mem>>)
    %dma_start3A_51 = arith.constant 2 : i32
    %dma_start3A_52 = arith.constant 0 : i32
    %dma_start3A_53 = arith.constant 2 : i32
    %dma_start3A_54 = arith.constant 0 : i32
    %dma_start3A_55 = arith.constant 0 : i32
    %dma_start3A_56 = tpu.memref_slice %arg6[%dma_start3A_52, %dma_start3A_53, %dma_start3A_54, %dma_start3A_55] : memref<3x4x8x1024xf32, #tpu.memory_space<vmem>> -> memref<1x1x8x1024xf32, #tpu.memory_space<vmem>>
    %dma_start3A_57 = tpu.memref_squeeze %dma_start3A_56 : memref<1x1x8x1024xf32, #tpu.memory_space<vmem>> -> memref<8x1024xf32, #tpu.memory_space<vmem>>
    %dma_start3A_58 = arith.constant 0 : i32
    %dma_start3A_59 = tpu.memref_slice %arg2[%dma_start3A_51, %add3A_4, %dma_start3A_58] : memref<4x2048x1024xf32, #tpu.memory_space<hbm>> -> memref<1x8x1024xf32, #tpu.memory_space<hbm>>
    %dma_start3A_60 = tpu.memref_squeeze %dma_start3A_59 : memref<1x8x1024xf32, #tpu.memory_space<hbm>> -> memref<8x1024xf32, #tpu.memory_space<hbm>>
    %dma_start3A_61 = arith.constant 0 : i32
    %dma_start3A_62 = arith.constant 0 : i32
    %dma_start3A_63 = tpu.memref_slice %arg6[%dma_start3A_52, %dma_start3A_53, %dma_start3A_61, %dma_start3A_62] : memref<3x4x8x1024xf32, #tpu.memory_space<vmem>> -> memref<1x1x8x1024xf32, #tpu.memory_space<vmem>>
    %dma_start3A_64 = tpu.memref_squeeze %dma_start3A_63 : memref<1x1x8x1024xf32, #tpu.memory_space<vmem>> -> memref<8x1024xf32, #tpu.memory_space<vmem>>
    %dma_start3A_65 = arith.constant 0 : i32
    %dma_start3A_66 = tpu.memref_slice %arg2[%dma_start3A_51, %add3A_4, %dma_start3A_65] : memref<4x2048x1024xf32, #tpu.memory_space<hbm>> -> memref<1x8x1024xf32, #tpu.memory_space<hbm>>
    %dma_start3A_67 = tpu.memref_squeeze %dma_start3A_66 : memref<1x8x1024xf32, #tpu.memory_space<hbm>> -> memref<8x1024xf32, #tpu.memory_space<hbm>>
    tpu.enqueue_dma source(%dma_start3A_67 : memref<8x1024xf32, #tpu.memory_space<hbm>>) target(%dma_start3A_64 : memref<8x1024xf32, #tpu.memory_space<vmem>>) target_semaphore(%arg7 : memref<!tpu.dma_semaphore, #tpu.memory_space<semaphore_mem>>)
    %dma_start3A_68 = arith.constant 3 : i32
    %dma_start3A_69 = arith.constant 0 : i32
    %dma_start3A_70 = arith.constant 3 : i32
    %dma_start3A_71 = arith.constant 0 : i32
    %dma_start3A_72 = arith.constant 0 : i32
    %dma_start3A_73 = tpu.memref_slice %arg6[%dma_start3A_69, %dma_start3A_70, %dma_start3A_71, %dma_start3A_72] : memref<3x4x8x1024xf32, #tpu.memory_space<vmem>> -> memref<1x1x8x1024xf32, #tpu.memory_space<vmem>>
    %dma_start3A_74 = tpu.memref_squeeze %dma_start3A_73 : memref<1x1x8x1024xf32, #tpu.memory_space<vmem>> -> memref<8x1024xf32, #tpu.memory_space<vmem>>
    %dma_start3A_75 = arith.constant 0 : i32
    %dma_start3A_76 = tpu.memref_slice %arg2[%dma_start3A_68, %add3A_4, %dma_start3A_75] : memref<4x2048x1024xf32, #tpu.memory_space<hbm>> -> memref<1x8x1024xf32, #tpu.memory_space<hbm>>
    %dma_start3A_77 = tpu.memref_squeeze %dma_start3A_76 : memref<1x8x1024xf32, #tpu.memory_space<hbm>> -> memref<8x1024xf32, #tpu.memory_space<hbm>>
    %dma_start3A_78 = arith.constant 0 : i32
    %dma_start3A_79 = arith.constant 0 : i32
    %dma_start3A_80 = tpu.memref_slice %arg6[%dma_start3A_69, %dma_start3A_70, %dma_start3A_78, %dma_start3A_79] : memref<3x4x8x1024xf32, #tpu.memory_space<vmem>> -> memref<1x1x8x1024xf32, #tpu.memory_space<vmem>>
    %dma_start3A_81 = tpu.memref_squeeze %dma_start3A_80 : memref<1x1x8x1024xf32, #tpu.memory_space<vmem>> -> memref<8x1024xf32, #tpu.memory_space<vmem>>
    %dma_start3A_82 = arith.constant 0 : i32
    %dma_start3A_83 = tpu.memref_slice %arg2[%dma_start3A_68, %add3A_4, %dma_start3A_82] : memref<4x2048x1024xf32, #tpu.memory_space<hbm>> -> memref<1x8x1024xf32, #tpu.memory_space<hbm>>
    %dma_start3A_84 = tpu.memref_squeeze %dma_start3A_83 : memref<1x8x1024xf32, #tpu.memory_space<hbm>> -> memref<8x1024xf32, #tpu.memory_space<hbm>>
    tpu.enqueue_dma source(%dma_start3A_84 : memref<8x1024xf32, #tpu.memory_space<hbm>>) target(%dma_start3A_81 : memref<8x1024xf32, #tpu.memory_space<vmem>>) target_semaphore(%arg7 : memref<!tpu.dma_semaphore, #tpu.memory_space<semaphore_mem>>)
    %add3A_85 = arith.constant 8 : i32
    %add3A_86 = arith.addi %mul3A_2, %add3A_85 : i32
    %dma_start3A_87 = arith.constant 1 : i32
    %dma_start3A_88 = arith.constant 0 : i32
    %dma_start3A_89 = arith.constant 0 : i32
    %dma_start3A_90 = tpu.memref_slice %arg5[%dma_start3A_87, %dma_start3A_88, %dma_start3A_89] : memref<3x8x1024xf32, #tpu.memory_space<vmem>> -> memref<1x8x1024xf32, #tpu.memory_space<vmem>>
    %dma_start3A_91 = tpu.memref_squeeze %dma_start3A_90 : memref<1x8x1024xf32, #tpu.memory_space<vmem>> -> memref<8x1024xf32, #tpu.memory_space<vmem>>
    %dma_start3A_92 = arith.constant 0 : i32
    %dma_start3A_93 = tpu.memref_slice %arg3[%add3A_86, %dma_start3A_92] : memref<2048x1024xf32, #tpu.memory_space<hbm>> -> memref<8x1024xf32, #tpu.memory_space<hbm>>
    %dma_start3A_94 = arith.constant 0 : i32
    %dma_start3A_95 = arith.constant 0 : i32
    %dma_start3A_96 = tpu.memref_slice %arg5[%dma_start3A_87, %dma_start3A_94, %dma_start3A_95] : memref<3x8x1024xf32, #tpu.memory_space<vmem>> -> memref<1x8x1024xf32, #tpu.memory_space<vmem>>
    %dma_start3A_97 = tpu.memref_squeeze %dma_start3A_96 : memref<1x8x1024xf32, #tpu.memory_space<vmem>> -> memref<8x1024xf32, #tpu.memory_space<vmem>>
    %dma_start3A_98 = arith.constant 0 : i32
    %dma_start3A_99 = tpu.memref_slice %arg3[%add3A_86, %dma_start3A_98] : memref<2048x1024xf32, #tpu.memory_space<hbm>> -> memref<8x1024xf32, #tpu.memory_space<hbm>>
    tpu.enqueue_dma source(%dma_start3A_99 : memref<8x1024xf32, #tpu.memory_space<hbm>>) target(%dma_start3A_97 : memref<8x1024xf32, #tpu.memory_space<vmem>>) target_semaphore(%arg8 : memref<!tpu.dma_semaphore, #tpu.memory_space<semaphore_mem>>)
    %dma_start3A_100 = arith.constant 0 : i32
    %dma_start3A_101 = arith.constant 1 : i32
    %dma_start3A_102 = arith.constant 0 : i32
    %dma_start3A_103 = arith.constant 0 : i32
    %dma_start3A_104 = arith.constant 0 : i32
    %dma_start3A_105 = tpu.memref_slice %arg6[%dma_start3A_101, %dma_start3A_102, %dma_start3A_103, %dma_start3A_104] : memref<3x4x8x1024xf32, #tpu.memory_space<vmem>> -> memref<1x1x8x1024xf32, #tpu.memory_space<vmem>>
    %dma_start3A_106 = tpu.memref_squeeze %dma_start3A_105 : memref<1x1x8x1024xf32, #tpu.memory_space<vmem>> -> memref<8x1024xf32, #tpu.memory_space<vmem>>
    %dma_start3A_107 = arith.constant 0 : i32
    %dma_start3A_108 = tpu.memref_slice %arg2[%dma_start3A_100, %add3A_86, %dma_start3A_107] : memref<4x2048x1024xf32, #tpu.memory_space<hbm>> -> memref<1x8x1024xf32, #tpu.memory_space<hbm>>
    %dma_start3A_109 = tpu.memref_squeeze %dma_start3A_108 : memref<1x8x1024xf32, #tpu.memory_space<hbm>> -> memref<8x1024xf32, #tpu.memory_space<hbm>>
    %dma_start3A_110 = arith.constant 0 : i32
    %dma_start3A_111 = arith.constant 0 : i32
    %dma_start3A_112 = tpu.memref_slice %arg6[%dma_start3A_101, %dma_start3A_102, %dma_start3A_110, %dma_start3A_111] : memref<3x4x8x1024xf32, #tpu.memory_space<vmem>> -> memref<1x1x8x1024xf32, #tpu.memory_space<vmem>>
    %dma_start3A_113 = tpu.memref_squeeze %dma_start3A_112 : memref<1x1x8x1024xf32, #tpu.memory_space<vmem>> -> memref<8x1024xf32, #tpu.memory_space<vmem>>
    %dma_start3A_114 = arith.constant 0 : i32
    %dma_start3A_115 = tpu.memref_slice %arg2[%dma_start3A_100, %add3A_86, %dma_start3A_114] : memref<4x2048x1024xf32, #tpu.memory_space<hbm>> -> memref<1x8x1024xf32, #tpu.memory_space<hbm>>
    %dma_start3A_116 = tpu.memref_squeeze %dma_start3A_115 : memref<1x8x1024xf32, #tpu.memory_space<hbm>> -> memref<8x1024xf32, #tpu.memory_space<hbm>>
    tpu.enqueue_dma source(%dma_start3A_116 : memref<8x1024xf32, #tpu.memory_space<hbm>>) target(%dma_start3A_113 : memref<8x1024xf32, #tpu.memory_space<vmem>>) target_semaphore(%arg8 : memref<!tpu.dma_semaphore, #tpu.memory_space<semaphore_mem>>)
    %dma_start3A_117 = arith.constant 1 : i32
    %dma_start3A_118 = arith.constant 1 : i32
    %dma_start3A_119 = arith.constant 1 : i32
    %dma_start3A_120 = arith.constant 0 : i32
    %dma_start3A_121 = arith.constant 0 : i32
    %dma_start3A_122 = tpu.memref_slice %arg6[%dma_start3A_118, %dma_start3A_119, %dma_start3A_120, %dma_start3A_121] : memref<3x4x8x1024xf32, #tpu.memory_space<vmem>> -> memref<1x1x8x1024xf32, #tpu.memory_space<vmem>>
    %dma_start3A_123 = tpu.memref_squeeze %dma_start3A_122 : memref<1x1x8x1024xf32, #tpu.memory_space<vmem>> -> memref<8x1024xf32, #tpu.memory_space<vmem>>
    %dma_start3A_124 = arith.constant 0 : i32
    %dma_start3A_125 = tpu.memref_slice %arg2[%dma_start3A_117, %add3A_86, %dma_start3A_124] : memref<4x2048x1024xf32, #tpu.memory_space<hbm>> -> memref<1x8x1024xf32, #tpu.memory_space<hbm>>
    %dma_start3A_126 = tpu.memref_squeeze %dma_start3A_125 : memref<1x8x1024xf32, #tpu.memory_space<hbm>> -> memref<8x1024xf32, #tpu.memory_space<hbm>>
    %dma_start3A_127 = arith.constant 0 : i32
    %dma_start3A_128 = arith.constant 0 : i32
    %dma_start3A_129 = tpu.memref_slice %arg6[%dma_start3A_118, %dma_start3A_119, %dma_start3A_127, %dma_start3A_128] : memref<3x4x8x1024xf32, #tpu.memory_space<vmem>> -> memref<1x1x8x1024xf32, #tpu.memory_space<vmem>>
    %dma_start3A_130 = tpu.memref_squeeze %dma_start3A_129 : memref<1x1x8x1024xf32, #tpu.memory_space<vmem>> -> memref<8x1024xf32, #tpu.memory_space<vmem>>
    %dma_start3A_131 = arith.constant 0 : i32
    %dma_start3A_132 = tpu.memref_slice %arg2[%dma_start3A_117, %add3A_86, %dma_start3A_131] : memref<4x2048x1024xf32, #tpu.memory_space<hbm>> -> memref<1x8x1024xf32, #tpu.memory_space<hbm>>
    %dma_start3A_133 = tpu.memref_squeeze %dma_start3A_132 : memref<1x8x1024xf32, #tpu.memory_space<hbm>> -> memref<8x1024xf32, #tpu.memory_space<hbm>>
    tpu.enqueue_dma source(%dma_start3A_133 : memref<8x1024xf32, #tpu.memory_space<hbm>>) target(%dma_start3A_130 : memref<8x1024xf32, #tpu.memory_space<vmem>>) target_semaphore(%arg8 : memref<!tpu.dma_semaphore, #tpu.memory_space<semaphore_mem>>)
    %dma_start3A_134 = arith.constant 2 : i32
    %dma_start3A_135 = arith.constant 1 : i32
    %dma_start3A_136 = arith.constant 2 : i32
    %dma_start3A_137 = arith.constant 0 : i32
    %dma_start3A_138 = arith.constant 0 : i32
    %dma_start3A_139 = tpu.memref_slice %arg6[%dma_start3A_135, %dma_start3A_136, %dma_start3A_137, %dma_start3A_138] : memref<3x4x8x1024xf32, #tpu.memory_space<vmem>> -> memref<1x1x8x1024xf32, #tpu.memory_space<vmem>>
    %dma_start3A_140 = tpu.memref_squeeze %dma_start3A_139 : memref<1x1x8x1024xf32, #tpu.memory_space<vmem>> -> memref<8x1024xf32, #tpu.memory_space<vmem>>
    %dma_start3A_141 = arith.constant 0 : i32
    %dma_start3A_142 = tpu.memref_slice %arg2[%dma_start3A_134, %add3A_86, %dma_start3A_141] : memref<4x2048x1024xf32, #tpu.memory_space<hbm>> -> memref<1x8x1024xf32, #tpu.memory_space<hbm>>
    %dma_start3A_143 = tpu.memref_squeeze %dma_start3A_142 : memref<1x8x1024xf32, #tpu.memory_space<hbm>> -> memref<8x1024xf32, #tpu.memory_space<hbm>>
    %dma_start3A_144 = arith.constant 0 : i32
    %dma_start3A_145 = arith.constant 0 : i32
    %dma_start3A_146 = tpu.memref_slice %arg6[%dma_start3A_135, %dma_start3A_136, %dma_start3A_144, %dma_start3A_145] : memref<3x4x8x1024xf32, #tpu.memory_space<vmem>> -> memref<1x1x8x1024xf32, #tpu.memory_space<vmem>>
    %dma_start3A_147 = tpu.memref_squeeze %dma_start3A_146 : memref<1x1x8x1024xf32, #tpu.memory_space<vmem>> -> memref<8x1024xf32, #tpu.memory_space<vmem>>
    %dma_start3A_148 = arith.constant 0 : i32
    %dma_start3A_149 = tpu.memref_slice %arg2[%dma_start3A_134, %add3A_86, %dma_start3A_148] : memref<4x2048x1024xf32, #tpu.memory_space<hbm>> -> memref<1x8x1024xf32, #tpu.memory_space<hbm>>
    %dma_start3A_150 = tpu.memref_squeeze %dma_start3A_149 : memref<1x8x1024xf32, #tpu.memory_space<hbm>> -> memref<8x1024xf32, #tpu.memory_space<hbm>>
    tpu.enqueue_dma source(%dma_start3A_150 : memref<8x1024xf32, #tpu.memory_space<hbm>>) target(%dma_start3A_147 : memref<8x1024xf32, #tpu.memory_space<vmem>>) target_semaphore(%arg8 : memref<!tpu.dma_semaphore, #tpu.memory_space<semaphore_mem>>)
    %dma_start3A_151 = arith.constant 3 : i32
    %dma_start3A_152 = arith.constant 1 : i32
    %dma_start3A_153 = arith.constant 3 : i32
    %dma_start3A_154 = arith.constant 0 : i32
    %dma_start3A_155 = arith.constant 0 : i32
    %dma_start3A_156 = tpu.memref_slice %arg6[%dma_start3A_152, %dma_start3A_153, %dma_start3A_154, %dma_start3A_155] : memref<3x4x8x1024xf32, #tpu.memory_space<vmem>> -> memref<1x1x8x1024xf32, #tpu.memory_space<vmem>>
    %dma_start3A_157 = tpu.memref_squeeze %dma_start3A_156 : memref<1x1x8x1024xf32, #tpu.memory_space<vmem>> -> memref<8x1024xf32, #tpu.memory_space<vmem>>
    %dma_start3A_158 = arith.constant 0 : i32
    %dma_start3A_159 = tpu.memref_slice %arg2[%dma_start3A_151, %add3A_86, %dma_start3A_158] : memref<4x2048x1024xf32, #tpu.memory_space<hbm>> -> memref<1x8x1024xf32, #tpu.memory_space<hbm>>
    %dma_start3A_160 = tpu.memref_squeeze %dma_start3A_159 : memref<1x8x1024xf32, #tpu.memory_space<hbm>> -> memref<8x1024xf32, #tpu.memory_space<hbm>>
    %dma_start3A_161 = arith.constant 0 : i32
    %dma_start3A_162 = arith.constant 0 : i32
    %dma_start3A_163 = tpu.memref_slice %arg6[%dma_start3A_152, %dma_start3A_153, %dma_start3A_161, %dma_start3A_162] : memref<3x4x8x1024xf32, #tpu.memory_space<vmem>> -> memref<1x1x8x1024xf32, #tpu.memory_space<vmem>>
    %dma_start3A_164 = tpu.memref_squeeze %dma_start3A_163 : memref<1x1x8x1024xf32, #tpu.memory_space<vmem>> -> memref<8x1024xf32, #tpu.memory_space<vmem>>
    %dma_start3A_165 = arith.constant 0 : i32
    %dma_start3A_166 = tpu.memref_slice %arg2[%dma_start3A_151, %add3A_86, %dma_start3A_165] : memref<4x2048x1024xf32, #tpu.memory_space<hbm>> -> memref<1x8x1024xf32, #tpu.memory_space<hbm>>
    %dma_start3A_167 = tpu.memref_squeeze %dma_start3A_166 : memref<1x8x1024xf32, #tpu.memory_space<hbm>> -> memref<8x1024xf32, #tpu.memory_space<hbm>>
    tpu.enqueue_dma source(%dma_start3A_167 : memref<8x1024xf32, #tpu.memory_space<hbm>>) target(%dma_start3A_164 : memref<8x1024xf32, #tpu.memory_space<vmem>>) target_semaphore(%arg8 : memref<!tpu.dma_semaphore, #tpu.memory_space<semaphore_mem>>)
    %dma_wait3A = arith.constant 0 : i32
    %dma_wait3A_168 = arith.constant 0 : i32
    %dma_wait3A_169 = arith.constant 0 : i32
    %dma_wait3A_170 = tpu.memref_slice %arg5[%dma_wait3A, %dma_wait3A_168, %dma_wait3A_169] : memref<3x8x1024xf32, #tpu.memory_space<vmem>> -> memref<1x8x1024xf32, #tpu.memory_space<vmem>>
    %dma_wait3A_171 = tpu.memref_squeeze %dma_wait3A_170 : memref<1x8x1024xf32, #tpu.memory_space<vmem>> -> memref<8x1024xf32, #tpu.memory_space<vmem>>
    %dma_wait3A_172 = arith.constant 0 : i32
    %dma_wait3A_173 = tpu.memref_slice %arg3[%add3A_4, %dma_wait3A_172] : memref<2048x1024xf32, #tpu.memory_space<hbm>> -> memref<8x1024xf32, #tpu.memory_space<hbm>>
    %dma_wait3A_174 = arith.constant 0 : i32
    %dma_wait3A_175 = arith.constant 0 : i32
    %dma_wait3A_176 = tpu.memref_slice %arg5[%dma_wait3A, %dma_wait3A_174, %dma_wait3A_175] : memref<3x8x1024xf32, #tpu.memory_space<vmem>> -> memref<1x8x1024xf32, #tpu.memory_space<vmem>>
    %dma_wait3A_177 = tpu.memref_squeeze %dma_wait3A_176 : memref<1x8x1024xf32, #tpu.memory_space<vmem>> -> memref<8x1024xf32, #tpu.memory_space<vmem>>
    %dma_wait3A_178 = arith.constant 0 : i32
    %dma_wait3A_179 = tpu.memref_slice %arg3[%add3A_4, %dma_wait3A_178] : memref<2048x1024xf32, #tpu.memory_space<hbm>> -> memref<8x1024xf32, #tpu.memory_space<hbm>>
    tpu.wait_dma2 semaphore(%arg7 : memref<!tpu.dma_semaphore, #tpu.memory_space<semaphore_mem>>) src(%dma_wait3A_179 : memref<8x1024xf32, #tpu.memory_space<hbm>>) dst(%dma_wait3A_177 : memref<8x1024xf32, #tpu.memory_space<vmem>>)
    %dma_wait3A_180 = arith.constant 0 : i32
    %dma_wait3A_181 = arith.constant 0 : i32
    %dma_wait3A_182 = arith.constant 0 : i32
    %dma_wait3A_183 = arith.constant 0 : i32
    %dma_wait3A_184 = arith.constant 0 : i32
    %dma_wait3A_185 = tpu.memref_slice %arg6[%dma_wait3A_181, %dma_wait3A_182, %dma_wait3A_183, %dma_wait3A_184] : memref<3x4x8x1024xf32, #tpu.memory_space<vmem>> -> memref<1x1x8x1024xf32, #tpu.memory_space<vmem>>
    %dma_wait3A_186 = tpu.memref_squeeze %dma_wait3A_185 : memref<1x1x8x1024xf32, #tpu.memory_space<vmem>> -> memref<8x1024xf32, #tpu.memory_space<vmem>>
    %dma_wait3A_187 = arith.constant 0 : i32
    %dma_wait3A_188 = tpu.memref_slice %arg2[%dma_wait3A_180, %add3A_4, %dma_wait3A_187] : memref<4x2048x1024xf32, #tpu.memory_space<hbm>> -> memref<1x8x1024xf32, #tpu.memory_space<hbm>>
    %dma_wait3A_189 = tpu.memref_squeeze %dma_wait3A_188 : memref<1x8x1024xf32, #tpu.memory_space<hbm>> -> memref<8x1024xf32, #tpu.memory_space<hbm>>
    %dma_wait3A_190 = arith.constant 0 : i32
    %dma_wait3A_191 = arith.constant 0 : i32
    %dma_wait3A_192 = tpu.memref_slice %arg6[%dma_wait3A_181, %dma_wait3A_182, %dma_wait3A_190, %dma_wait3A_191] : memref<3x4x8x1024xf32, #tpu.memory_space<vmem>> -> memref<1x1x8x1024xf32, #tpu.memory_space<vmem>>
    %dma_wait3A_193 = tpu.memref_squeeze %dma_wait3A_192 : memref<1x1x8x1024xf32, #tpu.memory_space<vmem>> -> memref<8x1024xf32, #tpu.memory_space<vmem>>
    %dma_wait3A_194 = arith.constant 0 : i32
    %dma_wait3A_195 = tpu.memref_slice %arg2[%dma_wait3A_180, %add3A_4, %dma_wait3A_194] : memref<4x2048x1024xf32, #tpu.memory_space<hbm>> -> memref<1x8x1024xf32, #tpu.memory_space<hbm>>
    %dma_wait3A_196 = tpu.memref_squeeze %dma_wait3A_195 : memref<1x8x1024xf32, #tpu.memory_space<hbm>> -> memref<8x1024xf32, #tpu.memory_space<hbm>>
    tpu.wait_dma2 semaphore(%arg7 : memref<!tpu.dma_semaphore, #tpu.memory_space<semaphore_mem>>) src(%dma_wait3A_196 : memref<8x1024xf32, #tpu.memory_space<hbm>>) dst(%dma_wait3A_193 : memref<8x1024xf32, #tpu.memory_space<vmem>>)
    %dma_wait3A_197 = arith.constant 1 : i32
    %dma_wait3A_198 = arith.constant 0 : i32
    %dma_wait3A_199 = arith.constant 1 : i32
    %dma_wait3A_200 = arith.constant 0 : i32
    %dma_wait3A_201 = arith.constant 0 : i32
    %dma_wait3A_202 = tpu.memref_slice %arg6[%dma_wait3A_198, %dma_wait3A_199, %dma_wait3A_200, %dma_wait3A_201] : memref<3x4x8x1024xf32, #tpu.memory_space<vmem>> -> memref<1x1x8x1024xf32, #tpu.memory_space<vmem>>
    %dma_wait3A_203 = tpu.memref_squeeze %dma_wait3A_202 : memref<1x1x8x1024xf32, #tpu.memory_space<vmem>> -> memref<8x1024xf32, #tpu.memory_space<vmem>>
    %dma_wait3A_204 = arith.constant 0 : i32
    %dma_wait3A_205 = tpu.memref_slice %arg2[%dma_wait3A_197, %add3A_4, %dma_wait3A_204] : memref<4x2048x1024xf32, #tpu.memory_space<hbm>> -> memref<1x8x1024xf32, #tpu.memory_space<hbm>>
    %dma_wait3A_206 = tpu.memref_squeeze %dma_wait3A_205 : memref<1x8x1024xf32, #tpu.memory_space<hbm>> -> memref<8x1024xf32, #tpu.memory_space<hbm>>
    %dma_wait3A_207 = arith.constant 0 : i32
    %dma_wait3A_208 = arith.constant 0 : i32
    %dma_wait3A_209 = tpu.memref_slice %arg6[%dma_wait3A_198, %dma_wait3A_199, %dma_wait3A_207, %dma_wait3A_208] : memref<3x4x8x1024xf32, #tpu.memory_space<vmem>> -> memref<1x1x8x1024xf32, #tpu.memory_space<vmem>>
    %dma_wait3A_210 = tpu.memref_squeeze %dma_wait3A_209 : memref<1x1x8x1024xf32, #tpu.memory_space<vmem>> -> memref<8x1024xf32, #tpu.memory_space<vmem>>
    %dma_wait3A_211 = arith.constant 0 : i32
    %dma_wait3A_212 = tpu.memref_slice %arg2[%dma_wait3A_197, %add3A_4, %dma_wait3A_211] : memref<4x2048x1024xf32, #tpu.memory_space<hbm>> -> memref<1x8x1024xf32, #tpu.memory_space<hbm>>
    %dma_wait3A_213 = tpu.memref_squeeze %dma_wait3A_212 : memref<1x8x1024xf32, #tpu.memory_space<hbm>> -> memref<8x1024xf32, #tpu.memory_space<hbm>>
    tpu.wait_dma2 semaphore(%arg7 : memref<!tpu.dma_semaphore, #tpu.memory_space<semaphore_mem>>) src(%dma_wait3A_213 : memref<8x1024xf32, #tpu.memory_space<hbm>>) dst(%dma_wait3A_210 : memref<8x1024xf32, #tpu.memory_space<vmem>>)
    %dma_wait3A_214 = arith.constant 2 : i32
    %dma_wait3A_215 = arith.constant 0 : i32
    %dma_wait3A_216 = arith.constant 2 : i32
    %dma_wait3A_217 = arith.constant 0 : i32
    %dma_wait3A_218 = arith.constant 0 : i32
    %dma_wait3A_219 = tpu.memref_slice %arg6[%dma_wait3A_215, %dma_wait3A_216, %dma_wait3A_217, %dma_wait3A_218] : memref<3x4x8x1024xf32, #tpu.memory_space<vmem>> -> memref<1x1x8x1024xf32, #tpu.memory_space<vmem>>
    %dma_wait3A_220 = tpu.memref_squeeze %dma_wait3A_219 : memref<1x1x8x1024xf32, #tpu.memory_space<vmem>> -> memref<8x1024xf32, #tpu.memory_space<vmem>>
    %dma_wait3A_221 = arith.constant 0 : i32
    %dma_wait3A_222 = tpu.memref_slice %arg2[%dma_wait3A_214, %add3A_4, %dma_wait3A_221] : memref<4x2048x1024xf32, #tpu.memory_space<hbm>> -> memref<1x8x1024xf32, #tpu.memory_space<hbm>>
    %dma_wait3A_223 = tpu.memref_squeeze %dma_wait3A_222 : memref<1x8x1024xf32, #tpu.memory_space<hbm>> -> memref<8x1024xf32, #tpu.memory_space<hbm>>
    %dma_wait3A_224 = arith.constant 0 : i32
    %dma_wait3A_225 = arith.constant 0 : i32
    %dma_wait3A_226 = tpu.memref_slice %arg6[%dma_wait3A_215, %dma_wait3A_216, %dma_wait3A_224, %dma_wait3A_225] : memref<3x4x8x1024xf32, #tpu.memory_space<vmem>> -> memref<1x1x8x1024xf32, #tpu.memory_space<vmem>>
    %dma_wait3A_227 = tpu.memref_squeeze %dma_wait3A_226 : memref<1x1x8x1024xf32, #tpu.memory_space<vmem>> -> memref<8x1024xf32, #tpu.memory_space<vmem>>
    %dma_wait3A_228 = arith.constant 0 : i32
    %dma_wait3A_229 = tpu.memref_slice %arg2[%dma_wait3A_214, %add3A_4, %dma_wait3A_228] : memref<4x2048x1024xf32, #tpu.memory_space<hbm>> -> memref<1x8x1024xf32, #tpu.memory_space<hbm>>
    %dma_wait3A_230 = tpu.memref_squeeze %dma_wait3A_229 : memref<1x8x1024xf32, #tpu.memory_space<hbm>> -> memref<8x1024xf32, #tpu.memory_space<hbm>>
    tpu.wait_dma2 semaphore(%arg7 : memref<!tpu.dma_semaphore, #tpu.memory_space<semaphore_mem>>) src(%dma_wait3A_230 : memref<8x1024xf32, #tpu.memory_space<hbm>>) dst(%dma_wait3A_227 : memref<8x1024xf32, #tpu.memory_space<vmem>>)
    %dma_wait3A_231 = arith.constant 3 : i32
    %dma_wait3A_232 = arith.constant 0 : i32
    %dma_wait3A_233 = arith.constant 3 : i32
    %dma_wait3A_234 = arith.constant 0 : i32
    %dma_wait3A_235 = arith.constant 0 : i32
    %dma_wait3A_236 = tpu.memref_slice %arg6[%dma_wait3A_232, %dma_wait3A_233, %dma_wait3A_234, %dma_wait3A_235] : memref<3x4x8x1024xf32, #tpu.memory_space<vmem>> -> memref<1x1x8x1024xf32, #tpu.memory_space<vmem>>
    %dma_wait3A_237 = tpu.memref_squeeze %dma_wait3A_236 : memref<1x1x8x1024xf32, #tpu.memory_space<vmem>> -> memref<8x1024xf32, #tpu.memory_space<vmem>>
    %dma_wait3A_238 = arith.constant 0 : i32
    %dma_wait3A_239 = tpu.memref_slice %arg2[%dma_wait3A_231, %add3A_4, %dma_wait3A_238] : memref<4x2048x1024xf32, #tpu.memory_space<hbm>> -> memref<1x8x1024xf32, #tpu.memory_space<hbm>>
    %dma_wait3A_240 = tpu.memref_squeeze %dma_wait3A_239 : memref<1x8x1024xf32, #tpu.memory_space<hbm>> -> memref<8x1024xf32, #tpu.memory_space<hbm>>
    %dma_wait3A_241 = arith.constant 0 : i32
    %dma_wait3A_242 = arith.constant 0 : i32
    %dma_wait3A_243 = tpu.memref_slice %arg6[%dma_wait3A_232, %dma_wait3A_233, %dma_wait3A_241, %dma_wait3A_242] : memref<3x4x8x1024xf32, #tpu.memory_space<vmem>> -> memref<1x1x8x1024xf32, #tpu.memory_space<vmem>>
    %dma_wait3A_244 = tpu.memref_squeeze %dma_wait3A_243 : memref<1x1x8x1024xf32, #tpu.memory_space<vmem>> -> memref<8x1024xf32, #tpu.memory_space<vmem>>
    %dma_wait3A_245 = arith.constant 0 : i32
    %dma_wait3A_246 = tpu.memref_slice %arg2[%dma_wait3A_231, %add3A_4, %dma_wait3A_245] : memref<4x2048x1024xf32, #tpu.memory_space<hbm>> -> memref<1x8x1024xf32, #tpu.memory_space<hbm>>
    %dma_wait3A_247 = tpu.memref_squeeze %dma_wait3A_246 : memref<1x8x1024xf32, #tpu.memory_space<hbm>> -> memref<8x1024xf32, #tpu.memory_space<hbm>>
    tpu.wait_dma2 semaphore(%arg7 : memref<!tpu.dma_semaphore, #tpu.memory_space<semaphore_mem>>) src(%dma_wait3A_247 : memref<8x1024xf32, #tpu.memory_space<hbm>>) dst(%dma_wait3A_244 : memref<8x1024xf32, #tpu.memory_space<vmem>>)
    %parallel_loop3A = arith.constant 0 : i32
    %parallel_loop3A_248 = arith.constant 8192 : i32
    %parallel_loop3A_249 = arith.constant 16 : i32
    scf.for %parallel_loop3A_2440 = %parallel_loop3A to %parallel_loop3A_248 step %parallel_loop3A_249  : i32 {
      %parallel_loop3A_2441 = arith.constant 10 : i32
      %parallel_loop3A_2442 = arith.shrsi %parallel_loop3A_2440, %parallel_loop3A_2441 : i32
      %parallel_loop3A_2443 = arith.constant 1023 : i32
      %parallel_loop3A_2444 = arith.andi %parallel_loop3A_2440, %parallel_loop3A_2443 : i32
      %parallel_loop3A_2445 = tpu.assume_multiple %parallel_loop3A_2444, 16 : i32
      %parallel_loop3A_2446 = arith.constant 0 : i32
      %parallel_loop3A_2447 = arith.index_cast %parallel_loop3A_2446 : i32 to index
      %parallel_loop3A_2448 = arith.index_cast %parallel_loop3A_2442 : i32 to index
      %parallel_loop3A_2449 = arith.index_cast %parallel_loop3A_2445 : i32 to index
      %parallel_loop3A_2450 = tpu.vector_load %arg5[%parallel_loop3A_2447, %parallel_loop3A_2448, %parallel_loop3A_2449] {strides = array<i32>} : memref<3x8x1024xf32, #tpu.memory_space<vmem>>, vector<1x1x16xf32>,
      %parallel_loop3A_2451 = vector.shape_cast %parallel_loop3A_2450 : vector<1x1x16xf32> to vector<16xf32>
      %parallel_loop3A_2452 = arith.constant 0 : i32
      %parallel_loop3A_2453 = arith.constant 0 : i32
      %parallel_loop3A_2454 = arith.index_cast %parallel_loop3A_2452 : i32 to index
      %parallel_loop3A_2455 = arith.index_cast %parallel_loop3A_2453 : i32 to index
      %parallel_loop3A_2456 = arith.index_cast %parallel_loop3A_2442 : i32 to index
      %parallel_loop3A_2457 = arith.index_cast %parallel_loop3A_2445 : i32 to index
      %parallel_loop3A_2458 = tpu.vector_load %arg6[%parallel_loop3A_2454, %parallel_loop3A_2455, %parallel_loop3A_2456, %parallel_loop3A_2457] {strides = array<i32>} : memref<3x4x8x1024xf32, #tpu.memory_space<vmem>>, vector<1x1x1x16xf32>,
      %parallel_loop3A_2459 = vector.shape_cast %parallel_loop3A_2458 : vector<1x1x1x16xf32> to vector<16xf32>
      %parallel_loop3A_2460 = vector.shape_cast %parallel_loop3A_2451 : vector<16xf32> to vector<1x1x1x16xf32>
      tpu.vector_store %arg6[%parallel_loop3A_2454, %parallel_loop3A_2455, %parallel_loop3A_2456, %parallel_loop3A_2457], %parallel_loop3A_2460 {add = true, strides = array<i32>} : memref<3x4x8x1024xf32, #tpu.memory_space<vmem>>, vector<1x1x1x16xf32>,
      %parallel_loop3A_2461 = arith.constant 0 : i32
      %parallel_loop3A_2462 = arith.constant 1 : i32
      %parallel_loop3A_2463 = arith.index_cast %parallel_loop3A_2461 : i32 to index
      %parallel_loop3A_2464 = arith.index_cast %parallel_loop3A_2462 : i32 to index
      %parallel_loop3A_2465 = arith.index_cast %parallel_loop3A_2442 : i32 to index
      %parallel_loop3A_2466 = arith.index_cast %parallel_loop3A_2445 : i32 to index
      %parallel_loop3A_2467 = tpu.vector_load %arg6[%parallel_loop3A_2463, %parallel_loop3A_2464, %parallel_loop3A_2465, %parallel_loop3A_2466] {strides = array<i32>} : memref<3x4x8x1024xf32, #tpu.memory_space<vmem>>, vector<1x1x1x16xf32>,
      %parallel_loop3A_2468 = vector.shape_cast %parallel_loop3A_2467 : vector<1x1x1x16xf32> to vector<16xf32>
      %parallel_loop3A_2469 = vector.shape_cast %parallel_loop3A_2451 : vector<16xf32> to vector<1x1x1x16xf32>
      tpu.vector_store %arg6[%parallel_loop3A_2463, %parallel_loop3A_2464, %parallel_loop3A_2465, %parallel_loop3A_2466], %parallel_loop3A_2469 {add = true, strides = array<i32>} : memref<3x4x8x1024xf32, #tpu.memory_space<vmem>>, vector<1x1x1x16xf32>,
      %parallel_loop3A_2470 = arith.constant 0 : i32
      %parallel_loop3A_2471 = arith.constant 2 : i32
      %parallel_loop3A_2472 = arith.index_cast %parallel_loop3A_2470 : i32 to index
      %parallel_loop3A_2473 = arith.index_cast %parallel_loop3A_2471 : i32 to index
      %parallel_loop3A_2474 = arith.index_cast %parallel_loop3A_2442 : i32 to index
      %parallel_loop3A_2475 = arith.index_cast %parallel_loop3A_2445 : i32 to index
      %parallel_loop3A_2476 = tpu.vector_load %arg6[%parallel_loop3A_2472, %parallel_loop3A_2473, %parallel_loop3A_2474, %parallel_loop3A_2475] {strides = array<i32>} : memref<3x4x8x1024xf32, #tpu.memory_space<vmem>>, vector<1x1x1x16xf32>,
      %parallel_loop3A_2477 = vector.shape_cast %parallel_loop3A_2476 : vector<1x1x1x16xf32> to vector<16xf32>
      %parallel_loop3A_2478 = vector.shape_cast %parallel_loop3A_2451 : vector<16xf32> to vector<1x1x1x16xf32>
      tpu.vector_store %arg6[%parallel_loop3A_2472, %parallel_loop3A_2473, %parallel_loop3A_2474, %parallel_loop3A_2475], %parallel_loop3A_2478 {add = true, strides = array<i32>} : memref<3x4x8x1024xf32, #tpu.memory_space<vmem>>, vector<1x1x1x16xf32>,
      %parallel_loop3A_2479 = arith.constant 0 : i32
      %parallel_loop3A_2480 = arith.constant 3 : i32
      %parallel_loop3A_2481 = arith.index_cast %parallel_loop3A_2479 : i32 to index
      %parallel_loop3A_2482 = arith.index_cast %parallel_loop3A_2480 : i32 to index
      %parallel_loop3A_2483 = arith.index_cast %parallel_loop3A_2442 : i32 to index
      %parallel_loop3A_2484 = arith.index_cast %parallel_loop3A_2445 : i32 to index
      %parallel_loop3A_2485 = tpu.vector_load %arg6[%parallel_loop3A_2481, %parallel_loop3A_2482, %parallel_loop3A_2483, %parallel_loop3A_2484] {strides = array<i32>} : memref<3x4x8x1024xf32, #tpu.memory_space<vmem>>, vector<1x1x1x16xf32>,
      %parallel_loop3A_2486 = vector.shape_cast %parallel_loop3A_2485 : vector<1x1x1x16xf32> to vector<16xf32>
      %parallel_loop3A_2487 = vector.shape_cast %parallel_loop3A_2451 : vector<16xf32> to vector<1x1x1x16xf32>
      tpu.vector_store %arg6[%parallel_loop3A_2481, %parallel_loop3A_2482, %parallel_loop3A_2483, %parallel_loop3A_2484], %parallel_loop3A_2487 {add = true, strides = array<i32>} : memref<3x4x8x1024xf32, #tpu.memory_space<vmem>>, vector<1x1x1x16xf32>,
    } {sc.loop_unroll_factor = 4 : i64, sc.parallel_access}
    %add3A_250 = arith.constant 0 : i32
    %add3A_251 = arith.addi %mul3A_2, %add3A_250 : i32
    %dma_start3A_252 = arith.constant 0 : i32
    %dma_start3A_253 = arith.constant 0 : i32
    %dma_start3A_254 = arith.constant 0 : i32
    %dma_start3A_255 = arith.constant 0 : i32
    %dma_start3A_256 = arith.constant 0 : i32
    %dma_start3A_257 = tpu.memref_slice %arg6[%dma_start3A_252, %dma_start3A_253, %dma_start3A_255, %dma_start3A_256] : memref<3x4x8x1024xf32, #tpu.memory_space<vmem>> -> memref<1x1x8x1024xf32, #tpu.memory_space<vmem>>
    %dma_start3A_258 = tpu.memref_squeeze %dma_start3A_257 : memref<1x1x8x1024xf32, #tpu.memory_space<vmem>> -> memref<8x1024xf32, #tpu.memory_space<vmem>>
    %dma_start3A_259 = arith.constant 0 : i32
    %dma_start3A_260 = tpu.memref_slice %arg4[%dma_start3A_254, %add3A_251, %dma_start3A_259] : memref<4x2048x1024xf32, #tpu.memory_space<hbm>> -> memref<1x8x1024xf32, #tpu.memory_space<hbm>>
    %dma_start3A_261 = tpu.memref_squeeze %dma_start3A_260 : memref<1x8x1024xf32, #tpu.memory_space<hbm>> -> memref<8x1024xf32, #tpu.memory_space<hbm>>
    %dma_start3A_262 = arith.constant 0 : i32
    %dma_start3A_263 = tpu.memref_slice %arg4[%dma_start3A_254, %add3A_251, %dma_start3A_262] : memref<4x2048x1024xf32, #tpu.memory_space<hbm>> -> memref<1x8x1024xf32, #tpu.memory_space<hbm>>
    %dma_start3A_264 = tpu.memref_squeeze %dma_start3A_263 : memref<1x8x1024xf32, #tpu.memory_space<hbm>> -> memref<8x1024xf32, #tpu.memory_space<hbm>>
    %dma_start3A_265 = arith.constant 0 : i32
    %dma_start3A_266 = arith.constant 0 : i32
    %dma_start3A_267 = tpu.memref_slice %arg6[%dma_start3A_252, %dma_start3A_253, %dma_start3A_265, %dma_start3A_266] : memref<3x4x8x1024xf32, #tpu.memory_space<vmem>> -> memref<1x1x8x1024xf32, #tpu.memory_space<vmem>>
    %dma_start3A_268 = tpu.memref_squeeze %dma_start3A_267 : memref<1x1x8x1024xf32, #tpu.memory_space<vmem>> -> memref<8x1024xf32, #tpu.memory_space<vmem>>
    tpu.enqueue_dma source(%dma_start3A_268 : memref<8x1024xf32, #tpu.memory_space<vmem>>) target(%dma_start3A_264 : memref<8x1024xf32, #tpu.memory_space<hbm>>) target_semaphore(%arg10 : memref<!tpu.dma_semaphore, #tpu.memory_space<semaphore_mem>>)
    %dma_start3A_269 = arith.constant 0 : i32
    %dma_start3A_270 = arith.constant 1 : i32
    %dma_start3A_271 = arith.constant 1 : i32
    %dma_start3A_272 = arith.constant 0 : i32
    %dma_start3A_273 = arith.constant 0 : i32
    %dma_start3A_274 = tpu.memref_slice %arg6[%dma_start3A_269, %dma_start3A_270, %dma_start3A_272, %dma_start3A_273] : memref<3x4x8x1024xf32, #tpu.memory_space<vmem>> -> memref<1x1x8x1024xf32, #tpu.memory_space<vmem>>
    %dma_start3A_275 = tpu.memref_squeeze %dma_start3A_274 : memref<1x1x8x1024xf32, #tpu.memory_space<vmem>> -> memref<8x1024xf32, #tpu.memory_space<vmem>>
    %dma_start3A_276 = arith.constant 0 : i32
    %dma_start3A_277 = tpu.memref_slice %arg4[%dma_start3A_271, %add3A_251, %dma_start3A_276] : memref<4x2048x1024xf32, #tpu.memory_space<hbm>> -> memref<1x8x1024xf32, #tpu.memory_space<hbm>>
    %dma_start3A_278 = tpu.memref_squeeze %dma_start3A_277 : memref<1x8x1024xf32, #tpu.memory_space<hbm>> -> memref<8x1024xf32, #tpu.memory_space<hbm>>
    %dma_start3A_279 = arith.constant 0 : i32
    %dma_start3A_280 = tpu.memref_slice %arg4[%dma_start3A_271, %add3A_251, %dma_start3A_279] : memref<4x2048x1024xf32, #tpu.memory_space<hbm>> -> memref<1x8x1024xf32, #tpu.memory_space<hbm>>
    %dma_start3A_281 = tpu.memref_squeeze %dma_start3A_280 : memref<1x8x1024xf32, #tpu.memory_space<hbm>> -> memref<8x1024xf32, #tpu.memory_space<hbm>>
    %dma_start3A_282 = arith.constant 0 : i32
    %dma_start3A_283 = arith.constant 0 : i32
    %dma_start3A_284 = tpu.memref_slice %arg6[%dma_start3A_269, %dma_start3A_270, %dma_start3A_282, %dma_start3A_283] : memref<3x4x8x1024xf32, #tpu.memory_space<vmem>> -> memref<1x1x8x1024xf32, #tpu.memory_space<vmem>>
    %dma_start3A_285 = tpu.memref_squeeze %dma_start3A_284 : memref<1x1x8x1024xf32, #tpu.memory_space<vmem>> -> memref<8x1024xf32, #tpu.memory_space<vmem>>
    tpu.enqueue_dma source(%dma_start3A_285 : memref<8x1024xf32, #tpu.memory_space<vmem>>) target(%dma_start3A_281 : memref<8x1024xf32, #tpu.memory_space<hbm>>) target_semaphore(%arg10 : memref<!tpu.dma_semaphore, #tpu.memory_space<semaphore_mem>>)
    %dma_start3A_286 = arith.constant 0 : i32
    %dma_start3A_287 = arith.constant 2 : i32
    %dma_start3A_288 = arith.constant 2 : i32
    %dma_start3A_289 = arith.constant 0 : i32
    %dma_start3A_290 = arith.constant 0 : i32
    %dma_start3A_291 = tpu.memref_slice %arg6[%dma_start3A_286, %dma_start3A_287, %dma_start3A_289, %dma_start3A_290] : memref<3x4x8x1024xf32, #tpu.memory_space<vmem>> -> memref<1x1x8x1024xf32, #tpu.memory_space<vmem>>
    %dma_start3A_292 = tpu.memref_squeeze %dma_start3A_291 : memref<1x1x8x1024xf32, #tpu.memory_space<vmem>> -> memref<8x1024xf32, #tpu.memory_space<vmem>>
    %dma_start3A_293 = arith.constant 0 : i32
    %dma_start3A_294 = tpu.memref_slice %arg4[%dma_start3A_288, %add3A_251, %dma_start3A_293] : memref<4x2048x1024xf32, #tpu.memory_space<hbm>> -> memref<1x8x1024xf32, #tpu.memory_space<hbm>>
    %dma_start3A_295 = tpu.memref_squeeze %dma_start3A_294 : memref<1x8x1024xf32, #tpu.memory_space<hbm>> -> memref<8x1024xf32, #tpu.memory_space<hbm>>
    %dma_start3A_296 = arith.constant 0 : i32
    %dma_start3A_297 = tpu.memref_slice %arg4[%dma_start3A_288, %add3A_251, %dma_start3A_296] : memref<4x2048x1024xf32, #tpu.memory_space<hbm>> -> memref<1x8x1024xf32, #tpu.memory_space<hbm>>
    %dma_start3A_298 = tpu.memref_squeeze %dma_start3A_297 : memref<1x8x1024xf32, #tpu.memory_space<hbm>> -> memref<8x1024xf32, #tpu.memory_space<hbm>>
    %dma_start3A_299 = arith.constant 0 : i32
    %dma_start3A_300 = arith.constant 0 : i32
    %dma_start3A_301 = tpu.memref_slice %arg6[%dma_start3A_286, %dma_start3A_287, %dma_start3A_299, %dma_start3A_300] : memref<3x4x8x1024xf32, #tpu.memory_space<vmem>> -> memref<1x1x8x1024xf32, #tpu.memory_space<vmem>>
    %dma_start3A_302 = tpu.memref_squeeze %dma_start3A_301 : memref<1x1x8x1024xf32, #tpu.memory_space<vmem>> -> memref<8x1024xf32, #tpu.memory_space<vmem>>
    tpu.enqueue_dma source(%dma_start3A_302 : memref<8x1024xf32, #tpu.memory_space<vmem>>) target(%dma_start3A_298 : memref<8x1024xf32, #tpu.memory_space<hbm>>) target_semaphore(%arg10 : memref<!tpu.dma_semaphore, #tpu.memory_space<semaphore_mem>>)
    %dma_start3A_303 = arith.constant 0 : i32
    %dma_start3A_304 = arith.constant 3 : i32
    %dma_start3A_305 = arith.constant 3 : i32
    %dma_start3A_306 = arith.constant 0 : i32
    %dma_start3A_307 = arith.constant 0 : i32
    %dma_start3A_308 = tpu.memref_slice %arg6[%dma_start3A_303, %dma_start3A_304, %dma_start3A_306, %dma_start3A_307] : memref<3x4x8x1024xf32, #tpu.memory_space<vmem>> -> memref<1x1x8x1024xf32, #tpu.memory_space<vmem>>
    %dma_start3A_309 = tpu.memref_squeeze %dma_start3A_308 : memref<1x1x8x1024xf32, #tpu.memory_space<vmem>> -> memref<8x1024xf32, #tpu.memory_space<vmem>>
    %dma_start3A_310 = arith.constant 0 : i32
    %dma_start3A_311 = tpu.memref_slice %arg4[%dma_start3A_305, %add3A_251, %dma_start3A_310] : memref<4x2048x1024xf32, #tpu.memory_space<hbm>> -> memref<1x8x1024xf32, #tpu.memory_space<hbm>>
    %dma_start3A_312 = tpu.memref_squeeze %dma_start3A_311 : memref<1x8x1024xf32, #tpu.memory_space<hbm>> -> memref<8x1024xf32, #tpu.memory_space<hbm>>
    %dma_start3A_313 = arith.constant 0 : i32
    %dma_start3A_314 = tpu.memref_slice %arg4[%dma_start3A_305, %add3A_251, %dma_start3A_313] : memref<4x2048x1024xf32, #tpu.memory_space<hbm>> -> memref<1x8x1024xf32, #tpu.memory_space<hbm>>
    %dma_start3A_315 = tpu.memref_squeeze %dma_start3A_314 : memref<1x8x1024xf32, #tpu.memory_space<hbm>> -> memref<8x1024xf32, #tpu.memory_space<hbm>>
    %dma_start3A_316 = arith.constant 0 : i32
    %dma_start3A_317 = arith.constant 0 : i32
    %dma_start3A_318 = tpu.memref_slice %arg6[%dma_start3A_303, %dma_start3A_304, %dma_start3A_316, %dma_start3A_317] : memref<3x4x8x1024xf32, #tpu.memory_space<vmem>> -> memref<1x1x8x1024xf32, #tpu.memory_space<vmem>>
    %dma_start3A_319 = tpu.memref_squeeze %dma_start3A_318 : memref<1x1x8x1024xf32, #tpu.memory_space<vmem>> -> memref<8x1024xf32, #tpu.memory_space<vmem>>
    tpu.enqueue_dma source(%dma_start3A_319 : memref<8x1024xf32, #tpu.memory_space<vmem>>) target(%dma_start3A_315 : memref<8x1024xf32, #tpu.memory_space<hbm>>) target_semaphore(%arg10 : memref<!tpu.dma_semaphore, #tpu.memory_space<semaphore_mem>>)
    %add3A_320 = arith.constant 16 : i32
    %add3A_321 = arith.addi %mul3A_2, %add3A_320 : i32
    %dma_start3A_322 = arith.constant 2 : i32
    %dma_start3A_323 = arith.constant 0 : i32
    %dma_start3A_324 = arith.constant 0 : i32
    %dma_start3A_325 = tpu.memref_slice %arg5[%dma_start3A_322, %dma_start3A_323, %dma_start3A_324] : memref<3x8x1024xf32, #tpu.memory_space<vmem>> -> memref<1x8x1024xf32, #tpu.memory_space<vmem>>
    %dma_start3A_326 = tpu.memref_squeeze %dma_start3A_325 : memref<1x8x1024xf32, #tpu.memory_space<vmem>> -> memref<8x1024xf32, #tpu.memory_space<vmem>>
    %dma_start3A_327 = arith.constant 0 : i32
    %dma_start3A_328 = tpu.memref_slice %arg3[%add3A_321, %dma_start3A_327] : memref<2048x1024xf32, #tpu.memory_space<hbm>> -> memref<8x1024xf32, #tpu.memory_space<hbm>>
    %dma_start3A_329 = arith.constant 0 : i32
    %dma_start3A_330 = arith.constant 0 : i32
    %dma_start3A_331 = tpu.memref_slice %arg5[%dma_start3A_322, %dma_start3A_329, %dma_start3A_330] : memref<3x8x1024xf32, #tpu.memory_space<vmem>> -> memref<1x8x1024xf32, #tpu.memory_space<vmem>>
    %dma_start3A_332 = tpu.memref_squeeze %dma_start3A_331 : memref<1x8x1024xf32, #tpu.memory_space<vmem>> -> memref<8x1024xf32, #tpu.memory_space<vmem>>
    %dma_start3A_333 = arith.constant 0 : i32
    %dma_start3A_334 = tpu.memref_slice %arg3[%add3A_321, %dma_start3A_333] : memref<2048x1024xf32, #tpu.memory_space<hbm>> -> memref<8x1024xf32, #tpu.memory_space<hbm>>
    tpu.enqueue_dma source(%dma_start3A_334 : memref<8x1024xf32, #tpu.memory_space<hbm>>) target(%dma_start3A_332 : memref<8x1024xf32, #tpu.memory_space<vmem>>) target_semaphore(%arg9 : memref<!tpu.dma_semaphore, #tpu.memory_space<semaphore_mem>>)
    %dma_start3A_335 = arith.constant 0 : i32
    %dma_start3A_336 = arith.constant 2 : i32
    %dma_start3A_337 = arith.constant 0 : i32
    %dma_start3A_338 = arith.constant 0 : i32
    %dma_start3A_339 = arith.constant 0 : i32
    %dma_start3A_340 = tpu.memref_slice %arg6[%dma_start3A_336, %dma_start3A_337, %dma_start3A_338, %dma_start3A_339] : memref<3x4x8x1024xf32, #tpu.memory_space<vmem>> -> memref<1x1x8x1024xf32, #tpu.memory_space<vmem>>
    %dma_start3A_341 = tpu.memref_squeeze %dma_start3A_340 : memref<1x1x8x1024xf32, #tpu.memory_space<vmem>> -> memref<8x1024xf32, #tpu.memory_space<vmem>>
    %dma_start3A_342 = arith.constant 0 : i32
    %dma_start3A_343 = tpu.memref_slice %arg2[%dma_start3A_335, %add3A_321, %dma_start3A_342] : memref<4x2048x1024xf32, #tpu.memory_space<hbm>> -> memref<1x8x1024xf32, #tpu.memory_space<hbm>>
    %dma_start3A_344 = tpu.memref_squeeze %dma_start3A_343 : memref<1x8x1024xf32, #tpu.memory_space<hbm>> -> memref<8x1024xf32, #tpu.memory_space<hbm>>
    %dma_start3A_345 = arith.constant 0 : i32
    %dma_start3A_346 = arith.constant 0 : i32
    %dma_start3A_347 = tpu.memref_slice %arg6[%dma_start3A_336, %dma_start3A_337, %dma_start3A_345, %dma_start3A_346] : memref<3x4x8x1024xf32, #tpu.memory_space<vmem>> -> memref<1x1x8x1024xf32, #tpu.memory_space<vmem>>
    %dma_start3A_348 = tpu.memref_squeeze %dma_start3A_347 : memref<1x1x8x1024xf32, #tpu.memory_space<vmem>> -> memref<8x1024xf32, #tpu.memory_space<vmem>>
    %dma_start3A_349 = arith.constant 0 : i32
    %dma_start3A_350 = tpu.memref_slice %arg2[%dma_start3A_335, %add3A_321, %dma_start3A_349] : memref<4x2048x1024xf32, #tpu.memory_space<hbm>> -> memref<1x8x1024xf32, #tpu.memory_space<hbm>>
    %dma_start3A_351 = tpu.memref_squeeze %dma_start3A_350 : memref<1x8x1024xf32, #tpu.memory_space<hbm>> -> memref<8x1024xf32, #tpu.memory_space<hbm>>
    tpu.enqueue_dma source(%dma_start3A_351 : memref<8x1024xf32, #tpu.memory_space<hbm>>) target(%dma_start3A_348 : memref<8x1024xf32, #tpu.memory_space<vmem>>) target_semaphore(%arg9 : memref<!tpu.dma_semaphore, #tpu.memory_space<semaphore_mem>>)
    %dma_start3A_352 = arith.constant 1 : i32
    %dma_start3A_353 = arith.constant 2 : i32
    %dma_start3A_354 = arith.constant 1 : i32
    %dma_start3A_355 = arith.constant 0 : i32
    %dma_start3A_356 = arith.constant 0 : i32
    %dma_start3A_357 = tpu.memref_slice %arg6[%dma_start3A_353, %dma_start3A_354, %dma_start3A_355, %dma_start3A_356] : memref<3x4x8x1024xf32, #tpu.memory_space<vmem>> -> memref<1x1x8x1024xf32, #tpu.memory_space<vmem>>
    %dma_start3A_358 = tpu.memref_squeeze %dma_start3A_357 : memref<1x1x8x1024xf32, #tpu.memory_space<vmem>> -> memref<8x1024xf32, #tpu.memory_space<vmem>>
    %dma_start3A_359 = arith.constant 0 : i32
    %dma_start3A_360 = tpu.memref_slice %arg2[%dma_start3A_352, %add3A_321, %dma_start3A_359] : memref<4x2048x1024xf32, #tpu.memory_space<hbm>> -> memref<1x8x1024xf32, #tpu.memory_space<hbm>>
    %dma_start3A_361 = tpu.memref_squeeze %dma_start3A_360 : memref<1x8x1024xf32, #tpu.memory_space<hbm>> -> memref<8x1024xf32, #tpu.memory_space<hbm>>
    %dma_start3A_362 = arith.constant 0 : i32
    %dma_start3A_363 = arith.constant 0 : i32
    %dma_start3A_364 = tpu.memref_slice %arg6[%dma_start3A_353, %dma_start3A_354, %dma_start3A_362, %dma_start3A_363] : memref<3x4x8x1024xf32, #tpu.memory_space<vmem>> -> memref<1x1x8x1024xf32, #tpu.memory_space<vmem>>
    %dma_start3A_365 = tpu.memref_squeeze %dma_start3A_364 : memref<1x1x8x1024xf32, #tpu.memory_space<vmem>> -> memref<8x1024xf32, #tpu.memory_space<vmem>>
    %dma_start3A_366 = arith.constant 0 : i32
    %dma_start3A_367 = tpu.memref_slice %arg2[%dma_start3A_352, %add3A_321, %dma_start3A_366] : memref<4x2048x1024xf32, #tpu.memory_space<hbm>> -> memref<1x8x1024xf32, #tpu.memory_space<hbm>>
    %dma_start3A_368 = tpu.memref_squeeze %dma_start3A_367 : memref<1x8x1024xf32, #tpu.memory_space<hbm>> -> memref<8x1024xf32, #tpu.memory_space<hbm>>
    tpu.enqueue_dma source(%dma_start3A_368 : memref<8x1024xf32, #tpu.memory_space<hbm>>) target(%dma_start3A_365 : memref<8x1024xf32, #tpu.memory_space<vmem>>) target_semaphore(%arg9 : memref<!tpu.dma_semaphore, #tpu.memory_space<semaphore_mem>>)
    %dma_start3A_369 = arith.constant 2 : i32
    %dma_start3A_370 = arith.constant 2 : i32
    %dma_start3A_371 = arith.constant 2 : i32
    %dma_start3A_372 = arith.constant 0 : i32
    %dma_start3A_373 = arith.constant 0 : i32
    %dma_start3A_374 = tpu.memref_slice %arg6[%dma_start3A_370, %dma_start3A_371, %dma_start3A_372, %dma_start3A_373] : memref<3x4x8x1024xf32, #tpu.memory_space<vmem>> -> memref<1x1x8x1024xf32, #tpu.memory_space<vmem>>
    %dma_start3A_375 = tpu.memref_squeeze %dma_start3A_374 : memref<1x1x8x1024xf32, #tpu.memory_space<vmem>> -> memref<8x1024xf32, #tpu.memory_space<vmem>>
    %dma_start3A_376 = arith.constant 0 : i32
    %dma_start3A_377 = tpu.memref_slice %arg2[%dma_start3A_369, %add3A_321, %dma_start3A_376] : memref<4x2048x1024xf32, #tpu.memory_space<hbm>> -> memref<1x8x1024xf32, #tpu.memory_space<hbm>>
    %dma_start3A_378 = tpu.memref_squeeze %dma_start3A_377 : memref<1x8x1024xf32, #tpu.memory_space<hbm>> -> memref<8x1024xf32, #tpu.memory_space<hbm>>
    %dma_start3A_379 = arith.constant 0 : i32
    %dma_start3A_380 = arith.constant 0 : i32
    %dma_start3A_381 = tpu.memref_slice %arg6[%dma_start3A_370, %dma_start3A_371, %dma_start3A_379, %dma_start3A_380] : memref<3x4x8x1024xf32, #tpu.memory_space<vmem>> -> memref<1x1x8x1024xf32, #tpu.memory_space<vmem>>
    %dma_start3A_382 = tpu.memref_squeeze %dma_start3A_381 : memref<1x1x8x1024xf32, #tpu.memory_space<vmem>> -> memref<8x1024xf32, #tpu.memory_space<vmem>>
    %dma_start3A_383 = arith.constant 0 : i32
    %dma_start3A_384 = tpu.memref_slice %arg2[%dma_start3A_369, %add3A_321, %dma_start3A_383] : memref<4x2048x1024xf32, #tpu.memory_space<hbm>> -> memref<1x8x1024xf32, #tpu.memory_space<hbm>>
    %dma_start3A_385 = tpu.memref_squeeze %dma_start3A_384 : memref<1x8x1024xf32, #tpu.memory_space<hbm>> -> memref<8x1024xf32, #tpu.memory_space<hbm>>
    tpu.enqueue_dma source(%dma_start3A_385 : memref<8x1024xf32, #tpu.memory_space<hbm>>) target(%dma_start3A_382 : memref<8x1024xf32, #tpu.memory_space<vmem>>) target_semaphore(%arg9 : memref<!tpu.dma_semaphore, #tpu.memory_space<semaphore_mem>>)
    %dma_start3A_386 = arith.constant 3 : i32
    %dma_start3A_387 = arith.constant 2 : i32
    %dma_start3A_388 = arith.constant 3 : i32
    %dma_start3A_389 = arith.constant 0 : i32
    %dma_start3A_390 = arith.constant 0 : i32
    %dma_start3A_391 = tpu.memref_slice %arg6[%dma_start3A_387, %dma_start3A_388, %dma_start3A_389, %dma_start3A_390] : memref<3x4x8x1024xf32, #tpu.memory_space<vmem>> -> memref<1x1x8x1024xf32, #tpu.memory_space<vmem>>
    %dma_start3A_392 = tpu.memref_squeeze %dma_start3A_391 : memref<1x1x8x1024xf32, #tpu.memory_space<vmem>> -> memref<8x1024xf32, #tpu.memory_space<vmem>>
    %dma_start3A_393 = arith.constant 0 : i32
    %dma_start3A_394 = tpu.memref_slice %arg2[%dma_start3A_386, %add3A_321, %dma_start3A_393] : memref<4x2048x1024xf32, #tpu.memory_space<hbm>> -> memref<1x8x1024xf32, #tpu.memory_space<hbm>>
    %dma_start3A_395 = tpu.memref_squeeze %dma_start3A_394 : memref<1x8x1024xf32, #tpu.memory_space<hbm>> -> memref<8x1024xf32, #tpu.memory_space<hbm>>
    %dma_start3A_396 = arith.constant 0 : i32
    %dma_start3A_397 = arith.constant 0 : i32
    %dma_start3A_398 = tpu.memref_slice %arg6[%dma_start3A_387, %dma_start3A_388, %dma_start3A_396, %dma_start3A_397] : memref<3x4x8x1024xf32, #tpu.memory_space<vmem>> -> memref<1x1x8x1024xf32, #tpu.memory_space<vmem>>
    %dma_start3A_399 = tpu.memref_squeeze %dma_start3A_398 : memref<1x1x8x1024xf32, #tpu.memory_space<vmem>> -> memref<8x1024xf32, #tpu.memory_space<vmem>>
    %dma_start3A_400 = arith.constant 0 : i32
    %dma_start3A_401 = tpu.memref_slice %arg2[%dma_start3A_386, %add3A_321, %dma_start3A_400] : memref<4x2048x1024xf32, #tpu.memory_space<hbm>> -> memref<1x8x1024xf32, #tpu.memory_space<hbm>>
    %dma_start3A_402 = tpu.memref_squeeze %dma_start3A_401 : memref<1x8x1024xf32, #tpu.memory_space<hbm>> -> memref<8x1024xf32, #tpu.memory_space<hbm>>
    tpu.enqueue_dma source(%dma_start3A_402 : memref<8x1024xf32, #tpu.memory_space<hbm>>) target(%dma_start3A_399 : memref<8x1024xf32, #tpu.memory_space<vmem>>) target_semaphore(%arg9 : memref<!tpu.dma_semaphore, #tpu.memory_space<semaphore_mem>>)
    %dma_wait3A_403 = arith.constant 1 : i32
    %dma_wait3A_404 = arith.constant 0 : i32
    %dma_wait3A_405 = arith.constant 0 : i32
    %dma_wait3A_406 = tpu.memref_slice %arg5[%dma_wait3A_403, %dma_wait3A_404, %dma_wait3A_405] : memref<3x8x1024xf32, #tpu.memory_space<vmem>> -> memref<1x8x1024xf32, #tpu.memory_space<vmem>>
    %dma_wait3A_407 = tpu.memref_squeeze %dma_wait3A_406 : memref<1x8x1024xf32, #tpu.memory_space<vmem>> -> memref<8x1024xf32, #tpu.memory_space<vmem>>
    %dma_wait3A_408 = arith.constant 0 : i32
    %dma_wait3A_409 = tpu.memref_slice %arg3[%add3A_86, %dma_wait3A_408] : memref<2048x1024xf32, #tpu.memory_space<hbm>> -> memref<8x1024xf32, #tpu.memory_space<hbm>>
    %dma_wait3A_410 = arith.constant 0 : i32
    %dma_wait3A_411 = arith.constant 0 : i32
    %dma_wait3A_412 = tpu.memref_slice %arg5[%dma_wait3A_403, %dma_wait3A_410, %dma_wait3A_411] : memref<3x8x1024xf32, #tpu.memory_space<vmem>> -> memref<1x8x1024xf32, #tpu.memory_space<vmem>>
    %dma_wait3A_413 = tpu.memref_squeeze %dma_wait3A_412 : memref<1x8x1024xf32, #tpu.memory_space<vmem>> -> memref<8x1024xf32, #tpu.memory_space<vmem>>
    %dma_wait3A_414 = arith.constant 0 : i32
    %dma_wait3A_415 = tpu.memref_slice %arg3[%add3A_86, %dma_wait3A_414] : memref<2048x1024xf32, #tpu.memory_space<hbm>> -> memref<8x1024xf32, #tpu.memory_space<hbm>>
    tpu.wait_dma2 semaphore(%arg8 : memref<!tpu.dma_semaphore, #tpu.memory_space<semaphore_mem>>) src(%dma_wait3A_415 : memref<8x1024xf32, #tpu.memory_space<hbm>>) dst(%dma_wait3A_413 : memref<8x1024xf32, #tpu.memory_space<vmem>>)
    %dma_wait3A_416 = arith.constant 0 : i32
    %dma_wait3A_417 = arith.constant 1 : i32
    %dma_wait3A_418 = arith.constant 0 : i32
    %dma_wait3A_419 = arith.constant 0 : i32
    %dma_wait3A_420 = arith.constant 0 : i32
    %dma_wait3A_421 = tpu.memref_slice %arg6[%dma_wait3A_417, %dma_wait3A_418, %dma_wait3A_419, %dma_wait3A_420] : memref<3x4x8x1024xf32, #tpu.memory_space<vmem>> -> memref<1x1x8x1024xf32, #tpu.memory_space<vmem>>
    %dma_wait3A_422 = tpu.memref_squeeze %dma_wait3A_421 : memref<1x1x8x1024xf32, #tpu.memory_space<vmem>> -> memref<8x1024xf32, #tpu.memory_space<vmem>>
    %dma_wait3A_423 = arith.constant 0 : i32
    %dma_wait3A_424 = tpu.memref_slice %arg2[%dma_wait3A_416, %add3A_86, %dma_wait3A_423] : memref<4x2048x1024xf32, #tpu.memory_space<hbm>> -> memref<1x8x1024xf32, #tpu.memory_space<hbm>>
    %dma_wait3A_425 = tpu.memref_squeeze %dma_wait3A_424 : memref<1x8x1024xf32, #tpu.memory_space<hbm>> -> memref<8x1024xf32, #tpu.memory_space<hbm>>
    %dma_wait3A_426 = arith.constant 0 : i32
    %dma_wait3A_427 = arith.constant 0 : i32
    %dma_wait3A_428 = tpu.memref_slice %arg6[%dma_wait3A_417, %dma_wait3A_418, %dma_wait3A_426, %dma_wait3A_427] : memref<3x4x8x1024xf32, #tpu.memory_space<vmem>> -> memref<1x1x8x1024xf32, #tpu.memory_space<vmem>>
    %dma_wait3A_429 = tpu.memref_squeeze %dma_wait3A_428 : memref<1x1x8x1024xf32, #tpu.memory_space<vmem>> -> memref<8x1024xf32, #tpu.memory_space<vmem>>
    %dma_wait3A_430 = arith.constant 0 : i32
    %dma_wait3A_431 = tpu.memref_slice %arg2[%dma_wait3A_416, %add3A_86, %dma_wait3A_430] : memref<4x2048x1024xf32, #tpu.memory_space<hbm>> -> memref<1x8x1024xf32, #tpu.memory_space<hbm>>
    %dma_wait3A_432 = tpu.memref_squeeze %dma_wait3A_431 : memref<1x8x1024xf32, #tpu.memory_space<hbm>> -> memref<8x1024xf32, #tpu.memory_space<hbm>>
    tpu.wait_dma2 semaphore(%arg8 : memref<!tpu.dma_semaphore, #tpu.memory_space<semaphore_mem>>) src(%dma_wait3A_432 : memref<8x1024xf32, #tpu.memory_space<hbm>>) dst(%dma_wait3A_429 : memref<8x1024xf32, #tpu.memory_space<vmem>>)
    %dma_wait3A_433 = arith.constant 1 : i32
    %dma_wait3A_434 = arith.constant 1 : i32
    %dma_wait3A_435 = arith.constant 1 : i32
    %dma_wait3A_436 = arith.constant 0 : i32
    %dma_wait3A_437 = arith.constant 0 : i32
    %dma_wait3A_438 = tpu.memref_slice %arg6[%dma_wait3A_434, %dma_wait3A_435, %dma_wait3A_436, %dma_wait3A_437] : memref<3x4x8x1024xf32, #tpu.memory_space<vmem>> -> memref<1x1x8x1024xf32, #tpu.memory_space<vmem>>
    %dma_wait3A_439 = tpu.memref_squeeze %dma_wait3A_438 : memref<1x1x8x1024xf32, #tpu.memory_space<vmem>> -> memref<8x1024xf32, #tpu.memory_space<vmem>>
    %dma_wait3A_440 = arith.constant 0 : i32
    %dma_wait3A_441 = tpu.memref_slice %arg2[%dma_wait3A_433, %add3A_86, %dma_wait3A_440] : memref<4x2048x1024xf32, #tpu.memory_space<hbm>> -> memref<1x8x1024xf32, #tpu.memory_space<hbm>>
    %dma_wait3A_442 = tpu.memref_squeeze %dma_wait3A_441 : memref<1x8x1024xf32, #tpu.memory_space<hbm>> -> memref<8x1024xf32, #tpu.memory_space<hbm>>
    %dma_wait3A_443 = arith.constant 0 : i32
    %dma_wait3A_444 = arith.constant 0 : i32
    %dma_wait3A_445 = tpu.memref_slice %arg6[%dma_wait3A_434, %dma_wait3A_435, %dma_wait3A_443, %dma_wait3A_444] : memref<3x4x8x1024xf32, #tpu.memory_space<vmem>> -> memref<1x1x8x1024xf32, #tpu.memory_space<vmem>>
    %dma_wait3A_446 = tpu.memref_squeeze %dma_wait3A_445 : memref<1x1x8x1024xf32, #tpu.memory_space<vmem>> -> memref<8x1024xf32, #tpu.memory_space<vmem>>
    %dma_wait3A_447 = arith.constant 0 : i32
    %dma_wait3A_448 = tpu.memref_slice %arg2[%dma_wait3A_433, %add3A_86, %dma_wait3A_447] : memref<4x2048x1024xf32, #tpu.memory_space<hbm>> -> memref<1x8x1024xf32, #tpu.memory_space<hbm>>
    %dma_wait3A_449 = tpu.memref_squeeze %dma_wait3A_448 : memref<1x8x1024xf32, #tpu.memory_space<hbm>> -> memref<8x1024xf32, #tpu.memory_space<hbm>>
    tpu.wait_dma2 semaphore(%arg8 : memref<!tpu.dma_semaphore, #tpu.memory_space<semaphore_mem>>) src(%dma_wait3A_449 : memref<8x1024xf32, #tpu.memory_space<hbm>>) dst(%dma_wait3A_446 : memref<8x1024xf32, #tpu.memory_space<vmem>>)
    %dma_wait3A_450 = arith.constant 2 : i32
    %dma_wait3A_451 = arith.constant 1 : i32
    %dma_wait3A_452 = arith.constant 2 : i32
    %dma_wait3A_453 = arith.constant 0 : i32
    %dma_wait3A_454 = arith.constant 0 : i32
    %dma_wait3A_455 = tpu.memref_slice %arg6[%dma_wait3A_451, %dma_wait3A_452, %dma_wait3A_453, %dma_wait3A_454] : memref<3x4x8x1024xf32, #tpu.memory_space<vmem>> -> memref<1x1x8x1024xf32, #tpu.memory_space<vmem>>
    %dma_wait3A_456 = tpu.memref_squeeze %dma_wait3A_455 : memref<1x1x8x1024xf32, #tpu.memory_space<vmem>> -> memref<8x1024xf32, #tpu.memory_space<vmem>>
    %dma_wait3A_457 = arith.constant 0 : i32
    %dma_wait3A_458 = tpu.memref_slice %arg2[%dma_wait3A_450, %add3A_86, %dma_wait3A_457] : memref<4x2048x1024xf32, #tpu.memory_space<hbm>> -> memref<1x8x1024xf32, #tpu.memory_space<hbm>>
    %dma_wait3A_459 = tpu.memref_squeeze %dma_wait3A_458 : memref<1x8x1024xf32, #tpu.memory_space<hbm>> -> memref<8x1024xf32, #tpu.memory_space<hbm>>
    %dma_wait3A_460 = arith.constant 0 : i32
    %dma_wait3A_461 = arith.constant 0 : i32
    %dma_wait3A_462 = tpu.memref_slice %arg6[%dma_wait3A_451, %dma_wait3A_452, %dma_wait3A_460, %dma_wait3A_461] : memref<3x4x8x1024xf32, #tpu.memory_space<vmem>> -> memref<1x1x8x1024xf32, #tpu.memory_space<vmem>>
    %dma_wait3A_463 = tpu.memref_squeeze %dma_wait3A_462 : memref<1x1x8x1024xf32, #tpu.memory_space<vmem>> -> memref<8x1024xf32, #tpu.memory_space<vmem>>
    %dma_wait3A_464 = arith.constant 0 : i32
    %dma_wait3A_465 = tpu.memref_slice %arg2[%dma_wait3A_450, %add3A_86, %dma_wait3A_464] : memref<4x2048x1024xf32, #tpu.memory_space<hbm>> -> memref<1x8x1024xf32, #tpu.memory_space<hbm>>
    %dma_wait3A_466 = tpu.memref_squeeze %dma_wait3A_465 : memref<1x8x1024xf32, #tpu.memory_space<hbm>> -> memref<8x1024xf32, #tpu.memory_space<hbm>>
    tpu.wait_dma2 semaphore(%arg8 : memref<!tpu.dma_semaphore, #tpu.memory_space<semaphore_mem>>) src(%dma_wait3A_466 : memref<8x1024xf32, #tpu.memory_space<hbm>>) dst(%dma_wait3A_463 : memref<8x1024xf32, #tpu.memory_space<vmem>>)
    %dma_wait3A_467 = arith.constant 3 : i32
    %dma_wait3A_468 = arith.constant 1 : i32
    %dma_wait3A_469 = arith.constant 3 : i32
    %dma_wait3A_470 = arith.constant 0 : i32
    %dma_wait3A_471 = arith.constant 0 : i32
    %dma_wait3A_472 = tpu.memref_slice %arg6[%dma_wait3A_468, %dma_wait3A_469, %dma_wait3A_470, %dma_wait3A_471] : memref<3x4x8x1024xf32, #tpu.memory_space<vmem>> -> memref<1x1x8x1024xf32, #tpu.memory_space<vmem>>
    %dma_wait3A_473 = tpu.memref_squeeze %dma_wait3A_472 : memref<1x1x8x1024xf32, #tpu.memory_space<vmem>> -> memref<8x1024xf32, #tpu.memory_space<vmem>>
    %dma_wait3A_474 = arith.constant 0 : i32
    %dma_wait3A_475 = tpu.memref_slice %arg2[%dma_wait3A_467, %add3A_86, %dma_wait3A_474] : memref<4x2048x1024xf32, #tpu.memory_space<hbm>> -> memref<1x8x1024xf32, #tpu.memory_space<hbm>>
    %dma_wait3A_476 = tpu.memref_squeeze %dma_wait3A_475 : memref<1x8x1024xf32, #tpu.memory_space<hbm>> -> memref<8x1024xf32, #tpu.memory_space<hbm>>
    %dma_wait3A_477 = arith.constant 0 : i32
    %dma_wait3A_478 = arith.constant 0 : i32
    %dma_wait3A_479 = tpu.memref_slice %arg6[%dma_wait3A_468, %dma_wait3A_469, %dma_wait3A_477, %dma_wait3A_478] : memref<3x4x8x1024xf32, #tpu.memory_space<vmem>> -> memref<1x1x8x1024xf32, #tpu.memory_space<vmem>>
    %dma_wait3A_480 = tpu.memref_squeeze %dma_wait3A_479 : memref<1x1x8x1024xf32, #tpu.memory_space<vmem>> -> memref<8x1024xf32, #tpu.memory_space<vmem>>
    %dma_wait3A_481 = arith.constant 0 : i32
    %dma_wait3A_482 = tpu.memref_slice %arg2[%dma_wait3A_467, %add3A_86, %dma_wait3A_481] : memref<4x2048x1024xf32, #tpu.memory_space<hbm>> -> memref<1x8x1024xf32, #tpu.memory_space<hbm>>
    %dma_wait3A_483 = tpu.memref_squeeze %dma_wait3A_482 : memref<1x8x1024xf32, #tpu.memory_space<hbm>> -> memref<8x1024xf32, #tpu.memory_space<hbm>>
    tpu.wait_dma2 semaphore(%arg8 : memref<!tpu.dma_semaphore, #tpu.memory_space<semaphore_mem>>) src(%dma_wait3A_483 : memref<8x1024xf32, #tpu.memory_space<hbm>>) dst(%dma_wait3A_480 : memref<8x1024xf32, #tpu.memory_space<vmem>>)
    %parallel_loop3A_484 = arith.constant 0 : i32
    %parallel_loop3A_485 = arith.constant 8192 : i32
    %parallel_loop3A_486 = arith.constant 16 : i32
    scf.for %parallel_loop3A_2440 = %parallel_loop3A_484 to %parallel_loop3A_485 step %parallel_loop3A_486  : i32 {
      %parallel_loop3A_2441 = arith.constant 10 : i32
      %parallel_loop3A_2442 = arith.shrsi %parallel_loop3A_2440, %parallel_loop3A_2441 : i32
      %parallel_loop3A_2443 = arith.constant 1023 : i32
      %parallel_loop3A_2444 = arith.andi %parallel_loop3A_2440, %parallel_loop3A_2443 : i32
      %parallel_loop3A_2445 = tpu.assume_multiple %parallel_loop3A_2444, 16 : i32
      %parallel_loop3A_2446 = arith.constant 1 : i32
      %parallel_loop3A_2447 = arith.index_cast %parallel_loop3A_2446 : i32 to index
      %parallel_loop3A_2448 = arith.index_cast %parallel_loop3A_2442 : i32 to index
      %parallel_loop3A_2449 = arith.index_cast %parallel_loop3A_2445 : i32 to index
      %parallel_loop3A_2450 = tpu.vector_load %arg5[%parallel_loop3A_2447, %parallel_loop3A_2448, %parallel_loop3A_2449] {strides = array<i32>} : memref<3x8x1024xf32, #tpu.memory_space<vmem>>, vector<1x1x16xf32>,
      %parallel_loop3A_2451 = vector.shape_cast %parallel_loop3A_2450 : vector<1x1x16xf32> to vector<16xf32>
      %parallel_loop3A_2452 = arith.constant 1 : i32
      %parallel_loop3A_2453 = arith.constant 0 : i32
      %parallel_loop3A_2454 = arith.index_cast %parallel_loop3A_2452 : i32 to index
      %parallel_loop3A_2455 = arith.index_cast %parallel_loop3A_2453 : i32 to index
      %parallel_loop3A_2456 = arith.index_cast %parallel_loop3A_2442 : i32 to index
      %parallel_loop3A_2457 = arith.index_cast %parallel_loop3A_2445 : i32 to index
      %parallel_loop3A_2458 = tpu.vector_load %arg6[%parallel_loop3A_2454, %parallel_loop3A_2455, %parallel_loop3A_2456, %parallel_loop3A_2457] {strides = array<i32>} : memref<3x4x8x1024xf32, #tpu.memory_space<vmem>>, vector<1x1x1x16xf32>,
      %parallel_loop3A_2459 = vector.shape_cast %parallel_loop3A_2458 : vector<1x1x1x16xf32> to vector<16xf32>
      %parallel_loop3A_2460 = vector.shape_cast %parallel_loop3A_2451 : vector<16xf32> to vector<1x1x1x16xf32>
      tpu.vector_store %arg6[%parallel_loop3A_2454, %parallel_loop3A_2455, %parallel_loop3A_2456, %parallel_loop3A_2457], %parallel_loop3A_2460 {add = true, strides = array<i32>} : memref<3x4x8x1024xf32, #tpu.memory_space<vmem>>, vector<1x1x1x16xf32>,
      %parallel_loop3A_2461 = arith.constant 1 : i32
      %parallel_loop3A_2462 = arith.constant 1 : i32
      %parallel_loop3A_2463 = arith.index_cast %parallel_loop3A_2461 : i32 to index
      %parallel_loop3A_2464 = arith.index_cast %parallel_loop3A_2462 : i32 to index
      %parallel_loop3A_2465 = arith.index_cast %parallel_loop3A_2442 : i32 to index
      %parallel_loop3A_2466 = arith.index_cast %parallel_loop3A_2445 : i32 to index
      %parallel_loop3A_2467 = tpu.vector_load %arg6[%parallel_loop3A_2463, %parallel_loop3A_2464, %parallel_loop3A_2465, %parallel_loop3A_2466] {strides = array<i32>} : memref<3x4x8x1024xf32, #tpu.memory_space<vmem>>, vector<1x1x1x16xf32>,
      %parallel_loop3A_2468 = vector.shape_cast %parallel_loop3A_2467 : vector<1x1x1x16xf32> to vector<16xf32>
      %parallel_loop3A_2469 = vector.shape_cast %parallel_loop3A_2451 : vector<16xf32> to vector<1x1x1x16xf32>
      tpu.vector_store %arg6[%parallel_loop3A_2463, %parallel_loop3A_2464, %parallel_loop3A_2465, %parallel_loop3A_2466], %parallel_loop3A_2469 {add = true, strides = array<i32>} : memref<3x4x8x1024xf32, #tpu.memory_space<vmem>>, vector<1x1x1x16xf32>,
      %parallel_loop3A_2470 = arith.constant 1 : i32
      %parallel_loop3A_2471 = arith.constant 2 : i32
      %parallel_loop3A_2472 = arith.index_cast %parallel_loop3A_2470 : i32 to index
      %parallel_loop3A_2473 = arith.index_cast %parallel_loop3A_2471 : i32 to index
      %parallel_loop3A_2474 = arith.index_cast %parallel_loop3A_2442 : i32 to index
      %parallel_loop3A_2475 = arith.index_cast %parallel_loop3A_2445 : i32 to index
      %parallel_loop3A_2476 = tpu.vector_load %arg6[%parallel_loop3A_2472, %parallel_loop3A_2473, %parallel_loop3A_2474, %parallel_loop3A_2475] {strides = array<i32>} : memref<3x4x8x1024xf32, #tpu.memory_space<vmem>>, vector<1x1x1x16xf32>,
      %parallel_loop3A_2477 = vector.shape_cast %parallel_loop3A_2476 : vector<1x1x1x16xf32> to vector<16xf32>
      %parallel_loop3A_2478 = vector.shape_cast %parallel_loop3A_2451 : vector<16xf32> to vector<1x1x1x16xf32>
      tpu.vector_store %arg6[%parallel_loop3A_2472, %parallel_loop3A_2473, %parallel_loop3A_2474, %parallel_loop3A_2475], %parallel_loop3A_2478 {add = true, strides = array<i32>} : memref<3x4x8x1024xf32, #tpu.memory_space<vmem>>, vector<1x1x1x16xf32>,
      %parallel_loop3A_2479 = arith.constant 1 : i32
      %parallel_loop3A_2480 = arith.constant 3 : i32
      %parallel_loop3A_2481 = arith.index_cast %parallel_loop3A_2479 : i32 to index
      %parallel_loop3A_2482 = arith.index_cast %parallel_loop3A_2480 : i32 to index
      %parallel_loop3A_2483 = arith.index_cast %parallel_loop3A_2442 : i32 to index
      %parallel_loop3A_2484 = arith.index_cast %parallel_loop3A_2445 : i32 to index
      %parallel_loop3A_2485 = tpu.vector_load %arg6[%parallel_loop3A_2481, %parallel_loop3A_2482, %parallel_loop3A_2483, %parallel_loop3A_2484] {strides = array<i32>} : memref<3x4x8x1024xf32, #tpu.memory_space<vmem>>, vector<1x1x1x16xf32>,
      %parallel_loop3A_2486 = vector.shape_cast %parallel_loop3A_2485 : vector<1x1x1x16xf32> to vector<16xf32>
      %parallel_loop3A_2487 = vector.shape_cast %parallel_loop3A_2451 : vector<16xf32> to vector<1x1x1x16xf32>
      tpu.vector_store %arg6[%parallel_loop3A_2481, %parallel_loop3A_2482, %parallel_loop3A_2483, %parallel_loop3A_2484], %parallel_loop3A_2487 {add = true, strides = array<i32>} : memref<3x4x8x1024xf32, #tpu.memory_space<vmem>>, vector<1x1x1x16xf32>,
    } {sc.loop_unroll_factor = 4 : i64, sc.parallel_access}
    %add3A_487 = arith.constant 8 : i32
    %add3A_488 = arith.addi %mul3A_2, %add3A_487 : i32
    %dma_start3A_489 = arith.constant 1 : i32
    %dma_start3A_490 = arith.constant 0 : i32
    %dma_start3A_491 = arith.constant 0 : i32
    %dma_start3A_492 = arith.constant 0 : i32
    %dma_start3A_493 = arith.constant 0 : i32
    %dma_start3A_494 = tpu.memref_slice %arg6[%dma_start3A_489, %dma_start3A_490, %dma_start3A_492, %dma_start3A_493] : memref<3x4x8x1024xf32, #tpu.memory_space<vmem>> -> memref<1x1x8x1024xf32, #tpu.memory_space<vmem>>
    %dma_start3A_495 = tpu.memref_squeeze %dma_start3A_494 : memref<1x1x8x1024xf32, #tpu.memory_space<vmem>> -> memref<8x1024xf32, #tpu.memory_space<vmem>>
    %dma_start3A_496 = arith.constant 0 : i32
    %dma_start3A_497 = tpu.memref_slice %arg4[%dma_start3A_491, %add3A_488, %dma_start3A_496] : memref<4x2048x1024xf32, #tpu.memory_space<hbm>> -> memref<1x8x1024xf32, #tpu.memory_space<hbm>>
    %dma_start3A_498 = tpu.memref_squeeze %dma_start3A_497 : memref<1x8x1024xf32, #tpu.memory_space<hbm>> -> memref<8x1024xf32, #tpu.memory_space<hbm>>
    %dma_start3A_499 = arith.constant 0 : i32
    %dma_start3A_500 = tpu.memref_slice %arg4[%dma_start3A_491, %add3A_488, %dma_start3A_499] : memref<4x2048x1024xf32, #tpu.memory_space<hbm>> -> memref<1x8x1024xf32, #tpu.memory_space<hbm>>
    %dma_start3A_501 = tpu.memref_squeeze %dma_start3A_500 : memref<1x8x1024xf32, #tpu.memory_space<hbm>> -> memref<8x1024xf32, #tpu.memory_space<hbm>>
    %dma_start3A_502 = arith.constant 0 : i32
    %dma_start3A_503 = arith.constant 0 : i32
    %dma_start3A_504 = tpu.memref_slice %arg6[%dma_start3A_489, %dma_start3A_490, %dma_start3A_502, %dma_start3A_503] : memref<3x4x8x1024xf32, #tpu.memory_space<vmem>> -> memref<1x1x8x1024xf32, #tpu.memory_space<vmem>>
    %dma_start3A_505 = tpu.memref_squeeze %dma_start3A_504 : memref<1x1x8x1024xf32, #tpu.memory_space<vmem>> -> memref<8x1024xf32, #tpu.memory_space<vmem>>
    tpu.enqueue_dma source(%dma_start3A_505 : memref<8x1024xf32, #tpu.memory_space<vmem>>) target(%dma_start3A_501 : memref<8x1024xf32, #tpu.memory_space<hbm>>) target_semaphore(%arg11 : memref<!tpu.dma_semaphore, #tpu.memory_space<semaphore_mem>>)
    %dma_start3A_506 = arith.constant 1 : i32
    %dma_start3A_507 = arith.constant 1 : i32
    %dma_start3A_508 = arith.constant 1 : i32
    %dma_start3A_509 = arith.constant 0 : i32
    %dma_start3A_510 = arith.constant 0 : i32
    %dma_start3A_511 = tpu.memref_slice %arg6[%dma_start3A_506, %dma_start3A_507, %dma_start3A_509, %dma_start3A_510] : memref<3x4x8x1024xf32, #tpu.memory_space<vmem>> -> memref<1x1x8x1024xf32, #tpu.memory_space<vmem>>
    %dma_start3A_512 = tpu.memref_squeeze %dma_start3A_511 : memref<1x1x8x1024xf32, #tpu.memory_space<vmem>> -> memref<8x1024xf32, #tpu.memory_space<vmem>>
    %dma_start3A_513 = arith.constant 0 : i32
    %dma_start3A_514 = tpu.memref_slice %arg4[%dma_start3A_508, %add3A_488, %dma_start3A_513] : memref<4x2048x1024xf32, #tpu.memory_space<hbm>> -> memref<1x8x1024xf32, #tpu.memory_space<hbm>>
    %dma_start3A_515 = tpu.memref_squeeze %dma_start3A_514 : memref<1x8x1024xf32, #tpu.memory_space<hbm>> -> memref<8x1024xf32, #tpu.memory_space<hbm>>
    %dma_start3A_516 = arith.constant 0 : i32
    %dma_start3A_517 = tpu.memref_slice %arg4[%dma_start3A_508, %add3A_488, %dma_start3A_516] : memref<4x2048x1024xf32, #tpu.memory_space<hbm>> -> memref<1x8x1024xf32, #tpu.memory_space<hbm>>
    %dma_start3A_518 = tpu.memref_squeeze %dma_start3A_517 : memref<1x8x1024xf32, #tpu.memory_space<hbm>> -> memref<8x1024xf32, #tpu.memory_space<hbm>>
    %dma_start3A_519 = arith.constant 0 : i32
    %dma_start3A_520 = arith.constant 0 : i32
    %dma_start3A_521 = tpu.memref_slice %arg6[%dma_start3A_506, %dma_start3A_507, %dma_start3A_519, %dma_start3A_520] : memref<3x4x8x1024xf32, #tpu.memory_space<vmem>> -> memref<1x1x8x1024xf32, #tpu.memory_space<vmem>>
    %dma_start3A_522 = tpu.memref_squeeze %dma_start3A_521 : memref<1x1x8x1024xf32, #tpu.memory_space<vmem>> -> memref<8x1024xf32, #tpu.memory_space<vmem>>
    tpu.enqueue_dma source(%dma_start3A_522 : memref<8x1024xf32, #tpu.memory_space<vmem>>) target(%dma_start3A_518 : memref<8x1024xf32, #tpu.memory_space<hbm>>) target_semaphore(%arg11 : memref<!tpu.dma_semaphore, #tpu.memory_space<semaphore_mem>>)
    %dma_start3A_523 = arith.constant 1 : i32
    %dma_start3A_524 = arith.constant 2 : i32
    %dma_start3A_525 = arith.constant 2 : i32
    %dma_start3A_526 = arith.constant 0 : i32
    %dma_start3A_527 = arith.constant 0 : i32
    %dma_start3A_528 = tpu.memref_slice %arg6[%dma_start3A_523, %dma_start3A_524, %dma_start3A_526, %dma_start3A_527] : memref<3x4x8x1024xf32, #tpu.memory_space<vmem>> -> memref<1x1x8x1024xf32, #tpu.memory_space<vmem>>
    %dma_start3A_529 = tpu.memref_squeeze %dma_start3A_528 : memref<1x1x8x1024xf32, #tpu.memory_space<vmem>> -> memref<8x1024xf32, #tpu.memory_space<vmem>>
    %dma_start3A_530 = arith.constant 0 : i32
    %dma_start3A_531 = tpu.memref_slice %arg4[%dma_start3A_525, %add3A_488, %dma_start3A_530] : memref<4x2048x1024xf32, #tpu.memory_space<hbm>> -> memref<1x8x1024xf32, #tpu.memory_space<hbm>>
    %dma_start3A_532 = tpu.memref_squeeze %dma_start3A_531 : memref<1x8x1024xf32, #tpu.memory_space<hbm>> -> memref<8x1024xf32, #tpu.memory_space<hbm>>
    %dma_start3A_533 = arith.constant 0 : i32
    %dma_start3A_534 = tpu.memref_slice %arg4[%dma_start3A_525, %add3A_488, %dma_start3A_533] : memref<4x2048x1024xf32, #tpu.memory_space<hbm>> -> memref<1x8x1024xf32, #tpu.memory_space<hbm>>
    %dma_start3A_535 = tpu.memref_squeeze %dma_start3A_534 : memref<1x8x1024xf32, #tpu.memory_space<hbm>> -> memref<8x1024xf32, #tpu.memory_space<hbm>>
    %dma_start3A_536 = arith.constant 0 : i32
    %dma_start3A_537 = arith.constant 0 : i32
    %dma_start3A_538 = tpu.memref_slice %arg6[%dma_start3A_523, %dma_start3A_524, %dma_start3A_536, %dma_start3A_537] : memref<3x4x8x1024xf32, #tpu.memory_space<vmem>> -> memref<1x1x8x1024xf32, #tpu.memory_space<vmem>>
    %dma_start3A_539 = tpu.memref_squeeze %dma_start3A_538 : memref<1x1x8x1024xf32, #tpu.memory_space<vmem>> -> memref<8x1024xf32, #tpu.memory_space<vmem>>
    tpu.enqueue_dma source(%dma_start3A_539 : memref<8x1024xf32, #tpu.memory_space<vmem>>) target(%dma_start3A_535 : memref<8x1024xf32, #tpu.memory_space<hbm>>) target_semaphore(%arg11 : memref<!tpu.dma_semaphore, #tpu.memory_space<semaphore_mem>>)
    %dma_start3A_540 = arith.constant 1 : i32
    %dma_start3A_541 = arith.constant 3 : i32
    %dma_start3A_542 = arith.constant 3 : i32
    %dma_start3A_543 = arith.constant 0 : i32
    %dma_start3A_544 = arith.constant 0 : i32
    %dma_start3A_545 = tpu.memref_slice %arg6[%dma_start3A_540, %dma_start3A_541, %dma_start3A_543, %dma_start3A_544] : memref<3x4x8x1024xf32, #tpu.memory_space<vmem>> -> memref<1x1x8x1024xf32, #tpu.memory_space<vmem>>
    %dma_start3A_546 = tpu.memref_squeeze %dma_start3A_545 : memref<1x1x8x1024xf32, #tpu.memory_space<vmem>> -> memref<8x1024xf32, #tpu.memory_space<vmem>>
    %dma_start3A_547 = arith.constant 0 : i32
    %dma_start3A_548 = tpu.memref_slice %arg4[%dma_start3A_542, %add3A_488, %dma_start3A_547] : memref<4x2048x1024xf32, #tpu.memory_space<hbm>> -> memref<1x8x1024xf32, #tpu.memory_space<hbm>>
    %dma_start3A_549 = tpu.memref_squeeze %dma_start3A_548 : memref<1x8x1024xf32, #tpu.memory_space<hbm>> -> memref<8x1024xf32, #tpu.memory_space<hbm>>
    %dma_start3A_550 = arith.constant 0 : i32
    %dma_start3A_551 = tpu.memref_slice %arg4[%dma_start3A_542, %add3A_488, %dma_start3A_550] : memref<4x2048x1024xf32, #tpu.memory_space<hbm>> -> memref<1x8x1024xf32, #tpu.memory_space<hbm>>
    %dma_start3A_552 = tpu.memref_squeeze %dma_start3A_551 : memref<1x8x1024xf32, #tpu.memory_space<hbm>> -> memref<8x1024xf32, #tpu.memory_space<hbm>>
    %dma_start3A_553 = arith.constant 0 : i32
    %dma_start3A_554 = arith.constant 0 : i32
    %dma_start3A_555 = tpu.memref_slice %arg6[%dma_start3A_540, %dma_start3A_541, %dma_start3A_553, %dma_start3A_554] : memref<3x4x8x1024xf32, #tpu.memory_space<vmem>> -> memref<1x1x8x1024xf32, #tpu.memory_space<vmem>>
    %dma_start3A_556 = tpu.memref_squeeze %dma_start3A_555 : memref<1x1x8x1024xf32, #tpu.memory_space<vmem>> -> memref<8x1024xf32, #tpu.memory_space<vmem>>
    tpu.enqueue_dma source(%dma_start3A_556 : memref<8x1024xf32, #tpu.memory_space<vmem>>) target(%dma_start3A_552 : memref<8x1024xf32, #tpu.memory_space<hbm>>) target_semaphore(%arg11 : memref<!tpu.dma_semaphore, #tpu.memory_space<semaphore_mem>>)
    %dma_wait3A_557 = arith.constant 0 : i32
    %dma_wait3A_558 = arith.constant 0 : i32
    %dma_wait3A_559 = arith.constant 0 : i32
    %dma_wait3A_560 = arith.constant 0 : i32
    %dma_wait3A_561 = arith.constant 0 : i32
    %dma_wait3A_562 = tpu.memref_slice %arg6[%dma_wait3A_557, %dma_wait3A_558, %dma_wait3A_560, %dma_wait3A_561] : memref<3x4x8x1024xf32, #tpu.memory_space<vmem>> -> memref<1x1x8x1024xf32, #tpu.memory_space<vmem>>
    %dma_wait3A_563 = tpu.memref_squeeze %dma_wait3A_562 : memref<1x1x8x1024xf32, #tpu.memory_space<vmem>> -> memref<8x1024xf32, #tpu.memory_space<vmem>>
    %dma_wait3A_564 = arith.constant 0 : i32
    %dma_wait3A_565 = tpu.memref_slice %arg4[%dma_wait3A_559, %add3A_251, %dma_wait3A_564] : memref<4x2048x1024xf32, #tpu.memory_space<hbm>> -> memref<1x8x1024xf32, #tpu.memory_space<hbm>>
    %dma_wait3A_566 = tpu.memref_squeeze %dma_wait3A_565 : memref<1x8x1024xf32, #tpu.memory_space<hbm>> -> memref<8x1024xf32, #tpu.memory_space<hbm>>
    %dma_wait3A_567 = arith.constant 0 : i32
    %dma_wait3A_568 = tpu.memref_slice %arg4[%dma_wait3A_559, %add3A_251, %dma_wait3A_567] : memref<4x2048x1024xf32, #tpu.memory_space<hbm>> -> memref<1x8x1024xf32, #tpu.memory_space<hbm>>
    %dma_wait3A_569 = tpu.memref_squeeze %dma_wait3A_568 : memref<1x8x1024xf32, #tpu.memory_space<hbm>> -> memref<8x1024xf32, #tpu.memory_space<hbm>>
    %dma_wait3A_570 = arith.constant 0 : i32
    %dma_wait3A_571 = arith.constant 0 : i32
    %dma_wait3A_572 = tpu.memref_slice %arg6[%dma_wait3A_557, %dma_wait3A_558, %dma_wait3A_570, %dma_wait3A_571] : memref<3x4x8x1024xf32, #tpu.memory_space<vmem>> -> memref<1x1x8x1024xf32, #tpu.memory_space<vmem>>
    %dma_wait3A_573 = tpu.memref_squeeze %dma_wait3A_572 : memref<1x1x8x1024xf32, #tpu.memory_space<vmem>> -> memref<8x1024xf32, #tpu.memory_space<vmem>>
    tpu.wait_dma2 semaphore(%arg10 : memref<!tpu.dma_semaphore, #tpu.memory_space<semaphore_mem>>) src(%dma_wait3A_573 : memref<8x1024xf32, #tpu.memory_space<vmem>>) dst(%dma_wait3A_569 : memref<8x1024xf32, #tpu.memory_space<hbm>>)
    %dma_wait3A_574 = arith.constant 0 : i32
    %dma_wait3A_575 = arith.constant 1 : i32
    %dma_wait3A_576 = arith.constant 1 : i32
    %dma_wait3A_577 = arith.constant 0 : i32
    %dma_wait3A_578 = arith.constant 0 : i32
    %dma_wait3A_579 = tpu.memref_slice %arg6[%dma_wait3A_574, %dma_wait3A_575, %dma_wait3A_577, %dma_wait3A_578] : memref<3x4x8x1024xf32, #tpu.memory_space<vmem>> -> memref<1x1x8x1024xf32, #tpu.memory_space<vmem>>
    %dma_wait3A_580 = tpu.memref_squeeze %dma_wait3A_579 : memref<1x1x8x1024xf32, #tpu.memory_space<vmem>> -> memref<8x1024xf32, #tpu.memory_space<vmem>>
    %dma_wait3A_581 = arith.constant 0 : i32
    %dma_wait3A_582 = tpu.memref_slice %arg4[%dma_wait3A_576, %add3A_251, %dma_wait3A_581] : memref<4x2048x1024xf32, #tpu.memory_space<hbm>> -> memref<1x8x1024xf32, #tpu.memory_space<hbm>>
    %dma_wait3A_583 = tpu.memref_squeeze %dma_wait3A_582 : memref<1x8x1024xf32, #tpu.memory_space<hbm>> -> memref<8x1024xf32, #tpu.memory_space<hbm>>
    %dma_wait3A_584 = arith.constant 0 : i32
    %dma_wait3A_585 = tpu.memref_slice %arg4[%dma_wait3A_576, %add3A_251, %dma_wait3A_584] : memref<4x2048x1024xf32, #tpu.memory_space<hbm>> -> memref<1x8x1024xf32, #tpu.memory_space<hbm>>
    %dma_wait3A_586 = tpu.memref_squeeze %dma_wait3A_585 : memref<1x8x1024xf32, #tpu.memory_space<hbm>> -> memref<8x1024xf32, #tpu.memory_space<hbm>>
    %dma_wait3A_587 = arith.constant 0 : i32
    %dma_wait3A_588 = arith.constant 0 : i32
    %dma_wait3A_589 = tpu.memref_slice %arg6[%dma_wait3A_574, %dma_wait3A_575, %dma_wait3A_587, %dma_wait3A_588] : memref<3x4x8x1024xf32, #tpu.memory_space<vmem>> -> memref<1x1x8x1024xf32, #tpu.memory_space<vmem>>
    %dma_wait3A_590 = tpu.memref_squeeze %dma_wait3A_589 : memref<1x1x8x1024xf32, #tpu.memory_space<vmem>> -> memref<8x1024xf32, #tpu.memory_space<vmem>>
    tpu.wait_dma2 semaphore(%arg10 : memref<!tpu.dma_semaphore, #tpu.memory_space<semaphore_mem>>) src(%dma_wait3A_590 : memref<8x1024xf32, #tpu.memory_space<vmem>>) dst(%dma_wait3A_586 : memref<8x1024xf32, #tpu.memory_space<hbm>>)
    %dma_wait3A_591 = arith.constant 0 : i32
    %dma_wait3A_592 = arith.constant 2 : i32
    %dma_wait3A_593 = arith.constant 2 : i32
    %dma_wait3A_594 = arith.constant 0 : i32
    %dma_wait3A_595 = arith.constant 0 : i32
    %dma_wait3A_596 = tpu.memref_slice %arg6[%dma_wait3A_591, %dma_wait3A_592, %dma_wait3A_594, %dma_wait3A_595] : memref<3x4x8x1024xf32, #tpu.memory_space<vmem>> -> memref<1x1x8x1024xf32, #tpu.memory_space<vmem>>
    %dma_wait3A_597 = tpu.memref_squeeze %dma_wait3A_596 : memref<1x1x8x1024xf32, #tpu.memory_space<vmem>> -> memref<8x1024xf32, #tpu.memory_space<vmem>>
    %dma_wait3A_598 = arith.constant 0 : i32
    %dma_wait3A_599 = tpu.memref_slice %arg4[%dma_wait3A_593, %add3A_251, %dma_wait3A_598] : memref<4x2048x1024xf32, #tpu.memory_space<hbm>> -> memref<1x8x1024xf32, #tpu.memory_space<hbm>>
    %dma_wait3A_600 = tpu.memref_squeeze %dma_wait3A_599 : memref<1x8x1024xf32, #tpu.memory_space<hbm>> -> memref<8x1024xf32, #tpu.memory_space<hbm>>
    %dma_wait3A_601 = arith.constant 0 : i32
    %dma_wait3A_602 = tpu.memref_slice %arg4[%dma_wait3A_593, %add3A_251, %dma_wait3A_601] : memref<4x2048x1024xf32, #tpu.memory_space<hbm>> -> memref<1x8x1024xf32, #tpu.memory_space<hbm>>
    %dma_wait3A_603 = tpu.memref_squeeze %dma_wait3A_602 : memref<1x8x1024xf32, #tpu.memory_space<hbm>> -> memref<8x1024xf32, #tpu.memory_space<hbm>>
    %dma_wait3A_604 = arith.constant 0 : i32
    %dma_wait3A_605 = arith.constant 0 : i32
    %dma_wait3A_606 = tpu.memref_slice %arg6[%dma_wait3A_591, %dma_wait3A_592, %dma_wait3A_604, %dma_wait3A_605] : memref<3x4x8x1024xf32, #tpu.memory_space<vmem>> -> memref<1x1x8x1024xf32, #tpu.memory_space<vmem>>
    %dma_wait3A_607 = tpu.memref_squeeze %dma_wait3A_606 : memref<1x1x8x1024xf32, #tpu.memory_space<vmem>> -> memref<8x1024xf32, #tpu.memory_space<vmem>>
    tpu.wait_dma2 semaphore(%arg10 : memref<!tpu.dma_semaphore, #tpu.memory_space<semaphore_mem>>) src(%dma_wait3A_607 : memref<8x1024xf32, #tpu.memory_space<vmem>>) dst(%dma_wait3A_603 : memref<8x1024xf32, #tpu.memory_space<hbm>>)
    %dma_wait3A_608 = arith.constant 0 : i32
    %dma_wait3A_609 = arith.constant 3 : i32
    %dma_wait3A_610 = arith.constant 3 : i32
    %dma_wait3A_611 = arith.constant 0 : i32
    %dma_wait3A_612 = arith.constant 0 : i32
    %dma_wait3A_613 = tpu.memref_slice %arg6[%dma_wait3A_608, %dma_wait3A_609, %dma_wait3A_611, %dma_wait3A_612] : memref<3x4x8x1024xf32, #tpu.memory_space<vmem>> -> memref<1x1x8x1024xf32, #tpu.memory_space<vmem>>
    %dma_wait3A_614 = tpu.memref_squeeze %dma_wait3A_613 : memref<1x1x8x1024xf32, #tpu.memory_space<vmem>> -> memref<8x1024xf32, #tpu.memory_space<vmem>>
    %dma_wait3A_615 = arith.constant 0 : i32
    %dma_wait3A_616 = tpu.memref_slice %arg4[%dma_wait3A_610, %add3A_251, %dma_wait3A_615] : memref<4x2048x1024xf32, #tpu.memory_space<hbm>> -> memref<1x8x1024xf32, #tpu.memory_space<hbm>>
    %dma_wait3A_617 = tpu.memref_squeeze %dma_wait3A_616 : memref<1x8x1024xf32, #tpu.memory_space<hbm>> -> memref<8x1024xf32, #tpu.memory_space<hbm>>
    %dma_wait3A_618 = arith.constant 0 : i32
    %dma_wait3A_619 = tpu.memref_slice %arg4[%dma_wait3A_610, %add3A_251, %dma_wait3A_618] : memref<4x2048x1024xf32, #tpu.memory_space<hbm>> -> memref<1x8x1024xf32, #tpu.memory_space<hbm>>
    %dma_wait3A_620 = tpu.memref_squeeze %dma_wait3A_619 : memref<1x8x1024xf32, #tpu.memory_space<hbm>> -> memref<8x1024xf32, #tpu.memory_space<hbm>>
    %dma_wait3A_621 = arith.constant 0 : i32
    %dma_wait3A_622 = arith.constant 0 : i32
    %dma_wait3A_623 = tpu.memref_slice %arg6[%dma_wait3A_608, %dma_wait3A_609, %dma_wait3A_621, %dma_wait3A_622] : memref<3x4x8x1024xf32, #tpu.memory_space<vmem>> -> memref<1x1x8x1024xf32, #tpu.memory_space<vmem>>
    %dma_wait3A_624 = tpu.memref_squeeze %dma_wait3A_623 : memref<1x1x8x1024xf32, #tpu.memory_space<vmem>> -> memref<8x1024xf32, #tpu.memory_space<vmem>>
    tpu.wait_dma2 semaphore(%arg10 : memref<!tpu.dma_semaphore, #tpu.memory_space<semaphore_mem>>) src(%dma_wait3A_624 : memref<8x1024xf32, #tpu.memory_space<vmem>>) dst(%dma_wait3A_620 : memref<8x1024xf32, #tpu.memory_space<hbm>>)
    %add3A_625 = arith.constant 24 : i32
    %add3A_626 = arith.addi %mul3A_2, %add3A_625 : i32
    %dma_start3A_627 = arith.constant 0 : i32
    %dma_start3A_628 = arith.constant 0 : i32
    %dma_start3A_629 = arith.constant 0 : i32
    %dma_start3A_630 = tpu.memref_slice %arg5[%dma_start3A_627, %dma_start3A_628, %dma_start3A_629] : memref<3x8x1024xf32, #tpu.memory_space<vmem>> -> memref<1x8x1024xf32, #tpu.memory_space<vmem>>
    %dma_start3A_631 = tpu.memref_squeeze %dma_start3A_630 : memref<1x8x1024xf32, #tpu.memory_space<vmem>> -> memref<8x1024xf32, #tpu.memory_space<vmem>>
    %dma_start3A_632 = arith.constant 0 : i32
    %dma_start3A_633 = tpu.memref_slice %arg3[%add3A_626, %dma_start3A_632] : memref<2048x1024xf32, #tpu.memory_space<hbm>> -> memref<8x1024xf32, #tpu.memory_space<hbm>>
    %dma_start3A_634 = arith.constant 0 : i32
    %dma_start3A_635 = arith.constant 0 : i32
    %dma_start3A_636 = tpu.memref_slice %arg5[%dma_start3A_627, %dma_start3A_634, %dma_start3A_635] : memref<3x8x1024xf32, #tpu.memory_space<vmem>> -> memref<1x8x1024xf32, #tpu.memory_space<vmem>>
    %dma_start3A_637 = tpu.memref_squeeze %dma_start3A_636 : memref<1x8x1024xf32, #tpu.memory_space<vmem>> -> memref<8x1024xf32, #tpu.memory_space<vmem>>
    %dma_start3A_638 = arith.constant 0 : i32
    %dma_start3A_639 = tpu.memref_slice %arg3[%add3A_626, %dma_start3A_638] : memref<2048x1024xf32, #tpu.memory_space<hbm>> -> memref<8x1024xf32, #tpu.memory_space<hbm>>
    tpu.enqueue_dma source(%dma_start3A_639 : memref<8x1024xf32, #tpu.memory_space<hbm>>) target(%dma_start3A_637 : memref<8x1024xf32, #tpu.memory_space<vmem>>) target_semaphore(%arg7 : memref<!tpu.dma_semaphore, #tpu.memory_space<semaphore_mem>>)
    %dma_start3A_640 = arith.constant 0 : i32
    %dma_start3A_641 = arith.constant 0 : i32
    %dma_start3A_642 = arith.constant 0 : i32
    %dma_start3A_643 = arith.constant 0 : i32
    %dma_start3A_644 = arith.constant 0 : i32
    %dma_start3A_645 = tpu.memref_slice %arg6[%dma_start3A_641, %dma_start3A_642, %dma_start3A_643, %dma_start3A_644] : memref<3x4x8x1024xf32, #tpu.memory_space<vmem>> -> memref<1x1x8x1024xf32, #tpu.memory_space<vmem>>
    %dma_start3A_646 = tpu.memref_squeeze %dma_start3A_645 : memref<1x1x8x1024xf32, #tpu.memory_space<vmem>> -> memref<8x1024xf32, #tpu.memory_space<vmem>>
    %dma_start3A_647 = arith.constant 0 : i32
    %dma_start3A_648 = tpu.memref_slice %arg2[%dma_start3A_640, %add3A_626, %dma_start3A_647] : memref<4x2048x1024xf32, #tpu.memory_space<hbm>> -> memref<1x8x1024xf32, #tpu.memory_space<hbm>>
    %dma_start3A_649 = tpu.memref_squeeze %dma_start3A_648 : memref<1x8x1024xf32, #tpu.memory_space<hbm>> -> memref<8x1024xf32, #tpu.memory_space<hbm>>
    %dma_start3A_650 = arith.constant 0 : i32
    %dma_start3A_651 = arith.constant 0 : i32
    %dma_start3A_652 = tpu.memref_slice %arg6[%dma_start3A_641, %dma_start3A_642, %dma_start3A_650, %dma_start3A_651] : memref<3x4x8x1024xf32, #tpu.memory_space<vmem>> -> memref<1x1x8x1024xf32, #tpu.memory_space<vmem>>
    %dma_start3A_653 = tpu.memref_squeeze %dma_start3A_652 : memref<1x1x8x1024xf32, #tpu.memory_space<vmem>> -> memref<8x1024xf32, #tpu.memory_space<vmem>>
    %dma_start3A_654 = arith.constant 0 : i32
    %dma_start3A_655 = tpu.memref_slice %arg2[%dma_start3A_640, %add3A_626, %dma_start3A_654] : memref<4x2048x1024xf32, #tpu.memory_space<hbm>> -> memref<1x8x1024xf32, #tpu.memory_space<hbm>>
    %dma_start3A_656 = tpu.memref_squeeze %dma_start3A_655 : memref<1x8x1024xf32, #tpu.memory_space<hbm>> -> memref<8x1024xf32, #tpu.memory_space<hbm>>
    tpu.enqueue_dma source(%dma_start3A_656 : memref<8x1024xf32, #tpu.memory_space<hbm>>) target(%dma_start3A_653 : memref<8x1024xf32, #tpu.memory_space<vmem>>) target_semaphore(%arg7 : memref<!tpu.dma_semaphore, #tpu.memory_space<semaphore_mem>>)
    %dma_start3A_657 = arith.constant 1 : i32
    %dma_start3A_658 = arith.constant 0 : i32
    %dma_start3A_659 = arith.constant 1 : i32
    %dma_start3A_660 = arith.constant 0 : i32
    %dma_start3A_661 = arith.constant 0 : i32
    %dma_start3A_662 = tpu.memref_slice %arg6[%dma_start3A_658, %dma_start3A_659, %dma_start3A_660, %dma_start3A_661] : memref<3x4x8x1024xf32, #tpu.memory_space<vmem>> -> memref<1x1x8x1024xf32, #tpu.memory_space<vmem>>
    %dma_start3A_663 = tpu.memref_squeeze %dma_start3A_662 : memref<1x1x8x1024xf32, #tpu.memory_space<vmem>> -> memref<8x1024xf32, #tpu.memory_space<vmem>>
    %dma_start3A_664 = arith.constant 0 : i32
    %dma_start3A_665 = tpu.memref_slice %arg2[%dma_start3A_657, %add3A_626, %dma_start3A_664] : memref<4x2048x1024xf32, #tpu.memory_space<hbm>> -> memref<1x8x1024xf32, #tpu.memory_space<hbm>>
    %dma_start3A_666 = tpu.memref_squeeze %dma_start3A_665 : memref<1x8x1024xf32, #tpu.memory_space<hbm>> -> memref<8x1024xf32, #tpu.memory_space<hbm>>
    %dma_start3A_667 = arith.constant 0 : i32
    %dma_start3A_668 = arith.constant 0 : i32
    %dma_start3A_669 = tpu.memref_slice %arg6[%dma_start3A_658, %dma_start3A_659, %dma_start3A_667, %dma_start3A_668] : memref<3x4x8x1024xf32, #tpu.memory_space<vmem>> -> memref<1x1x8x1024xf32, #tpu.memory_space<vmem>>
    %dma_start3A_670 = tpu.memref_squeeze %dma_start3A_669 : memref<1x1x8x1024xf32, #tpu.memory_space<vmem>> -> memref<8x1024xf32, #tpu.memory_space<vmem>>
    %dma_start3A_671 = arith.constant 0 : i32
    %dma_start3A_672 = tpu.memref_slice %arg2[%dma_start3A_657, %add3A_626, %dma_start3A_671] : memref<4x2048x1024xf32, #tpu.memory_space<hbm>> -> memref<1x8x1024xf32, #tpu.memory_space<hbm>>
    %dma_start3A_673 = tpu.memref_squeeze %dma_start3A_672 : memref<1x8x1024xf32, #tpu.memory_space<hbm>> -> memref<8x1024xf32, #tpu.memory_space<hbm>>
    tpu.enqueue_dma source(%dma_start3A_673 : memref<8x1024xf32, #tpu.memory_space<hbm>>) target(%dma_start3A_670 : memref<8x1024xf32, #tpu.memory_space<vmem>>) target_semaphore(%arg7 : memref<!tpu.dma_semaphore, #tpu.memory_space<semaphore_mem>>)
    %dma_start3A_674 = arith.constant 2 : i32
    %dma_start3A_675 = arith.constant 0 : i32
    %dma_start3A_676 = arith.constant 2 : i32
    %dma_start3A_677 = arith.constant 0 : i32
    %dma_start3A_678 = arith.constant 0 : i32
    %dma_start3A_679 = tpu.memref_slice %arg6[%dma_start3A_675, %dma_start3A_676, %dma_start3A_677, %dma_start3A_678] : memref<3x4x8x1024xf32, #tpu.memory_space<vmem>> -> memref<1x1x8x1024xf32, #tpu.memory_space<vmem>>
    %dma_start3A_680 = tpu.memref_squeeze %dma_start3A_679 : memref<1x1x8x1024xf32, #tpu.memory_space<vmem>> -> memref<8x1024xf32, #tpu.memory_space<vmem>>
    %dma_start3A_681 = arith.constant 0 : i32
    %dma_start3A_682 = tpu.memref_slice %arg2[%dma_start3A_674, %add3A_626, %dma_start3A_681] : memref<4x2048x1024xf32, #tpu.memory_space<hbm>> -> memref<1x8x1024xf32, #tpu.memory_space<hbm>>
    %dma_start3A_683 = tpu.memref_squeeze %dma_start3A_682 : memref<1x8x1024xf32, #tpu.memory_space<hbm>> -> memref<8x1024xf32, #tpu.memory_space<hbm>>
    %dma_start3A_684 = arith.constant 0 : i32
    %dma_start3A_685 = arith.constant 0 : i32
    %dma_start3A_686 = tpu.memref_slice %arg6[%dma_start3A_675, %dma_start3A_676, %dma_start3A_684, %dma_start3A_685] : memref<3x4x8x1024xf32, #tpu.memory_space<vmem>> -> memref<1x1x8x1024xf32, #tpu.memory_space<vmem>>
    %dma_start3A_687 = tpu.memref_squeeze %dma_start3A_686 : memref<1x1x8x1024xf32, #tpu.memory_space<vmem>> -> memref<8x1024xf32, #tpu.memory_space<vmem>>
    %dma_start3A_688 = arith.constant 0 : i32
    %dma_start3A_689 = tpu.memref_slice %arg2[%dma_start3A_674, %add3A_626, %dma_start3A_688] : memref<4x2048x1024xf32, #tpu.memory_space<hbm>> -> memref<1x8x1024xf32, #tpu.memory_space<hbm>>
    %dma_start3A_690 = tpu.memref_squeeze %dma_start3A_689 : memref<1x8x1024xf32, #tpu.memory_space<hbm>> -> memref<8x1024xf32, #tpu.memory_space<hbm>>
    tpu.enqueue_dma source(%dma_start3A_690 : memref<8x1024xf32, #tpu.memory_space<hbm>>) target(%dma_start3A_687 : memref<8x1024xf32, #tpu.memory_space<vmem>>) target_semaphore(%arg7 : memref<!tpu.dma_semaphore, #tpu.memory_space<semaphore_mem>>)
    %dma_start3A_691 = arith.constant 3 : i32
    %dma_start3A_692 = arith.constant 0 : i32
    %dma_start3A_693 = arith.constant 3 : i32
    %dma_start3A_694 = arith.constant 0 : i32
    %dma_start3A_695 = arith.constant 0 : i32
    %dma_start3A_696 = tpu.memref_slice %arg6[%dma_start3A_692, %dma_start3A_693, %dma_start3A_694, %dma_start3A_695] : memref<3x4x8x1024xf32, #tpu.memory_space<vmem>> -> memref<1x1x8x1024xf32, #tpu.memory_space<vmem>>
    %dma_start3A_697 = tpu.memref_squeeze %dma_start3A_696 : memref<1x1x8x1024xf32, #tpu.memory_space<vmem>> -> memref<8x1024xf32, #tpu.memory_space<vmem>>
    %dma_start3A_698 = arith.constant 0 : i32
    %dma_start3A_699 = tpu.memref_slice %arg2[%dma_start3A_691, %add3A_626, %dma_start3A_698] : memref<4x2048x1024xf32, #tpu.memory_space<hbm>> -> memref<1x8x1024xf32, #tpu.memory_space<hbm>>
    %dma_start3A_700 = tpu.memref_squeeze %dma_start3A_699 : memref<1x8x1024xf32, #tpu.memory_space<hbm>> -> memref<8x1024xf32, #tpu.memory_space<hbm>>
    %dma_start3A_701 = arith.constant 0 : i32
    %dma_start3A_702 = arith.constant 0 : i32
    %dma_start3A_703 = tpu.memref_slice %arg6[%dma_start3A_692, %dma_start3A_693, %dma_start3A_701, %dma_start3A_702] : memref<3x4x8x1024xf32, #tpu.memory_space<vmem>> -> memref<1x1x8x1024xf32, #tpu.memory_space<vmem>>
    %dma_start3A_704 = tpu.memref_squeeze %dma_start3A_703 : memref<1x1x8x1024xf32, #tpu.memory_space<vmem>> -> memref<8x1024xf32, #tpu.memory_space<vmem>>
    %dma_start3A_705 = arith.constant 0 : i32
    %dma_start3A_706 = tpu.memref_slice %arg2[%dma_start3A_691, %add3A_626, %dma_start3A_705] : memref<4x2048x1024xf32, #tpu.memory_space<hbm>> -> memref<1x8x1024xf32, #tpu.memory_space<hbm>>
    %dma_start3A_707 = tpu.memref_squeeze %dma_start3A_706 : memref<1x8x1024xf32, #tpu.memory_space<hbm>> -> memref<8x1024xf32, #tpu.memory_space<hbm>>
    tpu.enqueue_dma source(%dma_start3A_707 : memref<8x1024xf32, #tpu.memory_space<hbm>>) target(%dma_start3A_704 : memref<8x1024xf32, #tpu.memory_space<vmem>>) target_semaphore(%arg7 : memref<!tpu.dma_semaphore, #tpu.memory_space<semaphore_mem>>)
    %dma_wait3A_708 = arith.constant 2 : i32
    %dma_wait3A_709 = arith.constant 0 : i32
    %dma_wait3A_710 = arith.constant 0 : i32
    %dma_wait3A_711 = tpu.memref_slice %arg5[%dma_wait3A_708, %dma_wait3A_709, %dma_wait3A_710] : memref<3x8x1024xf32, #tpu.memory_space<vmem>> -> memref<1x8x1024xf32, #tpu.memory_space<vmem>>
    %dma_wait3A_712 = tpu.memref_squeeze %dma_wait3A_711 : memref<1x8x1024xf32, #tpu.memory_space<vmem>> -> memref<8x1024xf32, #tpu.memory_space<vmem>>
    %dma_wait3A_713 = arith.constant 0 : i32
    %dma_wait3A_714 = tpu.memref_slice %arg3[%add3A_321, %dma_wait3A_713] : memref<2048x1024xf32, #tpu.memory_space<hbm>> -> memref<8x1024xf32, #tpu.memory_space<hbm>>
    %dma_wait3A_715 = arith.constant 0 : i32
    %dma_wait3A_716 = arith.constant 0 : i32
    %dma_wait3A_717 = tpu.memref_slice %arg5[%dma_wait3A_708, %dma_wait3A_715, %dma_wait3A_716] : memref<3x8x1024xf32, #tpu.memory_space<vmem>> -> memref<1x8x1024xf32, #tpu.memory_space<vmem>>
    %dma_wait3A_718 = tpu.memref_squeeze %dma_wait3A_717 : memref<1x8x1024xf32, #tpu.memory_space<vmem>> -> memref<8x1024xf32, #tpu.memory_space<vmem>>
    %dma_wait3A_719 = arith.constant 0 : i32
    %dma_wait3A_720 = tpu.memref_slice %arg3[%add3A_321, %dma_wait3A_719] : memref<2048x1024xf32, #tpu.memory_space<hbm>> -> memref<8x1024xf32, #tpu.memory_space<hbm>>
    tpu.wait_dma2 semaphore(%arg9 : memref<!tpu.dma_semaphore, #tpu.memory_space<semaphore_mem>>) src(%dma_wait3A_720 : memref<8x1024xf32, #tpu.memory_space<hbm>>) dst(%dma_wait3A_718 : memref<8x1024xf32, #tpu.memory_space<vmem>>)
    %dma_wait3A_721 = arith.constant 0 : i32
    %dma_wait3A_722 = arith.constant 2 : i32
    %dma_wait3A_723 = arith.constant 0 : i32
    %dma_wait3A_724 = arith.constant 0 : i32
    %dma_wait3A_725 = arith.constant 0 : i32
    %dma_wait3A_726 = tpu.memref_slice %arg6[%dma_wait3A_722, %dma_wait3A_723, %dma_wait3A_724, %dma_wait3A_725] : memref<3x4x8x1024xf32, #tpu.memory_space<vmem>> -> memref<1x1x8x1024xf32, #tpu.memory_space<vmem>>
    %dma_wait3A_727 = tpu.memref_squeeze %dma_wait3A_726 : memref<1x1x8x1024xf32, #tpu.memory_space<vmem>> -> memref<8x1024xf32, #tpu.memory_space<vmem>>
    %dma_wait3A_728 = arith.constant 0 : i32
    %dma_wait3A_729 = tpu.memref_slice %arg2[%dma_wait3A_721, %add3A_321, %dma_wait3A_728] : memref<4x2048x1024xf32, #tpu.memory_space<hbm>> -> memref<1x8x1024xf32, #tpu.memory_space<hbm>>
    %dma_wait3A_730 = tpu.memref_squeeze %dma_wait3A_729 : memref<1x8x1024xf32, #tpu.memory_space<hbm>> -> memref<8x1024xf32, #tpu.memory_space<hbm>>
    %dma_wait3A_731 = arith.constant 0 : i32
    %dma_wait3A_732 = arith.constant 0 : i32
    %dma_wait3A_733 = tpu.memref_slice %arg6[%dma_wait3A_722, %dma_wait3A_723, %dma_wait3A_731, %dma_wait3A_732] : memref<3x4x8x1024xf32, #tpu.memory_space<vmem>> -> memref<1x1x8x1024xf32, #tpu.memory_space<vmem>>
    %dma_wait3A_734 = tpu.memref_squeeze %dma_wait3A_733 : memref<1x1x8x1024xf32, #tpu.memory_space<vmem>> -> memref<8x1024xf32, #tpu.memory_space<vmem>>
    %dma_wait3A_735 = arith.constant 0 : i32
    %dma_wait3A_736 = tpu.memref_slice %arg2[%dma_wait3A_721, %add3A_321, %dma_wait3A_735] : memref<4x2048x1024xf32, #tpu.memory_space<hbm>> -> memref<1x8x1024xf32, #tpu.memory_space<hbm>>
    %dma_wait3A_737 = tpu.memref_squeeze %dma_wait3A_736 : memref<1x8x1024xf32, #tpu.memory_space<hbm>> -> memref<8x1024xf32, #tpu.memory_space<hbm>>
    tpu.wait_dma2 semaphore(%arg9 : memref<!tpu.dma_semaphore, #tpu.memory_space<semaphore_mem>>) src(%dma_wait3A_737 : memref<8x1024xf32, #tpu.memory_space<hbm>>) dst(%dma_wait3A_734 : memref<8x1024xf32, #tpu.memory_space<vmem>>)
    %dma_wait3A_738 = arith.constant 1 : i32
    %dma_wait3A_739 = arith.constant 2 : i32
    %dma_wait3A_740 = arith.constant 1 : i32
    %dma_wait3A_741 = arith.constant 0 : i32
    %dma_wait3A_742 = arith.constant 0 : i32
    %dma_wait3A_743 = tpu.memref_slice %arg6[%dma_wait3A_739, %dma_wait3A_740, %dma_wait3A_741, %dma_wait3A_742] : memref<3x4x8x1024xf32, #tpu.memory_space<vmem>> -> memref<1x1x8x1024xf32, #tpu.memory_space<vmem>>
    %dma_wait3A_744 = tpu.memref_squeeze %dma_wait3A_743 : memref<1x1x8x1024xf32, #tpu.memory_space<vmem>> -> memref<8x1024xf32, #tpu.memory_space<vmem>>
    %dma_wait3A_745 = arith.constant 0 : i32
    %dma_wait3A_746 = tpu.memref_slice %arg2[%dma_wait3A_738, %add3A_321, %dma_wait3A_745] : memref<4x2048x1024xf32, #tpu.memory_space<hbm>> -> memref<1x8x1024xf32, #tpu.memory_space<hbm>>
    %dma_wait3A_747 = tpu.memref_squeeze %dma_wait3A_746 : memref<1x8x1024xf32, #tpu.memory_space<hbm>> -> memref<8x1024xf32, #tpu.memory_space<hbm>>
    %dma_wait3A_748 = arith.constant 0 : i32
    %dma_wait3A_749 = arith.constant 0 : i32
    %dma_wait3A_750 = tpu.memref_slice %arg6[%dma_wait3A_739, %dma_wait3A_740, %dma_wait3A_748, %dma_wait3A_749] : memref<3x4x8x1024xf32, #tpu.memory_space<vmem>> -> memref<1x1x8x1024xf32, #tpu.memory_space<vmem>>
    %dma_wait3A_751 = tpu.memref_squeeze %dma_wait3A_750 : memref<1x1x8x1024xf32, #tpu.memory_space<vmem>> -> memref<8x1024xf32, #tpu.memory_space<vmem>>
    %dma_wait3A_752 = arith.constant 0 : i32
    %dma_wait3A_753 = tpu.memref_slice %arg2[%dma_wait3A_738, %add3A_321, %dma_wait3A_752] : memref<4x2048x1024xf32, #tpu.memory_space<hbm>> -> memref<1x8x1024xf32, #tpu.memory_space<hbm>>
    %dma_wait3A_754 = tpu.memref_squeeze %dma_wait3A_753 : memref<1x8x1024xf32, #tpu.memory_space<hbm>> -> memref<8x1024xf32, #tpu.memory_space<hbm>>
    tpu.wait_dma2 semaphore(%arg9 : memref<!tpu.dma_semaphore, #tpu.memory_space<semaphore_mem>>) src(%dma_wait3A_754 : memref<8x1024xf32, #tpu.memory_space<hbm>>) dst(%dma_wait3A_751 : memref<8x1024xf32, #tpu.memory_space<vmem>>)
    %dma_wait3A_755 = arith.constant 2 : i32
    %dma_wait3A_756 = arith.constant 2 : i32
    %dma_wait3A_757 = arith.constant 2 : i32
    %dma_wait3A_758 = arith.constant 0 : i32
    %dma_wait3A_759 = arith.constant 0 : i32
    %dma_wait3A_760 = tpu.memref_slice %arg6[%dma_wait3A_756, %dma_wait3A_757, %dma_wait3A_758, %dma_wait3A_759] : memref<3x4x8x1024xf32, #tpu.memory_space<vmem>> -> memref<1x1x8x1024xf32, #tpu.memory_space<vmem>>
    %dma_wait3A_761 = tpu.memref_squeeze %dma_wait3A_760 : memref<1x1x8x1024xf32, #tpu.memory_space<vmem>> -> memref<8x1024xf32, #tpu.memory_space<vmem>>
    %dma_wait3A_762 = arith.constant 0 : i32
    %dma_wait3A_763 = tpu.memref_slice %arg2[%dma_wait3A_755, %add3A_321, %dma_wait3A_762] : memref<4x2048x1024xf32, #tpu.memory_space<hbm>> -> memref<1x8x1024xf32, #tpu.memory_space<hbm>>
    %dma_wait3A_764 = tpu.memref_squeeze %dma_wait3A_763 : memref<1x8x1024xf32, #tpu.memory_space<hbm>> -> memref<8x1024xf32, #tpu.memory_space<hbm>>
    %dma_wait3A_765 = arith.constant 0 : i32
    %dma_wait3A_766 = arith.constant 0 : i32
    %dma_wait3A_767 = tpu.memref_slice %arg6[%dma_wait3A_756, %dma_wait3A_757, %dma_wait3A_765, %dma_wait3A_766] : memref<3x4x8x1024xf32, #tpu.memory_space<vmem>> -> memref<1x1x8x1024xf32, #tpu.memory_space<vmem>>
    %dma_wait3A_768 = tpu.memref_squeeze %dma_wait3A_767 : memref<1x1x8x1024xf32, #tpu.memory_space<vmem>> -> memref<8x1024xf32, #tpu.memory_space<vmem>>
    %dma_wait3A_769 = arith.constant 0 : i32
    %dma_wait3A_770 = tpu.memref_slice %arg2[%dma_wait3A_755, %add3A_321, %dma_wait3A_769] : memref<4x2048x1024xf32, #tpu.memory_space<hbm>> -> memref<1x8x1024xf32, #tpu.memory_space<hbm>>
    %dma_wait3A_771 = tpu.memref_squeeze %dma_wait3A_770 : memref<1x8x1024xf32, #tpu.memory_space<hbm>> -> memref<8x1024xf32, #tpu.memory_space<hbm>>
    tpu.wait_dma2 semaphore(%arg9 : memref<!tpu.dma_semaphore, #tpu.memory_space<semaphore_mem>>) src(%dma_wait3A_771 : memref<8x1024xf32, #tpu.memory_space<hbm>>) dst(%dma_wait3A_768 : memref<8x1024xf32, #tpu.memory_space<vmem>>)
    %dma_wait3A_772 = arith.constant 3 : i32
    %dma_wait3A_773 = arith.constant 2 : i32
    %dma_wait3A_774 = arith.constant 3 : i32
    %dma_wait3A_775 = arith.constant 0 : i32
    %dma_wait3A_776 = arith.constant 0 : i32
    %dma_wait3A_777 = tpu.memref_slice %arg6[%dma_wait3A_773, %dma_wait3A_774, %dma_wait3A_775, %dma_wait3A_776] : memref<3x4x8x1024xf32, #tpu.memory_space<vmem>> -> memref<1x1x8x1024xf32, #tpu.memory_space<vmem>>
    %dma_wait3A_778 = tpu.memref_squeeze %dma_wait3A_777 : memref<1x1x8x1024xf32, #tpu.memory_space<vmem>> -> memref<8x1024xf32, #tpu.memory_space<vmem>>
    %dma_wait3A_779 = arith.constant 0 : i32
    %dma_wait3A_780 = tpu.memref_slice %arg2[%dma_wait3A_772, %add3A_321, %dma_wait3A_779] : memref<4x2048x1024xf32, #tpu.memory_space<hbm>> -> memref<1x8x1024xf32, #tpu.memory_space<hbm>>
    %dma_wait3A_781 = tpu.memref_squeeze %dma_wait3A_780 : memref<1x8x1024xf32, #tpu.memory_space<hbm>> -> memref<8x1024xf32, #tpu.memory_space<hbm>>
    %dma_wait3A_782 = arith.constant 0 : i32
    %dma_wait3A_783 = arith.constant 0 : i32
    %dma_wait3A_784 = tpu.memref_slice %arg6[%dma_wait3A_773, %dma_wait3A_774, %dma_wait3A_782, %dma_wait3A_783] : memref<3x4x8x1024xf32, #tpu.memory_space<vmem>> -> memref<1x1x8x1024xf32, #tpu.memory_space<vmem>>
    %dma_wait3A_785 = tpu.memref_squeeze %dma_wait3A_784 : memref<1x1x8x1024xf32, #tpu.memory_space<vmem>> -> memref<8x1024xf32, #tpu.memory_space<vmem>>
    %dma_wait3A_786 = arith.constant 0 : i32
    %dma_wait3A_787 = tpu.memref_slice %arg2[%dma_wait3A_772, %add3A_321, %dma_wait3A_786] : memref<4x2048x1024xf32, #tpu.memory_space<hbm>> -> memref<1x8x1024xf32, #tpu.memory_space<hbm>>
    %dma_wait3A_788 = tpu.memref_squeeze %dma_wait3A_787 : memref<1x8x1024xf32, #tpu.memory_space<hbm>> -> memref<8x1024xf32, #tpu.memory_space<hbm>>
    tpu.wait_dma2 semaphore(%arg9 : memref<!tpu.dma_semaphore, #tpu.memory_space<semaphore_mem>>) src(%dma_wait3A_788 : memref<8x1024xf32, #tpu.memory_space<hbm>>) dst(%dma_wait3A_785 : memref<8x1024xf32, #tpu.memory_space<vmem>>)
    %parallel_loop3A_789 = arith.constant 0 : i32
    %parallel_loop3A_790 = arith.constant 8192 : i32
    %parallel_loop3A_791 = arith.constant 16 : i32
    scf.for %parallel_loop3A_2440 = %parallel_loop3A_789 to %parallel_loop3A_790 step %parallel_loop3A_791  : i32 {
      %parallel_loop3A_2441 = arith.constant 10 : i32
      %parallel_loop3A_2442 = arith.shrsi %parallel_loop3A_2440, %parallel_loop3A_2441 : i32
      %parallel_loop3A_2443 = arith.constant 1023 : i32
      %parallel_loop3A_2444 = arith.andi %parallel_loop3A_2440, %parallel_loop3A_2443 : i32
      %parallel_loop3A_2445 = tpu.assume_multiple %parallel_loop3A_2444, 16 : i32
      %parallel_loop3A_2446 = arith.constant 2 : i32
      %parallel_loop3A_2447 = arith.index_cast %parallel_loop3A_2446 : i32 to index
      %parallel_loop3A_2448 = arith.index_cast %parallel_loop3A_2442 : i32 to index
      %parallel_loop3A_2449 = arith.index_cast %parallel_loop3A_2445 : i32 to index
      %parallel_loop3A_2450 = tpu.vector_load %arg5[%parallel_loop3A_2447, %parallel_loop3A_2448, %parallel_loop3A_2449] {strides = array<i32>} : memref<3x8x1024xf32, #tpu.memory_space<vmem>>, vector<1x1x16xf32>,
      %parallel_loop3A_2451 = vector.shape_cast %parallel_loop3A_2450 : vector<1x1x16xf32> to vector<16xf32>
      %parallel_loop3A_2452 = arith.constant 2 : i32
      %parallel_loop3A_2453 = arith.constant 0 : i32
      %parallel_loop3A_2454 = arith.index_cast %parallel_loop3A_2452 : i32 to index
      %parallel_loop3A_2455 = arith.index_cast %parallel_loop3A_2453 : i32 to index
      %parallel_loop3A_2456 = arith.index_cast %parallel_loop3A_2442 : i32 to index
      %parallel_loop3A_2457 = arith.index_cast %parallel_loop3A_2445 : i32 to index
      %parallel_loop3A_2458 = tpu.vector_load %arg6[%parallel_loop3A_2454, %parallel_loop3A_2455, %parallel_loop3A_2456, %parallel_loop3A_2457] {strides = array<i32>} : memref<3x4x8x1024xf32, #tpu.memory_space<vmem>>, vector<1x1x1x16xf32>,
      %parallel_loop3A_2459 = vector.shape_cast %parallel_loop3A_2458 : vector<1x1x1x16xf32> to vector<16xf32>
      %parallel_loop3A_2460 = vector.shape_cast %parallel_loop3A_2451 : vector<16xf32> to vector<1x1x1x16xf32>
      tpu.vector_store %arg6[%parallel_loop3A_2454, %parallel_loop3A_2455, %parallel_loop3A_2456, %parallel_loop3A_2457], %parallel_loop3A_2460 {add = true, strides = array<i32>} : memref<3x4x8x1024xf32, #tpu.memory_space<vmem>>, vector<1x1x1x16xf32>,
      %parallel_loop3A_2461 = arith.constant 2 : i32
      %parallel_loop3A_2462 = arith.constant 1 : i32
      %parallel_loop3A_2463 = arith.index_cast %parallel_loop3A_2461 : i32 to index
      %parallel_loop3A_2464 = arith.index_cast %parallel_loop3A_2462 : i32 to index
      %parallel_loop3A_2465 = arith.index_cast %parallel_loop3A_2442 : i32 to index
      %parallel_loop3A_2466 = arith.index_cast %parallel_loop3A_2445 : i32 to index
      %parallel_loop3A_2467 = tpu.vector_load %arg6[%parallel_loop3A_2463, %parallel_loop3A_2464, %parallel_loop3A_2465, %parallel_loop3A_2466] {strides = array<i32>} : memref<3x4x8x1024xf32, #tpu.memory_space<vmem>>, vector<1x1x1x16xf32>,
      %parallel_loop3A_2468 = vector.shape_cast %parallel_loop3A_2467 : vector<1x1x1x16xf32> to vector<16xf32>
      %parallel_loop3A_2469 = vector.shape_cast %parallel_loop3A_2451 : vector<16xf32> to vector<1x1x1x16xf32>
      tpu.vector_store %arg6[%parallel_loop3A_2463, %parallel_loop3A_2464, %parallel_loop3A_2465, %parallel_loop3A_2466], %parallel_loop3A_2469 {add = true, strides = array<i32>} : memref<3x4x8x1024xf32, #tpu.memory_space<vmem>>, vector<1x1x1x16xf32>,
      %parallel_loop3A_2470 = arith.constant 2 : i32
      %parallel_loop3A_2471 = arith.constant 2 : i32
      %parallel_loop3A_2472 = arith.index_cast %parallel_loop3A_2470 : i32 to index
      %parallel_loop3A_2473 = arith.index_cast %parallel_loop3A_2471 : i32 to index
      %parallel_loop3A_2474 = arith.index_cast %parallel_loop3A_2442 : i32 to index
      %parallel_loop3A_2475 = arith.index_cast %parallel_loop3A_2445 : i32 to index
      %parallel_loop3A_2476 = tpu.vector_load %arg6[%parallel_loop3A_2472, %parallel_loop3A_2473, %parallel_loop3A_2474, %parallel_loop3A_2475] {strides = array<i32>} : memref<3x4x8x1024xf32, #tpu.memory_space<vmem>>, vector<1x1x1x16xf32>,
      %parallel_loop3A_2477 = vector.shape_cast %parallel_loop3A_2476 : vector<1x1x1x16xf32> to vector<16xf32>
      %parallel_loop3A_2478 = vector.shape_cast %parallel_loop3A_2451 : vector<16xf32> to vector<1x1x1x16xf32>
      tpu.vector_store %arg6[%parallel_loop3A_2472, %parallel_loop3A_2473, %parallel_loop3A_2474, %parallel_loop3A_2475], %parallel_loop3A_2478 {add = true, strides = array<i32>} : memref<3x4x8x1024xf32, #tpu.memory_space<vmem>>, vector<1x1x1x16xf32>,
      %parallel_loop3A_2479 = arith.constant 2 : i32
      %parallel_loop3A_2480 = arith.constant 3 : i32
      %parallel_loop3A_2481 = arith.index_cast %parallel_loop3A_2479 : i32 to index
      %parallel_loop3A_2482 = arith.index_cast %parallel_loop3A_2480 : i32 to index
      %parallel_loop3A_2483 = arith.index_cast %parallel_loop3A_2442 : i32 to index
      %parallel_loop3A_2484 = arith.index_cast %parallel_loop3A_2445 : i32 to index
      %parallel_loop3A_2485 = tpu.vector_load %arg6[%parallel_loop3A_2481, %parallel_loop3A_2482, %parallel_loop3A_2483, %parallel_loop3A_2484] {strides = array<i32>} : memref<3x4x8x1024xf32, #tpu.memory_space<vmem>>, vector<1x1x1x16xf32>,
      %parallel_loop3A_2486 = vector.shape_cast %parallel_loop3A_2485 : vector<1x1x1x16xf32> to vector<16xf32>
      %parallel_loop3A_2487 = vector.shape_cast %parallel_loop3A_2451 : vector<16xf32> to vector<1x1x1x16xf32>
      tpu.vector_store %arg6[%parallel_loop3A_2481, %parallel_loop3A_2482, %parallel_loop3A_2483, %parallel_loop3A_2484], %parallel_loop3A_2487 {add = true, strides = array<i32>} : memref<3x4x8x1024xf32, #tpu.memory_space<vmem>>, vector<1x1x1x16xf32>,
    } {sc.loop_unroll_factor = 4 : i64, sc.parallel_access}
    %add3A_792 = arith.constant 16 : i32
    %add3A_793 = arith.addi %mul3A_2, %add3A_792 : i32
    %dma_start3A_794 = arith.constant 2 : i32
    %dma_start3A_795 = arith.constant 0 : i32
    %dma_start3A_796 = arith.constant 0 : i32
    %dma_start3A_797 = arith.constant 0 : i32
    %dma_start3A_798 = arith.constant 0 : i32
    %dma_start3A_799 = tpu.memref_slice %arg6[%dma_start3A_794, %dma_start3A_795, %dma_start3A_797, %dma_start3A_798] : memref<3x4x8x1024xf32, #tpu.memory_space<vmem>> -> memref<1x1x8x1024xf32, #tpu.memory_space<vmem>>
    %dma_start3A_800 = tpu.memref_squeeze %dma_start3A_799 : memref<1x1x8x1024xf32, #tpu.memory_space<vmem>> -> memref<8x1024xf32, #tpu.memory_space<vmem>>
    %dma_start3A_801 = arith.constant 0 : i32
    %dma_start3A_802 = tpu.memref_slice %arg4[%dma_start3A_796, %add3A_793, %dma_start3A_801] : memref<4x2048x1024xf32, #tpu.memory_space<hbm>> -> memref<1x8x1024xf32, #tpu.memory_space<hbm>>
    %dma_start3A_803 = tpu.memref_squeeze %dma_start3A_802 : memref<1x8x1024xf32, #tpu.memory_space<hbm>> -> memref<8x1024xf32, #tpu.memory_space<hbm>>
    %dma_start3A_804 = arith.constant 0 : i32
    %dma_start3A_805 = tpu.memref_slice %arg4[%dma_start3A_796, %add3A_793, %dma_start3A_804] : memref<4x2048x1024xf32, #tpu.memory_space<hbm>> -> memref<1x8x1024xf32, #tpu.memory_space<hbm>>
    %dma_start3A_806 = tpu.memref_squeeze %dma_start3A_805 : memref<1x8x1024xf32, #tpu.memory_space<hbm>> -> memref<8x1024xf32, #tpu.memory_space<hbm>>
    %dma_start3A_807 = arith.constant 0 : i32
    %dma_start3A_808 = arith.constant 0 : i32
    %dma_start3A_809 = tpu.memref_slice %arg6[%dma_start3A_794, %dma_start3A_795, %dma_start3A_807, %dma_start3A_808] : memref<3x4x8x1024xf32, #tpu.memory_space<vmem>> -> memref<1x1x8x1024xf32, #tpu.memory_space<vmem>>
    %dma_start3A_810 = tpu.memref_squeeze %dma_start3A_809 : memref<1x1x8x1024xf32, #tpu.memory_space<vmem>> -> memref<8x1024xf32, #tpu.memory_space<vmem>>
    tpu.enqueue_dma source(%dma_start3A_810 : memref<8x1024xf32, #tpu.memory_space<vmem>>) target(%dma_start3A_806 : memref<8x1024xf32, #tpu.memory_space<hbm>>) target_semaphore(%arg12 : memref<!tpu.dma_semaphore, #tpu.memory_space<semaphore_mem>>)
    %dma_start3A_811 = arith.constant 2 : i32
    %dma_start3A_812 = arith.constant 1 : i32
    %dma_start3A_813 = arith.constant 1 : i32
    %dma_start3A_814 = arith.constant 0 : i32
    %dma_start3A_815 = arith.constant 0 : i32
    %dma_start3A_816 = tpu.memref_slice %arg6[%dma_start3A_811, %dma_start3A_812, %dma_start3A_814, %dma_start3A_815] : memref<3x4x8x1024xf32, #tpu.memory_space<vmem>> -> memref<1x1x8x1024xf32, #tpu.memory_space<vmem>>
    %dma_start3A_817 = tpu.memref_squeeze %dma_start3A_816 : memref<1x1x8x1024xf32, #tpu.memory_space<vmem>> -> memref<8x1024xf32, #tpu.memory_space<vmem>>
    %dma_start3A_818 = arith.constant 0 : i32
    %dma_start3A_819 = tpu.memref_slice %arg4[%dma_start3A_813, %add3A_793, %dma_start3A_818] : memref<4x2048x1024xf32, #tpu.memory_space<hbm>> -> memref<1x8x1024xf32, #tpu.memory_space<hbm>>
    %dma_start3A_820 = tpu.memref_squeeze %dma_start3A_819 : memref<1x8x1024xf32, #tpu.memory_space<hbm>> -> memref<8x1024xf32, #tpu.memory_space<hbm>>
    %dma_start3A_821 = arith.constant 0 : i32
    %dma_start3A_822 = tpu.memref_slice %arg4[%dma_start3A_813, %add3A_793, %dma_start3A_821] : memref<4x2048x1024xf32, #tpu.memory_space<hbm>> -> memref<1x8x1024xf32, #tpu.memory_space<hbm>>
    %dma_start3A_823 = tpu.memref_squeeze %dma_start3A_822 : memref<1x8x1024xf32, #tpu.memory_space<hbm>> -> memref<8x1024xf32, #tpu.memory_space<hbm>>
    %dma_start3A_824 = arith.constant 0 : i32
    %dma_start3A_825 = arith.constant 0 : i32
    %dma_start3A_826 = tpu.memref_slice %arg6[%dma_start3A_811, %dma_start3A_812, %dma_start3A_824, %dma_start3A_825] : memref<3x4x8x1024xf32, #tpu.memory_space<vmem>> -> memref<1x1x8x1024xf32, #tpu.memory_space<vmem>>
    %dma_start3A_827 = tpu.memref_squeeze %dma_start3A_826 : memref<1x1x8x1024xf32, #tpu.memory_space<vmem>> -> memref<8x1024xf32, #tpu.memory_space<vmem>>
    tpu.enqueue_dma source(%dma_start3A_827 : memref<8x1024xf32, #tpu.memory_space<vmem>>) target(%dma_start3A_823 : memref<8x1024xf32, #tpu.memory_space<hbm>>) target_semaphore(%arg12 : memref<!tpu.dma_semaphore, #tpu.memory_space<semaphore_mem>>)
    %dma_start3A_828 = arith.constant 2 : i32
    %dma_start3A_829 = arith.constant 2 : i32
    %dma_start3A_830 = arith.constant 2 : i32
    %dma_start3A_831 = arith.constant 0 : i32
    %dma_start3A_832 = arith.constant 0 : i32
    %dma_start3A_833 = tpu.memref_slice %arg6[%dma_start3A_828, %dma_start3A_829, %dma_start3A_831, %dma_start3A_832] : memref<3x4x8x1024xf32, #tpu.memory_space<vmem>> -> memref<1x1x8x1024xf32, #tpu.memory_space<vmem>>
    %dma_start3A_834 = tpu.memref_squeeze %dma_start3A_833 : memref<1x1x8x1024xf32, #tpu.memory_space<vmem>> -> memref<8x1024xf32, #tpu.memory_space<vmem>>
    %dma_start3A_835 = arith.constant 0 : i32
    %dma_start3A_836 = tpu.memref_slice %arg4[%dma_start3A_830, %add3A_793, %dma_start3A_835] : memref<4x2048x1024xf32, #tpu.memory_space<hbm>> -> memref<1x8x1024xf32, #tpu.memory_space<hbm>>
    %dma_start3A_837 = tpu.memref_squeeze %dma_start3A_836 : memref<1x8x1024xf32, #tpu.memory_space<hbm>> -> memref<8x1024xf32, #tpu.memory_space<hbm>>
    %dma_start3A_838 = arith.constant 0 : i32
    %dma_start3A_839 = tpu.memref_slice %arg4[%dma_start3A_830, %add3A_793, %dma_start3A_838] : memref<4x2048x1024xf32, #tpu.memory_space<hbm>> -> memref<1x8x1024xf32, #tpu.memory_space<hbm>>
    %dma_start3A_840 = tpu.memref_squeeze %dma_start3A_839 : memref<1x8x1024xf32, #tpu.memory_space<hbm>> -> memref<8x1024xf32, #tpu.memory_space<hbm>>
    %dma_start3A_841 = arith.constant 0 : i32
    %dma_start3A_842 = arith.constant 0 : i32
    %dma_start3A_843 = tpu.memref_slice %arg6[%dma_start3A_828, %dma_start3A_829, %dma_start3A_841, %dma_start3A_842] : memref<3x4x8x1024xf32, #tpu.memory_space<vmem>> -> memref<1x1x8x1024xf32, #tpu.memory_space<vmem>>
    %dma_start3A_844 = tpu.memref_squeeze %dma_start3A_843 : memref<1x1x8x1024xf32, #tpu.memory_space<vmem>> -> memref<8x1024xf32, #tpu.memory_space<vmem>>
    tpu.enqueue_dma source(%dma_start3A_844 : memref<8x1024xf32, #tpu.memory_space<vmem>>) target(%dma_start3A_840 : memref<8x1024xf32, #tpu.memory_space<hbm>>) target_semaphore(%arg12 : memref<!tpu.dma_semaphore, #tpu.memory_space<semaphore_mem>>)
    %dma_start3A_845 = arith.constant 2 : i32
    %dma_start3A_846 = arith.constant 3 : i32
    %dma_start3A_847 = arith.constant 3 : i32
    %dma_start3A_848 = arith.constant 0 : i32
    %dma_start3A_849 = arith.constant 0 : i32
    %dma_start3A_850 = tpu.memref_slice %arg6[%dma_start3A_845, %dma_start3A_846, %dma_start3A_848, %dma_start3A_849] : memref<3x4x8x1024xf32, #tpu.memory_space<vmem>> -> memref<1x1x8x1024xf32, #tpu.memory_space<vmem>>
    %dma_start3A_851 = tpu.memref_squeeze %dma_start3A_850 : memref<1x1x8x1024xf32, #tpu.memory_space<vmem>> -> memref<8x1024xf32, #tpu.memory_space<vmem>>
    %dma_start3A_852 = arith.constant 0 : i32
    %dma_start3A_853 = tpu.memref_slice %arg4[%dma_start3A_847, %add3A_793, %dma_start3A_852] : memref<4x2048x1024xf32, #tpu.memory_space<hbm>> -> memref<1x8x1024xf32, #tpu.memory_space<hbm>>
    %dma_start3A_854 = tpu.memref_squeeze %dma_start3A_853 : memref<1x8x1024xf32, #tpu.memory_space<hbm>> -> memref<8x1024xf32, #tpu.memory_space<hbm>>
    %dma_start3A_855 = arith.constant 0 : i32
    %dma_start3A_856 = tpu.memref_slice %arg4[%dma_start3A_847, %add3A_793, %dma_start3A_855] : memref<4x2048x1024xf32, #tpu.memory_space<hbm>> -> memref<1x8x1024xf32, #tpu.memory_space<hbm>>
    %dma_start3A_857 = tpu.memref_squeeze %dma_start3A_856 : memref<1x8x1024xf32, #tpu.memory_space<hbm>> -> memref<8x1024xf32, #tpu.memory_space<hbm>>
    %dma_start3A_858 = arith.constant 0 : i32
    %dma_start3A_859 = arith.constant 0 : i32
    %dma_start3A_860 = tpu.memref_slice %arg6[%dma_start3A_845, %dma_start3A_846, %dma_start3A_858, %dma_start3A_859] : memref<3x4x8x1024xf32, #tpu.memory_space<vmem>> -> memref<1x1x8x1024xf32, #tpu.memory_space<vmem>>
    %dma_start3A_861 = tpu.memref_squeeze %dma_start3A_860 : memref<1x1x8x1024xf32, #tpu.memory_space<vmem>> -> memref<8x1024xf32, #tpu.memory_space<vmem>>
    tpu.enqueue_dma source(%dma_start3A_861 : memref<8x1024xf32, #tpu.memory_space<vmem>>) target(%dma_start3A_857 : memref<8x1024xf32, #tpu.memory_space<hbm>>) target_semaphore(%arg12 : memref<!tpu.dma_semaphore, #tpu.memory_space<semaphore_mem>>)
    %dma_wait3A_862 = arith.constant 1 : i32
    %dma_wait3A_863 = arith.constant 0 : i32
    %dma_wait3A_864 = arith.constant 0 : i32
    %dma_wait3A_865 = arith.constant 0 : i32
    %dma_wait3A_866 = arith.constant 0 : i32
    %dma_wait3A_867 = tpu.memref_slice %arg6[%dma_wait3A_862, %dma_wait3A_863, %dma_wait3A_865, %dma_wait3A_866] : memref<3x4x8x1024xf32, #tpu.memory_space<vmem>> -> memref<1x1x8x1024xf32, #tpu.memory_space<vmem>>
    %dma_wait3A_868 = tpu.memref_squeeze %dma_wait3A_867 : memref<1x1x8x1024xf32, #tpu.memory_space<vmem>> -> memref<8x1024xf32, #tpu.memory_space<vmem>>
    %dma_wait3A_869 = arith.constant 0 : i32
    %dma_wait3A_870 = tpu.memref_slice %arg4[%dma_wait3A_864, %add3A_488, %dma_wait3A_869] : memref<4x2048x1024xf32, #tpu.memory_space<hbm>> -> memref<1x8x1024xf32, #tpu.memory_space<hbm>>
    %dma_wait3A_871 = tpu.memref_squeeze %dma_wait3A_870 : memref<1x8x1024xf32, #tpu.memory_space<hbm>> -> memref<8x1024xf32, #tpu.memory_space<hbm>>
    %dma_wait3A_872 = arith.constant 0 : i32
    %dma_wait3A_873 = tpu.memref_slice %arg4[%dma_wait3A_864, %add3A_488, %dma_wait3A_872] : memref<4x2048x1024xf32, #tpu.memory_space<hbm>> -> memref<1x8x1024xf32, #tpu.memory_space<hbm>>
    %dma_wait3A_874 = tpu.memref_squeeze %dma_wait3A_873 : memref<1x8x1024xf32, #tpu.memory_space<hbm>> -> memref<8x1024xf32, #tpu.memory_space<hbm>>
    %dma_wait3A_875 = arith.constant 0 : i32
    %dma_wait3A_876 = arith.constant 0 : i32
    %dma_wait3A_877 = tpu.memref_slice %arg6[%dma_wait3A_862, %dma_wait3A_863, %dma_wait3A_875, %dma_wait3A_876] : memref<3x4x8x1024xf32, #tpu.memory_space<vmem>> -> memref<1x1x8x1024xf32, #tpu.memory_space<vmem>>
    %dma_wait3A_878 = tpu.memref_squeeze %dma_wait3A_877 : memref<1x1x8x1024xf32, #tpu.memory_space<vmem>> -> memref<8x1024xf32, #tpu.memory_space<vmem>>
    tpu.wait_dma2 semaphore(%arg11 : memref<!tpu.dma_semaphore, #tpu.memory_space<semaphore_mem>>) src(%dma_wait3A_878 : memref<8x1024xf32, #tpu.memory_space<vmem>>) dst(%dma_wait3A_874 : memref<8x1024xf32, #tpu.memory_space<hbm>>)
    %dma_wait3A_879 = arith.constant 1 : i32
    %dma_wait3A_880 = arith.constant 1 : i32
    %dma_wait3A_881 = arith.constant 1 : i32
    %dma_wait3A_882 = arith.constant 0 : i32
    %dma_wait3A_883 = arith.constant 0 : i32
    %dma_wait3A_884 = tpu.memref_slice %arg6[%dma_wait3A_879, %dma_wait3A_880, %dma_wait3A_882, %dma_wait3A_883] : memref<3x4x8x1024xf32, #tpu.memory_space<vmem>> -> memref<1x1x8x1024xf32, #tpu.memory_space<vmem>>
    %dma_wait3A_885 = tpu.memref_squeeze %dma_wait3A_884 : memref<1x1x8x1024xf32, #tpu.memory_space<vmem>> -> memref<8x1024xf32, #tpu.memory_space<vmem>>
    %dma_wait3A_886 = arith.constant 0 : i32
    %dma_wait3A_887 = tpu.memref_slice %arg4[%dma_wait3A_881, %add3A_488, %dma_wait3A_886] : memref<4x2048x1024xf32, #tpu.memory_space<hbm>> -> memref<1x8x1024xf32, #tpu.memory_space<hbm>>
    %dma_wait3A_888 = tpu.memref_squeeze %dma_wait3A_887 : memref<1x8x1024xf32, #tpu.memory_space<hbm>> -> memref<8x1024xf32, #tpu.memory_space<hbm>>
    %dma_wait3A_889 = arith.constant 0 : i32
    %dma_wait3A_890 = tpu.memref_slice %arg4[%dma_wait3A_881, %add3A_488, %dma_wait3A_889] : memref<4x2048x1024xf32, #tpu.memory_space<hbm>> -> memref<1x8x1024xf32, #tpu.memory_space<hbm>>
    %dma_wait3A_891 = tpu.memref_squeeze %dma_wait3A_890 : memref<1x8x1024xf32, #tpu.memory_space<hbm>> -> memref<8x1024xf32, #tpu.memory_space<hbm>>
    %dma_wait3A_892 = arith.constant 0 : i32
    %dma_wait3A_893 = arith.constant 0 : i32
    %dma_wait3A_894 = tpu.memref_slice %arg6[%dma_wait3A_879, %dma_wait3A_880, %dma_wait3A_892, %dma_wait3A_893] : memref<3x4x8x1024xf32, #tpu.memory_space<vmem>> -> memref<1x1x8x1024xf32, #tpu.memory_space<vmem>>
    %dma_wait3A_895 = tpu.memref_squeeze %dma_wait3A_894 : memref<1x1x8x1024xf32, #tpu.memory_space<vmem>> -> memref<8x1024xf32, #tpu.memory_space<vmem>>
    tpu.wait_dma2 semaphore(%arg11 : memref<!tpu.dma_semaphore, #tpu.memory_space<semaphore_mem>>) src(%dma_wait3A_895 : memref<8x1024xf32, #tpu.memory_space<vmem>>) dst(%dma_wait3A_891 : memref<8x1024xf32, #tpu.memory_space<hbm>>)
    %dma_wait3A_896 = arith.constant 1 : i32
    %dma_wait3A_897 = arith.constant 2 : i32
    %dma_wait3A_898 = arith.constant 2 : i32
    %dma_wait3A_899 = arith.constant 0 : i32
    %dma_wait3A_900 = arith.constant 0 : i32
    %dma_wait3A_901 = tpu.memref_slice %arg6[%dma_wait3A_896, %dma_wait3A_897, %dma_wait3A_899, %dma_wait3A_900] : memref<3x4x8x1024xf32, #tpu.memory_space<vmem>> -> memref<1x1x8x1024xf32, #tpu.memory_space<vmem>>
    %dma_wait3A_902 = tpu.memref_squeeze %dma_wait3A_901 : memref<1x1x8x1024xf32, #tpu.memory_space<vmem>> -> memref<8x1024xf32, #tpu.memory_space<vmem>>
    %dma_wait3A_903 = arith.constant 0 : i32
    %dma_wait3A_904 = tpu.memref_slice %arg4[%dma_wait3A_898, %add3A_488, %dma_wait3A_903] : memref<4x2048x1024xf32, #tpu.memory_space<hbm>> -> memref<1x8x1024xf32, #tpu.memory_space<hbm>>
    %dma_wait3A_905 = tpu.memref_squeeze %dma_wait3A_904 : memref<1x8x1024xf32, #tpu.memory_space<hbm>> -> memref<8x1024xf32, #tpu.memory_space<hbm>>
    %dma_wait3A_906 = arith.constant 0 : i32
    %dma_wait3A_907 = tpu.memref_slice %arg4[%dma_wait3A_898, %add3A_488, %dma_wait3A_906] : memref<4x2048x1024xf32, #tpu.memory_space<hbm>> -> memref<1x8x1024xf32, #tpu.memory_space<hbm>>
    %dma_wait3A_908 = tpu.memref_squeeze %dma_wait3A_907 : memref<1x8x1024xf32, #tpu.memory_space<hbm>> -> memref<8x1024xf32, #tpu.memory_space<hbm>>
    %dma_wait3A_909 = arith.constant 0 : i32
    %dma_wait3A_910 = arith.constant 0 : i32
    %dma_wait3A_911 = tpu.memref_slice %arg6[%dma_wait3A_896, %dma_wait3A_897, %dma_wait3A_909, %dma_wait3A_910] : memref<3x4x8x1024xf32, #tpu.memory_space<vmem>> -> memref<1x1x8x1024xf32, #tpu.memory_space<vmem>>
    %dma_wait3A_912 = tpu.memref_squeeze %dma_wait3A_911 : memref<1x1x8x1024xf32, #tpu.memory_space<vmem>> -> memref<8x1024xf32, #tpu.memory_space<vmem>>
    tpu.wait_dma2 semaphore(%arg11 : memref<!tpu.dma_semaphore, #tpu.memory_space<semaphore_mem>>) src(%dma_wait3A_912 : memref<8x1024xf32, #tpu.memory_space<vmem>>) dst(%dma_wait3A_908 : memref<8x1024xf32, #tpu.memory_space<hbm>>)
    %dma_wait3A_913 = arith.constant 1 : i32
    %dma_wait3A_914 = arith.constant 3 : i32
    %dma_wait3A_915 = arith.constant 3 : i32
    %dma_wait3A_916 = arith.constant 0 : i32
    %dma_wait3A_917 = arith.constant 0 : i32
    %dma_wait3A_918 = tpu.memref_slice %arg6[%dma_wait3A_913, %dma_wait3A_914, %dma_wait3A_916, %dma_wait3A_917] : memref<3x4x8x1024xf32, #tpu.memory_space<vmem>> -> memref<1x1x8x1024xf32, #tpu.memory_space<vmem>>
    %dma_wait3A_919 = tpu.memref_squeeze %dma_wait3A_918 : memref<1x1x8x1024xf32, #tpu.memory_space<vmem>> -> memref<8x1024xf32, #tpu.memory_space<vmem>>
    %dma_wait3A_920 = arith.constant 0 : i32
    %dma_wait3A_921 = tpu.memref_slice %arg4[%dma_wait3A_915, %add3A_488, %dma_wait3A_920] : memref<4x2048x1024xf32, #tpu.memory_space<hbm>> -> memref<1x8x1024xf32, #tpu.memory_space<hbm>>
    %dma_wait3A_922 = tpu.memref_squeeze %dma_wait3A_921 : memref<1x8x1024xf32, #tpu.memory_space<hbm>> -> memref<8x1024xf32, #tpu.memory_space<hbm>>
    %dma_wait3A_923 = arith.constant 0 : i32
    %dma_wait3A_924 = tpu.memref_slice %arg4[%dma_wait3A_915, %add3A_488, %dma_wait3A_923] : memref<4x2048x1024xf32, #tpu.memory_space<hbm>> -> memref<1x8x1024xf32, #tpu.memory_space<hbm>>
    %dma_wait3A_925 = tpu.memref_squeeze %dma_wait3A_924 : memref<1x8x1024xf32, #tpu.memory_space<hbm>> -> memref<8x1024xf32, #tpu.memory_space<hbm>>
    %dma_wait3A_926 = arith.constant 0 : i32
    %dma_wait3A_927 = arith.constant 0 : i32
    %dma_wait3A_928 = tpu.memref_slice %arg6[%dma_wait3A_913, %dma_wait3A_914, %dma_wait3A_926, %dma_wait3A_927] : memref<3x4x8x1024xf32, #tpu.memory_space<vmem>> -> memref<1x1x8x1024xf32, #tpu.memory_space<vmem>>
    %dma_wait3A_929 = tpu.memref_squeeze %dma_wait3A_928 : memref<1x1x8x1024xf32, #tpu.memory_space<vmem>> -> memref<8x1024xf32, #tpu.memory_space<vmem>>
    tpu.wait_dma2 semaphore(%arg11 : memref<!tpu.dma_semaphore, #tpu.memory_space<semaphore_mem>>) src(%dma_wait3A_929 : memref<8x1024xf32, #tpu.memory_space<vmem>>) dst(%dma_wait3A_925 : memref<8x1024xf32, #tpu.memory_space<hbm>>)
    %add3A_930 = arith.constant 32 : i32
    %add3A_931 = arith.addi %mul3A_2, %add3A_930 : i32
    %dma_start3A_932 = arith.constant 1 : i32
    %dma_start3A_933 = arith.constant 0 : i32
    %dma_start3A_934 = arith.constant 0 : i32
    %dma_start3A_935 = tpu.memref_slice %arg5[%dma_start3A_932, %dma_start3A_933, %dma_start3A_934] : memref<3x8x1024xf32, #tpu.memory_space<vmem>> -> memref<1x8x1024xf32, #tpu.memory_space<vmem>>
    %dma_start3A_936 = tpu.memref_squeeze %dma_start3A_935 : memref<1x8x1024xf32, #tpu.memory_space<vmem>> -> memref<8x1024xf32, #tpu.memory_space<vmem>>
    %dma_start3A_937 = arith.constant 0 : i32
    %dma_start3A_938 = tpu.memref_slice %arg3[%add3A_931, %dma_start3A_937] : memref<2048x1024xf32, #tpu.memory_space<hbm>> -> memref<8x1024xf32, #tpu.memory_space<hbm>>
    %dma_start3A_939 = arith.constant 0 : i32
    %dma_start3A_940 = arith.constant 0 : i32
    %dma_start3A_941 = tpu.memref_slice %arg5[%dma_start3A_932, %dma_start3A_939, %dma_start3A_940] : memref<3x8x1024xf32, #tpu.memory_space<vmem>> -> memref<1x8x1024xf32, #tpu.memory_space<vmem>>
    %dma_start3A_942 = tpu.memref_squeeze %dma_start3A_941 : memref<1x8x1024xf32, #tpu.memory_space<vmem>> -> memref<8x1024xf32, #tpu.memory_space<vmem>>
    %dma_start3A_943 = arith.constant 0 : i32
    %dma_start3A_944 = tpu.memref_slice %arg3[%add3A_931, %dma_start3A_943] : memref<2048x1024xf32, #tpu.memory_space<hbm>> -> memref<8x1024xf32, #tpu.memory_space<hbm>>
    tpu.enqueue_dma source(%dma_start3A_944 : memref<8x1024xf32, #tpu.memory_space<hbm>>) target(%dma_start3A_942 : memref<8x1024xf32, #tpu.memory_space<vmem>>) target_semaphore(%arg8 : memref<!tpu.dma_semaphore, #tpu.memory_space<semaphore_mem>>)
    %dma_start3A_945 = arith.constant 0 : i32
    %dma_start3A_946 = arith.constant 1 : i32
    %dma_start3A_947 = arith.constant 0 : i32
    %dma_start3A_948 = arith.constant 0 : i32
    %dma_start3A_949 = arith.constant 0 : i32
    %dma_start3A_950 = tpu.memref_slice %arg6[%dma_start3A_946, %dma_start3A_947, %dma_start3A_948, %dma_start3A_949] : memref<3x4x8x1024xf32, #tpu.memory_space<vmem>> -> memref<1x1x8x1024xf32, #tpu.memory_space<vmem>>
    %dma_start3A_951 = tpu.memref_squeeze %dma_start3A_950 : memref<1x1x8x1024xf32, #tpu.memory_space<vmem>> -> memref<8x1024xf32, #tpu.memory_space<vmem>>
    %dma_start3A_952 = arith.constant 0 : i32
    %dma_start3A_953 = tpu.memref_slice %arg2[%dma_start3A_945, %add3A_931, %dma_start3A_952] : memref<4x2048x1024xf32, #tpu.memory_space<hbm>> -> memref<1x8x1024xf32, #tpu.memory_space<hbm>>
    %dma_start3A_954 = tpu.memref_squeeze %dma_start3A_953 : memref<1x8x1024xf32, #tpu.memory_space<hbm>> -> memref<8x1024xf32, #tpu.memory_space<hbm>>
    %dma_start3A_955 = arith.constant 0 : i32
    %dma_start3A_956 = arith.constant 0 : i32
    %dma_start3A_957 = tpu.memref_slice %arg6[%dma_start3A_946, %dma_start3A_947, %dma_start3A_955, %dma_start3A_956] : memref<3x4x8x1024xf32, #tpu.memory_space<vmem>> -> memref<1x1x8x1024xf32, #tpu.memory_space<vmem>>
    %dma_start3A_958 = tpu.memref_squeeze %dma_start3A_957 : memref<1x1x8x1024xf32, #tpu.memory_space<vmem>> -> memref<8x1024xf32, #tpu.memory_space<vmem>>
    %dma_start3A_959 = arith.constant 0 : i32
    %dma_start3A_960 = tpu.memref_slice %arg2[%dma_start3A_945, %add3A_931, %dma_start3A_959] : memref<4x2048x1024xf32, #tpu.memory_space<hbm>> -> memref<1x8x1024xf32, #tpu.memory_space<hbm>>
    %dma_start3A_961 = tpu.memref_squeeze %dma_start3A_960 : memref<1x8x1024xf32, #tpu.memory_space<hbm>> -> memref<8x1024xf32, #tpu.memory_space<hbm>>
    tpu.enqueue_dma source(%dma_start3A_961 : memref<8x1024xf32, #tpu.memory_space<hbm>>) target(%dma_start3A_958 : memref<8x1024xf32, #tpu.memory_space<vmem>>) target_semaphore(%arg8 : memref<!tpu.dma_semaphore, #tpu.memory_space<semaphore_mem>>)
    %dma_start3A_962 = arith.constant 1 : i32
    %dma_start3A_963 = arith.constant 1 : i32
    %dma_start3A_964 = arith.constant 1 : i32
    %dma_start3A_965 = arith.constant 0 : i32
    %dma_start3A_966 = arith.constant 0 : i32
    %dma_start3A_967 = tpu.memref_slice %arg6[%dma_start3A_963, %dma_start3A_964, %dma_start3A_965, %dma_start3A_966] : memref<3x4x8x1024xf32, #tpu.memory_space<vmem>> -> memref<1x1x8x1024xf32, #tpu.memory_space<vmem>>
    %dma_start3A_968 = tpu.memref_squeeze %dma_start3A_967 : memref<1x1x8x1024xf32, #tpu.memory_space<vmem>> -> memref<8x1024xf32, #tpu.memory_space<vmem>>
    %dma_start3A_969 = arith.constant 0 : i32
    %dma_start3A_970 = tpu.memref_slice %arg2[%dma_start3A_962, %add3A_931, %dma_start3A_969] : memref<4x2048x1024xf32, #tpu.memory_space<hbm>> -> memref<1x8x1024xf32, #tpu.memory_space<hbm>>
    %dma_start3A_971 = tpu.memref_squeeze %dma_start3A_970 : memref<1x8x1024xf32, #tpu.memory_space<hbm>> -> memref<8x1024xf32, #tpu.memory_space<hbm>>
    %dma_start3A_972 = arith.constant 0 : i32
    %dma_start3A_973 = arith.constant 0 : i32
    %dma_start3A_974 = tpu.memref_slice %arg6[%dma_start3A_963, %dma_start3A_964, %dma_start3A_972, %dma_start3A_973] : memref<3x4x8x1024xf32, #tpu.memory_space<vmem>> -> memref<1x1x8x1024xf32, #tpu.memory_space<vmem>>
    %dma_start3A_975 = tpu.memref_squeeze %dma_start3A_974 : memref<1x1x8x1024xf32, #tpu.memory_space<vmem>> -> memref<8x1024xf32, #tpu.memory_space<vmem>>
    %dma_start3A_976 = arith.constant 0 : i32
    %dma_start3A_977 = tpu.memref_slice %arg2[%dma_start3A_962, %add3A_931, %dma_start3A_976] : memref<4x2048x1024xf32, #tpu.memory_space<hbm>> -> memref<1x8x1024xf32, #tpu.memory_space<hbm>>
    %dma_start3A_978 = tpu.memref_squeeze %dma_start3A_977 : memref<1x8x1024xf32, #tpu.memory_space<hbm>> -> memref<8x1024xf32, #tpu.memory_space<hbm>>
    tpu.enqueue_dma source(%dma_start3A_978 : memref<8x1024xf32, #tpu.memory_space<hbm>>) target(%dma_start3A_975 : memref<8x1024xf32, #tpu.memory_space<vmem>>) target_semaphore(%arg8 : memref<!tpu.dma_semaphore, #tpu.memory_space<semaphore_mem>>)
    %dma_start3A_979 = arith.constant 2 : i32
    %dma_start3A_980 = arith.constant 1 : i32
    %dma_start3A_981 = arith.constant 2 : i32
    %dma_start3A_982 = arith.constant 0 : i32
    %dma_start3A_983 = arith.constant 0 : i32
    %dma_start3A_984 = tpu.memref_slice %arg6[%dma_start3A_980, %dma_start3A_981, %dma_start3A_982, %dma_start3A_983] : memref<3x4x8x1024xf32, #tpu.memory_space<vmem>> -> memref<1x1x8x1024xf32, #tpu.memory_space<vmem>>
    %dma_start3A_985 = tpu.memref_squeeze %dma_start3A_984 : memref<1x1x8x1024xf32, #tpu.memory_space<vmem>> -> memref<8x1024xf32, #tpu.memory_space<vmem>>
    %dma_start3A_986 = arith.constant 0 : i32
    %dma_start3A_987 = tpu.memref_slice %arg2[%dma_start3A_979, %add3A_931, %dma_start3A_986] : memref<4x2048x1024xf32, #tpu.memory_space<hbm>> -> memref<1x8x1024xf32, #tpu.memory_space<hbm>>
    %dma_start3A_988 = tpu.memref_squeeze %dma_start3A_987 : memref<1x8x1024xf32, #tpu.memory_space<hbm>> -> memref<8x1024xf32, #tpu.memory_space<hbm>>
    %dma_start3A_989 = arith.constant 0 : i32
    %dma_start3A_990 = arith.constant 0 : i32
    %dma_start3A_991 = tpu.memref_slice %arg6[%dma_start3A_980, %dma_start3A_981, %dma_start3A_989, %dma_start3A_990] : memref<3x4x8x1024xf32, #tpu.memory_space<vmem>> -> memref<1x1x8x1024xf32, #tpu.memory_space<vmem>>
    %dma_start3A_992 = tpu.memref_squeeze %dma_start3A_991 : memref<1x1x8x1024xf32, #tpu.memory_space<vmem>> -> memref<8x1024xf32, #tpu.memory_space<vmem>>
    %dma_start3A_993 = arith.constant 0 : i32
    %dma_start3A_994 = tpu.memref_slice %arg2[%dma_start3A_979, %add3A_931, %dma_start3A_993] : memref<4x2048x1024xf32, #tpu.memory_space<hbm>> -> memref<1x8x1024xf32, #tpu.memory_space<hbm>>
    %dma_start3A_995 = tpu.memref_squeeze %dma_start3A_994 : memref<1x8x1024xf32, #tpu.memory_space<hbm>> -> memref<8x1024xf32, #tpu.memory_space<hbm>>
    tpu.enqueue_dma source(%dma_start3A_995 : memref<8x1024xf32, #tpu.memory_space<hbm>>) target(%dma_start3A_992 : memref<8x1024xf32, #tpu.memory_space<vmem>>) target_semaphore(%arg8 : memref<!tpu.dma_semaphore, #tpu.memory_space<semaphore_mem>>)
    %dma_start3A_996 = arith.constant 3 : i32
    %dma_start3A_997 = arith.constant 1 : i32
    %dma_start3A_998 = arith.constant 3 : i32
    %dma_start3A_999 = arith.constant 0 : i32
    %dma_start3A_1000 = arith.constant 0 : i32
    %dma_start3A_1001 = tpu.memref_slice %arg6[%dma_start3A_997, %dma_start3A_998, %dma_start3A_999, %dma_start3A_1000] : memref<3x4x8x1024xf32, #tpu.memory_space<vmem>> -> memref<1x1x8x1024xf32, #tpu.memory_space<vmem>>
    %dma_start3A_1002 = tpu.memref_squeeze %dma_start3A_1001 : memref<1x1x8x1024xf32, #tpu.memory_space<vmem>> -> memref<8x1024xf32, #tpu.memory_space<vmem>>
    %dma_start3A_1003 = arith.constant 0 : i32
    %dma_start3A_1004 = tpu.memref_slice %arg2[%dma_start3A_996, %add3A_931, %dma_start3A_1003] : memref<4x2048x1024xf32, #tpu.memory_space<hbm>> -> memref<1x8x1024xf32, #tpu.memory_space<hbm>>
    %dma_start3A_1005 = tpu.memref_squeeze %dma_start3A_1004 : memref<1x8x1024xf32, #tpu.memory_space<hbm>> -> memref<8x1024xf32, #tpu.memory_space<hbm>>
    %dma_start3A_1006 = arith.constant 0 : i32
    %dma_start3A_1007 = arith.constant 0 : i32
    %dma_start3A_1008 = tpu.memref_slice %arg6[%dma_start3A_997, %dma_start3A_998, %dma_start3A_1006, %dma_start3A_1007] : memref<3x4x8x1024xf32, #tpu.memory_space<vmem>> -> memref<1x1x8x1024xf32, #tpu.memory_space<vmem>>
    %dma_start3A_1009 = tpu.memref_squeeze %dma_start3A_1008 : memref<1x1x8x1024xf32, #tpu.memory_space<vmem>> -> memref<8x1024xf32, #tpu.memory_space<vmem>>
    %dma_start3A_1010 = arith.constant 0 : i32
    %dma_start3A_1011 = tpu.memref_slice %arg2[%dma_start3A_996, %add3A_931, %dma_start3A_1010] : memref<4x2048x1024xf32, #tpu.memory_space<hbm>> -> memref<1x8x1024xf32, #tpu.memory_space<hbm>>
    %dma_start3A_1012 = tpu.memref_squeeze %dma_start3A_1011 : memref<1x8x1024xf32, #tpu.memory_space<hbm>> -> memref<8x1024xf32, #tpu.memory_space<hbm>>
    tpu.enqueue_dma source(%dma_start3A_1012 : memref<8x1024xf32, #tpu.memory_space<hbm>>) target(%dma_start3A_1009 : memref<8x1024xf32, #tpu.memory_space<vmem>>) target_semaphore(%arg8 : memref<!tpu.dma_semaphore, #tpu.memory_space<semaphore_mem>>)
    %dma_wait3A_1013 = arith.constant 0 : i32
    %dma_wait3A_1014 = arith.constant 0 : i32
    %dma_wait3A_1015 = arith.constant 0 : i32
    %dma_wait3A_1016 = tpu.memref_slice %arg5[%dma_wait3A_1013, %dma_wait3A_1014, %dma_wait3A_1015] : memref<3x8x1024xf32, #tpu.memory_space<vmem>> -> memref<1x8x1024xf32, #tpu.memory_space<vmem>>
    %dma_wait3A_1017 = tpu.memref_squeeze %dma_wait3A_1016 : memref<1x8x1024xf32, #tpu.memory_space<vmem>> -> memref<8x1024xf32, #tpu.memory_space<vmem>>
    %dma_wait3A_1018 = arith.constant 0 : i32
    %dma_wait3A_1019 = tpu.memref_slice %arg3[%add3A_626, %dma_wait3A_1018] : memref<2048x1024xf32, #tpu.memory_space<hbm>> -> memref<8x1024xf32, #tpu.memory_space<hbm>>
    %dma_wait3A_1020 = arith.constant 0 : i32
    %dma_wait3A_1021 = arith.constant 0 : i32
    %dma_wait3A_1022 = tpu.memref_slice %arg5[%dma_wait3A_1013, %dma_wait3A_1020, %dma_wait3A_1021] : memref<3x8x1024xf32, #tpu.memory_space<vmem>> -> memref<1x8x1024xf32, #tpu.memory_space<vmem>>
    %dma_wait3A_1023 = tpu.memref_squeeze %dma_wait3A_1022 : memref<1x8x1024xf32, #tpu.memory_space<vmem>> -> memref<8x1024xf32, #tpu.memory_space<vmem>>
    %dma_wait3A_1024 = arith.constant 0 : i32
    %dma_wait3A_1025 = tpu.memref_slice %arg3[%add3A_626, %dma_wait3A_1024] : memref<2048x1024xf32, #tpu.memory_space<hbm>> -> memref<8x1024xf32, #tpu.memory_space<hbm>>
    tpu.wait_dma2 semaphore(%arg7 : memref<!tpu.dma_semaphore, #tpu.memory_space<semaphore_mem>>) src(%dma_wait3A_1025 : memref<8x1024xf32, #tpu.memory_space<hbm>>) dst(%dma_wait3A_1023 : memref<8x1024xf32, #tpu.memory_space<vmem>>)
    %dma_wait3A_1026 = arith.constant 0 : i32
    %dma_wait3A_1027 = arith.constant 0 : i32
    %dma_wait3A_1028 = arith.constant 0 : i32
    %dma_wait3A_1029 = arith.constant 0 : i32
    %dma_wait3A_1030 = arith.constant 0 : i32
    %dma_wait3A_1031 = tpu.memref_slice %arg6[%dma_wait3A_1027, %dma_wait3A_1028, %dma_wait3A_1029, %dma_wait3A_1030] : memref<3x4x8x1024xf32, #tpu.memory_space<vmem>> -> memref<1x1x8x1024xf32, #tpu.memory_space<vmem>>
    %dma_wait3A_1032 = tpu.memref_squeeze %dma_wait3A_1031 : memref<1x1x8x1024xf32, #tpu.memory_space<vmem>> -> memref<8x1024xf32, #tpu.memory_space<vmem>>
    %dma_wait3A_1033 = arith.constant 0 : i32
    %dma_wait3A_1034 = tpu.memref_slice %arg2[%dma_wait3A_1026, %add3A_626, %dma_wait3A_1033] : memref<4x2048x1024xf32, #tpu.memory_space<hbm>> -> memref<1x8x1024xf32, #tpu.memory_space<hbm>>
    %dma_wait3A_1035 = tpu.memref_squeeze %dma_wait3A_1034 : memref<1x8x1024xf32, #tpu.memory_space<hbm>> -> memref<8x1024xf32, #tpu.memory_space<hbm>>
    %dma_wait3A_1036 = arith.constant 0 : i32
    %dma_wait3A_1037 = arith.constant 0 : i32
    %dma_wait3A_1038 = tpu.memref_slice %arg6[%dma_wait3A_1027, %dma_wait3A_1028, %dma_wait3A_1036, %dma_wait3A_1037] : memref<3x4x8x1024xf32, #tpu.memory_space<vmem>> -> memref<1x1x8x1024xf32, #tpu.memory_space<vmem>>
    %dma_wait3A_1039 = tpu.memref_squeeze %dma_wait3A_1038 : memref<1x1x8x1024xf32, #tpu.memory_space<vmem>> -> memref<8x1024xf32, #tpu.memory_space<vmem>>
    %dma_wait3A_1040 = arith.constant 0 : i32
    %dma_wait3A_1041 = tpu.memref_slice %arg2[%dma_wait3A_1026, %add3A_626, %dma_wait3A_1040] : memref<4x2048x1024xf32, #tpu.memory_space<hbm>> -> memref<1x8x1024xf32, #tpu.memory_space<hbm>>
    %dma_wait3A_1042 = tpu.memref_squeeze %dma_wait3A_1041 : memref<1x8x1024xf32, #tpu.memory_space<hbm>> -> memref<8x1024xf32, #tpu.memory_space<hbm>>
    tpu.wait_dma2 semaphore(%arg7 : memref<!tpu.dma_semaphore, #tpu.memory_space<semaphore_mem>>) src(%dma_wait3A_1042 : memref<8x1024xf32, #tpu.memory_space<hbm>>) dst(%dma_wait3A_1039 : memref<8x1024xf32, #tpu.memory_space<vmem>>)
    %dma_wait3A_1043 = arith.constant 1 : i32
    %dma_wait3A_1044 = arith.constant 0 : i32
    %dma_wait3A_1045 = arith.constant 1 : i32
    %dma_wait3A_1046 = arith.constant 0 : i32
    %dma_wait3A_1047 = arith.constant 0 : i32
    %dma_wait3A_1048 = tpu.memref_slice %arg6[%dma_wait3A_1044, %dma_wait3A_1045, %dma_wait3A_1046, %dma_wait3A_1047] : memref<3x4x8x1024xf32, #tpu.memory_space<vmem>> -> memref<1x1x8x1024xf32, #tpu.memory_space<vmem>>
    %dma_wait3A_1049 = tpu.memref_squeeze %dma_wait3A_1048 : memref<1x1x8x1024xf32, #tpu.memory_space<vmem>> -> memref<8x1024xf32, #tpu.memory_space<vmem>>
    %dma_wait3A_1050 = arith.constant 0 : i32
    %dma_wait3A_1051 = tpu.memref_slice %arg2[%dma_wait3A_1043, %add3A_626, %dma_wait3A_1050] : memref<4x2048x1024xf32, #tpu.memory_space<hbm>> -> memref<1x8x1024xf32, #tpu.memory_space<hbm>>
    %dma_wait3A_1052 = tpu.memref_squeeze %dma_wait3A_1051 : memref<1x8x1024xf32, #tpu.memory_space<hbm>> -> memref<8x1024xf32, #tpu.memory_space<hbm>>
    %dma_wait3A_1053 = arith.constant 0 : i32
    %dma_wait3A_1054 = arith.constant 0 : i32
    %dma_wait3A_1055 = tpu.memref_slice %arg6[%dma_wait3A_1044, %dma_wait3A_1045, %dma_wait3A_1053, %dma_wait3A_1054] : memref<3x4x8x1024xf32, #tpu.memory_space<vmem>> -> memref<1x1x8x1024xf32, #tpu.memory_space<vmem>>
    %dma_wait3A_1056 = tpu.memref_squeeze %dma_wait3A_1055 : memref<1x1x8x1024xf32, #tpu.memory_space<vmem>> -> memref<8x1024xf32, #tpu.memory_space<vmem>>
    %dma_wait3A_1057 = arith.constant 0 : i32
    %dma_wait3A_1058 = tpu.memref_slice %arg2[%dma_wait3A_1043, %add3A_626, %dma_wait3A_1057] : memref<4x2048x1024xf32, #tpu.memory_space<hbm>> -> memref<1x8x1024xf32, #tpu.memory_space<hbm>>
    %dma_wait3A_1059 = tpu.memref_squeeze %dma_wait3A_1058 : memref<1x8x1024xf32, #tpu.memory_space<hbm>> -> memref<8x1024xf32, #tpu.memory_space<hbm>>
    tpu.wait_dma2 semaphore(%arg7 : memref<!tpu.dma_semaphore, #tpu.memory_space<semaphore_mem>>) src(%dma_wait3A_1059 : memref<8x1024xf32, #tpu.memory_space<hbm>>) dst(%dma_wait3A_1056 : memref<8x1024xf32, #tpu.memory_space<vmem>>)
    %dma_wait3A_1060 = arith.constant 2 : i32
    %dma_wait3A_1061 = arith.constant 0 : i32
    %dma_wait3A_1062 = arith.constant 2 : i32
    %dma_wait3A_1063 = arith.constant 0 : i32
    %dma_wait3A_1064 = arith.constant 0 : i32
    %dma_wait3A_1065 = tpu.memref_slice %arg6[%dma_wait3A_1061, %dma_wait3A_1062, %dma_wait3A_1063, %dma_wait3A_1064] : memref<3x4x8x1024xf32, #tpu.memory_space<vmem>> -> memref<1x1x8x1024xf32, #tpu.memory_space<vmem>>
    %dma_wait3A_1066 = tpu.memref_squeeze %dma_wait3A_1065 : memref<1x1x8x1024xf32, #tpu.memory_space<vmem>> -> memref<8x1024xf32, #tpu.memory_space<vmem>>
    %dma_wait3A_1067 = arith.constant 0 : i32
    %dma_wait3A_1068 = tpu.memref_slice %arg2[%dma_wait3A_1060, %add3A_626, %dma_wait3A_1067] : memref<4x2048x1024xf32, #tpu.memory_space<hbm>> -> memref<1x8x1024xf32, #tpu.memory_space<hbm>>
    %dma_wait3A_1069 = tpu.memref_squeeze %dma_wait3A_1068 : memref<1x8x1024xf32, #tpu.memory_space<hbm>> -> memref<8x1024xf32, #tpu.memory_space<hbm>>
    %dma_wait3A_1070 = arith.constant 0 : i32
    %dma_wait3A_1071 = arith.constant 0 : i32
    %dma_wait3A_1072 = tpu.memref_slice %arg6[%dma_wait3A_1061, %dma_wait3A_1062, %dma_wait3A_1070, %dma_wait3A_1071] : memref<3x4x8x1024xf32, #tpu.memory_space<vmem>> -> memref<1x1x8x1024xf32, #tpu.memory_space<vmem>>
    %dma_wait3A_1073 = tpu.memref_squeeze %dma_wait3A_1072 : memref<1x1x8x1024xf32, #tpu.memory_space<vmem>> -> memref<8x1024xf32, #tpu.memory_space<vmem>>
    %dma_wait3A_1074 = arith.constant 0 : i32
    %dma_wait3A_1075 = tpu.memref_slice %arg2[%dma_wait3A_1060, %add3A_626, %dma_wait3A_1074] : memref<4x2048x1024xf32, #tpu.memory_space<hbm>> -> memref<1x8x1024xf32, #tpu.memory_space<hbm>>
    %dma_wait3A_1076 = tpu.memref_squeeze %dma_wait3A_1075 : memref<1x8x1024xf32, #tpu.memory_space<hbm>> -> memref<8x1024xf32, #tpu.memory_space<hbm>>
    tpu.wait_dma2 semaphore(%arg7 : memref<!tpu.dma_semaphore, #tpu.memory_space<semaphore_mem>>) src(%dma_wait3A_1076 : memref<8x1024xf32, #tpu.memory_space<hbm>>) dst(%dma_wait3A_1073 : memref<8x1024xf32, #tpu.memory_space<vmem>>)
    %dma_wait3A_1077 = arith.constant 3 : i32
    %dma_wait3A_1078 = arith.constant 0 : i32
    %dma_wait3A_1079 = arith.constant 3 : i32
    %dma_wait3A_1080 = arith.constant 0 : i32
    %dma_wait3A_1081 = arith.constant 0 : i32
    %dma_wait3A_1082 = tpu.memref_slice %arg6[%dma_wait3A_1078, %dma_wait3A_1079, %dma_wait3A_1080, %dma_wait3A_1081] : memref<3x4x8x1024xf32, #tpu.memory_space<vmem>> -> memref<1x1x8x1024xf32, #tpu.memory_space<vmem>>
    %dma_wait3A_1083 = tpu.memref_squeeze %dma_wait3A_1082 : memref<1x1x8x1024xf32, #tpu.memory_space<vmem>> -> memref<8x1024xf32, #tpu.memory_space<vmem>>
    %dma_wait3A_1084 = arith.constant 0 : i32
    %dma_wait3A_1085 = tpu.memref_slice %arg2[%dma_wait3A_1077, %add3A_626, %dma_wait3A_1084] : memref<4x2048x1024xf32, #tpu.memory_space<hbm>> -> memref<1x8x1024xf32, #tpu.memory_space<hbm>>
    %dma_wait3A_1086 = tpu.memref_squeeze %dma_wait3A_1085 : memref<1x8x1024xf32, #tpu.memory_space<hbm>> -> memref<8x1024xf32, #tpu.memory_space<hbm>>
    %dma_wait3A_1087 = arith.constant 0 : i32
    %dma_wait3A_1088 = arith.constant 0 : i32
    %dma_wait3A_1089 = tpu.memref_slice %arg6[%dma_wait3A_1078, %dma_wait3A_1079, %dma_wait3A_1087, %dma_wait3A_1088] : memref<3x4x8x1024xf32, #tpu.memory_space<vmem>> -> memref<1x1x8x1024xf32, #tpu.memory_space<vmem>>
    %dma_wait3A_1090 = tpu.memref_squeeze %dma_wait3A_1089 : memref<1x1x8x1024xf32, #tpu.memory_space<vmem>> -> memref<8x1024xf32, #tpu.memory_space<vmem>>
    %dma_wait3A_1091 = arith.constant 0 : i32
    %dma_wait3A_1092 = tpu.memref_slice %arg2[%dma_wait3A_1077, %add3A_626, %dma_wait3A_1091] : memref<4x2048x1024xf32, #tpu.memory_space<hbm>> -> memref<1x8x1024xf32, #tpu.memory_space<hbm>>
    %dma_wait3A_1093 = tpu.memref_squeeze %dma_wait3A_1092 : memref<1x8x1024xf32, #tpu.memory_space<hbm>> -> memref<8x1024xf32, #tpu.memory_space<hbm>>
    tpu.wait_dma2 semaphore(%arg7 : memref<!tpu.dma_semaphore, #tpu.memory_space<semaphore_mem>>) src(%dma_wait3A_1093 : memref<8x1024xf32, #tpu.memory_space<hbm>>) dst(%dma_wait3A_1090 : memref<8x1024xf32, #tpu.memory_space<vmem>>)
    %parallel_loop3A_1094 = arith.constant 0 : i32
    %parallel_loop3A_1095 = arith.constant 8192 : i32
    %parallel_loop3A_1096 = arith.constant 16 : i32
    scf.for %parallel_loop3A_2440 = %parallel_loop3A_1094 to %parallel_loop3A_1095 step %parallel_loop3A_1096  : i32 {
      %parallel_loop3A_2441 = arith.constant 10 : i32
      %parallel_loop3A_2442 = arith.shrsi %parallel_loop3A_2440, %parallel_loop3A_2441 : i32
      %parallel_loop3A_2443 = arith.constant 1023 : i32
      %parallel_loop3A_2444 = arith.andi %parallel_loop3A_2440, %parallel_loop3A_2443 : i32
      %parallel_loop3A_2445 = tpu.assume_multiple %parallel_loop3A_2444, 16 : i32
      %parallel_loop3A_2446 = arith.constant 0 : i32
      %parallel_loop3A_2447 = arith.index_cast %parallel_loop3A_2446 : i32 to index
      %parallel_loop3A_2448 = arith.index_cast %parallel_loop3A_2442 : i32 to index
      %parallel_loop3A_2449 = arith.index_cast %parallel_loop3A_2445 : i32 to index
      %parallel_loop3A_2450 = tpu.vector_load %arg5[%parallel_loop3A_2447, %parallel_loop3A_2448, %parallel_loop3A_2449] {strides = array<i32>} : memref<3x8x1024xf32, #tpu.memory_space<vmem>>, vector<1x1x16xf32>,
      %parallel_loop3A_2451 = vector.shape_cast %parallel_loop3A_2450 : vector<1x1x16xf32> to vector<16xf32>
      %parallel_loop3A_2452 = arith.constant 0 : i32
      %parallel_loop3A_2453 = arith.constant 0 : i32
      %parallel_loop3A_2454 = arith.index_cast %parallel_loop3A_2452 : i32 to index
      %parallel_loop3A_2455 = arith.index_cast %parallel_loop3A_2453 : i32 to index
      %parallel_loop3A_2456 = arith.index_cast %parallel_loop3A_2442 : i32 to index
      %parallel_loop3A_2457 = arith.index_cast %parallel_loop3A_2445 : i32 to index
      %parallel_loop3A_2458 = tpu.vector_load %arg6[%parallel_loop3A_2454, %parallel_loop3A_2455, %parallel_loop3A_2456, %parallel_loop3A_2457] {strides = array<i32>} : memref<3x4x8x1024xf32, #tpu.memory_space<vmem>>, vector<1x1x1x16xf32>,
      %parallel_loop3A_2459 = vector.shape_cast %parallel_loop3A_2458 : vector<1x1x1x16xf32> to vector<16xf32>
      %parallel_loop3A_2460 = vector.shape_cast %parallel_loop3A_2451 : vector<16xf32> to vector<1x1x1x16xf32>
      tpu.vector_store %arg6[%parallel_loop3A_2454, %parallel_loop3A_2455, %parallel_loop3A_2456, %parallel_loop3A_2457], %parallel_loop3A_2460 {add = true, strides = array<i32>} : memref<3x4x8x1024xf32, #tpu.memory_space<vmem>>, vector<1x1x1x16xf32>,
      %parallel_loop3A_2461 = arith.constant 0 : i32
      %parallel_loop3A_2462 = arith.constant 1 : i32
      %parallel_loop3A_2463 = arith.index_cast %parallel_loop3A_2461 : i32 to index
      %parallel_loop3A_2464 = arith.index_cast %parallel_loop3A_2462 : i32 to index
      %parallel_loop3A_2465 = arith.index_cast %parallel_loop3A_2442 : i32 to index
      %parallel_loop3A_2466 = arith.index_cast %parallel_loop3A_2445 : i32 to index
      %parallel_loop3A_2467 = tpu.vector_load %arg6[%parallel_loop3A_2463, %parallel_loop3A_2464, %parallel_loop3A_2465, %parallel_loop3A_2466] {strides = array<i32>} : memref<3x4x8x1024xf32, #tpu.memory_space<vmem>>, vector<1x1x1x16xf32>,
      %parallel_loop3A_2468 = vector.shape_cast %parallel_loop3A_2467 : vector<1x1x1x16xf32> to vector<16xf32>
      %parallel_loop3A_2469 = vector.shape_cast %parallel_loop3A_2451 : vector<16xf32> to vector<1x1x1x16xf32>
      tpu.vector_store %arg6[%parallel_loop3A_2463, %parallel_loop3A_2464, %parallel_loop3A_2465, %parallel_loop3A_2466], %parallel_loop3A_2469 {add = true, strides = array<i32>} : memref<3x4x8x1024xf32, #tpu.memory_space<vmem>>, vector<1x1x1x16xf32>,
      %parallel_loop3A_2470 = arith.constant 0 : i32
      %parallel_loop3A_2471 = arith.constant 2 : i32
      %parallel_loop3A_2472 = arith.index_cast %parallel_loop3A_2470 : i32 to index
      %parallel_loop3A_2473 = arith.index_cast %parallel_loop3A_2471 : i32 to index
      %parallel_loop3A_2474 = arith.index_cast %parallel_loop3A_2442 : i32 to index
      %parallel_loop3A_2475 = arith.index_cast %parallel_loop3A_2445 : i32 to index
      %parallel_loop3A_2476 = tpu.vector_load %arg6[%parallel_loop3A_2472, %parallel_loop3A_2473, %parallel_loop3A_2474, %parallel_loop3A_2475] {strides = array<i32>} : memref<3x4x8x1024xf32, #tpu.memory_space<vmem>>, vector<1x1x1x16xf32>,
      %parallel_loop3A_2477 = vector.shape_cast %parallel_loop3A_2476 : vector<1x1x1x16xf32> to vector<16xf32>
      %parallel_loop3A_2478 = vector.shape_cast %parallel_loop3A_2451 : vector<16xf32> to vector<1x1x1x16xf32>
      tpu.vector_store %arg6[%parallel_loop3A_2472, %parallel_loop3A_2473, %parallel_loop3A_2474, %parallel_loop3A_2475], %parallel_loop3A_2478 {add = true, strides = array<i32>} : memref<3x4x8x1024xf32, #tpu.memory_space<vmem>>, vector<1x1x1x16xf32>,
      %parallel_loop3A_2479 = arith.constant 0 : i32
      %parallel_loop3A_2480 = arith.constant 3 : i32
      %parallel_loop3A_2481 = arith.index_cast %parallel_loop3A_2479 : i32 to index
      %parallel_loop3A_2482 = arith.index_cast %parallel_loop3A_2480 : i32 to index
      %parallel_loop3A_2483 = arith.index_cast %parallel_loop3A_2442 : i32 to index
      %parallel_loop3A_2484 = arith.index_cast %parallel_loop3A_2445 : i32 to index
      %parallel_loop3A_2485 = tpu.vector_load %arg6[%parallel_loop3A_2481, %parallel_loop3A_2482, %parallel_loop3A_2483, %parallel_loop3A_2484] {strides = array<i32>} : memref<3x4x8x1024xf32, #tpu.memory_space<vmem>>, vector<1x1x1x16xf32>,
      %parallel_loop3A_2486 = vector.shape_cast %parallel_loop3A_2485 : vector<1x1x1x16xf32> to vector<16xf32>
      %parallel_loop3A_2487 = vector.shape_cast %parallel_loop3A_2451 : vector<16xf32> to vector<1x1x1x16xf32>
      tpu.vector_store %arg6[%parallel_loop3A_2481, %parallel_loop3A_2482, %parallel_loop3A_2483, %parallel_loop3A_2484], %parallel_loop3A_2487 {add = true, strides = array<i32>} : memref<3x4x8x1024xf32, #tpu.memory_space<vmem>>, vector<1x1x1x16xf32>,
    } {sc.loop_unroll_factor = 4 : i64, sc.parallel_access}
    %add3A_1097 = arith.constant 24 : i32
    %add3A_1098 = arith.addi %mul3A_2, %add3A_1097 : i32
    %dma_start3A_1099 = arith.constant 0 : i32
    %dma_start3A_1100 = arith.constant 0 : i32
    %dma_start3A_1101 = arith.constant 0 : i32
    %dma_start3A_1102 = arith.constant 0 : i32
    %dma_start3A_1103 = arith.constant 0 : i32
    %dma_start3A_1104 = tpu.memref_slice %arg6[%dma_start3A_1099, %dma_start3A_1100, %dma_start3A_1102, %dma_start3A_1103] : memref<3x4x8x1024xf32, #tpu.memory_space<vmem>> -> memref<1x1x8x1024xf32, #tpu.memory_space<vmem>>
    %dma_start3A_1105 = tpu.memref_squeeze %dma_start3A_1104 : memref<1x1x8x1024xf32, #tpu.memory_space<vmem>> -> memref<8x1024xf32, #tpu.memory_space<vmem>>
    %dma_start3A_1106 = arith.constant 0 : i32
    %dma_start3A_1107 = tpu.memref_slice %arg4[%dma_start3A_1101, %add3A_1098, %dma_start3A_1106] : memref<4x2048x1024xf32, #tpu.memory_space<hbm>> -> memref<1x8x1024xf32, #tpu.memory_space<hbm>>
    %dma_start3A_1108 = tpu.memref_squeeze %dma_start3A_1107 : memref<1x8x1024xf32, #tpu.memory_space<hbm>> -> memref<8x1024xf32, #tpu.memory_space<hbm>>
    %dma_start3A_1109 = arith.constant 0 : i32
    %dma_start3A_1110 = tpu.memref_slice %arg4[%dma_start3A_1101, %add3A_1098, %dma_start3A_1109] : memref<4x2048x1024xf32, #tpu.memory_space<hbm>> -> memref<1x8x1024xf32, #tpu.memory_space<hbm>>
    %dma_start3A_1111 = tpu.memref_squeeze %dma_start3A_1110 : memref<1x8x1024xf32, #tpu.memory_space<hbm>> -> memref<8x1024xf32, #tpu.memory_space<hbm>>
    %dma_start3A_1112 = arith.constant 0 : i32
    %dma_start3A_1113 = arith.constant 0 : i32
    %dma_start3A_1114 = tpu.memref_slice %arg6[%dma_start3A_1099, %dma_start3A_1100, %dma_start3A_1112, %dma_start3A_1113] : memref<3x4x8x1024xf32, #tpu.memory_space<vmem>> -> memref<1x1x8x1024xf32, #tpu.memory_space<vmem>>
    %dma_start3A_1115 = tpu.memref_squeeze %dma_start3A_1114 : memref<1x1x8x1024xf32, #tpu.memory_space<vmem>> -> memref<8x1024xf32, #tpu.memory_space<vmem>>
    tpu.enqueue_dma source(%dma_start3A_1115 : memref<8x1024xf32, #tpu.memory_space<vmem>>) target(%dma_start3A_1111 : memref<8x1024xf32, #tpu.memory_space<hbm>>) target_semaphore(%arg10 : memref<!tpu.dma_semaphore, #tpu.memory_space<semaphore_mem>>)
    %dma_start3A_1116 = arith.constant 0 : i32
    %dma_start3A_1117 = arith.constant 1 : i32
    %dma_start3A_1118 = arith.constant 1 : i32
    %dma_start3A_1119 = arith.constant 0 : i32
    %dma_start3A_1120 = arith.constant 0 : i32
    %dma_start3A_1121 = tpu.memref_slice %arg6[%dma_start3A_1116, %dma_start3A_1117, %dma_start3A_1119, %dma_start3A_1120] : memref<3x4x8x1024xf32, #tpu.memory_space<vmem>> -> memref<1x1x8x1024xf32, #tpu.memory_space<vmem>>
    %dma_start3A_1122 = tpu.memref_squeeze %dma_start3A_1121 : memref<1x1x8x1024xf32, #tpu.memory_space<vmem>> -> memref<8x1024xf32, #tpu.memory_space<vmem>>
    %dma_start3A_1123 = arith.constant 0 : i32
    %dma_start3A_1124 = tpu.memref_slice %arg4[%dma_start3A_1118, %add3A_1098, %dma_start3A_1123] : memref<4x2048x1024xf32, #tpu.memory_space<hbm>> -> memref<1x8x1024xf32, #tpu.memory_space<hbm>>
    %dma_start3A_1125 = tpu.memref_squeeze %dma_start3A_1124 : memref<1x8x1024xf32, #tpu.memory_space<hbm>> -> memref<8x1024xf32, #tpu.memory_space<hbm>>
    %dma_start3A_1126 = arith.constant 0 : i32
    %dma_start3A_1127 = tpu.memref_slice %arg4[%dma_start3A_1118, %add3A_1098, %dma_start3A_1126] : memref<4x2048x1024xf32, #tpu.memory_space<hbm>> -> memref<1x8x1024xf32, #tpu.memory_space<hbm>>
    %dma_start3A_1128 = tpu.memref_squeeze %dma_start3A_1127 : memref<1x8x1024xf32, #tpu.memory_space<hbm>> -> memref<8x1024xf32, #tpu.memory_space<hbm>>
    %dma_start3A_1129 = arith.constant 0 : i32
    %dma_start3A_1130 = arith.constant 0 : i32
    %dma_start3A_1131 = tpu.memref_slice %arg6[%dma_start3A_1116, %dma_start3A_1117, %dma_start3A_1129, %dma_start3A_1130] : memref<3x4x8x1024xf32, #tpu.memory_space<vmem>> -> memref<1x1x8x1024xf32, #tpu.memory_space<vmem>>
    %dma_start3A_1132 = tpu.memref_squeeze %dma_start3A_1131 : memref<1x1x8x1024xf32, #tpu.memory_space<vmem>> -> memref<8x1024xf32, #tpu.memory_space<vmem>>
    tpu.enqueue_dma source(%dma_start3A_1132 : memref<8x1024xf32, #tpu.memory_space<vmem>>) target(%dma_start3A_1128 : memref<8x1024xf32, #tpu.memory_space<hbm>>) target_semaphore(%arg10 : memref<!tpu.dma_semaphore, #tpu.memory_space<semaphore_mem>>)
    %dma_start3A_1133 = arith.constant 0 : i32
    %dma_start3A_1134 = arith.constant 2 : i32
    %dma_start3A_1135 = arith.constant 2 : i32
    %dma_start3A_1136 = arith.constant 0 : i32
    %dma_start3A_1137 = arith.constant 0 : i32
    %dma_start3A_1138 = tpu.memref_slice %arg6[%dma_start3A_1133, %dma_start3A_1134, %dma_start3A_1136, %dma_start3A_1137] : memref<3x4x8x1024xf32, #tpu.memory_space<vmem>> -> memref<1x1x8x1024xf32, #tpu.memory_space<vmem>>
    %dma_start3A_1139 = tpu.memref_squeeze %dma_start3A_1138 : memref<1x1x8x1024xf32, #tpu.memory_space<vmem>> -> memref<8x1024xf32, #tpu.memory_space<vmem>>
    %dma_start3A_1140 = arith.constant 0 : i32
    %dma_start3A_1141 = tpu.memref_slice %arg4[%dma_start3A_1135, %add3A_1098, %dma_start3A_1140] : memref<4x2048x1024xf32, #tpu.memory_space<hbm>> -> memref<1x8x1024xf32, #tpu.memory_space<hbm>>
    %dma_start3A_1142 = tpu.memref_squeeze %dma_start3A_1141 : memref<1x8x1024xf32, #tpu.memory_space<hbm>> -> memref<8x1024xf32, #tpu.memory_space<hbm>>
    %dma_start3A_1143 = arith.constant 0 : i32
    %dma_start3A_1144 = tpu.memref_slice %arg4[%dma_start3A_1135, %add3A_1098, %dma_start3A_1143] : memref<4x2048x1024xf32, #tpu.memory_space<hbm>> -> memref<1x8x1024xf32, #tpu.memory_space<hbm>>
    %dma_start3A_1145 = tpu.memref_squeeze %dma_start3A_1144 : memref<1x8x1024xf32, #tpu.memory_space<hbm>> -> memref<8x1024xf32, #tpu.memory_space<hbm>>
    %dma_start3A_1146 = arith.constant 0 : i32
    %dma_start3A_1147 = arith.constant 0 : i32
    %dma_start3A_1148 = tpu.memref_slice %arg6[%dma_start3A_1133, %dma_start3A_1134, %dma_start3A_1146, %dma_start3A_1147] : memref<3x4x8x1024xf32, #tpu.memory_space<vmem>> -> memref<1x1x8x1024xf32, #tpu.memory_space<vmem>>
    %dma_start3A_1149 = tpu.memref_squeeze %dma_start3A_1148 : memref<1x1x8x1024xf32, #tpu.memory_space<vmem>> -> memref<8x1024xf32, #tpu.memory_space<vmem>>
    tpu.enqueue_dma source(%dma_start3A_1149 : memref<8x1024xf32, #tpu.memory_space<vmem>>) target(%dma_start3A_1145 : memref<8x1024xf32, #tpu.memory_space<hbm>>) target_semaphore(%arg10 : memref<!tpu.dma_semaphore, #tpu.memory_space<semaphore_mem>>)
    %dma_start3A_1150 = arith.constant 0 : i32
    %dma_start3A_1151 = arith.constant 3 : i32
    %dma_start3A_1152 = arith.constant 3 : i32
    %dma_start3A_1153 = arith.constant 0 : i32
    %dma_start3A_1154 = arith.constant 0 : i32
    %dma_start3A_1155 = tpu.memref_slice %arg6[%dma_start3A_1150, %dma_start3A_1151, %dma_start3A_1153, %dma_start3A_1154] : memref<3x4x8x1024xf32, #tpu.memory_space<vmem>> -> memref<1x1x8x1024xf32, #tpu.memory_space<vmem>>
    %dma_start3A_1156 = tpu.memref_squeeze %dma_start3A_1155 : memref<1x1x8x1024xf32, #tpu.memory_space<vmem>> -> memref<8x1024xf32, #tpu.memory_space<vmem>>
    %dma_start3A_1157 = arith.constant 0 : i32
    %dma_start3A_1158 = tpu.memref_slice %arg4[%dma_start3A_1152, %add3A_1098, %dma_start3A_1157] : memref<4x2048x1024xf32, #tpu.memory_space<hbm>> -> memref<1x8x1024xf32, #tpu.memory_space<hbm>>
    %dma_start3A_1159 = tpu.memref_squeeze %dma_start3A_1158 : memref<1x8x1024xf32, #tpu.memory_space<hbm>> -> memref<8x1024xf32, #tpu.memory_space<hbm>>
    %dma_start3A_1160 = arith.constant 0 : i32
    %dma_start3A_1161 = tpu.memref_slice %arg4[%dma_start3A_1152, %add3A_1098, %dma_start3A_1160] : memref<4x2048x1024xf32, #tpu.memory_space<hbm>> -> memref<1x8x1024xf32, #tpu.memory_space<hbm>>
    %dma_start3A_1162 = tpu.memref_squeeze %dma_start3A_1161 : memref<1x8x1024xf32, #tpu.memory_space<hbm>> -> memref<8x1024xf32, #tpu.memory_space<hbm>>
    %dma_start3A_1163 = arith.constant 0 : i32
    %dma_start3A_1164 = arith.constant 0 : i32
    %dma_start3A_1165 = tpu.memref_slice %arg6[%dma_start3A_1150, %dma_start3A_1151, %dma_start3A_1163, %dma_start3A_1164] : memref<3x4x8x1024xf32, #tpu.memory_space<vmem>> -> memref<1x1x8x1024xf32, #tpu.memory_space<vmem>>
    %dma_start3A_1166 = tpu.memref_squeeze %dma_start3A_1165 : memref<1x1x8x1024xf32, #tpu.memory_space<vmem>> -> memref<8x1024xf32, #tpu.memory_space<vmem>>
    tpu.enqueue_dma source(%dma_start3A_1166 : memref<8x1024xf32, #tpu.memory_space<vmem>>) target(%dma_start3A_1162 : memref<8x1024xf32, #tpu.memory_space<hbm>>) target_semaphore(%arg10 : memref<!tpu.dma_semaphore, #tpu.memory_space<semaphore_mem>>)
    %dma_wait3A_1167 = arith.constant 2 : i32
    %dma_wait3A_1168 = arith.constant 0 : i32
    %dma_wait3A_1169 = arith.constant 0 : i32
    %dma_wait3A_1170 = arith.constant 0 : i32
    %dma_wait3A_1171 = arith.constant 0 : i32
    %dma_wait3A_1172 = tpu.memref_slice %arg6[%dma_wait3A_1167, %dma_wait3A_1168, %dma_wait3A_1170, %dma_wait3A_1171] : memref<3x4x8x1024xf32, #tpu.memory_space<vmem>> -> memref<1x1x8x1024xf32, #tpu.memory_space<vmem>>
    %dma_wait3A_1173 = tpu.memref_squeeze %dma_wait3A_1172 : memref<1x1x8x1024xf32, #tpu.memory_space<vmem>> -> memref<8x1024xf32, #tpu.memory_space<vmem>>
    %dma_wait3A_1174 = arith.constant 0 : i32
    %dma_wait3A_1175 = tpu.memref_slice %arg4[%dma_wait3A_1169, %add3A_793, %dma_wait3A_1174] : memref<4x2048x1024xf32, #tpu.memory_space<hbm>> -> memref<1x8x1024xf32, #tpu.memory_space<hbm>>
    %dma_wait3A_1176 = tpu.memref_squeeze %dma_wait3A_1175 : memref<1x8x1024xf32, #tpu.memory_space<hbm>> -> memref<8x1024xf32, #tpu.memory_space<hbm>>
    %dma_wait3A_1177 = arith.constant 0 : i32
    %dma_wait3A_1178 = tpu.memref_slice %arg4[%dma_wait3A_1169, %add3A_793, %dma_wait3A_1177] : memref<4x2048x1024xf32, #tpu.memory_space<hbm>> -> memref<1x8x1024xf32, #tpu.memory_space<hbm>>
    %dma_wait3A_1179 = tpu.memref_squeeze %dma_wait3A_1178 : memref<1x8x1024xf32, #tpu.memory_space<hbm>> -> memref<8x1024xf32, #tpu.memory_space<hbm>>
    %dma_wait3A_1180 = arith.constant 0 : i32
    %dma_wait3A_1181 = arith.constant 0 : i32
    %dma_wait3A_1182 = tpu.memref_slice %arg6[%dma_wait3A_1167, %dma_wait3A_1168, %dma_wait3A_1180, %dma_wait3A_1181] : memref<3x4x8x1024xf32, #tpu.memory_space<vmem>> -> memref<1x1x8x1024xf32, #tpu.memory_space<vmem>>
    %dma_wait3A_1183 = tpu.memref_squeeze %dma_wait3A_1182 : memref<1x1x8x1024xf32, #tpu.memory_space<vmem>> -> memref<8x1024xf32, #tpu.memory_space<vmem>>
    tpu.wait_dma2 semaphore(%arg12 : memref<!tpu.dma_semaphore, #tpu.memory_space<semaphore_mem>>) src(%dma_wait3A_1183 : memref<8x1024xf32, #tpu.memory_space<vmem>>) dst(%dma_wait3A_1179 : memref<8x1024xf32, #tpu.memory_space<hbm>>)
    %dma_wait3A_1184 = arith.constant 2 : i32
    %dma_wait3A_1185 = arith.constant 1 : i32
    %dma_wait3A_1186 = arith.constant 1 : i32
    %dma_wait3A_1187 = arith.constant 0 : i32
    %dma_wait3A_1188 = arith.constant 0 : i32
    %dma_wait3A_1189 = tpu.memref_slice %arg6[%dma_wait3A_1184, %dma_wait3A_1185, %dma_wait3A_1187, %dma_wait3A_1188] : memref<3x4x8x1024xf32, #tpu.memory_space<vmem>> -> memref<1x1x8x1024xf32, #tpu.memory_space<vmem>>
    %dma_wait3A_1190 = tpu.memref_squeeze %dma_wait3A_1189 : memref<1x1x8x1024xf32, #tpu.memory_space<vmem>> -> memref<8x1024xf32, #tpu.memory_space<vmem>>
    %dma_wait3A_1191 = arith.constant 0 : i32
    %dma_wait3A_1192 = tpu.memref_slice %arg4[%dma_wait3A_1186, %add3A_793, %dma_wait3A_1191] : memref<4x2048x1024xf32, #tpu.memory_space<hbm>> -> memref<1x8x1024xf32, #tpu.memory_space<hbm>>
    %dma_wait3A_1193 = tpu.memref_squeeze %dma_wait3A_1192 : memref<1x8x1024xf32, #tpu.memory_space<hbm>> -> memref<8x1024xf32, #tpu.memory_space<hbm>>
    %dma_wait3A_1194 = arith.constant 0 : i32
    %dma_wait3A_1195 = tpu.memref_slice %arg4[%dma_wait3A_1186, %add3A_793, %dma_wait3A_1194] : memref<4x2048x1024xf32, #tpu.memory_space<hbm>> -> memref<1x8x1024xf32, #tpu.memory_space<hbm>>
    %dma_wait3A_1196 = tpu.memref_squeeze %dma_wait3A_1195 : memref<1x8x1024xf32, #tpu.memory_space<hbm>> -> memref<8x1024xf32, #tpu.memory_space<hbm>>
    %dma_wait3A_1197 = arith.constant 0 : i32
    %dma_wait3A_1198 = arith.constant 0 : i32
    %dma_wait3A_1199 = tpu.memref_slice %arg6[%dma_wait3A_1184, %dma_wait3A_1185, %dma_wait3A_1197, %dma_wait3A_1198] : memref<3x4x8x1024xf32, #tpu.memory_space<vmem>> -> memref<1x1x8x1024xf32, #tpu.memory_space<vmem>>
    %dma_wait3A_1200 = tpu.memref_squeeze %dma_wait3A_1199 : memref<1x1x8x1024xf32, #tpu.memory_space<vmem>> -> memref<8x1024xf32, #tpu.memory_space<vmem>>
    tpu.wait_dma2 semaphore(%arg12 : memref<!tpu.dma_semaphore, #tpu.memory_space<semaphore_mem>>) src(%dma_wait3A_1200 : memref<8x1024xf32, #tpu.memory_space<vmem>>) dst(%dma_wait3A_1196 : memref<8x1024xf32, #tpu.memory_space<hbm>>)
    %dma_wait3A_1201 = arith.constant 2 : i32
    %dma_wait3A_1202 = arith.constant 2 : i32
    %dma_wait3A_1203 = arith.constant 2 : i32
    %dma_wait3A_1204 = arith.constant 0 : i32
    %dma_wait3A_1205 = arith.constant 0 : i32
    %dma_wait3A_1206 = tpu.memref_slice %arg6[%dma_wait3A_1201, %dma_wait3A_1202, %dma_wait3A_1204, %dma_wait3A_1205] : memref<3x4x8x1024xf32, #tpu.memory_space<vmem>> -> memref<1x1x8x1024xf32, #tpu.memory_space<vmem>>
    %dma_wait3A_1207 = tpu.memref_squeeze %dma_wait3A_1206 : memref<1x1x8x1024xf32, #tpu.memory_space<vmem>> -> memref<8x1024xf32, #tpu.memory_space<vmem>>
    %dma_wait3A_1208 = arith.constant 0 : i32
    %dma_wait3A_1209 = tpu.memref_slice %arg4[%dma_wait3A_1203, %add3A_793, %dma_wait3A_1208] : memref<4x2048x1024xf32, #tpu.memory_space<hbm>> -> memref<1x8x1024xf32, #tpu.memory_space<hbm>>
    %dma_wait3A_1210 = tpu.memref_squeeze %dma_wait3A_1209 : memref<1x8x1024xf32, #tpu.memory_space<hbm>> -> memref<8x1024xf32, #tpu.memory_space<hbm>>
    %dma_wait3A_1211 = arith.constant 0 : i32
    %dma_wait3A_1212 = tpu.memref_slice %arg4[%dma_wait3A_1203, %add3A_793, %dma_wait3A_1211] : memref<4x2048x1024xf32, #tpu.memory_space<hbm>> -> memref<1x8x1024xf32, #tpu.memory_space<hbm>>
    %dma_wait3A_1213 = tpu.memref_squeeze %dma_wait3A_1212 : memref<1x8x1024xf32, #tpu.memory_space<hbm>> -> memref<8x1024xf32, #tpu.memory_space<hbm>>
    %dma_wait3A_1214 = arith.constant 0 : i32
    %dma_wait3A_1215 = arith.constant 0 : i32
    %dma_wait3A_1216 = tpu.memref_slice %arg6[%dma_wait3A_1201, %dma_wait3A_1202, %dma_wait3A_1214, %dma_wait3A_1215] : memref<3x4x8x1024xf32, #tpu.memory_space<vmem>> -> memref<1x1x8x1024xf32, #tpu.memory_space<vmem>>
    %dma_wait3A_1217 = tpu.memref_squeeze %dma_wait3A_1216 : memref<1x1x8x1024xf32, #tpu.memory_space<vmem>> -> memref<8x1024xf32, #tpu.memory_space<vmem>>
    tpu.wait_dma2 semaphore(%arg12 : memref<!tpu.dma_semaphore, #tpu.memory_space<semaphore_mem>>) src(%dma_wait3A_1217 : memref<8x1024xf32, #tpu.memory_space<vmem>>) dst(%dma_wait3A_1213 : memref<8x1024xf32, #tpu.memory_space<hbm>>)
    %dma_wait3A_1218 = arith.constant 2 : i32
    %dma_wait3A_1219 = arith.constant 3 : i32
    %dma_wait3A_1220 = arith.constant 3 : i32
    %dma_wait3A_1221 = arith.constant 0 : i32
    %dma_wait3A_1222 = arith.constant 0 : i32
    %dma_wait3A_1223 = tpu.memref_slice %arg6[%dma_wait3A_1218, %dma_wait3A_1219, %dma_wait3A_1221, %dma_wait3A_1222] : memref<3x4x8x1024xf32, #tpu.memory_space<vmem>> -> memref<1x1x8x1024xf32, #tpu.memory_space<vmem>>
    %dma_wait3A_1224 = tpu.memref_squeeze %dma_wait3A_1223 : memref<1x1x8x1024xf32, #tpu.memory_space<vmem>> -> memref<8x1024xf32, #tpu.memory_space<vmem>>
    %dma_wait3A_1225 = arith.constant 0 : i32
    %dma_wait3A_1226 = tpu.memref_slice %arg4[%dma_wait3A_1220, %add3A_793, %dma_wait3A_1225] : memref<4x2048x1024xf32, #tpu.memory_space<hbm>> -> memref<1x8x1024xf32, #tpu.memory_space<hbm>>
    %dma_wait3A_1227 = tpu.memref_squeeze %dma_wait3A_1226 : memref<1x8x1024xf32, #tpu.memory_space<hbm>> -> memref<8x1024xf32, #tpu.memory_space<hbm>>
    %dma_wait3A_1228 = arith.constant 0 : i32
    %dma_wait3A_1229 = tpu.memref_slice %arg4[%dma_wait3A_1220, %add3A_793, %dma_wait3A_1228] : memref<4x2048x1024xf32, #tpu.memory_space<hbm>> -> memref<1x8x1024xf32, #tpu.memory_space<hbm>>
    %dma_wait3A_1230 = tpu.memref_squeeze %dma_wait3A_1229 : memref<1x8x1024xf32, #tpu.memory_space<hbm>> -> memref<8x1024xf32, #tpu.memory_space<hbm>>
    %dma_wait3A_1231 = arith.constant 0 : i32
    %dma_wait3A_1232 = arith.constant 0 : i32
    %dma_wait3A_1233 = tpu.memref_slice %arg6[%dma_wait3A_1218, %dma_wait3A_1219, %dma_wait3A_1231, %dma_wait3A_1232] : memref<3x4x8x1024xf32, #tpu.memory_space<vmem>> -> memref<1x1x8x1024xf32, #tpu.memory_space<vmem>>
    %dma_wait3A_1234 = tpu.memref_squeeze %dma_wait3A_1233 : memref<1x1x8x1024xf32, #tpu.memory_space<vmem>> -> memref<8x1024xf32, #tpu.memory_space<vmem>>
    tpu.wait_dma2 semaphore(%arg12 : memref<!tpu.dma_semaphore, #tpu.memory_space<semaphore_mem>>) src(%dma_wait3A_1234 : memref<8x1024xf32, #tpu.memory_space<vmem>>) dst(%dma_wait3A_1230 : memref<8x1024xf32, #tpu.memory_space<hbm>>)
    %add3A_1235 = arith.constant 40 : i32
    %add3A_1236 = arith.addi %mul3A_2, %add3A_1235 : i32
    %dma_start3A_1237 = arith.constant 2 : i32
    %dma_start3A_1238 = arith.constant 0 : i32
    %dma_start3A_1239 = arith.constant 0 : i32
    %dma_start3A_1240 = tpu.memref_slice %arg5[%dma_start3A_1237, %dma_start3A_1238, %dma_start3A_1239] : memref<3x8x1024xf32, #tpu.memory_space<vmem>> -> memref<1x8x1024xf32, #tpu.memory_space<vmem>>
    %dma_start3A_1241 = tpu.memref_squeeze %dma_start3A_1240 : memref<1x8x1024xf32, #tpu.memory_space<vmem>> -> memref<8x1024xf32, #tpu.memory_space<vmem>>
    %dma_start3A_1242 = arith.constant 0 : i32
    %dma_start3A_1243 = tpu.memref_slice %arg3[%add3A_1236, %dma_start3A_1242] : memref<2048x1024xf32, #tpu.memory_space<hbm>> -> memref<8x1024xf32, #tpu.memory_space<hbm>>
    %dma_start3A_1244 = arith.constant 0 : i32
    %dma_start3A_1245 = arith.constant 0 : i32
    %dma_start3A_1246 = tpu.memref_slice %arg5[%dma_start3A_1237, %dma_start3A_1244, %dma_start3A_1245] : memref<3x8x1024xf32, #tpu.memory_space<vmem>> -> memref<1x8x1024xf32, #tpu.memory_space<vmem>>
    %dma_start3A_1247 = tpu.memref_squeeze %dma_start3A_1246 : memref<1x8x1024xf32, #tpu.memory_space<vmem>> -> memref<8x1024xf32, #tpu.memory_space<vmem>>
    %dma_start3A_1248 = arith.constant 0 : i32
    %dma_start3A_1249 = tpu.memref_slice %arg3[%add3A_1236, %dma_start3A_1248] : memref<2048x1024xf32, #tpu.memory_space<hbm>> -> memref<8x1024xf32, #tpu.memory_space<hbm>>
    tpu.enqueue_dma source(%dma_start3A_1249 : memref<8x1024xf32, #tpu.memory_space<hbm>>) target(%dma_start3A_1247 : memref<8x1024xf32, #tpu.memory_space<vmem>>) target_semaphore(%arg9 : memref<!tpu.dma_semaphore, #tpu.memory_space<semaphore_mem>>)
    %dma_start3A_1250 = arith.constant 0 : i32
    %dma_start3A_1251 = arith.constant 2 : i32
    %dma_start3A_1252 = arith.constant 0 : i32
    %dma_start3A_1253 = arith.constant 0 : i32
    %dma_start3A_1254 = arith.constant 0 : i32
    %dma_start3A_1255 = tpu.memref_slice %arg6[%dma_start3A_1251, %dma_start3A_1252, %dma_start3A_1253, %dma_start3A_1254] : memref<3x4x8x1024xf32, #tpu.memory_space<vmem>> -> memref<1x1x8x1024xf32, #tpu.memory_space<vmem>>
    %dma_start3A_1256 = tpu.memref_squeeze %dma_start3A_1255 : memref<1x1x8x1024xf32, #tpu.memory_space<vmem>> -> memref<8x1024xf32, #tpu.memory_space<vmem>>
    %dma_start3A_1257 = arith.constant 0 : i32
    %dma_start3A_1258 = tpu.memref_slice %arg2[%dma_start3A_1250, %add3A_1236, %dma_start3A_1257] : memref<4x2048x1024xf32, #tpu.memory_space<hbm>> -> memref<1x8x1024xf32, #tpu.memory_space<hbm>>
    %dma_start3A_1259 = tpu.memref_squeeze %dma_start3A_1258 : memref<1x8x1024xf32, #tpu.memory_space<hbm>> -> memref<8x1024xf32, #tpu.memory_space<hbm>>
    %dma_start3A_1260 = arith.constant 0 : i32
    %dma_start3A_1261 = arith.constant 0 : i32
    %dma_start3A_1262 = tpu.memref_slice %arg6[%dma_start3A_1251, %dma_start3A_1252, %dma_start3A_1260, %dma_start3A_1261] : memref<3x4x8x1024xf32, #tpu.memory_space<vmem>> -> memref<1x1x8x1024xf32, #tpu.memory_space<vmem>>
    %dma_start3A_1263 = tpu.memref_squeeze %dma_start3A_1262 : memref<1x1x8x1024xf32, #tpu.memory_space<vmem>> -> memref<8x1024xf32, #tpu.memory_space<vmem>>
    %dma_start3A_1264 = arith.constant 0 : i32
    %dma_start3A_1265 = tpu.memref_slice %arg2[%dma_start3A_1250, %add3A_1236, %dma_start3A_1264] : memref<4x2048x1024xf32, #tpu.memory_space<hbm>> -> memref<1x8x1024xf32, #tpu.memory_space<hbm>>
    %dma_start3A_1266 = tpu.memref_squeeze %dma_start3A_1265 : memref<1x8x1024xf32, #tpu.memory_space<hbm>> -> memref<8x1024xf32, #tpu.memory_space<hbm>>
    tpu.enqueue_dma source(%dma_start3A_1266 : memref<8x1024xf32, #tpu.memory_space<hbm>>) target(%dma_start3A_1263 : memref<8x1024xf32, #tpu.memory_space<vmem>>) target_semaphore(%arg9 : memref<!tpu.dma_semaphore, #tpu.memory_space<semaphore_mem>>)
    %dma_start3A_1267 = arith.constant 1 : i32
    %dma_start3A_1268 = arith.constant 2 : i32
    %dma_start3A_1269 = arith.constant 1 : i32
    %dma_start3A_1270 = arith.constant 0 : i32
    %dma_start3A_1271 = arith.constant 0 : i32
    %dma_start3A_1272 = tpu.memref_slice %arg6[%dma_start3A_1268, %dma_start3A_1269, %dma_start3A_1270, %dma_start3A_1271] : memref<3x4x8x1024xf32, #tpu.memory_space<vmem>> -> memref<1x1x8x1024xf32, #tpu.memory_space<vmem>>
    %dma_start3A_1273 = tpu.memref_squeeze %dma_start3A_1272 : memref<1x1x8x1024xf32, #tpu.memory_space<vmem>> -> memref<8x1024xf32, #tpu.memory_space<vmem>>
    %dma_start3A_1274 = arith.constant 0 : i32
    %dma_start3A_1275 = tpu.memref_slice %arg2[%dma_start3A_1267, %add3A_1236, %dma_start3A_1274] : memref<4x2048x1024xf32, #tpu.memory_space<hbm>> -> memref<1x8x1024xf32, #tpu.memory_space<hbm>>
    %dma_start3A_1276 = tpu.memref_squeeze %dma_start3A_1275 : memref<1x8x1024xf32, #tpu.memory_space<hbm>> -> memref<8x1024xf32, #tpu.memory_space<hbm>>
    %dma_start3A_1277 = arith.constant 0 : i32
    %dma_start3A_1278 = arith.constant 0 : i32
    %dma_start3A_1279 = tpu.memref_slice %arg6[%dma_start3A_1268, %dma_start3A_1269, %dma_start3A_1277, %dma_start3A_1278] : memref<3x4x8x1024xf32, #tpu.memory_space<vmem>> -> memref<1x1x8x1024xf32, #tpu.memory_space<vmem>>
    %dma_start3A_1280 = tpu.memref_squeeze %dma_start3A_1279 : memref<1x1x8x1024xf32, #tpu.memory_space<vmem>> -> memref<8x1024xf32, #tpu.memory_space<vmem>>
    %dma_start3A_1281 = arith.constant 0 : i32
    %dma_start3A_1282 = tpu.memref_slice %arg2[%dma_start3A_1267, %add3A_1236, %dma_start3A_1281] : memref<4x2048x1024xf32, #tpu.memory_space<hbm>> -> memref<1x8x1024xf32, #tpu.memory_space<hbm>>
    %dma_start3A_1283 = tpu.memref_squeeze %dma_start3A_1282 : memref<1x8x1024xf32, #tpu.memory_space<hbm>> -> memref<8x1024xf32, #tpu.memory_space<hbm>>
    tpu.enqueue_dma source(%dma_start3A_1283 : memref<8x1024xf32, #tpu.memory_space<hbm>>) target(%dma_start3A_1280 : memref<8x1024xf32, #tpu.memory_space<vmem>>) target_semaphore(%arg9 : memref<!tpu.dma_semaphore, #tpu.memory_space<semaphore_mem>>)
    %dma_start3A_1284 = arith.constant 2 : i32
    %dma_start3A_1285 = arith.constant 2 : i32
    %dma_start3A_1286 = arith.constant 2 : i32
    %dma_start3A_1287 = arith.constant 0 : i32
    %dma_start3A_1288 = arith.constant 0 : i32
    %dma_start3A_1289 = tpu.memref_slice %arg6[%dma_start3A_1285, %dma_start3A_1286, %dma_start3A_1287, %dma_start3A_1288] : memref<3x4x8x1024xf32, #tpu.memory_space<vmem>> -> memref<1x1x8x1024xf32, #tpu.memory_space<vmem>>
    %dma_start3A_1290 = tpu.memref_squeeze %dma_start3A_1289 : memref<1x1x8x1024xf32, #tpu.memory_space<vmem>> -> memref<8x1024xf32, #tpu.memory_space<vmem>>
    %dma_start3A_1291 = arith.constant 0 : i32
    %dma_start3A_1292 = tpu.memref_slice %arg2[%dma_start3A_1284, %add3A_1236, %dma_start3A_1291] : memref<4x2048x1024xf32, #tpu.memory_space<hbm>> -> memref<1x8x1024xf32, #tpu.memory_space<hbm>>
    %dma_start3A_1293 = tpu.memref_squeeze %dma_start3A_1292 : memref<1x8x1024xf32, #tpu.memory_space<hbm>> -> memref<8x1024xf32, #tpu.memory_space<hbm>>
    %dma_start3A_1294 = arith.constant 0 : i32
    %dma_start3A_1295 = arith.constant 0 : i32
    %dma_start3A_1296 = tpu.memref_slice %arg6[%dma_start3A_1285, %dma_start3A_1286, %dma_start3A_1294, %dma_start3A_1295] : memref<3x4x8x1024xf32, #tpu.memory_space<vmem>> -> memref<1x1x8x1024xf32, #tpu.memory_space<vmem>>
    %dma_start3A_1297 = tpu.memref_squeeze %dma_start3A_1296 : memref<1x1x8x1024xf32, #tpu.memory_space<vmem>> -> memref<8x1024xf32, #tpu.memory_space<vmem>>
    %dma_start3A_1298 = arith.constant 0 : i32
    %dma_start3A_1299 = tpu.memref_slice %arg2[%dma_start3A_1284, %add3A_1236, %dma_start3A_1298] : memref<4x2048x1024xf32, #tpu.memory_space<hbm>> -> memref<1x8x1024xf32, #tpu.memory_space<hbm>>
    %dma_start3A_1300 = tpu.memref_squeeze %dma_start3A_1299 : memref<1x8x1024xf32, #tpu.memory_space<hbm>> -> memref<8x1024xf32, #tpu.memory_space<hbm>>
    tpu.enqueue_dma source(%dma_start3A_1300 : memref<8x1024xf32, #tpu.memory_space<hbm>>) target(%dma_start3A_1297 : memref<8x1024xf32, #tpu.memory_space<vmem>>) target_semaphore(%arg9 : memref<!tpu.dma_semaphore, #tpu.memory_space<semaphore_mem>>)
    %dma_start3A_1301 = arith.constant 3 : i32
    %dma_start3A_1302 = arith.constant 2 : i32
    %dma_start3A_1303 = arith.constant 3 : i32
    %dma_start3A_1304 = arith.constant 0 : i32
    %dma_start3A_1305 = arith.constant 0 : i32
    %dma_start3A_1306 = tpu.memref_slice %arg6[%dma_start3A_1302, %dma_start3A_1303, %dma_start3A_1304, %dma_start3A_1305] : memref<3x4x8x1024xf32, #tpu.memory_space<vmem>> -> memref<1x1x8x1024xf32, #tpu.memory_space<vmem>>
    %dma_start3A_1307 = tpu.memref_squeeze %dma_start3A_1306 : memref<1x1x8x1024xf32, #tpu.memory_space<vmem>> -> memref<8x1024xf32, #tpu.memory_space<vmem>>
    %dma_start3A_1308 = arith.constant 0 : i32
    %dma_start3A_1309 = tpu.memref_slice %arg2[%dma_start3A_1301, %add3A_1236, %dma_start3A_1308] : memref<4x2048x1024xf32, #tpu.memory_space<hbm>> -> memref<1x8x1024xf32, #tpu.memory_space<hbm>>
    %dma_start3A_1310 = tpu.memref_squeeze %dma_start3A_1309 : memref<1x8x1024xf32, #tpu.memory_space<hbm>> -> memref<8x1024xf32, #tpu.memory_space<hbm>>
    %dma_start3A_1311 = arith.constant 0 : i32
    %dma_start3A_1312 = arith.constant 0 : i32
    %dma_start3A_1313 = tpu.memref_slice %arg6[%dma_start3A_1302, %dma_start3A_1303, %dma_start3A_1311, %dma_start3A_1312] : memref<3x4x8x1024xf32, #tpu.memory_space<vmem>> -> memref<1x1x8x1024xf32, #tpu.memory_space<vmem>>
    %dma_start3A_1314 = tpu.memref_squeeze %dma_start3A_1313 : memref<1x1x8x1024xf32, #tpu.memory_space<vmem>> -> memref<8x1024xf32, #tpu.memory_space<vmem>>
    %dma_start3A_1315 = arith.constant 0 : i32
    %dma_start3A_1316 = tpu.memref_slice %arg2[%dma_start3A_1301, %add3A_1236, %dma_start3A_1315] : memref<4x2048x1024xf32, #tpu.memory_space<hbm>> -> memref<1x8x1024xf32, #tpu.memory_space<hbm>>
    %dma_start3A_1317 = tpu.memref_squeeze %dma_start3A_1316 : memref<1x8x1024xf32, #tpu.memory_space<hbm>> -> memref<8x1024xf32, #tpu.memory_space<hbm>>
    tpu.enqueue_dma source(%dma_start3A_1317 : memref<8x1024xf32, #tpu.memory_space<hbm>>) target(%dma_start3A_1314 : memref<8x1024xf32, #tpu.memory_space<vmem>>) target_semaphore(%arg9 : memref<!tpu.dma_semaphore, #tpu.memory_space<semaphore_mem>>)
    %dma_wait3A_1318 = arith.constant 1 : i32
    %dma_wait3A_1319 = arith.constant 0 : i32
    %dma_wait3A_1320 = arith.constant 0 : i32
    %dma_wait3A_1321 = tpu.memref_slice %arg5[%dma_wait3A_1318, %dma_wait3A_1319, %dma_wait3A_1320] : memref<3x8x1024xf32, #tpu.memory_space<vmem>> -> memref<1x8x1024xf32, #tpu.memory_space<vmem>>
    %dma_wait3A_1322 = tpu.memref_squeeze %dma_wait3A_1321 : memref<1x8x1024xf32, #tpu.memory_space<vmem>> -> memref<8x1024xf32, #tpu.memory_space<vmem>>
    %dma_wait3A_1323 = arith.constant 0 : i32
    %dma_wait3A_1324 = tpu.memref_slice %arg3[%add3A_931, %dma_wait3A_1323] : memref<2048x1024xf32, #tpu.memory_space<hbm>> -> memref<8x1024xf32, #tpu.memory_space<hbm>>
    %dma_wait3A_1325 = arith.constant 0 : i32
    %dma_wait3A_1326 = arith.constant 0 : i32
    %dma_wait3A_1327 = tpu.memref_slice %arg5[%dma_wait3A_1318, %dma_wait3A_1325, %dma_wait3A_1326] : memref<3x8x1024xf32, #tpu.memory_space<vmem>> -> memref<1x8x1024xf32, #tpu.memory_space<vmem>>
    %dma_wait3A_1328 = tpu.memref_squeeze %dma_wait3A_1327 : memref<1x8x1024xf32, #tpu.memory_space<vmem>> -> memref<8x1024xf32, #tpu.memory_space<vmem>>
    %dma_wait3A_1329 = arith.constant 0 : i32
    %dma_wait3A_1330 = tpu.memref_slice %arg3[%add3A_931, %dma_wait3A_1329] : memref<2048x1024xf32, #tpu.memory_space<hbm>> -> memref<8x1024xf32, #tpu.memory_space<hbm>>
    tpu.wait_dma2 semaphore(%arg8 : memref<!tpu.dma_semaphore, #tpu.memory_space<semaphore_mem>>) src(%dma_wait3A_1330 : memref<8x1024xf32, #tpu.memory_space<hbm>>) dst(%dma_wait3A_1328 : memref<8x1024xf32, #tpu.memory_space<vmem>>)
    %dma_wait3A_1331 = arith.constant 0 : i32
    %dma_wait3A_1332 = arith.constant 1 : i32
    %dma_wait3A_1333 = arith.constant 0 : i32
    %dma_wait3A_1334 = arith.constant 0 : i32
    %dma_wait3A_1335 = arith.constant 0 : i32
    %dma_wait3A_1336 = tpu.memref_slice %arg6[%dma_wait3A_1332, %dma_wait3A_1333, %dma_wait3A_1334, %dma_wait3A_1335] : memref<3x4x8x1024xf32, #tpu.memory_space<vmem>> -> memref<1x1x8x1024xf32, #tpu.memory_space<vmem>>
    %dma_wait3A_1337 = tpu.memref_squeeze %dma_wait3A_1336 : memref<1x1x8x1024xf32, #tpu.memory_space<vmem>> -> memref<8x1024xf32, #tpu.memory_space<vmem>>
    %dma_wait3A_1338 = arith.constant 0 : i32
    %dma_wait3A_1339 = tpu.memref_slice %arg2[%dma_wait3A_1331, %add3A_931, %dma_wait3A_1338] : memref<4x2048x1024xf32, #tpu.memory_space<hbm>> -> memref<1x8x1024xf32, #tpu.memory_space<hbm>>
    %dma_wait3A_1340 = tpu.memref_squeeze %dma_wait3A_1339 : memref<1x8x1024xf32, #tpu.memory_space<hbm>> -> memref<8x1024xf32, #tpu.memory_space<hbm>>
    %dma_wait3A_1341 = arith.constant 0 : i32
    %dma_wait3A_1342 = arith.constant 0 : i32
    %dma_wait3A_1343 = tpu.memref_slice %arg6[%dma_wait3A_1332, %dma_wait3A_1333, %dma_wait3A_1341, %dma_wait3A_1342] : memref<3x4x8x1024xf32, #tpu.memory_space<vmem>> -> memref<1x1x8x1024xf32, #tpu.memory_space<vmem>>
    %dma_wait3A_1344 = tpu.memref_squeeze %dma_wait3A_1343 : memref<1x1x8x1024xf32, #tpu.memory_space<vmem>> -> memref<8x1024xf32, #tpu.memory_space<vmem>>
    %dma_wait3A_1345 = arith.constant 0 : i32
    %dma_wait3A_1346 = tpu.memref_slice %arg2[%dma_wait3A_1331, %add3A_931, %dma_wait3A_1345] : memref<4x2048x1024xf32, #tpu.memory_space<hbm>> -> memref<1x8x1024xf32, #tpu.memory_space<hbm>>
    %dma_wait3A_1347 = tpu.memref_squeeze %dma_wait3A_1346 : memref<1x8x1024xf32, #tpu.memory_space<hbm>> -> memref<8x1024xf32, #tpu.memory_space<hbm>>
    tpu.wait_dma2 semaphore(%arg8 : memref<!tpu.dma_semaphore, #tpu.memory_space<semaphore_mem>>) src(%dma_wait3A_1347 : memref<8x1024xf32, #tpu.memory_space<hbm>>) dst(%dma_wait3A_1344 : memref<8x1024xf32, #tpu.memory_space<vmem>>)
    %dma_wait3A_1348 = arith.constant 1 : i32
    %dma_wait3A_1349 = arith.constant 1 : i32
    %dma_wait3A_1350 = arith.constant 1 : i32
    %dma_wait3A_1351 = arith.constant 0 : i32
    %dma_wait3A_1352 = arith.constant 0 : i32
    %dma_wait3A_1353 = tpu.memref_slice %arg6[%dma_wait3A_1349, %dma_wait3A_1350, %dma_wait3A_1351, %dma_wait3A_1352] : memref<3x4x8x1024xf32, #tpu.memory_space<vmem>> -> memref<1x1x8x1024xf32, #tpu.memory_space<vmem>>
    %dma_wait3A_1354 = tpu.memref_squeeze %dma_wait3A_1353 : memref<1x1x8x1024xf32, #tpu.memory_space<vmem>> -> memref<8x1024xf32, #tpu.memory_space<vmem>>
    %dma_wait3A_1355 = arith.constant 0 : i32
    %dma_wait3A_1356 = tpu.memref_slice %arg2[%dma_wait3A_1348, %add3A_931, %dma_wait3A_1355] : memref<4x2048x1024xf32, #tpu.memory_space<hbm>> -> memref<1x8x1024xf32, #tpu.memory_space<hbm>>
    %dma_wait3A_1357 = tpu.memref_squeeze %dma_wait3A_1356 : memref<1x8x1024xf32, #tpu.memory_space<hbm>> -> memref<8x1024xf32, #tpu.memory_space<hbm>>
    %dma_wait3A_1358 = arith.constant 0 : i32
    %dma_wait3A_1359 = arith.constant 0 : i32
    %dma_wait3A_1360 = tpu.memref_slice %arg6[%dma_wait3A_1349, %dma_wait3A_1350, %dma_wait3A_1358, %dma_wait3A_1359] : memref<3x4x8x1024xf32, #tpu.memory_space<vmem>> -> memref<1x1x8x1024xf32, #tpu.memory_space<vmem>>
    %dma_wait3A_1361 = tpu.memref_squeeze %dma_wait3A_1360 : memref<1x1x8x1024xf32, #tpu.memory_space<vmem>> -> memref<8x1024xf32, #tpu.memory_space<vmem>>
    %dma_wait3A_1362 = arith.constant 0 : i32
    %dma_wait3A_1363 = tpu.memref_slice %arg2[%dma_wait3A_1348, %add3A_931, %dma_wait3A_1362] : memref<4x2048x1024xf32, #tpu.memory_space<hbm>> -> memref<1x8x1024xf32, #tpu.memory_space<hbm>>
    %dma_wait3A_1364 = tpu.memref_squeeze %dma_wait3A_1363 : memref<1x8x1024xf32, #tpu.memory_space<hbm>> -> memref<8x1024xf32, #tpu.memory_space<hbm>>
    tpu.wait_dma2 semaphore(%arg8 : memref<!tpu.dma_semaphore, #tpu.memory_space<semaphore_mem>>) src(%dma_wait3A_1364 : memref<8x1024xf32, #tpu.memory_space<hbm>>) dst(%dma_wait3A_1361 : memref<8x1024xf32, #tpu.memory_space<vmem>>)
    %dma_wait3A_1365 = arith.constant 2 : i32
    %dma_wait3A_1366 = arith.constant 1 : i32
    %dma_wait3A_1367 = arith.constant 2 : i32
    %dma_wait3A_1368 = arith.constant 0 : i32
    %dma_wait3A_1369 = arith.constant 0 : i32
    %dma_wait3A_1370 = tpu.memref_slice %arg6[%dma_wait3A_1366, %dma_wait3A_1367, %dma_wait3A_1368, %dma_wait3A_1369] : memref<3x4x8x1024xf32, #tpu.memory_space<vmem>> -> memref<1x1x8x1024xf32, #tpu.memory_space<vmem>>
    %dma_wait3A_1371 = tpu.memref_squeeze %dma_wait3A_1370 : memref<1x1x8x1024xf32, #tpu.memory_space<vmem>> -> memref<8x1024xf32, #tpu.memory_space<vmem>>
    %dma_wait3A_1372 = arith.constant 0 : i32
    %dma_wait3A_1373 = tpu.memref_slice %arg2[%dma_wait3A_1365, %add3A_931, %dma_wait3A_1372] : memref<4x2048x1024xf32, #tpu.memory_space<hbm>> -> memref<1x8x1024xf32, #tpu.memory_space<hbm>>
    %dma_wait3A_1374 = tpu.memref_squeeze %dma_wait3A_1373 : memref<1x8x1024xf32, #tpu.memory_space<hbm>> -> memref<8x1024xf32, #tpu.memory_space<hbm>>
    %dma_wait3A_1375 = arith.constant 0 : i32
    %dma_wait3A_1376 = arith.constant 0 : i32
    %dma_wait3A_1377 = tpu.memref_slice %arg6[%dma_wait3A_1366, %dma_wait3A_1367, %dma_wait3A_1375, %dma_wait3A_1376] : memref<3x4x8x1024xf32, #tpu.memory_space<vmem>> -> memref<1x1x8x1024xf32, #tpu.memory_space<vmem>>
    %dma_wait3A_1378 = tpu.memref_squeeze %dma_wait3A_1377 : memref<1x1x8x1024xf32, #tpu.memory_space<vmem>> -> memref<8x1024xf32, #tpu.memory_space<vmem>>
    %dma_wait3A_1379 = arith.constant 0 : i32
    %dma_wait3A_1380 = tpu.memref_slice %arg2[%dma_wait3A_1365, %add3A_931, %dma_wait3A_1379] : memref<4x2048x1024xf32, #tpu.memory_space<hbm>> -> memref<1x8x1024xf32, #tpu.memory_space<hbm>>
    %dma_wait3A_1381 = tpu.memref_squeeze %dma_wait3A_1380 : memref<1x8x1024xf32, #tpu.memory_space<hbm>> -> memref<8x1024xf32, #tpu.memory_space<hbm>>
    tpu.wait_dma2 semaphore(%arg8 : memref<!tpu.dma_semaphore, #tpu.memory_space<semaphore_mem>>) src(%dma_wait3A_1381 : memref<8x1024xf32, #tpu.memory_space<hbm>>) dst(%dma_wait3A_1378 : memref<8x1024xf32, #tpu.memory_space<vmem>>)
    %dma_wait3A_1382 = arith.constant 3 : i32
    %dma_wait3A_1383 = arith.constant 1 : i32
    %dma_wait3A_1384 = arith.constant 3 : i32
    %dma_wait3A_1385 = arith.constant 0 : i32
    %dma_wait3A_1386 = arith.constant 0 : i32
    %dma_wait3A_1387 = tpu.memref_slice %arg6[%dma_wait3A_1383, %dma_wait3A_1384, %dma_wait3A_1385, %dma_wait3A_1386] : memref<3x4x8x1024xf32, #tpu.memory_space<vmem>> -> memref<1x1x8x1024xf32, #tpu.memory_space<vmem>>
    %dma_wait3A_1388 = tpu.memref_squeeze %dma_wait3A_1387 : memref<1x1x8x1024xf32, #tpu.memory_space<vmem>> -> memref<8x1024xf32, #tpu.memory_space<vmem>>
    %dma_wait3A_1389 = arith.constant 0 : i32
    %dma_wait3A_1390 = tpu.memref_slice %arg2[%dma_wait3A_1382, %add3A_931, %dma_wait3A_1389] : memref<4x2048x1024xf32, #tpu.memory_space<hbm>> -> memref<1x8x1024xf32, #tpu.memory_space<hbm>>
    %dma_wait3A_1391 = tpu.memref_squeeze %dma_wait3A_1390 : memref<1x8x1024xf32, #tpu.memory_space<hbm>> -> memref<8x1024xf32, #tpu.memory_space<hbm>>
    %dma_wait3A_1392 = arith.constant 0 : i32
    %dma_wait3A_1393 = arith.constant 0 : i32
    %dma_wait3A_1394 = tpu.memref_slice %arg6[%dma_wait3A_1383, %dma_wait3A_1384, %dma_wait3A_1392, %dma_wait3A_1393] : memref<3x4x8x1024xf32, #tpu.memory_space<vmem>> -> memref<1x1x8x1024xf32, #tpu.memory_space<vmem>>
    %dma_wait3A_1395 = tpu.memref_squeeze %dma_wait3A_1394 : memref<1x1x8x1024xf32, #tpu.memory_space<vmem>> -> memref<8x1024xf32, #tpu.memory_space<vmem>>
    %dma_wait3A_1396 = arith.constant 0 : i32
    %dma_wait3A_1397 = tpu.memref_slice %arg2[%dma_wait3A_1382, %add3A_931, %dma_wait3A_1396] : memref<4x2048x1024xf32, #tpu.memory_space<hbm>> -> memref<1x8x1024xf32, #tpu.memory_space<hbm>>
    %dma_wait3A_1398 = tpu.memref_squeeze %dma_wait3A_1397 : memref<1x8x1024xf32, #tpu.memory_space<hbm>> -> memref<8x1024xf32, #tpu.memory_space<hbm>>
    tpu.wait_dma2 semaphore(%arg8 : memref<!tpu.dma_semaphore, #tpu.memory_space<semaphore_mem>>) src(%dma_wait3A_1398 : memref<8x1024xf32, #tpu.memory_space<hbm>>) dst(%dma_wait3A_1395 : memref<8x1024xf32, #tpu.memory_space<vmem>>)
    %parallel_loop3A_1399 = arith.constant 0 : i32
    %parallel_loop3A_1400 = arith.constant 8192 : i32
    %parallel_loop3A_1401 = arith.constant 16 : i32
    scf.for %parallel_loop3A_2440 = %parallel_loop3A_1399 to %parallel_loop3A_1400 step %parallel_loop3A_1401  : i32 {
      %parallel_loop3A_2441 = arith.constant 10 : i32
      %parallel_loop3A_2442 = arith.shrsi %parallel_loop3A_2440, %parallel_loop3A_2441 : i32
      %parallel_loop3A_2443 = arith.constant 1023 : i32
      %parallel_loop3A_2444 = arith.andi %parallel_loop3A_2440, %parallel_loop3A_2443 : i32
      %parallel_loop3A_2445 = tpu.assume_multiple %parallel_loop3A_2444, 16 : i32
      %parallel_loop3A_2446 = arith.constant 1 : i32
      %parallel_loop3A_2447 = arith.index_cast %parallel_loop3A_2446 : i32 to index
      %parallel_loop3A_2448 = arith.index_cast %parallel_loop3A_2442 : i32 to index
      %parallel_loop3A_2449 = arith.index_cast %parallel_loop3A_2445 : i32 to index
      %parallel_loop3A_2450 = tpu.vector_load %arg5[%parallel_loop3A_2447, %parallel_loop3A_2448, %parallel_loop3A_2449] {strides = array<i32>} : memref<3x8x1024xf32, #tpu.memory_space<vmem>>, vector<1x1x16xf32>,
      %parallel_loop3A_2451 = vector.shape_cast %parallel_loop3A_2450 : vector<1x1x16xf32> to vector<16xf32>
      %parallel_loop3A_2452 = arith.constant 1 : i32
      %parallel_loop3A_2453 = arith.constant 0 : i32
      %parallel_loop3A_2454 = arith.index_cast %parallel_loop3A_2452 : i32 to index
      %parallel_loop3A_2455 = arith.index_cast %parallel_loop3A_2453 : i32 to index
      %parallel_loop3A_2456 = arith.index_cast %parallel_loop3A_2442 : i32 to index
      %parallel_loop3A_2457 = arith.index_cast %parallel_loop3A_2445 : i32 to index
      %parallel_loop3A_2458 = tpu.vector_load %arg6[%parallel_loop3A_2454, %parallel_loop3A_2455, %parallel_loop3A_2456, %parallel_loop3A_2457] {strides = array<i32>} : memref<3x4x8x1024xf32, #tpu.memory_space<vmem>>, vector<1x1x1x16xf32>,
      %parallel_loop3A_2459 = vector.shape_cast %parallel_loop3A_2458 : vector<1x1x1x16xf32> to vector<16xf32>
      %parallel_loop3A_2460 = vector.shape_cast %parallel_loop3A_2451 : vector<16xf32> to vector<1x1x1x16xf32>
      tpu.vector_store %arg6[%parallel_loop3A_2454, %parallel_loop3A_2455, %parallel_loop3A_2456, %parallel_loop3A_2457], %parallel_loop3A_2460 {add = true, strides = array<i32>} : memref<3x4x8x1024xf32, #tpu.memory_space<vmem>>, vector<1x1x1x16xf32>,
      %parallel_loop3A_2461 = arith.constant 1 : i32
      %parallel_loop3A_2462 = arith.constant 1 : i32
      %parallel_loop3A_2463 = arith.index_cast %parallel_loop3A_2461 : i32 to index
      %parallel_loop3A_2464 = arith.index_cast %parallel_loop3A_2462 : i32 to index
      %parallel_loop3A_2465 = arith.index_cast %parallel_loop3A_2442 : i32 to index
      %parallel_loop3A_2466 = arith.index_cast %parallel_loop3A_2445 : i32 to index
      %parallel_loop3A_2467 = tpu.vector_load %arg6[%parallel_loop3A_2463, %parallel_loop3A_2464, %parallel_loop3A_2465, %parallel_loop3A_2466] {strides = array<i32>} : memref<3x4x8x1024xf32, #tpu.memory_space<vmem>>, vector<1x1x1x16xf32>,
      %parallel_loop3A_2468 = vector.shape_cast %parallel_loop3A_2467 : vector<1x1x1x16xf32> to vector<16xf32>
      %parallel_loop3A_2469 = vector.shape_cast %parallel_loop3A_2451 : vector<16xf32> to vector<1x1x1x16xf32>
      tpu.vector_store %arg6[%parallel_loop3A_2463, %parallel_loop3A_2464, %parallel_loop3A_2465, %parallel_loop3A_2466], %parallel_loop3A_2469 {add = true, strides = array<i32>} : memref<3x4x8x1024xf32, #tpu.memory_space<vmem>>, vector<1x1x1x16xf32>,
      %parallel_loop3A_2470 = arith.constant 1 : i32
      %parallel_loop3A_2471 = arith.constant 2 : i32
      %parallel_loop3A_2472 = arith.index_cast %parallel_loop3A_2470 : i32 to index
      %parallel_loop3A_2473 = arith.index_cast %parallel_loop3A_2471 : i32 to index
      %parallel_loop3A_2474 = arith.index_cast %parallel_loop3A_2442 : i32 to index
      %parallel_loop3A_2475 = arith.index_cast %parallel_loop3A_2445 : i32 to index
      %parallel_loop3A_2476 = tpu.vector_load %arg6[%parallel_loop3A_2472, %parallel_loop3A_2473, %parallel_loop3A_2474, %parallel_loop3A_2475] {strides = array<i32>} : memref<3x4x8x1024xf32, #tpu.memory_space<vmem>>, vector<1x1x1x16xf32>,
      %parallel_loop3A_2477 = vector.shape_cast %parallel_loop3A_2476 : vector<1x1x1x16xf32> to vector<16xf32>
      %parallel_loop3A_2478 = vector.shape_cast %parallel_loop3A_2451 : vector<16xf32> to vector<1x1x1x16xf32>
      tpu.vector_store %arg6[%parallel_loop3A_2472, %parallel_loop3A_2473, %parallel_loop3A_2474, %parallel_loop3A_2475], %parallel_loop3A_2478 {add = true, strides = array<i32>} : memref<3x4x8x1024xf32, #tpu.memory_space<vmem>>, vector<1x1x1x16xf32>,
      %parallel_loop3A_2479 = arith.constant 1 : i32
      %parallel_loop3A_2480 = arith.constant 3 : i32
      %parallel_loop3A_2481 = arith.index_cast %parallel_loop3A_2479 : i32 to index
      %parallel_loop3A_2482 = arith.index_cast %parallel_loop3A_2480 : i32 to index
      %parallel_loop3A_2483 = arith.index_cast %parallel_loop3A_2442 : i32 to index
      %parallel_loop3A_2484 = arith.index_cast %parallel_loop3A_2445 : i32 to index
      %parallel_loop3A_2485 = tpu.vector_load %arg6[%parallel_loop3A_2481, %parallel_loop3A_2482, %parallel_loop3A_2483, %parallel_loop3A_2484] {strides = array<i32>} : memref<3x4x8x1024xf32, #tpu.memory_space<vmem>>, vector<1x1x1x16xf32>,
      %parallel_loop3A_2486 = vector.shape_cast %parallel_loop3A_2485 : vector<1x1x1x16xf32> to vector<16xf32>
      %parallel_loop3A_2487 = vector.shape_cast %parallel_loop3A_2451 : vector<16xf32> to vector<1x1x1x16xf32>
      tpu.vector_store %arg6[%parallel_loop3A_2481, %parallel_loop3A_2482, %parallel_loop3A_2483, %parallel_loop3A_2484], %parallel_loop3A_2487 {add = true, strides = array<i32>} : memref<3x4x8x1024xf32, #tpu.memory_space<vmem>>, vector<1x1x1x16xf32>,
    } {sc.loop_unroll_factor = 4 : i64, sc.parallel_access}
    %add3A_1402 = arith.constant 32 : i32
    %add3A_1403 = arith.addi %mul3A_2, %add3A_1402 : i32
    %dma_start3A_1404 = arith.constant 1 : i32
    %dma_start3A_1405 = arith.constant 0 : i32
    %dma_start3A_1406 = arith.constant 0 : i32
    %dma_start3A_1407 = arith.constant 0 : i32
    %dma_start3A_1408 = arith.constant 0 : i32
    %dma_start3A_1409 = tpu.memref_slice %arg6[%dma_start3A_1404, %dma_start3A_1405, %dma_start3A_1407, %dma_start3A_1408] : memref<3x4x8x1024xf32, #tpu.memory_space<vmem>> -> memref<1x1x8x1024xf32, #tpu.memory_space<vmem>>
    %dma_start3A_1410 = tpu.memref_squeeze %dma_start3A_1409 : memref<1x1x8x1024xf32, #tpu.memory_space<vmem>> -> memref<8x1024xf32, #tpu.memory_space<vmem>>
    %dma_start3A_1411 = arith.constant 0 : i32
    %dma_start3A_1412 = tpu.memref_slice %arg4[%dma_start3A_1406, %add3A_1403, %dma_start3A_1411] : memref<4x2048x1024xf32, #tpu.memory_space<hbm>> -> memref<1x8x1024xf32, #tpu.memory_space<hbm>>
    %dma_start3A_1413 = tpu.memref_squeeze %dma_start3A_1412 : memref<1x8x1024xf32, #tpu.memory_space<hbm>> -> memref<8x1024xf32, #tpu.memory_space<hbm>>
    %dma_start3A_1414 = arith.constant 0 : i32
    %dma_start3A_1415 = tpu.memref_slice %arg4[%dma_start3A_1406, %add3A_1403, %dma_start3A_1414] : memref<4x2048x1024xf32, #tpu.memory_space<hbm>> -> memref<1x8x1024xf32, #tpu.memory_space<hbm>>
    %dma_start3A_1416 = tpu.memref_squeeze %dma_start3A_1415 : memref<1x8x1024xf32, #tpu.memory_space<hbm>> -> memref<8x1024xf32, #tpu.memory_space<hbm>>
    %dma_start3A_1417 = arith.constant 0 : i32
    %dma_start3A_1418 = arith.constant 0 : i32
    %dma_start3A_1419 = tpu.memref_slice %arg6[%dma_start3A_1404, %dma_start3A_1405, %dma_start3A_1417, %dma_start3A_1418] : memref<3x4x8x1024xf32, #tpu.memory_space<vmem>> -> memref<1x1x8x1024xf32, #tpu.memory_space<vmem>>
    %dma_start3A_1420 = tpu.memref_squeeze %dma_start3A_1419 : memref<1x1x8x1024xf32, #tpu.memory_space<vmem>> -> memref<8x1024xf32, #tpu.memory_space<vmem>>
    tpu.enqueue_dma source(%dma_start3A_1420 : memref<8x1024xf32, #tpu.memory_space<vmem>>) target(%dma_start3A_1416 : memref<8x1024xf32, #tpu.memory_space<hbm>>) target_semaphore(%arg11 : memref<!tpu.dma_semaphore, #tpu.memory_space<semaphore_mem>>)
    %dma_start3A_1421 = arith.constant 1 : i32
    %dma_start3A_1422 = arith.constant 1 : i32
    %dma_start3A_1423 = arith.constant 1 : i32
    %dma_start3A_1424 = arith.constant 0 : i32
    %dma_start3A_1425 = arith.constant 0 : i32
    %dma_start3A_1426 = tpu.memref_slice %arg6[%dma_start3A_1421, %dma_start3A_1422, %dma_start3A_1424, %dma_start3A_1425] : memref<3x4x8x1024xf32, #tpu.memory_space<vmem>> -> memref<1x1x8x1024xf32, #tpu.memory_space<vmem>>
    %dma_start3A_1427 = tpu.memref_squeeze %dma_start3A_1426 : memref<1x1x8x1024xf32, #tpu.memory_space<vmem>> -> memref<8x1024xf32, #tpu.memory_space<vmem>>
    %dma_start3A_1428 = arith.constant 0 : i32
    %dma_start3A_1429 = tpu.memref_slice %arg4[%dma_start3A_1423, %add3A_1403, %dma_start3A_1428] : memref<4x2048x1024xf32, #tpu.memory_space<hbm>> -> memref<1x8x1024xf32, #tpu.memory_space<hbm>>
    %dma_start3A_1430 = tpu.memref_squeeze %dma_start3A_1429 : memref<1x8x1024xf32, #tpu.memory_space<hbm>> -> memref<8x1024xf32, #tpu.memory_space<hbm>>
    %dma_start3A_1431 = arith.constant 0 : i32
    %dma_start3A_1432 = tpu.memref_slice %arg4[%dma_start3A_1423, %add3A_1403, %dma_start3A_1431] : memref<4x2048x1024xf32, #tpu.memory_space<hbm>> -> memref<1x8x1024xf32, #tpu.memory_space<hbm>>
    %dma_start3A_1433 = tpu.memref_squeeze %dma_start3A_1432 : memref<1x8x1024xf32, #tpu.memory_space<hbm>> -> memref<8x1024xf32, #tpu.memory_space<hbm>>
    %dma_start3A_1434 = arith.constant 0 : i32
    %dma_start3A_1435 = arith.constant 0 : i32
    %dma_start3A_1436 = tpu.memref_slice %arg6[%dma_start3A_1421, %dma_start3A_1422, %dma_start3A_1434, %dma_start3A_1435] : memref<3x4x8x1024xf32, #tpu.memory_space<vmem>> -> memref<1x1x8x1024xf32, #tpu.memory_space<vmem>>
    %dma_start3A_1437 = tpu.memref_squeeze %dma_start3A_1436 : memref<1x1x8x1024xf32, #tpu.memory_space<vmem>> -> memref<8x1024xf32, #tpu.memory_space<vmem>>
    tpu.enqueue_dma source(%dma_start3A_1437 : memref<8x1024xf32, #tpu.memory_space<vmem>>) target(%dma_start3A_1433 : memref<8x1024xf32, #tpu.memory_space<hbm>>) target_semaphore(%arg11 : memref<!tpu.dma_semaphore, #tpu.memory_space<semaphore_mem>>)
    %dma_start3A_1438 = arith.constant 1 : i32
    %dma_start3A_1439 = arith.constant 2 : i32
    %dma_start3A_1440 = arith.constant 2 : i32
    %dma_start3A_1441 = arith.constant 0 : i32
    %dma_start3A_1442 = arith.constant 0 : i32
    %dma_start3A_1443 = tpu.memref_slice %arg6[%dma_start3A_1438, %dma_start3A_1439, %dma_start3A_1441, %dma_start3A_1442] : memref<3x4x8x1024xf32, #tpu.memory_space<vmem>> -> memref<1x1x8x1024xf32, #tpu.memory_space<vmem>>
    %dma_start3A_1444 = tpu.memref_squeeze %dma_start3A_1443 : memref<1x1x8x1024xf32, #tpu.memory_space<vmem>> -> memref<8x1024xf32, #tpu.memory_space<vmem>>
    %dma_start3A_1445 = arith.constant 0 : i32
    %dma_start3A_1446 = tpu.memref_slice %arg4[%dma_start3A_1440, %add3A_1403, %dma_start3A_1445] : memref<4x2048x1024xf32, #tpu.memory_space<hbm>> -> memref<1x8x1024xf32, #tpu.memory_space<hbm>>
    %dma_start3A_1447 = tpu.memref_squeeze %dma_start3A_1446 : memref<1x8x1024xf32, #tpu.memory_space<hbm>> -> memref<8x1024xf32, #tpu.memory_space<hbm>>
    %dma_start3A_1448 = arith.constant 0 : i32
    %dma_start3A_1449 = tpu.memref_slice %arg4[%dma_start3A_1440, %add3A_1403, %dma_start3A_1448] : memref<4x2048x1024xf32, #tpu.memory_space<hbm>> -> memref<1x8x1024xf32, #tpu.memory_space<hbm>>
    %dma_start3A_1450 = tpu.memref_squeeze %dma_start3A_1449 : memref<1x8x1024xf32, #tpu.memory_space<hbm>> -> memref<8x1024xf32, #tpu.memory_space<hbm>>
    %dma_start3A_1451 = arith.constant 0 : i32
    %dma_start3A_1452 = arith.constant 0 : i32
    %dma_start3A_1453 = tpu.memref_slice %arg6[%dma_start3A_1438, %dma_start3A_1439, %dma_start3A_1451, %dma_start3A_1452] : memref<3x4x8x1024xf32, #tpu.memory_space<vmem>> -> memref<1x1x8x1024xf32, #tpu.memory_space<vmem>>
    %dma_start3A_1454 = tpu.memref_squeeze %dma_start3A_1453 : memref<1x1x8x1024xf32, #tpu.memory_space<vmem>> -> memref<8x1024xf32, #tpu.memory_space<vmem>>
    tpu.enqueue_dma source(%dma_start3A_1454 : memref<8x1024xf32, #tpu.memory_space<vmem>>) target(%dma_start3A_1450 : memref<8x1024xf32, #tpu.memory_space<hbm>>) target_semaphore(%arg11 : memref<!tpu.dma_semaphore, #tpu.memory_space<semaphore_mem>>)
    %dma_start3A_1455 = arith.constant 1 : i32
    %dma_start3A_1456 = arith.constant 3 : i32
    %dma_start3A_1457 = arith.constant 3 : i32
    %dma_start3A_1458 = arith.constant 0 : i32
    %dma_start3A_1459 = arith.constant 0 : i32
    %dma_start3A_1460 = tpu.memref_slice %arg6[%dma_start3A_1455, %dma_start3A_1456, %dma_start3A_1458, %dma_start3A_1459] : memref<3x4x8x1024xf32, #tpu.memory_space<vmem>> -> memref<1x1x8x1024xf32, #tpu.memory_space<vmem>>
    %dma_start3A_1461 = tpu.memref_squeeze %dma_start3A_1460 : memref<1x1x8x1024xf32, #tpu.memory_space<vmem>> -> memref<8x1024xf32, #tpu.memory_space<vmem>>
    %dma_start3A_1462 = arith.constant 0 : i32
    %dma_start3A_1463 = tpu.memref_slice %arg4[%dma_start3A_1457, %add3A_1403, %dma_start3A_1462] : memref<4x2048x1024xf32, #tpu.memory_space<hbm>> -> memref<1x8x1024xf32, #tpu.memory_space<hbm>>
    %dma_start3A_1464 = tpu.memref_squeeze %dma_start3A_1463 : memref<1x8x1024xf32, #tpu.memory_space<hbm>> -> memref<8x1024xf32, #tpu.memory_space<hbm>>
    %dma_start3A_1465 = arith.constant 0 : i32
    %dma_start3A_1466 = tpu.memref_slice %arg4[%dma_start3A_1457, %add3A_1403, %dma_start3A_1465] : memref<4x2048x1024xf32, #tpu.memory_space<hbm>> -> memref<1x8x1024xf32, #tpu.memory_space<hbm>>
    %dma_start3A_1467 = tpu.memref_squeeze %dma_start3A_1466 : memref<1x8x1024xf32, #tpu.memory_space<hbm>> -> memref<8x1024xf32, #tpu.memory_space<hbm>>
    %dma_start3A_1468 = arith.constant 0 : i32
    %dma_start3A_1469 = arith.constant 0 : i32
    %dma_start3A_1470 = tpu.memref_slice %arg6[%dma_start3A_1455, %dma_start3A_1456, %dma_start3A_1468, %dma_start3A_1469] : memref<3x4x8x1024xf32, #tpu.memory_space<vmem>> -> memref<1x1x8x1024xf32, #tpu.memory_space<vmem>>
    %dma_start3A_1471 = tpu.memref_squeeze %dma_start3A_1470 : memref<1x1x8x1024xf32, #tpu.memory_space<vmem>> -> memref<8x1024xf32, #tpu.memory_space<vmem>>
    tpu.enqueue_dma source(%dma_start3A_1471 : memref<8x1024xf32, #tpu.memory_space<vmem>>) target(%dma_start3A_1467 : memref<8x1024xf32, #tpu.memory_space<hbm>>) target_semaphore(%arg11 : memref<!tpu.dma_semaphore, #tpu.memory_space<semaphore_mem>>)
    %dma_wait3A_1472 = arith.constant 0 : i32
    %dma_wait3A_1473 = arith.constant 0 : i32
    %dma_wait3A_1474 = arith.constant 0 : i32
    %dma_wait3A_1475 = arith.constant 0 : i32
    %dma_wait3A_1476 = arith.constant 0 : i32
    %dma_wait3A_1477 = tpu.memref_slice %arg6[%dma_wait3A_1472, %dma_wait3A_1473, %dma_wait3A_1475, %dma_wait3A_1476] : memref<3x4x8x1024xf32, #tpu.memory_space<vmem>> -> memref<1x1x8x1024xf32, #tpu.memory_space<vmem>>
    %dma_wait3A_1478 = tpu.memref_squeeze %dma_wait3A_1477 : memref<1x1x8x1024xf32, #tpu.memory_space<vmem>> -> memref<8x1024xf32, #tpu.memory_space<vmem>>
    %dma_wait3A_1479 = arith.constant 0 : i32
    %dma_wait3A_1480 = tpu.memref_slice %arg4[%dma_wait3A_1474, %add3A_1098, %dma_wait3A_1479] : memref<4x2048x1024xf32, #tpu.memory_space<hbm>> -> memref<1x8x1024xf32, #tpu.memory_space<hbm>>
    %dma_wait3A_1481 = tpu.memref_squeeze %dma_wait3A_1480 : memref<1x8x1024xf32, #tpu.memory_space<hbm>> -> memref<8x1024xf32, #tpu.memory_space<hbm>>
    %dma_wait3A_1482 = arith.constant 0 : i32
    %dma_wait3A_1483 = tpu.memref_slice %arg4[%dma_wait3A_1474, %add3A_1098, %dma_wait3A_1482] : memref<4x2048x1024xf32, #tpu.memory_space<hbm>> -> memref<1x8x1024xf32, #tpu.memory_space<hbm>>
    %dma_wait3A_1484 = tpu.memref_squeeze %dma_wait3A_1483 : memref<1x8x1024xf32, #tpu.memory_space<hbm>> -> memref<8x1024xf32, #tpu.memory_space<hbm>>
    %dma_wait3A_1485 = arith.constant 0 : i32
    %dma_wait3A_1486 = arith.constant 0 : i32
    %dma_wait3A_1487 = tpu.memref_slice %arg6[%dma_wait3A_1472, %dma_wait3A_1473, %dma_wait3A_1485, %dma_wait3A_1486] : memref<3x4x8x1024xf32, #tpu.memory_space<vmem>> -> memref<1x1x8x1024xf32, #tpu.memory_space<vmem>>
    %dma_wait3A_1488 = tpu.memref_squeeze %dma_wait3A_1487 : memref<1x1x8x1024xf32, #tpu.memory_space<vmem>> -> memref<8x1024xf32, #tpu.memory_space<vmem>>
    tpu.wait_dma2 semaphore(%arg10 : memref<!tpu.dma_semaphore, #tpu.memory_space<semaphore_mem>>) src(%dma_wait3A_1488 : memref<8x1024xf32, #tpu.memory_space<vmem>>) dst(%dma_wait3A_1484 : memref<8x1024xf32, #tpu.memory_space<hbm>>)
    %dma_wait3A_1489 = arith.constant 0 : i32
    %dma_wait3A_1490 = arith.constant 1 : i32
    %dma_wait3A_1491 = arith.constant 1 : i32
    %dma_wait3A_1492 = arith.constant 0 : i32
    %dma_wait3A_1493 = arith.constant 0 : i32
    %dma_wait3A_1494 = tpu.memref_slice %arg6[%dma_wait3A_1489, %dma_wait3A_1490, %dma_wait3A_1492, %dma_wait3A_1493] : memref<3x4x8x1024xf32, #tpu.memory_space<vmem>> -> memref<1x1x8x1024xf32, #tpu.memory_space<vmem>>
    %dma_wait3A_1495 = tpu.memref_squeeze %dma_wait3A_1494 : memref<1x1x8x1024xf32, #tpu.memory_space<vmem>> -> memref<8x1024xf32, #tpu.memory_space<vmem>>
    %dma_wait3A_1496 = arith.constant 0 : i32
    %dma_wait3A_1497 = tpu.memref_slice %arg4[%dma_wait3A_1491, %add3A_1098, %dma_wait3A_1496] : memref<4x2048x1024xf32, #tpu.memory_space<hbm>> -> memref<1x8x1024xf32, #tpu.memory_space<hbm>>
    %dma_wait3A_1498 = tpu.memref_squeeze %dma_wait3A_1497 : memref<1x8x1024xf32, #tpu.memory_space<hbm>> -> memref<8x1024xf32, #tpu.memory_space<hbm>>
    %dma_wait3A_1499 = arith.constant 0 : i32
    %dma_wait3A_1500 = tpu.memref_slice %arg4[%dma_wait3A_1491, %add3A_1098, %dma_wait3A_1499] : memref<4x2048x1024xf32, #tpu.memory_space<hbm>> -> memref<1x8x1024xf32, #tpu.memory_space<hbm>>
    %dma_wait3A_1501 = tpu.memref_squeeze %dma_wait3A_1500 : memref<1x8x1024xf32, #tpu.memory_space<hbm>> -> memref<8x1024xf32, #tpu.memory_space<hbm>>
    %dma_wait3A_1502 = arith.constant 0 : i32
    %dma_wait3A_1503 = arith.constant 0 : i32
    %dma_wait3A_1504 = tpu.memref_slice %arg6[%dma_wait3A_1489, %dma_wait3A_1490, %dma_wait3A_1502, %dma_wait3A_1503] : memref<3x4x8x1024xf32, #tpu.memory_space<vmem>> -> memref<1x1x8x1024xf32, #tpu.memory_space<vmem>>
    %dma_wait3A_1505 = tpu.memref_squeeze %dma_wait3A_1504 : memref<1x1x8x1024xf32, #tpu.memory_space<vmem>> -> memref<8x1024xf32, #tpu.memory_space<vmem>>
    tpu.wait_dma2 semaphore(%arg10 : memref<!tpu.dma_semaphore, #tpu.memory_space<semaphore_mem>>) src(%dma_wait3A_1505 : memref<8x1024xf32, #tpu.memory_space<vmem>>) dst(%dma_wait3A_1501 : memref<8x1024xf32, #tpu.memory_space<hbm>>)
    %dma_wait3A_1506 = arith.constant 0 : i32
    %dma_wait3A_1507 = arith.constant 2 : i32
    %dma_wait3A_1508 = arith.constant 2 : i32
    %dma_wait3A_1509 = arith.constant 0 : i32
    %dma_wait3A_1510 = arith.constant 0 : i32
    %dma_wait3A_1511 = tpu.memref_slice %arg6[%dma_wait3A_1506, %dma_wait3A_1507, %dma_wait3A_1509, %dma_wait3A_1510] : memref<3x4x8x1024xf32, #tpu.memory_space<vmem>> -> memref<1x1x8x1024xf32, #tpu.memory_space<vmem>>
    %dma_wait3A_1512 = tpu.memref_squeeze %dma_wait3A_1511 : memref<1x1x8x1024xf32, #tpu.memory_space<vmem>> -> memref<8x1024xf32, #tpu.memory_space<vmem>>
    %dma_wait3A_1513 = arith.constant 0 : i32
    %dma_wait3A_1514 = tpu.memref_slice %arg4[%dma_wait3A_1508, %add3A_1098, %dma_wait3A_1513] : memref<4x2048x1024xf32, #tpu.memory_space<hbm>> -> memref<1x8x1024xf32, #tpu.memory_space<hbm>>
    %dma_wait3A_1515 = tpu.memref_squeeze %dma_wait3A_1514 : memref<1x8x1024xf32, #tpu.memory_space<hbm>> -> memref<8x1024xf32, #tpu.memory_space<hbm>>
    %dma_wait3A_1516 = arith.constant 0 : i32
    %dma_wait3A_1517 = tpu.memref_slice %arg4[%dma_wait3A_1508, %add3A_1098, %dma_wait3A_1516] : memref<4x2048x1024xf32, #tpu.memory_space<hbm>> -> memref<1x8x1024xf32, #tpu.memory_space<hbm>>
    %dma_wait3A_1518 = tpu.memref_squeeze %dma_wait3A_1517 : memref<1x8x1024xf32, #tpu.memory_space<hbm>> -> memref<8x1024xf32, #tpu.memory_space<hbm>>
    %dma_wait3A_1519 = arith.constant 0 : i32
    %dma_wait3A_1520 = arith.constant 0 : i32
    %dma_wait3A_1521 = tpu.memref_slice %arg6[%dma_wait3A_1506, %dma_wait3A_1507, %dma_wait3A_1519, %dma_wait3A_1520] : memref<3x4x8x1024xf32, #tpu.memory_space<vmem>> -> memref<1x1x8x1024xf32, #tpu.memory_space<vmem>>
    %dma_wait3A_1522 = tpu.memref_squeeze %dma_wait3A_1521 : memref<1x1x8x1024xf32, #tpu.memory_space<vmem>> -> memref<8x1024xf32, #tpu.memory_space<vmem>>
    tpu.wait_dma2 semaphore(%arg10 : memref<!tpu.dma_semaphore, #tpu.memory_space<semaphore_mem>>) src(%dma_wait3A_1522 : memref<8x1024xf32, #tpu.memory_space<vmem>>) dst(%dma_wait3A_1518 : memref<8x1024xf32, #tpu.memory_space<hbm>>)
    %dma_wait3A_1523 = arith.constant 0 : i32
    %dma_wait3A_1524 = arith.constant 3 : i32
    %dma_wait3A_1525 = arith.constant 3 : i32
    %dma_wait3A_1526 = arith.constant 0 : i32
    %dma_wait3A_1527 = arith.constant 0 : i32
    %dma_wait3A_1528 = tpu.memref_slice %arg6[%dma_wait3A_1523, %dma_wait3A_1524, %dma_wait3A_1526, %dma_wait3A_1527] : memref<3x4x8x1024xf32, #tpu.memory_space<vmem>> -> memref<1x1x8x1024xf32, #tpu.memory_space<vmem>>
    %dma_wait3A_1529 = tpu.memref_squeeze %dma_wait3A_1528 : memref<1x1x8x1024xf32, #tpu.memory_space<vmem>> -> memref<8x1024xf32, #tpu.memory_space<vmem>>
    %dma_wait3A_1530 = arith.constant 0 : i32
    %dma_wait3A_1531 = tpu.memref_slice %arg4[%dma_wait3A_1525, %add3A_1098, %dma_wait3A_1530] : memref<4x2048x1024xf32, #tpu.memory_space<hbm>> -> memref<1x8x1024xf32, #tpu.memory_space<hbm>>
    %dma_wait3A_1532 = tpu.memref_squeeze %dma_wait3A_1531 : memref<1x8x1024xf32, #tpu.memory_space<hbm>> -> memref<8x1024xf32, #tpu.memory_space<hbm>>
    %dma_wait3A_1533 = arith.constant 0 : i32
    %dma_wait3A_1534 = tpu.memref_slice %arg4[%dma_wait3A_1525, %add3A_1098, %dma_wait3A_1533] : memref<4x2048x1024xf32, #tpu.memory_space<hbm>> -> memref<1x8x1024xf32, #tpu.memory_space<hbm>>
    %dma_wait3A_1535 = tpu.memref_squeeze %dma_wait3A_1534 : memref<1x8x1024xf32, #tpu.memory_space<hbm>> -> memref<8x1024xf32, #tpu.memory_space<hbm>>
    %dma_wait3A_1536 = arith.constant 0 : i32
    %dma_wait3A_1537 = arith.constant 0 : i32
    %dma_wait3A_1538 = tpu.memref_slice %arg6[%dma_wait3A_1523, %dma_wait3A_1524, %dma_wait3A_1536, %dma_wait3A_1537] : memref<3x4x8x1024xf32, #tpu.memory_space<vmem>> -> memref<1x1x8x1024xf32, #tpu.memory_space<vmem>>
    %dma_wait3A_1539 = tpu.memref_squeeze %dma_wait3A_1538 : memref<1x1x8x1024xf32, #tpu.memory_space<vmem>> -> memref<8x1024xf32, #tpu.memory_space<vmem>>
    tpu.wait_dma2 semaphore(%arg10 : memref<!tpu.dma_semaphore, #tpu.memory_space<semaphore_mem>>) src(%dma_wait3A_1539 : memref<8x1024xf32, #tpu.memory_space<vmem>>) dst(%dma_wait3A_1535 : memref<8x1024xf32, #tpu.memory_space<hbm>>)
    %add3A_1540 = arith.constant 48 : i32
    %add3A_1541 = arith.addi %mul3A_2, %add3A_1540 : i32
    %dma_start3A_1542 = arith.constant 0 : i32
    %dma_start3A_1543 = arith.constant 0 : i32
    %dma_start3A_1544 = arith.constant 0 : i32
    %dma_start3A_1545 = tpu.memref_slice %arg5[%dma_start3A_1542, %dma_start3A_1543, %dma_start3A_1544] : memref<3x8x1024xf32, #tpu.memory_space<vmem>> -> memref<1x8x1024xf32, #tpu.memory_space<vmem>>
    %dma_start3A_1546 = tpu.memref_squeeze %dma_start3A_1545 : memref<1x8x1024xf32, #tpu.memory_space<vmem>> -> memref<8x1024xf32, #tpu.memory_space<vmem>>
    %dma_start3A_1547 = arith.constant 0 : i32
    %dma_start3A_1548 = tpu.memref_slice %arg3[%add3A_1541, %dma_start3A_1547] : memref<2048x1024xf32, #tpu.memory_space<hbm>> -> memref<8x1024xf32, #tpu.memory_space<hbm>>
    %dma_start3A_1549 = arith.constant 0 : i32
    %dma_start3A_1550 = arith.constant 0 : i32
    %dma_start3A_1551 = tpu.memref_slice %arg5[%dma_start3A_1542, %dma_start3A_1549, %dma_start3A_1550] : memref<3x8x1024xf32, #tpu.memory_space<vmem>> -> memref<1x8x1024xf32, #tpu.memory_space<vmem>>
    %dma_start3A_1552 = tpu.memref_squeeze %dma_start3A_1551 : memref<1x8x1024xf32, #tpu.memory_space<vmem>> -> memref<8x1024xf32, #tpu.memory_space<vmem>>
    %dma_start3A_1553 = arith.constant 0 : i32
    %dma_start3A_1554 = tpu.memref_slice %arg3[%add3A_1541, %dma_start3A_1553] : memref<2048x1024xf32, #tpu.memory_space<hbm>> -> memref<8x1024xf32, #tpu.memory_space<hbm>>
    tpu.enqueue_dma source(%dma_start3A_1554 : memref<8x1024xf32, #tpu.memory_space<hbm>>) target(%dma_start3A_1552 : memref<8x1024xf32, #tpu.memory_space<vmem>>) target_semaphore(%arg7 : memref<!tpu.dma_semaphore, #tpu.memory_space<semaphore_mem>>)
    %dma_start3A_1555 = arith.constant 0 : i32
    %dma_start3A_1556 = arith.constant 0 : i32
    %dma_start3A_1557 = arith.constant 0 : i32
    %dma_start3A_1558 = arith.constant 0 : i32
    %dma_start3A_1559 = arith.constant 0 : i32
    %dma_start3A_1560 = tpu.memref_slice %arg6[%dma_start3A_1556, %dma_start3A_1557, %dma_start3A_1558, %dma_start3A_1559] : memref<3x4x8x1024xf32, #tpu.memory_space<vmem>> -> memref<1x1x8x1024xf32, #tpu.memory_space<vmem>>
    %dma_start3A_1561 = tpu.memref_squeeze %dma_start3A_1560 : memref<1x1x8x1024xf32, #tpu.memory_space<vmem>> -> memref<8x1024xf32, #tpu.memory_space<vmem>>
    %dma_start3A_1562 = arith.constant 0 : i32
    %dma_start3A_1563 = tpu.memref_slice %arg2[%dma_start3A_1555, %add3A_1541, %dma_start3A_1562] : memref<4x2048x1024xf32, #tpu.memory_space<hbm>> -> memref<1x8x1024xf32, #tpu.memory_space<hbm>>
    %dma_start3A_1564 = tpu.memref_squeeze %dma_start3A_1563 : memref<1x8x1024xf32, #tpu.memory_space<hbm>> -> memref<8x1024xf32, #tpu.memory_space<hbm>>
    %dma_start3A_1565 = arith.constant 0 : i32
    %dma_start3A_1566 = arith.constant 0 : i32
    %dma_start3A_1567 = tpu.memref_slice %arg6[%dma_start3A_1556, %dma_start3A_1557, %dma_start3A_1565, %dma_start3A_1566] : memref<3x4x8x1024xf32, #tpu.memory_space<vmem>> -> memref<1x1x8x1024xf32, #tpu.memory_space<vmem>>
    %dma_start3A_1568 = tpu.memref_squeeze %dma_start3A_1567 : memref<1x1x8x1024xf32, #tpu.memory_space<vmem>> -> memref<8x1024xf32, #tpu.memory_space<vmem>>
    %dma_start3A_1569 = arith.constant 0 : i32
    %dma_start3A_1570 = tpu.memref_slice %arg2[%dma_start3A_1555, %add3A_1541, %dma_start3A_1569] : memref<4x2048x1024xf32, #tpu.memory_space<hbm>> -> memref<1x8x1024xf32, #tpu.memory_space<hbm>>
    %dma_start3A_1571 = tpu.memref_squeeze %dma_start3A_1570 : memref<1x8x1024xf32, #tpu.memory_space<hbm>> -> memref<8x1024xf32, #tpu.memory_space<hbm>>
    tpu.enqueue_dma source(%dma_start3A_1571 : memref<8x1024xf32, #tpu.memory_space<hbm>>) target(%dma_start3A_1568 : memref<8x1024xf32, #tpu.memory_space<vmem>>) target_semaphore(%arg7 : memref<!tpu.dma_semaphore, #tpu.memory_space<semaphore_mem>>)
    %dma_start3A_1572 = arith.constant 1 : i32
    %dma_start3A_1573 = arith.constant 0 : i32
    %dma_start3A_1574 = arith.constant 1 : i32
    %dma_start3A_1575 = arith.constant 0 : i32
    %dma_start3A_1576 = arith.constant 0 : i32
    %dma_start3A_1577 = tpu.memref_slice %arg6[%dma_start3A_1573, %dma_start3A_1574, %dma_start3A_1575, %dma_start3A_1576] : memref<3x4x8x1024xf32, #tpu.memory_space<vmem>> -> memref<1x1x8x1024xf32, #tpu.memory_space<vmem>>
    %dma_start3A_1578 = tpu.memref_squeeze %dma_start3A_1577 : memref<1x1x8x1024xf32, #tpu.memory_space<vmem>> -> memref<8x1024xf32, #tpu.memory_space<vmem>>
    %dma_start3A_1579 = arith.constant 0 : i32
    %dma_start3A_1580 = tpu.memref_slice %arg2[%dma_start3A_1572, %add3A_1541, %dma_start3A_1579] : memref<4x2048x1024xf32, #tpu.memory_space<hbm>> -> memref<1x8x1024xf32, #tpu.memory_space<hbm>>
    %dma_start3A_1581 = tpu.memref_squeeze %dma_start3A_1580 : memref<1x8x1024xf32, #tpu.memory_space<hbm>> -> memref<8x1024xf32, #tpu.memory_space<hbm>>
    %dma_start3A_1582 = arith.constant 0 : i32
    %dma_start3A_1583 = arith.constant 0 : i32
    %dma_start3A_1584 = tpu.memref_slice %arg6[%dma_start3A_1573, %dma_start3A_1574, %dma_start3A_1582, %dma_start3A_1583] : memref<3x4x8x1024xf32, #tpu.memory_space<vmem>> -> memref<1x1x8x1024xf32, #tpu.memory_space<vmem>>
    %dma_start3A_1585 = tpu.memref_squeeze %dma_start3A_1584 : memref<1x1x8x1024xf32, #tpu.memory_space<vmem>> -> memref<8x1024xf32, #tpu.memory_space<vmem>>
    %dma_start3A_1586 = arith.constant 0 : i32
    %dma_start3A_1587 = tpu.memref_slice %arg2[%dma_start3A_1572, %add3A_1541, %dma_start3A_1586] : memref<4x2048x1024xf32, #tpu.memory_space<hbm>> -> memref<1x8x1024xf32, #tpu.memory_space<hbm>>
    %dma_start3A_1588 = tpu.memref_squeeze %dma_start3A_1587 : memref<1x8x1024xf32, #tpu.memory_space<hbm>> -> memref<8x1024xf32, #tpu.memory_space<hbm>>
    tpu.enqueue_dma source(%dma_start3A_1588 : memref<8x1024xf32, #tpu.memory_space<hbm>>) target(%dma_start3A_1585 : memref<8x1024xf32, #tpu.memory_space<vmem>>) target_semaphore(%arg7 : memref<!tpu.dma_semaphore, #tpu.memory_space<semaphore_mem>>)
    %dma_start3A_1589 = arith.constant 2 : i32
    %dma_start3A_1590 = arith.constant 0 : i32
    %dma_start3A_1591 = arith.constant 2 : i32
    %dma_start3A_1592 = arith.constant 0 : i32
    %dma_start3A_1593 = arith.constant 0 : i32
    %dma_start3A_1594 = tpu.memref_slice %arg6[%dma_start3A_1590, %dma_start3A_1591, %dma_start3A_1592, %dma_start3A_1593] : memref<3x4x8x1024xf32, #tpu.memory_space<vmem>> -> memref<1x1x8x1024xf32, #tpu.memory_space<vmem>>
    %dma_start3A_1595 = tpu.memref_squeeze %dma_start3A_1594 : memref<1x1x8x1024xf32, #tpu.memory_space<vmem>> -> memref<8x1024xf32, #tpu.memory_space<vmem>>
    %dma_start3A_1596 = arith.constant 0 : i32
    %dma_start3A_1597 = tpu.memref_slice %arg2[%dma_start3A_1589, %add3A_1541, %dma_start3A_1596] : memref<4x2048x1024xf32, #tpu.memory_space<hbm>> -> memref<1x8x1024xf32, #tpu.memory_space<hbm>>
    %dma_start3A_1598 = tpu.memref_squeeze %dma_start3A_1597 : memref<1x8x1024xf32, #tpu.memory_space<hbm>> -> memref<8x1024xf32, #tpu.memory_space<hbm>>
    %dma_start3A_1599 = arith.constant 0 : i32
    %dma_start3A_1600 = arith.constant 0 : i32
    %dma_start3A_1601 = tpu.memref_slice %arg6[%dma_start3A_1590, %dma_start3A_1591, %dma_start3A_1599, %dma_start3A_1600] : memref<3x4x8x1024xf32, #tpu.memory_space<vmem>> -> memref<1x1x8x1024xf32, #tpu.memory_space<vmem>>
    %dma_start3A_1602 = tpu.memref_squeeze %dma_start3A_1601 : memref<1x1x8x1024xf32, #tpu.memory_space<vmem>> -> memref<8x1024xf32, #tpu.memory_space<vmem>>
    %dma_start3A_1603 = arith.constant 0 : i32
    %dma_start3A_1604 = tpu.memref_slice %arg2[%dma_start3A_1589, %add3A_1541, %dma_start3A_1603] : memref<4x2048x1024xf32, #tpu.memory_space<hbm>> -> memref<1x8x1024xf32, #tpu.memory_space<hbm>>
    %dma_start3A_1605 = tpu.memref_squeeze %dma_start3A_1604 : memref<1x8x1024xf32, #tpu.memory_space<hbm>> -> memref<8x1024xf32, #tpu.memory_space<hbm>>
    tpu.enqueue_dma source(%dma_start3A_1605 : memref<8x1024xf32, #tpu.memory_space<hbm>>) target(%dma_start3A_1602 : memref<8x1024xf32, #tpu.memory_space<vmem>>) target_semaphore(%arg7 : memref<!tpu.dma_semaphore, #tpu.memory_space<semaphore_mem>>)
    %dma_start3A_1606 = arith.constant 3 : i32
    %dma_start3A_1607 = arith.constant 0 : i32
    %dma_start3A_1608 = arith.constant 3 : i32
    %dma_start3A_1609 = arith.constant 0 : i32
    %dma_start3A_1610 = arith.constant 0 : i32
    %dma_start3A_1611 = tpu.memref_slice %arg6[%dma_start3A_1607, %dma_start3A_1608, %dma_start3A_1609, %dma_start3A_1610] : memref<3x4x8x1024xf32, #tpu.memory_space<vmem>> -> memref<1x1x8x1024xf32, #tpu.memory_space<vmem>>
    %dma_start3A_1612 = tpu.memref_squeeze %dma_start3A_1611 : memref<1x1x8x1024xf32, #tpu.memory_space<vmem>> -> memref<8x1024xf32, #tpu.memory_space<vmem>>
    %dma_start3A_1613 = arith.constant 0 : i32
    %dma_start3A_1614 = tpu.memref_slice %arg2[%dma_start3A_1606, %add3A_1541, %dma_start3A_1613] : memref<4x2048x1024xf32, #tpu.memory_space<hbm>> -> memref<1x8x1024xf32, #tpu.memory_space<hbm>>
    %dma_start3A_1615 = tpu.memref_squeeze %dma_start3A_1614 : memref<1x8x1024xf32, #tpu.memory_space<hbm>> -> memref<8x1024xf32, #tpu.memory_space<hbm>>
    %dma_start3A_1616 = arith.constant 0 : i32
    %dma_start3A_1617 = arith.constant 0 : i32
    %dma_start3A_1618 = tpu.memref_slice %arg6[%dma_start3A_1607, %dma_start3A_1608, %dma_start3A_1616, %dma_start3A_1617] : memref<3x4x8x1024xf32, #tpu.memory_space<vmem>> -> memref<1x1x8x1024xf32, #tpu.memory_space<vmem>>
    %dma_start3A_1619 = tpu.memref_squeeze %dma_start3A_1618 : memref<1x1x8x1024xf32, #tpu.memory_space<vmem>> -> memref<8x1024xf32, #tpu.memory_space<vmem>>
    %dma_start3A_1620 = arith.constant 0 : i32
    %dma_start3A_1621 = tpu.memref_slice %arg2[%dma_start3A_1606, %add3A_1541, %dma_start3A_1620] : memref<4x2048x1024xf32, #tpu.memory_space<hbm>> -> memref<1x8x1024xf32, #tpu.memory_space<hbm>>
    %dma_start3A_1622 = tpu.memref_squeeze %dma_start3A_1621 : memref<1x8x1024xf32, #tpu.memory_space<hbm>> -> memref<8x1024xf32, #tpu.memory_space<hbm>>
    tpu.enqueue_dma source(%dma_start3A_1622 : memref<8x1024xf32, #tpu.memory_space<hbm>>) target(%dma_start3A_1619 : memref<8x1024xf32, #tpu.memory_space<vmem>>) target_semaphore(%arg7 : memref<!tpu.dma_semaphore, #tpu.memory_space<semaphore_mem>>)
    %dma_wait3A_1623 = arith.constant 2 : i32
    %dma_wait3A_1624 = arith.constant 0 : i32
    %dma_wait3A_1625 = arith.constant 0 : i32
    %dma_wait3A_1626 = tpu.memref_slice %arg5[%dma_wait3A_1623, %dma_wait3A_1624, %dma_wait3A_1625] : memref<3x8x1024xf32, #tpu.memory_space<vmem>> -> memref<1x8x1024xf32, #tpu.memory_space<vmem>>
    %dma_wait3A_1627 = tpu.memref_squeeze %dma_wait3A_1626 : memref<1x8x1024xf32, #tpu.memory_space<vmem>> -> memref<8x1024xf32, #tpu.memory_space<vmem>>
    %dma_wait3A_1628 = arith.constant 0 : i32
    %dma_wait3A_1629 = tpu.memref_slice %arg3[%add3A_1236, %dma_wait3A_1628] : memref<2048x1024xf32, #tpu.memory_space<hbm>> -> memref<8x1024xf32, #tpu.memory_space<hbm>>
    %dma_wait3A_1630 = arith.constant 0 : i32
    %dma_wait3A_1631 = arith.constant 0 : i32
    %dma_wait3A_1632 = tpu.memref_slice %arg5[%dma_wait3A_1623, %dma_wait3A_1630, %dma_wait3A_1631] : memref<3x8x1024xf32, #tpu.memory_space<vmem>> -> memref<1x8x1024xf32, #tpu.memory_space<vmem>>
    %dma_wait3A_1633 = tpu.memref_squeeze %dma_wait3A_1632 : memref<1x8x1024xf32, #tpu.memory_space<vmem>> -> memref<8x1024xf32, #tpu.memory_space<vmem>>
    %dma_wait3A_1634 = arith.constant 0 : i32
    %dma_wait3A_1635 = tpu.memref_slice %arg3[%add3A_1236, %dma_wait3A_1634] : memref<2048x1024xf32, #tpu.memory_space<hbm>> -> memref<8x1024xf32, #tpu.memory_space<hbm>>
    tpu.wait_dma2 semaphore(%arg9 : memref<!tpu.dma_semaphore, #tpu.memory_space<semaphore_mem>>) src(%dma_wait3A_1635 : memref<8x1024xf32, #tpu.memory_space<hbm>>) dst(%dma_wait3A_1633 : memref<8x1024xf32, #tpu.memory_space<vmem>>)
    %dma_wait3A_1636 = arith.constant 0 : i32
    %dma_wait3A_1637 = arith.constant 2 : i32
    %dma_wait3A_1638 = arith.constant 0 : i32
    %dma_wait3A_1639 = arith.constant 0 : i32
    %dma_wait3A_1640 = arith.constant 0 : i32
    %dma_wait3A_1641 = tpu.memref_slice %arg6[%dma_wait3A_1637, %dma_wait3A_1638, %dma_wait3A_1639, %dma_wait3A_1640] : memref<3x4x8x1024xf32, #tpu.memory_space<vmem>> -> memref<1x1x8x1024xf32, #tpu.memory_space<vmem>>
    %dma_wait3A_1642 = tpu.memref_squeeze %dma_wait3A_1641 : memref<1x1x8x1024xf32, #tpu.memory_space<vmem>> -> memref<8x1024xf32, #tpu.memory_space<vmem>>
    %dma_wait3A_1643 = arith.constant 0 : i32
    %dma_wait3A_1644 = tpu.memref_slice %arg2[%dma_wait3A_1636, %add3A_1236, %dma_wait3A_1643] : memref<4x2048x1024xf32, #tpu.memory_space<hbm>> -> memref<1x8x1024xf32, #tpu.memory_space<hbm>>
    %dma_wait3A_1645 = tpu.memref_squeeze %dma_wait3A_1644 : memref<1x8x1024xf32, #tpu.memory_space<hbm>> -> memref<8x1024xf32, #tpu.memory_space<hbm>>
    %dma_wait3A_1646 = arith.constant 0 : i32
    %dma_wait3A_1647 = arith.constant 0 : i32
    %dma_wait3A_1648 = tpu.memref_slice %arg6[%dma_wait3A_1637, %dma_wait3A_1638, %dma_wait3A_1646, %dma_wait3A_1647] : memref<3x4x8x1024xf32, #tpu.memory_space<vmem>> -> memref<1x1x8x1024xf32, #tpu.memory_space<vmem>>
    %dma_wait3A_1649 = tpu.memref_squeeze %dma_wait3A_1648 : memref<1x1x8x1024xf32, #tpu.memory_space<vmem>> -> memref<8x1024xf32, #tpu.memory_space<vmem>>
    %dma_wait3A_1650 = arith.constant 0 : i32
    %dma_wait3A_1651 = tpu.memref_slice %arg2[%dma_wait3A_1636, %add3A_1236, %dma_wait3A_1650] : memref<4x2048x1024xf32, #tpu.memory_space<hbm>> -> memref<1x8x1024xf32, #tpu.memory_space<hbm>>
    %dma_wait3A_1652 = tpu.memref_squeeze %dma_wait3A_1651 : memref<1x8x1024xf32, #tpu.memory_space<hbm>> -> memref<8x1024xf32, #tpu.memory_space<hbm>>
    tpu.wait_dma2 semaphore(%arg9 : memref<!tpu.dma_semaphore, #tpu.memory_space<semaphore_mem>>) src(%dma_wait3A_1652 : memref<8x1024xf32, #tpu.memory_space<hbm>>) dst(%dma_wait3A_1649 : memref<8x1024xf32, #tpu.memory_space<vmem>>)
    %dma_wait3A_1653 = arith.constant 1 : i32
    %dma_wait3A_1654 = arith.constant 2 : i32
    %dma_wait3A_1655 = arith.constant 1 : i32
    %dma_wait3A_1656 = arith.constant 0 : i32
    %dma_wait3A_1657 = arith.constant 0 : i32
    %dma_wait3A_1658 = tpu.memref_slice %arg6[%dma_wait3A_1654, %dma_wait3A_1655, %dma_wait3A_1656, %dma_wait3A_1657] : memref<3x4x8x1024xf32, #tpu.memory_space<vmem>> -> memref<1x1x8x1024xf32, #tpu.memory_space<vmem>>
    %dma_wait3A_1659 = tpu.memref_squeeze %dma_wait3A_1658 : memref<1x1x8x1024xf32, #tpu.memory_space<vmem>> -> memref<8x1024xf32, #tpu.memory_space<vmem>>
    %dma_wait3A_1660 = arith.constant 0 : i32
    %dma_wait3A_1661 = tpu.memref_slice %arg2[%dma_wait3A_1653, %add3A_1236, %dma_wait3A_1660] : memref<4x2048x1024xf32, #tpu.memory_space<hbm>> -> memref<1x8x1024xf32, #tpu.memory_space<hbm>>
    %dma_wait3A_1662 = tpu.memref_squeeze %dma_wait3A_1661 : memref<1x8x1024xf32, #tpu.memory_space<hbm>> -> memref<8x1024xf32, #tpu.memory_space<hbm>>
    %dma_wait3A_1663 = arith.constant 0 : i32
    %dma_wait3A_1664 = arith.constant 0 : i32
    %dma_wait3A_1665 = tpu.memref_slice %arg6[%dma_wait3A_1654, %dma_wait3A_1655, %dma_wait3A_1663, %dma_wait3A_1664] : memref<3x4x8x1024xf32, #tpu.memory_space<vmem>> -> memref<1x1x8x1024xf32, #tpu.memory_space<vmem>>
    %dma_wait3A_1666 = tpu.memref_squeeze %dma_wait3A_1665 : memref<1x1x8x1024xf32, #tpu.memory_space<vmem>> -> memref<8x1024xf32, #tpu.memory_space<vmem>>
    %dma_wait3A_1667 = arith.constant 0 : i32
    %dma_wait3A_1668 = tpu.memref_slice %arg2[%dma_wait3A_1653, %add3A_1236, %dma_wait3A_1667] : memref<4x2048x1024xf32, #tpu.memory_space<hbm>> -> memref<1x8x1024xf32, #tpu.memory_space<hbm>>
    %dma_wait3A_1669 = tpu.memref_squeeze %dma_wait3A_1668 : memref<1x8x1024xf32, #tpu.memory_space<hbm>> -> memref<8x1024xf32, #tpu.memory_space<hbm>>
    tpu.wait_dma2 semaphore(%arg9 : memref<!tpu.dma_semaphore, #tpu.memory_space<semaphore_mem>>) src(%dma_wait3A_1669 : memref<8x1024xf32, #tpu.memory_space<hbm>>) dst(%dma_wait3A_1666 : memref<8x1024xf32, #tpu.memory_space<vmem>>)
    %dma_wait3A_1670 = arith.constant 2 : i32
    %dma_wait3A_1671 = arith.constant 2 : i32
    %dma_wait3A_1672 = arith.constant 2 : i32
    %dma_wait3A_1673 = arith.constant 0 : i32
    %dma_wait3A_1674 = arith.constant 0 : i32
    %dma_wait3A_1675 = tpu.memref_slice %arg6[%dma_wait3A_1671, %dma_wait3A_1672, %dma_wait3A_1673, %dma_wait3A_1674] : memref<3x4x8x1024xf32, #tpu.memory_space<vmem>> -> memref<1x1x8x1024xf32, #tpu.memory_space<vmem>>
    %dma_wait3A_1676 = tpu.memref_squeeze %dma_wait3A_1675 : memref<1x1x8x1024xf32, #tpu.memory_space<vmem>> -> memref<8x1024xf32, #tpu.memory_space<vmem>>
    %dma_wait3A_1677 = arith.constant 0 : i32
    %dma_wait3A_1678 = tpu.memref_slice %arg2[%dma_wait3A_1670, %add3A_1236, %dma_wait3A_1677] : memref<4x2048x1024xf32, #tpu.memory_space<hbm>> -> memref<1x8x1024xf32, #tpu.memory_space<hbm>>
    %dma_wait3A_1679 = tpu.memref_squeeze %dma_wait3A_1678 : memref<1x8x1024xf32, #tpu.memory_space<hbm>> -> memref<8x1024xf32, #tpu.memory_space<hbm>>
    %dma_wait3A_1680 = arith.constant 0 : i32
    %dma_wait3A_1681 = arith.constant 0 : i32
    %dma_wait3A_1682 = tpu.memref_slice %arg6[%dma_wait3A_1671, %dma_wait3A_1672, %dma_wait3A_1680, %dma_wait3A_1681] : memref<3x4x8x1024xf32, #tpu.memory_space<vmem>> -> memref<1x1x8x1024xf32, #tpu.memory_space<vmem>>
    %dma_wait3A_1683 = tpu.memref_squeeze %dma_wait3A_1682 : memref<1x1x8x1024xf32, #tpu.memory_space<vmem>> -> memref<8x1024xf32, #tpu.memory_space<vmem>>
    %dma_wait3A_1684 = arith.constant 0 : i32
    %dma_wait3A_1685 = tpu.memref_slice %arg2[%dma_wait3A_1670, %add3A_1236, %dma_wait3A_1684] : memref<4x2048x1024xf32, #tpu.memory_space<hbm>> -> memref<1x8x1024xf32, #tpu.memory_space<hbm>>
    %dma_wait3A_1686 = tpu.memref_squeeze %dma_wait3A_1685 : memref<1x8x1024xf32, #tpu.memory_space<hbm>> -> memref<8x1024xf32, #tpu.memory_space<hbm>>
    tpu.wait_dma2 semaphore(%arg9 : memref<!tpu.dma_semaphore, #tpu.memory_space<semaphore_mem>>) src(%dma_wait3A_1686 : memref<8x1024xf32, #tpu.memory_space<hbm>>) dst(%dma_wait3A_1683 : memref<8x1024xf32, #tpu.memory_space<vmem>>)
    %dma_wait3A_1687 = arith.constant 3 : i32
    %dma_wait3A_1688 = arith.constant 2 : i32
    %dma_wait3A_1689 = arith.constant 3 : i32
    %dma_wait3A_1690 = arith.constant 0 : i32
    %dma_wait3A_1691 = arith.constant 0 : i32
    %dma_wait3A_1692 = tpu.memref_slice %arg6[%dma_wait3A_1688, %dma_wait3A_1689, %dma_wait3A_1690, %dma_wait3A_1691] : memref<3x4x8x1024xf32, #tpu.memory_space<vmem>> -> memref<1x1x8x1024xf32, #tpu.memory_space<vmem>>
    %dma_wait3A_1693 = tpu.memref_squeeze %dma_wait3A_1692 : memref<1x1x8x1024xf32, #tpu.memory_space<vmem>> -> memref<8x1024xf32, #tpu.memory_space<vmem>>
    %dma_wait3A_1694 = arith.constant 0 : i32
    %dma_wait3A_1695 = tpu.memref_slice %arg2[%dma_wait3A_1687, %add3A_1236, %dma_wait3A_1694] : memref<4x2048x1024xf32, #tpu.memory_space<hbm>> -> memref<1x8x1024xf32, #tpu.memory_space<hbm>>
    %dma_wait3A_1696 = tpu.memref_squeeze %dma_wait3A_1695 : memref<1x8x1024xf32, #tpu.memory_space<hbm>> -> memref<8x1024xf32, #tpu.memory_space<hbm>>
    %dma_wait3A_1697 = arith.constant 0 : i32
    %dma_wait3A_1698 = arith.constant 0 : i32
    %dma_wait3A_1699 = tpu.memref_slice %arg6[%dma_wait3A_1688, %dma_wait3A_1689, %dma_wait3A_1697, %dma_wait3A_1698] : memref<3x4x8x1024xf32, #tpu.memory_space<vmem>> -> memref<1x1x8x1024xf32, #tpu.memory_space<vmem>>
    %dma_wait3A_1700 = tpu.memref_squeeze %dma_wait3A_1699 : memref<1x1x8x1024xf32, #tpu.memory_space<vmem>> -> memref<8x1024xf32, #tpu.memory_space<vmem>>
    %dma_wait3A_1701 = arith.constant 0 : i32
    %dma_wait3A_1702 = tpu.memref_slice %arg2[%dma_wait3A_1687, %add3A_1236, %dma_wait3A_1701] : memref<4x2048x1024xf32, #tpu.memory_space<hbm>> -> memref<1x8x1024xf32, #tpu.memory_space<hbm>>
    %dma_wait3A_1703 = tpu.memref_squeeze %dma_wait3A_1702 : memref<1x8x1024xf32, #tpu.memory_space<hbm>> -> memref<8x1024xf32, #tpu.memory_space<hbm>>
    tpu.wait_dma2 semaphore(%arg9 : memref<!tpu.dma_semaphore, #tpu.memory_space<semaphore_mem>>) src(%dma_wait3A_1703 : memref<8x1024xf32, #tpu.memory_space<hbm>>) dst(%dma_wait3A_1700 : memref<8x1024xf32, #tpu.memory_space<vmem>>)
    %parallel_loop3A_1704 = arith.constant 0 : i32
    %parallel_loop3A_1705 = arith.constant 8192 : i32
    %parallel_loop3A_1706 = arith.constant 16 : i32
    scf.for %parallel_loop3A_2440 = %parallel_loop3A_1704 to %parallel_loop3A_1705 step %parallel_loop3A_1706  : i32 {
      %parallel_loop3A_2441 = arith.constant 10 : i32
      %parallel_loop3A_2442 = arith.shrsi %parallel_loop3A_2440, %parallel_loop3A_2441 : i32
      %parallel_loop3A_2443 = arith.constant 1023 : i32
      %parallel_loop3A_2444 = arith.andi %parallel_loop3A_2440, %parallel_loop3A_2443 : i32
      %parallel_loop3A_2445 = tpu.assume_multiple %parallel_loop3A_2444, 16 : i32
      %parallel_loop3A_2446 = arith.constant 2 : i32
      %parallel_loop3A_2447 = arith.index_cast %parallel_loop3A_2446 : i32 to index
      %parallel_loop3A_2448 = arith.index_cast %parallel_loop3A_2442 : i32 to index
      %parallel_loop3A_2449 = arith.index_cast %parallel_loop3A_2445 : i32 to index
      %parallel_loop3A_2450 = tpu.vector_load %arg5[%parallel_loop3A_2447, %parallel_loop3A_2448, %parallel_loop3A_2449] {strides = array<i32>} : memref<3x8x1024xf32, #tpu.memory_space<vmem>>, vector<1x1x16xf32>,
      %parallel_loop3A_2451 = vector.shape_cast %parallel_loop3A_2450 : vector<1x1x16xf32> to vector<16xf32>
      %parallel_loop3A_2452 = arith.constant 2 : i32
      %parallel_loop3A_2453 = arith.constant 0 : i32
      %parallel_loop3A_2454 = arith.index_cast %parallel_loop3A_2452 : i32 to index
      %parallel_loop3A_2455 = arith.index_cast %parallel_loop3A_2453 : i32 to index
      %parallel_loop3A_2456 = arith.index_cast %parallel_loop3A_2442 : i32 to index
      %parallel_loop3A_2457 = arith.index_cast %parallel_loop3A_2445 : i32 to index
      %parallel_loop3A_2458 = tpu.vector_load %arg6[%parallel_loop3A_2454, %parallel_loop3A_2455, %parallel_loop3A_2456, %parallel_loop3A_2457] {strides = array<i32>} : memref<3x4x8x1024xf32, #tpu.memory_space<vmem>>, vector<1x1x1x16xf32>,
      %parallel_loop3A_2459 = vector.shape_cast %parallel_loop3A_2458 : vector<1x1x1x16xf32> to vector<16xf32>
      %parallel_loop3A_2460 = vector.shape_cast %parallel_loop3A_2451 : vector<16xf32> to vector<1x1x1x16xf32>
      tpu.vector_store %arg6[%parallel_loop3A_2454, %parallel_loop3A_2455, %parallel_loop3A_2456, %parallel_loop3A_2457], %parallel_loop3A_2460 {add = true, strides = array<i32>} : memref<3x4x8x1024xf32, #tpu.memory_space<vmem>>, vector<1x1x1x16xf32>,
      %parallel_loop3A_2461 = arith.constant 2 : i32
      %parallel_loop3A_2462 = arith.constant 1 : i32
      %parallel_loop3A_2463 = arith.index_cast %parallel_loop3A_2461 : i32 to index
      %parallel_loop3A_2464 = arith.index_cast %parallel_loop3A_2462 : i32 to index
      %parallel_loop3A_2465 = arith.index_cast %parallel_loop3A_2442 : i32 to index
      %parallel_loop3A_2466 = arith.index_cast %parallel_loop3A_2445 : i32 to index
      %parallel_loop3A_2467 = tpu.vector_load %arg6[%parallel_loop3A_2463, %parallel_loop3A_2464, %parallel_loop3A_2465, %parallel_loop3A_2466] {strides = array<i32>} : memref<3x4x8x1024xf32, #tpu.memory_space<vmem>>, vector<1x1x1x16xf32>,
      %parallel_loop3A_2468 = vector.shape_cast %parallel_loop3A_2467 : vector<1x1x1x16xf32> to vector<16xf32>
      %parallel_loop3A_2469 = vector.shape_cast %parallel_loop3A_2451 : vector<16xf32> to vector<1x1x1x16xf32>
      tpu.vector_store %arg6[%parallel_loop3A_2463, %parallel_loop3A_2464, %parallel_loop3A_2465, %parallel_loop3A_2466], %parallel_loop3A_2469 {add = true, strides = array<i32>} : memref<3x4x8x1024xf32, #tpu.memory_space<vmem>>, vector<1x1x1x16xf32>,
      %parallel_loop3A_2470 = arith.constant 2 : i32
      %parallel_loop3A_2471 = arith.constant 2 : i32
      %parallel_loop3A_2472 = arith.index_cast %parallel_loop3A_2470 : i32 to index
      %parallel_loop3A_2473 = arith.index_cast %parallel_loop3A_2471 : i32 to index
      %parallel_loop3A_2474 = arith.index_cast %parallel_loop3A_2442 : i32 to index
      %parallel_loop3A_2475 = arith.index_cast %parallel_loop3A_2445 : i32 to index
      %parallel_loop3A_2476 = tpu.vector_load %arg6[%parallel_loop3A_2472, %parallel_loop3A_2473, %parallel_loop3A_2474, %parallel_loop3A_2475] {strides = array<i32>} : memref<3x4x8x1024xf32, #tpu.memory_space<vmem>>, vector<1x1x1x16xf32>,
      %parallel_loop3A_2477 = vector.shape_cast %parallel_loop3A_2476 : vector<1x1x1x16xf32> to vector<16xf32>
      %parallel_loop3A_2478 = vector.shape_cast %parallel_loop3A_2451 : vector<16xf32> to vector<1x1x1x16xf32>
      tpu.vector_store %arg6[%parallel_loop3A_2472, %parallel_loop3A_2473, %parallel_loop3A_2474, %parallel_loop3A_2475], %parallel_loop3A_2478 {add = true, strides = array<i32>} : memref<3x4x8x1024xf32, #tpu.memory_space<vmem>>, vector<1x1x1x16xf32>,
      %parallel_loop3A_2479 = arith.constant 2 : i32
      %parallel_loop3A_2480 = arith.constant 3 : i32
      %parallel_loop3A_2481 = arith.index_cast %parallel_loop3A_2479 : i32 to index
      %parallel_loop3A_2482 = arith.index_cast %parallel_loop3A_2480 : i32 to index
      %parallel_loop3A_2483 = arith.index_cast %parallel_loop3A_2442 : i32 to index
      %parallel_loop3A_2484 = arith.index_cast %parallel_loop3A_2445 : i32 to index
      %parallel_loop3A_2485 = tpu.vector_load %arg6[%parallel_loop3A_2481, %parallel_loop3A_2482, %parallel_loop3A_2483, %parallel_loop3A_2484] {strides = array<i32>} : memref<3x4x8x1024xf32, #tpu.memory_space<vmem>>, vector<1x1x1x16xf32>,
      %parallel_loop3A_2486 = vector.shape_cast %parallel_loop3A_2485 : vector<1x1x1x16xf32> to vector<16xf32>
      %parallel_loop3A_2487 = vector.shape_cast %parallel_loop3A_2451 : vector<16xf32> to vector<1x1x1x16xf32>
      tpu.vector_store %arg6[%parallel_loop3A_2481, %parallel_loop3A_2482, %parallel_loop3A_2483, %parallel_loop3A_2484], %parallel_loop3A_2487 {add = true, strides = array<i32>} : memref<3x4x8x1024xf32, #tpu.memory_space<vmem>>, vector<1x1x1x16xf32>,
    } {sc.loop_unroll_factor = 4 : i64, sc.parallel_access}
    %add3A_1707 = arith.constant 40 : i32
    %add3A_1708 = arith.addi %mul3A_2, %add3A_1707 : i32
    %dma_start3A_1709 = arith.constant 2 : i32
    %dma_start3A_1710 = arith.constant 0 : i32
    %dma_start3A_1711 = arith.constant 0 : i32
    %dma_start3A_1712 = arith.constant 0 : i32
    %dma_start3A_1713 = arith.constant 0 : i32
    %dma_start3A_1714 = tpu.memref_slice %arg6[%dma_start3A_1709, %dma_start3A_1710, %dma_start3A_1712, %dma_start3A_1713] : memref<3x4x8x1024xf32, #tpu.memory_space<vmem>> -> memref<1x1x8x1024xf32, #tpu.memory_space<vmem>>
    %dma_start3A_1715 = tpu.memref_squeeze %dma_start3A_1714 : memref<1x1x8x1024xf32, #tpu.memory_space<vmem>> -> memref<8x1024xf32, #tpu.memory_space<vmem>>
    %dma_start3A_1716 = arith.constant 0 : i32
    %dma_start3A_1717 = tpu.memref_slice %arg4[%dma_start3A_1711, %add3A_1708, %dma_start3A_1716] : memref<4x2048x1024xf32, #tpu.memory_space<hbm>> -> memref<1x8x1024xf32, #tpu.memory_space<hbm>>
    %dma_start3A_1718 = tpu.memref_squeeze %dma_start3A_1717 : memref<1x8x1024xf32, #tpu.memory_space<hbm>> -> memref<8x1024xf32, #tpu.memory_space<hbm>>
    %dma_start3A_1719 = arith.constant 0 : i32
    %dma_start3A_1720 = tpu.memref_slice %arg4[%dma_start3A_1711, %add3A_1708, %dma_start3A_1719] : memref<4x2048x1024xf32, #tpu.memory_space<hbm>> -> memref<1x8x1024xf32, #tpu.memory_space<hbm>>
    %dma_start3A_1721 = tpu.memref_squeeze %dma_start3A_1720 : memref<1x8x1024xf32, #tpu.memory_space<hbm>> -> memref<8x1024xf32, #tpu.memory_space<hbm>>
    %dma_start3A_1722 = arith.constant 0 : i32
    %dma_start3A_1723 = arith.constant 0 : i32
    %dma_start3A_1724 = tpu.memref_slice %arg6[%dma_start3A_1709, %dma_start3A_1710, %dma_start3A_1722, %dma_start3A_1723] : memref<3x4x8x1024xf32, #tpu.memory_space<vmem>> -> memref<1x1x8x1024xf32, #tpu.memory_space<vmem>>
    %dma_start3A_1725 = tpu.memref_squeeze %dma_start3A_1724 : memref<1x1x8x1024xf32, #tpu.memory_space<vmem>> -> memref<8x1024xf32, #tpu.memory_space<vmem>>
    tpu.enqueue_dma source(%dma_start3A_1725 : memref<8x1024xf32, #tpu.memory_space<vmem>>) target(%dma_start3A_1721 : memref<8x1024xf32, #tpu.memory_space<hbm>>) target_semaphore(%arg12 : memref<!tpu.dma_semaphore, #tpu.memory_space<semaphore_mem>>)
    %dma_start3A_1726 = arith.constant 2 : i32
    %dma_start3A_1727 = arith.constant 1 : i32
    %dma_start3A_1728 = arith.constant 1 : i32
    %dma_start3A_1729 = arith.constant 0 : i32
    %dma_start3A_1730 = arith.constant 0 : i32
    %dma_start3A_1731 = tpu.memref_slice %arg6[%dma_start3A_1726, %dma_start3A_1727, %dma_start3A_1729, %dma_start3A_1730] : memref<3x4x8x1024xf32, #tpu.memory_space<vmem>> -> memref<1x1x8x1024xf32, #tpu.memory_space<vmem>>
    %dma_start3A_1732 = tpu.memref_squeeze %dma_start3A_1731 : memref<1x1x8x1024xf32, #tpu.memory_space<vmem>> -> memref<8x1024xf32, #tpu.memory_space<vmem>>
    %dma_start3A_1733 = arith.constant 0 : i32
    %dma_start3A_1734 = tpu.memref_slice %arg4[%dma_start3A_1728, %add3A_1708, %dma_start3A_1733] : memref<4x2048x1024xf32, #tpu.memory_space<hbm>> -> memref<1x8x1024xf32, #tpu.memory_space<hbm>>
    %dma_start3A_1735 = tpu.memref_squeeze %dma_start3A_1734 : memref<1x8x1024xf32, #tpu.memory_space<hbm>> -> memref<8x1024xf32, #tpu.memory_space<hbm>>
    %dma_start3A_1736 = arith.constant 0 : i32
    %dma_start3A_1737 = tpu.memref_slice %arg4[%dma_start3A_1728, %add3A_1708, %dma_start3A_1736] : memref<4x2048x1024xf32, #tpu.memory_space<hbm>> -> memref<1x8x1024xf32, #tpu.memory_space<hbm>>
    %dma_start3A_1738 = tpu.memref_squeeze %dma_start3A_1737 : memref<1x8x1024xf32, #tpu.memory_space<hbm>> -> memref<8x1024xf32, #tpu.memory_space<hbm>>
    %dma_start3A_1739 = arith.constant 0 : i32
    %dma_start3A_1740 = arith.constant 0 : i32
    %dma_start3A_1741 = tpu.memref_slice %arg6[%dma_start3A_1726, %dma_start3A_1727, %dma_start3A_1739, %dma_start3A_1740] : memref<3x4x8x1024xf32, #tpu.memory_space<vmem>> -> memref<1x1x8x1024xf32, #tpu.memory_space<vmem>>
    %dma_start3A_1742 = tpu.memref_squeeze %dma_start3A_1741 : memref<1x1x8x1024xf32, #tpu.memory_space<vmem>> -> memref<8x1024xf32, #tpu.memory_space<vmem>>
    tpu.enqueue_dma source(%dma_start3A_1742 : memref<8x1024xf32, #tpu.memory_space<vmem>>) target(%dma_start3A_1738 : memref<8x1024xf32, #tpu.memory_space<hbm>>) target_semaphore(%arg12 : memref<!tpu.dma_semaphore, #tpu.memory_space<semaphore_mem>>)
    %dma_start3A_1743 = arith.constant 2 : i32
    %dma_start3A_1744 = arith.constant 2 : i32
    %dma_start3A_1745 = arith.constant 2 : i32
    %dma_start3A_1746 = arith.constant 0 : i32
    %dma_start3A_1747 = arith.constant 0 : i32
    %dma_start3A_1748 = tpu.memref_slice %arg6[%dma_start3A_1743, %dma_start3A_1744, %dma_start3A_1746, %dma_start3A_1747] : memref<3x4x8x1024xf32, #tpu.memory_space<vmem>> -> memref<1x1x8x1024xf32, #tpu.memory_space<vmem>>
    %dma_start3A_1749 = tpu.memref_squeeze %dma_start3A_1748 : memref<1x1x8x1024xf32, #tpu.memory_space<vmem>> -> memref<8x1024xf32, #tpu.memory_space<vmem>>
    %dma_start3A_1750 = arith.constant 0 : i32
    %dma_start3A_1751 = tpu.memref_slice %arg4[%dma_start3A_1745, %add3A_1708, %dma_start3A_1750] : memref<4x2048x1024xf32, #tpu.memory_space<hbm>> -> memref<1x8x1024xf32, #tpu.memory_space<hbm>>
    %dma_start3A_1752 = tpu.memref_squeeze %dma_start3A_1751 : memref<1x8x1024xf32, #tpu.memory_space<hbm>> -> memref<8x1024xf32, #tpu.memory_space<hbm>>
    %dma_start3A_1753 = arith.constant 0 : i32
    %dma_start3A_1754 = tpu.memref_slice %arg4[%dma_start3A_1745, %add3A_1708, %dma_start3A_1753] : memref<4x2048x1024xf32, #tpu.memory_space<hbm>> -> memref<1x8x1024xf32, #tpu.memory_space<hbm>>
    %dma_start3A_1755 = tpu.memref_squeeze %dma_start3A_1754 : memref<1x8x1024xf32, #tpu.memory_space<hbm>> -> memref<8x1024xf32, #tpu.memory_space<hbm>>
    %dma_start3A_1756 = arith.constant 0 : i32
    %dma_start3A_1757 = arith.constant 0 : i32
    %dma_start3A_1758 = tpu.memref_slice %arg6[%dma_start3A_1743, %dma_start3A_1744, %dma_start3A_1756, %dma_start3A_1757] : memref<3x4x8x1024xf32, #tpu.memory_space<vmem>> -> memref<1x1x8x1024xf32, #tpu.memory_space<vmem>>
    %dma_start3A_1759 = tpu.memref_squeeze %dma_start3A_1758 : memref<1x1x8x1024xf32, #tpu.memory_space<vmem>> -> memref<8x1024xf32, #tpu.memory_space<vmem>>
    tpu.enqueue_dma source(%dma_start3A_1759 : memref<8x1024xf32, #tpu.memory_space<vmem>>) target(%dma_start3A_1755 : memref<8x1024xf32, #tpu.memory_space<hbm>>) target_semaphore(%arg12 : memref<!tpu.dma_semaphore, #tpu.memory_space<semaphore_mem>>)
    %dma_start3A_1760 = arith.constant 2 : i32
    %dma_start3A_1761 = arith.constant 3 : i32
    %dma_start3A_1762 = arith.constant 3 : i32
    %dma_start3A_1763 = arith.constant 0 : i32
    %dma_start3A_1764 = arith.constant 0 : i32
    %dma_start3A_1765 = tpu.memref_slice %arg6[%dma_start3A_1760, %dma_start3A_1761, %dma_start3A_1763, %dma_start3A_1764] : memref<3x4x8x1024xf32, #tpu.memory_space<vmem>> -> memref<1x1x8x1024xf32, #tpu.memory_space<vmem>>
    %dma_start3A_1766 = tpu.memref_squeeze %dma_start3A_1765 : memref<1x1x8x1024xf32, #tpu.memory_space<vmem>> -> memref<8x1024xf32, #tpu.memory_space<vmem>>
    %dma_start3A_1767 = arith.constant 0 : i32
    %dma_start3A_1768 = tpu.memref_slice %arg4[%dma_start3A_1762, %add3A_1708, %dma_start3A_1767] : memref<4x2048x1024xf32, #tpu.memory_space<hbm>> -> memref<1x8x1024xf32, #tpu.memory_space<hbm>>
    %dma_start3A_1769 = tpu.memref_squeeze %dma_start3A_1768 : memref<1x8x1024xf32, #tpu.memory_space<hbm>> -> memref<8x1024xf32, #tpu.memory_space<hbm>>
    %dma_start3A_1770 = arith.constant 0 : i32
    %dma_start3A_1771 = tpu.memref_slice %arg4[%dma_start3A_1762, %add3A_1708, %dma_start3A_1770] : memref<4x2048x1024xf32, #tpu.memory_space<hbm>> -> memref<1x8x1024xf32, #tpu.memory_space<hbm>>
    %dma_start3A_1772 = tpu.memref_squeeze %dma_start3A_1771 : memref<1x8x1024xf32, #tpu.memory_space<hbm>> -> memref<8x1024xf32, #tpu.memory_space<hbm>>
    %dma_start3A_1773 = arith.constant 0 : i32
    %dma_start3A_1774 = arith.constant 0 : i32
    %dma_start3A_1775 = tpu.memref_slice %arg6[%dma_start3A_1760, %dma_start3A_1761, %dma_start3A_1773, %dma_start3A_1774] : memref<3x4x8x1024xf32, #tpu.memory_space<vmem>> -> memref<1x1x8x1024xf32, #tpu.memory_space<vmem>>
    %dma_start3A_1776 = tpu.memref_squeeze %dma_start3A_1775 : memref<1x1x8x1024xf32, #tpu.memory_space<vmem>> -> memref<8x1024xf32, #tpu.memory_space<vmem>>
    tpu.enqueue_dma source(%dma_start3A_1776 : memref<8x1024xf32, #tpu.memory_space<vmem>>) target(%dma_start3A_1772 : memref<8x1024xf32, #tpu.memory_space<hbm>>) target_semaphore(%arg12 : memref<!tpu.dma_semaphore, #tpu.memory_space<semaphore_mem>>)
    %dma_wait3A_1777 = arith.constant 1 : i32
    %dma_wait3A_1778 = arith.constant 0 : i32
    %dma_wait3A_1779 = arith.constant 0 : i32
    %dma_wait3A_1780 = arith.constant 0 : i32
    %dma_wait3A_1781 = arith.constant 0 : i32
    %dma_wait3A_1782 = tpu.memref_slice %arg6[%dma_wait3A_1777, %dma_wait3A_1778, %dma_wait3A_1780, %dma_wait3A_1781] : memref<3x4x8x1024xf32, #tpu.memory_space<vmem>> -> memref<1x1x8x1024xf32, #tpu.memory_space<vmem>>
    %dma_wait3A_1783 = tpu.memref_squeeze %dma_wait3A_1782 : memref<1x1x8x1024xf32, #tpu.memory_space<vmem>> -> memref<8x1024xf32, #tpu.memory_space<vmem>>
    %dma_wait3A_1784 = arith.constant 0 : i32
    %dma_wait3A_1785 = tpu.memref_slice %arg4[%dma_wait3A_1779, %add3A_1403, %dma_wait3A_1784] : memref<4x2048x1024xf32, #tpu.memory_space<hbm>> -> memref<1x8x1024xf32, #tpu.memory_space<hbm>>
    %dma_wait3A_1786 = tpu.memref_squeeze %dma_wait3A_1785 : memref<1x8x1024xf32, #tpu.memory_space<hbm>> -> memref<8x1024xf32, #tpu.memory_space<hbm>>
    %dma_wait3A_1787 = arith.constant 0 : i32
    %dma_wait3A_1788 = tpu.memref_slice %arg4[%dma_wait3A_1779, %add3A_1403, %dma_wait3A_1787] : memref<4x2048x1024xf32, #tpu.memory_space<hbm>> -> memref<1x8x1024xf32, #tpu.memory_space<hbm>>
    %dma_wait3A_1789 = tpu.memref_squeeze %dma_wait3A_1788 : memref<1x8x1024xf32, #tpu.memory_space<hbm>> -> memref<8x1024xf32, #tpu.memory_space<hbm>>
    %dma_wait3A_1790 = arith.constant 0 : i32
    %dma_wait3A_1791 = arith.constant 0 : i32
    %dma_wait3A_1792 = tpu.memref_slice %arg6[%dma_wait3A_1777, %dma_wait3A_1778, %dma_wait3A_1790, %dma_wait3A_1791] : memref<3x4x8x1024xf32, #tpu.memory_space<vmem>> -> memref<1x1x8x1024xf32, #tpu.memory_space<vmem>>
    %dma_wait3A_1793 = tpu.memref_squeeze %dma_wait3A_1792 : memref<1x1x8x1024xf32, #tpu.memory_space<vmem>> -> memref<8x1024xf32, #tpu.memory_space<vmem>>
    tpu.wait_dma2 semaphore(%arg11 : memref<!tpu.dma_semaphore, #tpu.memory_space<semaphore_mem>>) src(%dma_wait3A_1793 : memref<8x1024xf32, #tpu.memory_space<vmem>>) dst(%dma_wait3A_1789 : memref<8x1024xf32, #tpu.memory_space<hbm>>)
    %dma_wait3A_1794 = arith.constant 1 : i32
    %dma_wait3A_1795 = arith.constant 1 : i32
    %dma_wait3A_1796 = arith.constant 1 : i32
    %dma_wait3A_1797 = arith.constant 0 : i32
    %dma_wait3A_1798 = arith.constant 0 : i32
    %dma_wait3A_1799 = tpu.memref_slice %arg6[%dma_wait3A_1794, %dma_wait3A_1795, %dma_wait3A_1797, %dma_wait3A_1798] : memref<3x4x8x1024xf32, #tpu.memory_space<vmem>> -> memref<1x1x8x1024xf32, #tpu.memory_space<vmem>>
    %dma_wait3A_1800 = tpu.memref_squeeze %dma_wait3A_1799 : memref<1x1x8x1024xf32, #tpu.memory_space<vmem>> -> memref<8x1024xf32, #tpu.memory_space<vmem>>
    %dma_wait3A_1801 = arith.constant 0 : i32
    %dma_wait3A_1802 = tpu.memref_slice %arg4[%dma_wait3A_1796, %add3A_1403, %dma_wait3A_1801] : memref<4x2048x1024xf32, #tpu.memory_space<hbm>> -> memref<1x8x1024xf32, #tpu.memory_space<hbm>>
    %dma_wait3A_1803 = tpu.memref_squeeze %dma_wait3A_1802 : memref<1x8x1024xf32, #tpu.memory_space<hbm>> -> memref<8x1024xf32, #tpu.memory_space<hbm>>
    %dma_wait3A_1804 = arith.constant 0 : i32
    %dma_wait3A_1805 = tpu.memref_slice %arg4[%dma_wait3A_1796, %add3A_1403, %dma_wait3A_1804] : memref<4x2048x1024xf32, #tpu.memory_space<hbm>> -> memref<1x8x1024xf32, #tpu.memory_space<hbm>>
    %dma_wait3A_1806 = tpu.memref_squeeze %dma_wait3A_1805 : memref<1x8x1024xf32, #tpu.memory_space<hbm>> -> memref<8x1024xf32, #tpu.memory_space<hbm>>
    %dma_wait3A_1807 = arith.constant 0 : i32
    %dma_wait3A_1808 = arith.constant 0 : i32
    %dma_wait3A_1809 = tpu.memref_slice %arg6[%dma_wait3A_1794, %dma_wait3A_1795, %dma_wait3A_1807, %dma_wait3A_1808] : memref<3x4x8x1024xf32, #tpu.memory_space<vmem>> -> memref<1x1x8x1024xf32, #tpu.memory_space<vmem>>
    %dma_wait3A_1810 = tpu.memref_squeeze %dma_wait3A_1809 : memref<1x1x8x1024xf32, #tpu.memory_space<vmem>> -> memref<8x1024xf32, #tpu.memory_space<vmem>>
    tpu.wait_dma2 semaphore(%arg11 : memref<!tpu.dma_semaphore, #tpu.memory_space<semaphore_mem>>) src(%dma_wait3A_1810 : memref<8x1024xf32, #tpu.memory_space<vmem>>) dst(%dma_wait3A_1806 : memref<8x1024xf32, #tpu.memory_space<hbm>>)
    %dma_wait3A_1811 = arith.constant 1 : i32
    %dma_wait3A_1812 = arith.constant 2 : i32
    %dma_wait3A_1813 = arith.constant 2 : i32
    %dma_wait3A_1814 = arith.constant 0 : i32
    %dma_wait3A_1815 = arith.constant 0 : i32
    %dma_wait3A_1816 = tpu.memref_slice %arg6[%dma_wait3A_1811, %dma_wait3A_1812, %dma_wait3A_1814, %dma_wait3A_1815] : memref<3x4x8x1024xf32, #tpu.memory_space<vmem>> -> memref<1x1x8x1024xf32, #tpu.memory_space<vmem>>
    %dma_wait3A_1817 = tpu.memref_squeeze %dma_wait3A_1816 : memref<1x1x8x1024xf32, #tpu.memory_space<vmem>> -> memref<8x1024xf32, #tpu.memory_space<vmem>>
    %dma_wait3A_1818 = arith.constant 0 : i32
    %dma_wait3A_1819 = tpu.memref_slice %arg4[%dma_wait3A_1813, %add3A_1403, %dma_wait3A_1818] : memref<4x2048x1024xf32, #tpu.memory_space<hbm>> -> memref<1x8x1024xf32, #tpu.memory_space<hbm>>
    %dma_wait3A_1820 = tpu.memref_squeeze %dma_wait3A_1819 : memref<1x8x1024xf32, #tpu.memory_space<hbm>> -> memref<8x1024xf32, #tpu.memory_space<hbm>>
    %dma_wait3A_1821 = arith.constant 0 : i32
    %dma_wait3A_1822 = tpu.memref_slice %arg4[%dma_wait3A_1813, %add3A_1403, %dma_wait3A_1821] : memref<4x2048x1024xf32, #tpu.memory_space<hbm>> -> memref<1x8x1024xf32, #tpu.memory_space<hbm>>
    %dma_wait3A_1823 = tpu.memref_squeeze %dma_wait3A_1822 : memref<1x8x1024xf32, #tpu.memory_space<hbm>> -> memref<8x1024xf32, #tpu.memory_space<hbm>>
    %dma_wait3A_1824 = arith.constant 0 : i32
    %dma_wait3A_1825 = arith.constant 0 : i32
    %dma_wait3A_1826 = tpu.memref_slice %arg6[%dma_wait3A_1811, %dma_wait3A_1812, %dma_wait3A_1824, %dma_wait3A_1825] : memref<3x4x8x1024xf32, #tpu.memory_space<vmem>> -> memref<1x1x8x1024xf32, #tpu.memory_space<vmem>>
    %dma_wait3A_1827 = tpu.memref_squeeze %dma_wait3A_1826 : memref<1x1x8x1024xf32, #tpu.memory_space<vmem>> -> memref<8x1024xf32, #tpu.memory_space<vmem>>
    tpu.wait_dma2 semaphore(%arg11 : memref<!tpu.dma_semaphore, #tpu.memory_space<semaphore_mem>>) src(%dma_wait3A_1827 : memref<8x1024xf32, #tpu.memory_space<vmem>>) dst(%dma_wait3A_1823 : memref<8x1024xf32, #tpu.memory_space<hbm>>)
    %dma_wait3A_1828 = arith.constant 1 : i32
    %dma_wait3A_1829 = arith.constant 3 : i32
    %dma_wait3A_1830 = arith.constant 3 : i32
    %dma_wait3A_1831 = arith.constant 0 : i32
    %dma_wait3A_1832 = arith.constant 0 : i32
    %dma_wait3A_1833 = tpu.memref_slice %arg6[%dma_wait3A_1828, %dma_wait3A_1829, %dma_wait3A_1831, %dma_wait3A_1832] : memref<3x4x8x1024xf32, #tpu.memory_space<vmem>> -> memref<1x1x8x1024xf32, #tpu.memory_space<vmem>>
    %dma_wait3A_1834 = tpu.memref_squeeze %dma_wait3A_1833 : memref<1x1x8x1024xf32, #tpu.memory_space<vmem>> -> memref<8x1024xf32, #tpu.memory_space<vmem>>
    %dma_wait3A_1835 = arith.constant 0 : i32
    %dma_wait3A_1836 = tpu.memref_slice %arg4[%dma_wait3A_1830, %add3A_1403, %dma_wait3A_1835] : memref<4x2048x1024xf32, #tpu.memory_space<hbm>> -> memref<1x8x1024xf32, #tpu.memory_space<hbm>>
    %dma_wait3A_1837 = tpu.memref_squeeze %dma_wait3A_1836 : memref<1x8x1024xf32, #tpu.memory_space<hbm>> -> memref<8x1024xf32, #tpu.memory_space<hbm>>
    %dma_wait3A_1838 = arith.constant 0 : i32
    %dma_wait3A_1839 = tpu.memref_slice %arg4[%dma_wait3A_1830, %add3A_1403, %dma_wait3A_1838] : memref<4x2048x1024xf32, #tpu.memory_space<hbm>> -> memref<1x8x1024xf32, #tpu.memory_space<hbm>>
    %dma_wait3A_1840 = tpu.memref_squeeze %dma_wait3A_1839 : memref<1x8x1024xf32, #tpu.memory_space<hbm>> -> memref<8x1024xf32, #tpu.memory_space<hbm>>
    %dma_wait3A_1841 = arith.constant 0 : i32
    %dma_wait3A_1842 = arith.constant 0 : i32
    %dma_wait3A_1843 = tpu.memref_slice %arg6[%dma_wait3A_1828, %dma_wait3A_1829, %dma_wait3A_1841, %dma_wait3A_1842] : memref<3x4x8x1024xf32, #tpu.memory_space<vmem>> -> memref<1x1x8x1024xf32, #tpu.memory_space<vmem>>
    %dma_wait3A_1844 = tpu.memref_squeeze %dma_wait3A_1843 : memref<1x1x8x1024xf32, #tpu.memory_space<vmem>> -> memref<8x1024xf32, #tpu.memory_space<vmem>>
    tpu.wait_dma2 semaphore(%arg11 : memref<!tpu.dma_semaphore, #tpu.memory_space<semaphore_mem>>) src(%dma_wait3A_1844 : memref<8x1024xf32, #tpu.memory_space<vmem>>) dst(%dma_wait3A_1840 : memref<8x1024xf32, #tpu.memory_space<hbm>>)
    %add3A_1845 = arith.constant 56 : i32
    %add3A_1846 = arith.addi %mul3A_2, %add3A_1845 : i32
    %dma_start3A_1847 = arith.constant 1 : i32
    %dma_start3A_1848 = arith.constant 0 : i32
    %dma_start3A_1849 = arith.constant 0 : i32
    %dma_start3A_1850 = tpu.memref_slice %arg5[%dma_start3A_1847, %dma_start3A_1848, %dma_start3A_1849] : memref<3x8x1024xf32, #tpu.memory_space<vmem>> -> memref<1x8x1024xf32, #tpu.memory_space<vmem>>
    %dma_start3A_1851 = tpu.memref_squeeze %dma_start3A_1850 : memref<1x8x1024xf32, #tpu.memory_space<vmem>> -> memref<8x1024xf32, #tpu.memory_space<vmem>>
    %dma_start3A_1852 = arith.constant 0 : i32
    %dma_start3A_1853 = tpu.memref_slice %arg3[%add3A_1846, %dma_start3A_1852] : memref<2048x1024xf32, #tpu.memory_space<hbm>> -> memref<8x1024xf32, #tpu.memory_space<hbm>>
    %dma_start3A_1854 = arith.constant 0 : i32
    %dma_start3A_1855 = arith.constant 0 : i32
    %dma_start3A_1856 = tpu.memref_slice %arg5[%dma_start3A_1847, %dma_start3A_1854, %dma_start3A_1855] : memref<3x8x1024xf32, #tpu.memory_space<vmem>> -> memref<1x8x1024xf32, #tpu.memory_space<vmem>>
    %dma_start3A_1857 = tpu.memref_squeeze %dma_start3A_1856 : memref<1x8x1024xf32, #tpu.memory_space<vmem>> -> memref<8x1024xf32, #tpu.memory_space<vmem>>
    %dma_start3A_1858 = arith.constant 0 : i32
    %dma_start3A_1859 = tpu.memref_slice %arg3[%add3A_1846, %dma_start3A_1858] : memref<2048x1024xf32, #tpu.memory_space<hbm>> -> memref<8x1024xf32, #tpu.memory_space<hbm>>
    tpu.enqueue_dma source(%dma_start3A_1859 : memref<8x1024xf32, #tpu.memory_space<hbm>>) target(%dma_start3A_1857 : memref<8x1024xf32, #tpu.memory_space<vmem>>) target_semaphore(%arg8 : memref<!tpu.dma_semaphore, #tpu.memory_space<semaphore_mem>>)
    %dma_start3A_1860 = arith.constant 0 : i32
    %dma_start3A_1861 = arith.constant 1 : i32
    %dma_start3A_1862 = arith.constant 0 : i32
    %dma_start3A_1863 = arith.constant 0 : i32
    %dma_start3A_1864 = arith.constant 0 : i32
    %dma_start3A_1865 = tpu.memref_slice %arg6[%dma_start3A_1861, %dma_start3A_1862, %dma_start3A_1863, %dma_start3A_1864] : memref<3x4x8x1024xf32, #tpu.memory_space<vmem>> -> memref<1x1x8x1024xf32, #tpu.memory_space<vmem>>
    %dma_start3A_1866 = tpu.memref_squeeze %dma_start3A_1865 : memref<1x1x8x1024xf32, #tpu.memory_space<vmem>> -> memref<8x1024xf32, #tpu.memory_space<vmem>>
    %dma_start3A_1867 = arith.constant 0 : i32
    %dma_start3A_1868 = tpu.memref_slice %arg2[%dma_start3A_1860, %add3A_1846, %dma_start3A_1867] : memref<4x2048x1024xf32, #tpu.memory_space<hbm>> -> memref<1x8x1024xf32, #tpu.memory_space<hbm>>
    %dma_start3A_1869 = tpu.memref_squeeze %dma_start3A_1868 : memref<1x8x1024xf32, #tpu.memory_space<hbm>> -> memref<8x1024xf32, #tpu.memory_space<hbm>>
    %dma_start3A_1870 = arith.constant 0 : i32
    %dma_start3A_1871 = arith.constant 0 : i32
    %dma_start3A_1872 = tpu.memref_slice %arg6[%dma_start3A_1861, %dma_start3A_1862, %dma_start3A_1870, %dma_start3A_1871] : memref<3x4x8x1024xf32, #tpu.memory_space<vmem>> -> memref<1x1x8x1024xf32, #tpu.memory_space<vmem>>
    %dma_start3A_1873 = tpu.memref_squeeze %dma_start3A_1872 : memref<1x1x8x1024xf32, #tpu.memory_space<vmem>> -> memref<8x1024xf32, #tpu.memory_space<vmem>>
    %dma_start3A_1874 = arith.constant 0 : i32
    %dma_start3A_1875 = tpu.memref_slice %arg2[%dma_start3A_1860, %add3A_1846, %dma_start3A_1874] : memref<4x2048x1024xf32, #tpu.memory_space<hbm>> -> memref<1x8x1024xf32, #tpu.memory_space<hbm>>
    %dma_start3A_1876 = tpu.memref_squeeze %dma_start3A_1875 : memref<1x8x1024xf32, #tpu.memory_space<hbm>> -> memref<8x1024xf32, #tpu.memory_space<hbm>>
    tpu.enqueue_dma source(%dma_start3A_1876 : memref<8x1024xf32, #tpu.memory_space<hbm>>) target(%dma_start3A_1873 : memref<8x1024xf32, #tpu.memory_space<vmem>>) target_semaphore(%arg8 : memref<!tpu.dma_semaphore, #tpu.memory_space<semaphore_mem>>)
    %dma_start3A_1877 = arith.constant 1 : i32
    %dma_start3A_1878 = arith.constant 1 : i32
    %dma_start3A_1879 = arith.constant 1 : i32
    %dma_start3A_1880 = arith.constant 0 : i32
    %dma_start3A_1881 = arith.constant 0 : i32
    %dma_start3A_1882 = tpu.memref_slice %arg6[%dma_start3A_1878, %dma_start3A_1879, %dma_start3A_1880, %dma_start3A_1881] : memref<3x4x8x1024xf32, #tpu.memory_space<vmem>> -> memref<1x1x8x1024xf32, #tpu.memory_space<vmem>>
    %dma_start3A_1883 = tpu.memref_squeeze %dma_start3A_1882 : memref<1x1x8x1024xf32, #tpu.memory_space<vmem>> -> memref<8x1024xf32, #tpu.memory_space<vmem>>
    %dma_start3A_1884 = arith.constant 0 : i32
    %dma_start3A_1885 = tpu.memref_slice %arg2[%dma_start3A_1877, %add3A_1846, %dma_start3A_1884] : memref<4x2048x1024xf32, #tpu.memory_space<hbm>> -> memref<1x8x1024xf32, #tpu.memory_space<hbm>>
    %dma_start3A_1886 = tpu.memref_squeeze %dma_start3A_1885 : memref<1x8x1024xf32, #tpu.memory_space<hbm>> -> memref<8x1024xf32, #tpu.memory_space<hbm>>
    %dma_start3A_1887 = arith.constant 0 : i32
    %dma_start3A_1888 = arith.constant 0 : i32
    %dma_start3A_1889 = tpu.memref_slice %arg6[%dma_start3A_1878, %dma_start3A_1879, %dma_start3A_1887, %dma_start3A_1888] : memref<3x4x8x1024xf32, #tpu.memory_space<vmem>> -> memref<1x1x8x1024xf32, #tpu.memory_space<vmem>>
    %dma_start3A_1890 = tpu.memref_squeeze %dma_start3A_1889 : memref<1x1x8x1024xf32, #tpu.memory_space<vmem>> -> memref<8x1024xf32, #tpu.memory_space<vmem>>
    %dma_start3A_1891 = arith.constant 0 : i32
    %dma_start3A_1892 = tpu.memref_slice %arg2[%dma_start3A_1877, %add3A_1846, %dma_start3A_1891] : memref<4x2048x1024xf32, #tpu.memory_space<hbm>> -> memref<1x8x1024xf32, #tpu.memory_space<hbm>>
    %dma_start3A_1893 = tpu.memref_squeeze %dma_start3A_1892 : memref<1x8x1024xf32, #tpu.memory_space<hbm>> -> memref<8x1024xf32, #tpu.memory_space<hbm>>
    tpu.enqueue_dma source(%dma_start3A_1893 : memref<8x1024xf32, #tpu.memory_space<hbm>>) target(%dma_start3A_1890 : memref<8x1024xf32, #tpu.memory_space<vmem>>) target_semaphore(%arg8 : memref<!tpu.dma_semaphore, #tpu.memory_space<semaphore_mem>>)
    %dma_start3A_1894 = arith.constant 2 : i32
    %dma_start3A_1895 = arith.constant 1 : i32
    %dma_start3A_1896 = arith.constant 2 : i32
    %dma_start3A_1897 = arith.constant 0 : i32
    %dma_start3A_1898 = arith.constant 0 : i32
    %dma_start3A_1899 = tpu.memref_slice %arg6[%dma_start3A_1895, %dma_start3A_1896, %dma_start3A_1897, %dma_start3A_1898] : memref<3x4x8x1024xf32, #tpu.memory_space<vmem>> -> memref<1x1x8x1024xf32, #tpu.memory_space<vmem>>
    %dma_start3A_1900 = tpu.memref_squeeze %dma_start3A_1899 : memref<1x1x8x1024xf32, #tpu.memory_space<vmem>> -> memref<8x1024xf32, #tpu.memory_space<vmem>>
    %dma_start3A_1901 = arith.constant 0 : i32
    %dma_start3A_1902 = tpu.memref_slice %arg2[%dma_start3A_1894, %add3A_1846, %dma_start3A_1901] : memref<4x2048x1024xf32, #tpu.memory_space<hbm>> -> memref<1x8x1024xf32, #tpu.memory_space<hbm>>
    %dma_start3A_1903 = tpu.memref_squeeze %dma_start3A_1902 : memref<1x8x1024xf32, #tpu.memory_space<hbm>> -> memref<8x1024xf32, #tpu.memory_space<hbm>>
    %dma_start3A_1904 = arith.constant 0 : i32
    %dma_start3A_1905 = arith.constant 0 : i32
    %dma_start3A_1906 = tpu.memref_slice %arg6[%dma_start3A_1895, %dma_start3A_1896, %dma_start3A_1904, %dma_start3A_1905] : memref<3x4x8x1024xf32, #tpu.memory_space<vmem>> -> memref<1x1x8x1024xf32, #tpu.memory_space<vmem>>
    %dma_start3A_1907 = tpu.memref_squeeze %dma_start3A_1906 : memref<1x1x8x1024xf32, #tpu.memory_space<vmem>> -> memref<8x1024xf32, #tpu.memory_space<vmem>>
    %dma_start3A_1908 = arith.constant 0 : i32
    %dma_start3A_1909 = tpu.memref_slice %arg2[%dma_start3A_1894, %add3A_1846, %dma_start3A_1908] : memref<4x2048x1024xf32, #tpu.memory_space<hbm>> -> memref<1x8x1024xf32, #tpu.memory_space<hbm>>
    %dma_start3A_1910 = tpu.memref_squeeze %dma_start3A_1909 : memref<1x8x1024xf32, #tpu.memory_space<hbm>> -> memref<8x1024xf32, #tpu.memory_space<hbm>>
    tpu.enqueue_dma source(%dma_start3A_1910 : memref<8x1024xf32, #tpu.memory_space<hbm>>) target(%dma_start3A_1907 : memref<8x1024xf32, #tpu.memory_space<vmem>>) target_semaphore(%arg8 : memref<!tpu.dma_semaphore, #tpu.memory_space<semaphore_mem>>)
    %dma_start3A_1911 = arith.constant 3 : i32
    %dma_start3A_1912 = arith.constant 1 : i32
    %dma_start3A_1913 = arith.constant 3 : i32
    %dma_start3A_1914 = arith.constant 0 : i32
    %dma_start3A_1915 = arith.constant 0 : i32
    %dma_start3A_1916 = tpu.memref_slice %arg6[%dma_start3A_1912, %dma_start3A_1913, %dma_start3A_1914, %dma_start3A_1915] : memref<3x4x8x1024xf32, #tpu.memory_space<vmem>> -> memref<1x1x8x1024xf32, #tpu.memory_space<vmem>>
    %dma_start3A_1917 = tpu.memref_squeeze %dma_start3A_1916 : memref<1x1x8x1024xf32, #tpu.memory_space<vmem>> -> memref<8x1024xf32, #tpu.memory_space<vmem>>
    %dma_start3A_1918 = arith.constant 0 : i32
    %dma_start3A_1919 = tpu.memref_slice %arg2[%dma_start3A_1911, %add3A_1846, %dma_start3A_1918] : memref<4x2048x1024xf32, #tpu.memory_space<hbm>> -> memref<1x8x1024xf32, #tpu.memory_space<hbm>>
    %dma_start3A_1920 = tpu.memref_squeeze %dma_start3A_1919 : memref<1x8x1024xf32, #tpu.memory_space<hbm>> -> memref<8x1024xf32, #tpu.memory_space<hbm>>
    %dma_start3A_1921 = arith.constant 0 : i32
    %dma_start3A_1922 = arith.constant 0 : i32
    %dma_start3A_1923 = tpu.memref_slice %arg6[%dma_start3A_1912, %dma_start3A_1913, %dma_start3A_1921, %dma_start3A_1922] : memref<3x4x8x1024xf32, #tpu.memory_space<vmem>> -> memref<1x1x8x1024xf32, #tpu.memory_space<vmem>>
    %dma_start3A_1924 = tpu.memref_squeeze %dma_start3A_1923 : memref<1x1x8x1024xf32, #tpu.memory_space<vmem>> -> memref<8x1024xf32, #tpu.memory_space<vmem>>
    %dma_start3A_1925 = arith.constant 0 : i32
    %dma_start3A_1926 = tpu.memref_slice %arg2[%dma_start3A_1911, %add3A_1846, %dma_start3A_1925] : memref<4x2048x1024xf32, #tpu.memory_space<hbm>> -> memref<1x8x1024xf32, #tpu.memory_space<hbm>>
    %dma_start3A_1927 = tpu.memref_squeeze %dma_start3A_1926 : memref<1x8x1024xf32, #tpu.memory_space<hbm>> -> memref<8x1024xf32, #tpu.memory_space<hbm>>
    tpu.enqueue_dma source(%dma_start3A_1927 : memref<8x1024xf32, #tpu.memory_space<hbm>>) target(%dma_start3A_1924 : memref<8x1024xf32, #tpu.memory_space<vmem>>) target_semaphore(%arg8 : memref<!tpu.dma_semaphore, #tpu.memory_space<semaphore_mem>>)
    %dma_wait3A_1928 = arith.constant 0 : i32
    %dma_wait3A_1929 = arith.constant 0 : i32
    %dma_wait3A_1930 = arith.constant 0 : i32
    %dma_wait3A_1931 = tpu.memref_slice %arg5[%dma_wait3A_1928, %dma_wait3A_1929, %dma_wait3A_1930] : memref<3x8x1024xf32, #tpu.memory_space<vmem>> -> memref<1x8x1024xf32, #tpu.memory_space<vmem>>
    %dma_wait3A_1932 = tpu.memref_squeeze %dma_wait3A_1931 : memref<1x8x1024xf32, #tpu.memory_space<vmem>> -> memref<8x1024xf32, #tpu.memory_space<vmem>>
    %dma_wait3A_1933 = arith.constant 0 : i32
    %dma_wait3A_1934 = tpu.memref_slice %arg3[%add3A_1541, %dma_wait3A_1933] : memref<2048x1024xf32, #tpu.memory_space<hbm>> -> memref<8x1024xf32, #tpu.memory_space<hbm>>
    %dma_wait3A_1935 = arith.constant 0 : i32
    %dma_wait3A_1936 = arith.constant 0 : i32
    %dma_wait3A_1937 = tpu.memref_slice %arg5[%dma_wait3A_1928, %dma_wait3A_1935, %dma_wait3A_1936] : memref<3x8x1024xf32, #tpu.memory_space<vmem>> -> memref<1x8x1024xf32, #tpu.memory_space<vmem>>
    %dma_wait3A_1938 = tpu.memref_squeeze %dma_wait3A_1937 : memref<1x8x1024xf32, #tpu.memory_space<vmem>> -> memref<8x1024xf32, #tpu.memory_space<vmem>>
    %dma_wait3A_1939 = arith.constant 0 : i32
    %dma_wait3A_1940 = tpu.memref_slice %arg3[%add3A_1541, %dma_wait3A_1939] : memref<2048x1024xf32, #tpu.memory_space<hbm>> -> memref<8x1024xf32, #tpu.memory_space<hbm>>
    tpu.wait_dma2 semaphore(%arg7 : memref<!tpu.dma_semaphore, #tpu.memory_space<semaphore_mem>>) src(%dma_wait3A_1940 : memref<8x1024xf32, #tpu.memory_space<hbm>>) dst(%dma_wait3A_1938 : memref<8x1024xf32, #tpu.memory_space<vmem>>)
    %dma_wait3A_1941 = arith.constant 0 : i32
    %dma_wait3A_1942 = arith.constant 0 : i32
    %dma_wait3A_1943 = arith.constant 0 : i32
    %dma_wait3A_1944 = arith.constant 0 : i32
    %dma_wait3A_1945 = arith.constant 0 : i32
    %dma_wait3A_1946 = tpu.memref_slice %arg6[%dma_wait3A_1942, %dma_wait3A_1943, %dma_wait3A_1944, %dma_wait3A_1945] : memref<3x4x8x1024xf32, #tpu.memory_space<vmem>> -> memref<1x1x8x1024xf32, #tpu.memory_space<vmem>>
    %dma_wait3A_1947 = tpu.memref_squeeze %dma_wait3A_1946 : memref<1x1x8x1024xf32, #tpu.memory_space<vmem>> -> memref<8x1024xf32, #tpu.memory_space<vmem>>
    %dma_wait3A_1948 = arith.constant 0 : i32
    %dma_wait3A_1949 = tpu.memref_slice %arg2[%dma_wait3A_1941, %add3A_1541, %dma_wait3A_1948] : memref<4x2048x1024xf32, #tpu.memory_space<hbm>> -> memref<1x8x1024xf32, #tpu.memory_space<hbm>>
    %dma_wait3A_1950 = tpu.memref_squeeze %dma_wait3A_1949 : memref<1x8x1024xf32, #tpu.memory_space<hbm>> -> memref<8x1024xf32, #tpu.memory_space<hbm>>
    %dma_wait3A_1951 = arith.constant 0 : i32
    %dma_wait3A_1952 = arith.constant 0 : i32
    %dma_wait3A_1953 = tpu.memref_slice %arg6[%dma_wait3A_1942, %dma_wait3A_1943, %dma_wait3A_1951, %dma_wait3A_1952] : memref<3x4x8x1024xf32, #tpu.memory_space<vmem>> -> memref<1x1x8x1024xf32, #tpu.memory_space<vmem>>
    %dma_wait3A_1954 = tpu.memref_squeeze %dma_wait3A_1953 : memref<1x1x8x1024xf32, #tpu.memory_space<vmem>> -> memref<8x1024xf32, #tpu.memory_space<vmem>>
    %dma_wait3A_1955 = arith.constant 0 : i32
    %dma_wait3A_1956 = tpu.memref_slice %arg2[%dma_wait3A_1941, %add3A_1541, %dma_wait3A_1955] : memref<4x2048x1024xf32, #tpu.memory_space<hbm>> -> memref<1x8x1024xf32, #tpu.memory_space<hbm>>
    %dma_wait3A_1957 = tpu.memref_squeeze %dma_wait3A_1956 : memref<1x8x1024xf32, #tpu.memory_space<hbm>> -> memref<8x1024xf32, #tpu.memory_space<hbm>>
    tpu.wait_dma2 semaphore(%arg7 : memref<!tpu.dma_semaphore, #tpu.memory_space<semaphore_mem>>) src(%dma_wait3A_1957 : memref<8x1024xf32, #tpu.memory_space<hbm>>) dst(%dma_wait3A_1954 : memref<8x1024xf32, #tpu.memory_space<vmem>>)
    %dma_wait3A_1958 = arith.constant 1 : i32
    %dma_wait3A_1959 = arith.constant 0 : i32
    %dma_wait3A_1960 = arith.constant 1 : i32
    %dma_wait3A_1961 = arith.constant 0 : i32
    %dma_wait3A_1962 = arith.constant 0 : i32
    %dma_wait3A_1963 = tpu.memref_slice %arg6[%dma_wait3A_1959, %dma_wait3A_1960, %dma_wait3A_1961, %dma_wait3A_1962] : memref<3x4x8x1024xf32, #tpu.memory_space<vmem>> -> memref<1x1x8x1024xf32, #tpu.memory_space<vmem>>
    %dma_wait3A_1964 = tpu.memref_squeeze %dma_wait3A_1963 : memref<1x1x8x1024xf32, #tpu.memory_space<vmem>> -> memref<8x1024xf32, #tpu.memory_space<vmem>>
    %dma_wait3A_1965 = arith.constant 0 : i32
    %dma_wait3A_1966 = tpu.memref_slice %arg2[%dma_wait3A_1958, %add3A_1541, %dma_wait3A_1965] : memref<4x2048x1024xf32, #tpu.memory_space<hbm>> -> memref<1x8x1024xf32, #tpu.memory_space<hbm>>
    %dma_wait3A_1967 = tpu.memref_squeeze %dma_wait3A_1966 : memref<1x8x1024xf32, #tpu.memory_space<hbm>> -> memref<8x1024xf32, #tpu.memory_space<hbm>>
    %dma_wait3A_1968 = arith.constant 0 : i32
    %dma_wait3A_1969 = arith.constant 0 : i32
    %dma_wait3A_1970 = tpu.memref_slice %arg6[%dma_wait3A_1959, %dma_wait3A_1960, %dma_wait3A_1968, %dma_wait3A_1969] : memref<3x4x8x1024xf32, #tpu.memory_space<vmem>> -> memref<1x1x8x1024xf32, #tpu.memory_space<vmem>>
    %dma_wait3A_1971 = tpu.memref_squeeze %dma_wait3A_1970 : memref<1x1x8x1024xf32, #tpu.memory_space<vmem>> -> memref<8x1024xf32, #tpu.memory_space<vmem>>
    %dma_wait3A_1972 = arith.constant 0 : i32
    %dma_wait3A_1973 = tpu.memref_slice %arg2[%dma_wait3A_1958, %add3A_1541, %dma_wait3A_1972] : memref<4x2048x1024xf32, #tpu.memory_space<hbm>> -> memref<1x8x1024xf32, #tpu.memory_space<hbm>>
    %dma_wait3A_1974 = tpu.memref_squeeze %dma_wait3A_1973 : memref<1x8x1024xf32, #tpu.memory_space<hbm>> -> memref<8x1024xf32, #tpu.memory_space<hbm>>
    tpu.wait_dma2 semaphore(%arg7 : memref<!tpu.dma_semaphore, #tpu.memory_space<semaphore_mem>>) src(%dma_wait3A_1974 : memref<8x1024xf32, #tpu.memory_space<hbm>>) dst(%dma_wait3A_1971 : memref<8x1024xf32, #tpu.memory_space<vmem>>)
    %dma_wait3A_1975 = arith.constant 2 : i32
    %dma_wait3A_1976 = arith.constant 0 : i32
    %dma_wait3A_1977 = arith.constant 2 : i32
    %dma_wait3A_1978 = arith.constant 0 : i32
    %dma_wait3A_1979 = arith.constant 0 : i32
    %dma_wait3A_1980 = tpu.memref_slice %arg6[%dma_wait3A_1976, %dma_wait3A_1977, %dma_wait3A_1978, %dma_wait3A_1979] : memref<3x4x8x1024xf32, #tpu.memory_space<vmem>> -> memref<1x1x8x1024xf32, #tpu.memory_space<vmem>>
    %dma_wait3A_1981 = tpu.memref_squeeze %dma_wait3A_1980 : memref<1x1x8x1024xf32, #tpu.memory_space<vmem>> -> memref<8x1024xf32, #tpu.memory_space<vmem>>
    %dma_wait3A_1982 = arith.constant 0 : i32
    %dma_wait3A_1983 = tpu.memref_slice %arg2[%dma_wait3A_1975, %add3A_1541, %dma_wait3A_1982] : memref<4x2048x1024xf32, #tpu.memory_space<hbm>> -> memref<1x8x1024xf32, #tpu.memory_space<hbm>>
    %dma_wait3A_1984 = tpu.memref_squeeze %dma_wait3A_1983 : memref<1x8x1024xf32, #tpu.memory_space<hbm>> -> memref<8x1024xf32, #tpu.memory_space<hbm>>
    %dma_wait3A_1985 = arith.constant 0 : i32
    %dma_wait3A_1986 = arith.constant 0 : i32
    %dma_wait3A_1987 = tpu.memref_slice %arg6[%dma_wait3A_1976, %dma_wait3A_1977, %dma_wait3A_1985, %dma_wait3A_1986] : memref<3x4x8x1024xf32, #tpu.memory_space<vmem>> -> memref<1x1x8x1024xf32, #tpu.memory_space<vmem>>
    %dma_wait3A_1988 = tpu.memref_squeeze %dma_wait3A_1987 : memref<1x1x8x1024xf32, #tpu.memory_space<vmem>> -> memref<8x1024xf32, #tpu.memory_space<vmem>>
    %dma_wait3A_1989 = arith.constant 0 : i32
    %dma_wait3A_1990 = tpu.memref_slice %arg2[%dma_wait3A_1975, %add3A_1541, %dma_wait3A_1989] : memref<4x2048x1024xf32, #tpu.memory_space<hbm>> -> memref<1x8x1024xf32, #tpu.memory_space<hbm>>
    %dma_wait3A_1991 = tpu.memref_squeeze %dma_wait3A_1990 : memref<1x8x1024xf32, #tpu.memory_space<hbm>> -> memref<8x1024xf32, #tpu.memory_space<hbm>>
    tpu.wait_dma2 semaphore(%arg7 : memref<!tpu.dma_semaphore, #tpu.memory_space<semaphore_mem>>) src(%dma_wait3A_1991 : memref<8x1024xf32, #tpu.memory_space<hbm>>) dst(%dma_wait3A_1988 : memref<8x1024xf32, #tpu.memory_space<vmem>>)
    %dma_wait3A_1992 = arith.constant 3 : i32
    %dma_wait3A_1993 = arith.constant 0 : i32
    %dma_wait3A_1994 = arith.constant 3 : i32
    %dma_wait3A_1995 = arith.constant 0 : i32
    %dma_wait3A_1996 = arith.constant 0 : i32
    %dma_wait3A_1997 = tpu.memref_slice %arg6[%dma_wait3A_1993, %dma_wait3A_1994, %dma_wait3A_1995, %dma_wait3A_1996] : memref<3x4x8x1024xf32, #tpu.memory_space<vmem>> -> memref<1x1x8x1024xf32, #tpu.memory_space<vmem>>
    %dma_wait3A_1998 = tpu.memref_squeeze %dma_wait3A_1997 : memref<1x1x8x1024xf32, #tpu.memory_space<vmem>> -> memref<8x1024xf32, #tpu.memory_space<vmem>>
    %dma_wait3A_1999 = arith.constant 0 : i32
    %dma_wait3A_2000 = tpu.memref_slice %arg2[%dma_wait3A_1992, %add3A_1541, %dma_wait3A_1999] : memref<4x2048x1024xf32, #tpu.memory_space<hbm>> -> memref<1x8x1024xf32, #tpu.memory_space<hbm>>
    %dma_wait3A_2001 = tpu.memref_squeeze %dma_wait3A_2000 : memref<1x8x1024xf32, #tpu.memory_space<hbm>> -> memref<8x1024xf32, #tpu.memory_space<hbm>>
    %dma_wait3A_2002 = arith.constant 0 : i32
    %dma_wait3A_2003 = arith.constant 0 : i32
    %dma_wait3A_2004 = tpu.memref_slice %arg6[%dma_wait3A_1993, %dma_wait3A_1994, %dma_wait3A_2002, %dma_wait3A_2003] : memref<3x4x8x1024xf32, #tpu.memory_space<vmem>> -> memref<1x1x8x1024xf32, #tpu.memory_space<vmem>>
    %dma_wait3A_2005 = tpu.memref_squeeze %dma_wait3A_2004 : memref<1x1x8x1024xf32, #tpu.memory_space<vmem>> -> memref<8x1024xf32, #tpu.memory_space<vmem>>
    %dma_wait3A_2006 = arith.constant 0 : i32
    %dma_wait3A_2007 = tpu.memref_slice %arg2[%dma_wait3A_1992, %add3A_1541, %dma_wait3A_2006] : memref<4x2048x1024xf32, #tpu.memory_space<hbm>> -> memref<1x8x1024xf32, #tpu.memory_space<hbm>>
    %dma_wait3A_2008 = tpu.memref_squeeze %dma_wait3A_2007 : memref<1x8x1024xf32, #tpu.memory_space<hbm>> -> memref<8x1024xf32, #tpu.memory_space<hbm>>
    tpu.wait_dma2 semaphore(%arg7 : memref<!tpu.dma_semaphore, #tpu.memory_space<semaphore_mem>>) src(%dma_wait3A_2008 : memref<8x1024xf32, #tpu.memory_space<hbm>>) dst(%dma_wait3A_2005 : memref<8x1024xf32, #tpu.memory_space<vmem>>)
    %parallel_loop3A_2009 = arith.constant 0 : i32
    %parallel_loop3A_2010 = arith.constant 8192 : i32
    %parallel_loop3A_2011 = arith.constant 16 : i32
    scf.for %parallel_loop3A_2440 = %parallel_loop3A_2009 to %parallel_loop3A_2010 step %parallel_loop3A_2011  : i32 {
      %parallel_loop3A_2441 = arith.constant 10 : i32
      %parallel_loop3A_2442 = arith.shrsi %parallel_loop3A_2440, %parallel_loop3A_2441 : i32
      %parallel_loop3A_2443 = arith.constant 1023 : i32
      %parallel_loop3A_2444 = arith.andi %parallel_loop3A_2440, %parallel_loop3A_2443 : i32
      %parallel_loop3A_2445 = tpu.assume_multiple %parallel_loop3A_2444, 16 : i32
      %parallel_loop3A_2446 = arith.constant 0 : i32
      %parallel_loop3A_2447 = arith.index_cast %parallel_loop3A_2446 : i32 to index
      %parallel_loop3A_2448 = arith.index_cast %parallel_loop3A_2442 : i32 to index
      %parallel_loop3A_2449 = arith.index_cast %parallel_loop3A_2445 : i32 to index
      %parallel_loop3A_2450 = tpu.vector_load %arg5[%parallel_loop3A_2447, %parallel_loop3A_2448, %parallel_loop3A_2449] {strides = array<i32>} : memref<3x8x1024xf32, #tpu.memory_space<vmem>>, vector<1x1x16xf32>,
      %parallel_loop3A_2451 = vector.shape_cast %parallel_loop3A_2450 : vector<1x1x16xf32> to vector<16xf32>
      %parallel_loop3A_2452 = arith.constant 0 : i32
      %parallel_loop3A_2453 = arith.constant 0 : i32
      %parallel_loop3A_2454 = arith.index_cast %parallel_loop3A_2452 : i32 to index
      %parallel_loop3A_2455 = arith.index_cast %parallel_loop3A_2453 : i32 to index
      %parallel_loop3A_2456 = arith.index_cast %parallel_loop3A_2442 : i32 to index
      %parallel_loop3A_2457 = arith.index_cast %parallel_loop3A_2445 : i32 to index
      %parallel_loop3A_2458 = tpu.vector_load %arg6[%parallel_loop3A_2454, %parallel_loop3A_2455, %parallel_loop3A_2456, %parallel_loop3A_2457] {strides = array<i32>} : memref<3x4x8x1024xf32, #tpu.memory_space<vmem>>, vector<1x1x1x16xf32>,
      %parallel_loop3A_2459 = vector.shape_cast %parallel_loop3A_2458 : vector<1x1x1x16xf32> to vector<16xf32>
      %parallel_loop3A_2460 = vector.shape_cast %parallel_loop3A_2451 : vector<16xf32> to vector<1x1x1x16xf32>
      tpu.vector_store %arg6[%parallel_loop3A_2454, %parallel_loop3A_2455, %parallel_loop3A_2456, %parallel_loop3A_2457], %parallel_loop3A_2460 {add = true, strides = array<i32>} : memref<3x4x8x1024xf32, #tpu.memory_space<vmem>>, vector<1x1x1x16xf32>,
      %parallel_loop3A_2461 = arith.constant 0 : i32
      %parallel_loop3A_2462 = arith.constant 1 : i32
      %parallel_loop3A_2463 = arith.index_cast %parallel_loop3A_2461 : i32 to index
      %parallel_loop3A_2464 = arith.index_cast %parallel_loop3A_2462 : i32 to index
      %parallel_loop3A_2465 = arith.index_cast %parallel_loop3A_2442 : i32 to index
      %parallel_loop3A_2466 = arith.index_cast %parallel_loop3A_2445 : i32 to index
      %parallel_loop3A_2467 = tpu.vector_load %arg6[%parallel_loop3A_2463, %parallel_loop3A_2464, %parallel_loop3A_2465, %parallel_loop3A_2466] {strides = array<i32>} : memref<3x4x8x1024xf32, #tpu.memory_space<vmem>>, vector<1x1x1x16xf32>,
      %parallel_loop3A_2468 = vector.shape_cast %parallel_loop3A_2467 : vector<1x1x1x16xf32> to vector<16xf32>
      %parallel_loop3A_2469 = vector.shape_cast %parallel_loop3A_2451 : vector<16xf32> to vector<1x1x1x16xf32>
      tpu.vector_store %arg6[%parallel_loop3A_2463, %parallel_loop3A_2464, %parallel_loop3A_2465, %parallel_loop3A_2466], %parallel_loop3A_2469 {add = true, strides = array<i32>} : memref<3x4x8x1024xf32, #tpu.memory_space<vmem>>, vector<1x1x1x16xf32>,
      %parallel_loop3A_2470 = arith.constant 0 : i32
      %parallel_loop3A_2471 = arith.constant 2 : i32
      %parallel_loop3A_2472 = arith.index_cast %parallel_loop3A_2470 : i32 to index
      %parallel_loop3A_2473 = arith.index_cast %parallel_loop3A_2471 : i32 to index
      %parallel_loop3A_2474 = arith.index_cast %parallel_loop3A_2442 : i32 to index
      %parallel_loop3A_2475 = arith.index_cast %parallel_loop3A_2445 : i32 to index
      %parallel_loop3A_2476 = tpu.vector_load %arg6[%parallel_loop3A_2472, %parallel_loop3A_2473, %parallel_loop3A_2474, %parallel_loop3A_2475] {strides = array<i32>} : memref<3x4x8x1024xf32, #tpu.memory_space<vmem>>, vector<1x1x1x16xf32>,
      %parallel_loop3A_2477 = vector.shape_cast %parallel_loop3A_2476 : vector<1x1x1x16xf32> to vector<16xf32>
      %parallel_loop3A_2478 = vector.shape_cast %parallel_loop3A_2451 : vector<16xf32> to vector<1x1x1x16xf32>
      tpu.vector_store %arg6[%parallel_loop3A_2472, %parallel_loop3A_2473, %parallel_loop3A_2474, %parallel_loop3A_2475], %parallel_loop3A_2478 {add = true, strides = array<i32>} : memref<3x4x8x1024xf32, #tpu.memory_space<vmem>>, vector<1x1x1x16xf32>,
      %parallel_loop3A_2479 = arith.constant 0 : i32
      %parallel_loop3A_2480 = arith.constant 3 : i32
      %parallel_loop3A_2481 = arith.index_cast %parallel_loop3A_2479 : i32 to index
      %parallel_loop3A_2482 = arith.index_cast %parallel_loop3A_2480 : i32 to index
      %parallel_loop3A_2483 = arith.index_cast %parallel_loop3A_2442 : i32 to index
      %parallel_loop3A_2484 = arith.index_cast %parallel_loop3A_2445 : i32 to index
      %parallel_loop3A_2485 = tpu.vector_load %arg6[%parallel_loop3A_2481, %parallel_loop3A_2482, %parallel_loop3A_2483, %parallel_loop3A_2484] {strides = array<i32>} : memref<3x4x8x1024xf32, #tpu.memory_space<vmem>>, vector<1x1x1x16xf32>,
      %parallel_loop3A_2486 = vector.shape_cast %parallel_loop3A_2485 : vector<1x1x1x16xf32> to vector<16xf32>
      %parallel_loop3A_2487 = vector.shape_cast %parallel_loop3A_2451 : vector<16xf32> to vector<1x1x1x16xf32>
      tpu.vector_store %arg6[%parallel_loop3A_2481, %parallel_loop3A_2482, %parallel_loop3A_2483, %parallel_loop3A_2484], %parallel_loop3A_2487 {add = true, strides = array<i32>} : memref<3x4x8x1024xf32, #tpu.memory_space<vmem>>, vector<1x1x1x16xf32>,
    } {sc.loop_unroll_factor = 4 : i64, sc.parallel_access}
    %add3A_2012 = arith.constant 48 : i32
    %add3A_2013 = arith.addi %mul3A_2, %add3A_2012 : i32
    %dma_start3A_2014 = arith.constant 0 : i32
    %dma_start3A_2015 = arith.constant 0 : i32
    %dma_start3A_2016 = arith.constant 0 : i32
    %dma_start3A_2017 = arith.constant 0 : i32
    %dma_start3A_2018 = arith.constant 0 : i32
    %dma_start3A_2019 = tpu.memref_slice %arg6[%dma_start3A_2014, %dma_start3A_2015, %dma_start3A_2017, %dma_start3A_2018] : memref<3x4x8x1024xf32, #tpu.memory_space<vmem>> -> memref<1x1x8x1024xf32, #tpu.memory_space<vmem>>
    %dma_start3A_2020 = tpu.memref_squeeze %dma_start3A_2019 : memref<1x1x8x1024xf32, #tpu.memory_space<vmem>> -> memref<8x1024xf32, #tpu.memory_space<vmem>>
    %dma_start3A_2021 = arith.constant 0 : i32
    %dma_start3A_2022 = tpu.memref_slice %arg4[%dma_start3A_2016, %add3A_2013, %dma_start3A_2021] : memref<4x2048x1024xf32, #tpu.memory_space<hbm>> -> memref<1x8x1024xf32, #tpu.memory_space<hbm>>
    %dma_start3A_2023 = tpu.memref_squeeze %dma_start3A_2022 : memref<1x8x1024xf32, #tpu.memory_space<hbm>> -> memref<8x1024xf32, #tpu.memory_space<hbm>>
    %dma_start3A_2024 = arith.constant 0 : i32
    %dma_start3A_2025 = tpu.memref_slice %arg4[%dma_start3A_2016, %add3A_2013, %dma_start3A_2024] : memref<4x2048x1024xf32, #tpu.memory_space<hbm>> -> memref<1x8x1024xf32, #tpu.memory_space<hbm>>
    %dma_start3A_2026 = tpu.memref_squeeze %dma_start3A_2025 : memref<1x8x1024xf32, #tpu.memory_space<hbm>> -> memref<8x1024xf32, #tpu.memory_space<hbm>>
    %dma_start3A_2027 = arith.constant 0 : i32
    %dma_start3A_2028 = arith.constant 0 : i32
    %dma_start3A_2029 = tpu.memref_slice %arg6[%dma_start3A_2014, %dma_start3A_2015, %dma_start3A_2027, %dma_start3A_2028] : memref<3x4x8x1024xf32, #tpu.memory_space<vmem>> -> memref<1x1x8x1024xf32, #tpu.memory_space<vmem>>
    %dma_start3A_2030 = tpu.memref_squeeze %dma_start3A_2029 : memref<1x1x8x1024xf32, #tpu.memory_space<vmem>> -> memref<8x1024xf32, #tpu.memory_space<vmem>>
    tpu.enqueue_dma source(%dma_start3A_2030 : memref<8x1024xf32, #tpu.memory_space<vmem>>) target(%dma_start3A_2026 : memref<8x1024xf32, #tpu.memory_space<hbm>>) target_semaphore(%arg10 : memref<!tpu.dma_semaphore, #tpu.memory_space<semaphore_mem>>)
    %dma_start3A_2031 = arith.constant 0 : i32
    %dma_start3A_2032 = arith.constant 1 : i32
    %dma_start3A_2033 = arith.constant 1 : i32
    %dma_start3A_2034 = arith.constant 0 : i32
    %dma_start3A_2035 = arith.constant 0 : i32
    %dma_start3A_2036 = tpu.memref_slice %arg6[%dma_start3A_2031, %dma_start3A_2032, %dma_start3A_2034, %dma_start3A_2035] : memref<3x4x8x1024xf32, #tpu.memory_space<vmem>> -> memref<1x1x8x1024xf32, #tpu.memory_space<vmem>>
    %dma_start3A_2037 = tpu.memref_squeeze %dma_start3A_2036 : memref<1x1x8x1024xf32, #tpu.memory_space<vmem>> -> memref<8x1024xf32, #tpu.memory_space<vmem>>
    %dma_start3A_2038 = arith.constant 0 : i32
    %dma_start3A_2039 = tpu.memref_slice %arg4[%dma_start3A_2033, %add3A_2013, %dma_start3A_2038] : memref<4x2048x1024xf32, #tpu.memory_space<hbm>> -> memref<1x8x1024xf32, #tpu.memory_space<hbm>>
    %dma_start3A_2040 = tpu.memref_squeeze %dma_start3A_2039 : memref<1x8x1024xf32, #tpu.memory_space<hbm>> -> memref<8x1024xf32, #tpu.memory_space<hbm>>
    %dma_start3A_2041 = arith.constant 0 : i32
    %dma_start3A_2042 = tpu.memref_slice %arg4[%dma_start3A_2033, %add3A_2013, %dma_start3A_2041] : memref<4x2048x1024xf32, #tpu.memory_space<hbm>> -> memref<1x8x1024xf32, #tpu.memory_space<hbm>>
    %dma_start3A_2043 = tpu.memref_squeeze %dma_start3A_2042 : memref<1x8x1024xf32, #tpu.memory_space<hbm>> -> memref<8x1024xf32, #tpu.memory_space<hbm>>
    %dma_start3A_2044 = arith.constant 0 : i32
    %dma_start3A_2045 = arith.constant 0 : i32
    %dma_start3A_2046 = tpu.memref_slice %arg6[%dma_start3A_2031, %dma_start3A_2032, %dma_start3A_2044, %dma_start3A_2045] : memref<3x4x8x1024xf32, #tpu.memory_space<vmem>> -> memref<1x1x8x1024xf32, #tpu.memory_space<vmem>>
    %dma_start3A_2047 = tpu.memref_squeeze %dma_start3A_2046 : memref<1x1x8x1024xf32, #tpu.memory_space<vmem>> -> memref<8x1024xf32, #tpu.memory_space<vmem>>
    tpu.enqueue_dma source(%dma_start3A_2047 : memref<8x1024xf32, #tpu.memory_space<vmem>>) target(%dma_start3A_2043 : memref<8x1024xf32, #tpu.memory_space<hbm>>) target_semaphore(%arg10 : memref<!tpu.dma_semaphore, #tpu.memory_space<semaphore_mem>>)
    %dma_start3A_2048 = arith.constant 0 : i32
    %dma_start3A_2049 = arith.constant 2 : i32
    %dma_start3A_2050 = arith.constant 2 : i32
    %dma_start3A_2051 = arith.constant 0 : i32
    %dma_start3A_2052 = arith.constant 0 : i32
    %dma_start3A_2053 = tpu.memref_slice %arg6[%dma_start3A_2048, %dma_start3A_2049, %dma_start3A_2051, %dma_start3A_2052] : memref<3x4x8x1024xf32, #tpu.memory_space<vmem>> -> memref<1x1x8x1024xf32, #tpu.memory_space<vmem>>
    %dma_start3A_2054 = tpu.memref_squeeze %dma_start3A_2053 : memref<1x1x8x1024xf32, #tpu.memory_space<vmem>> -> memref<8x1024xf32, #tpu.memory_space<vmem>>
    %dma_start3A_2055 = arith.constant 0 : i32
    %dma_start3A_2056 = tpu.memref_slice %arg4[%dma_start3A_2050, %add3A_2013, %dma_start3A_2055] : memref<4x2048x1024xf32, #tpu.memory_space<hbm>> -> memref<1x8x1024xf32, #tpu.memory_space<hbm>>
    %dma_start3A_2057 = tpu.memref_squeeze %dma_start3A_2056 : memref<1x8x1024xf32, #tpu.memory_space<hbm>> -> memref<8x1024xf32, #tpu.memory_space<hbm>>
    %dma_start3A_2058 = arith.constant 0 : i32
    %dma_start3A_2059 = tpu.memref_slice %arg4[%dma_start3A_2050, %add3A_2013, %dma_start3A_2058] : memref<4x2048x1024xf32, #tpu.memory_space<hbm>> -> memref<1x8x1024xf32, #tpu.memory_space<hbm>>
    %dma_start3A_2060 = tpu.memref_squeeze %dma_start3A_2059 : memref<1x8x1024xf32, #tpu.memory_space<hbm>> -> memref<8x1024xf32, #tpu.memory_space<hbm>>
    %dma_start3A_2061 = arith.constant 0 : i32
    %dma_start3A_2062 = arith.constant 0 : i32
    %dma_start3A_2063 = tpu.memref_slice %arg6[%dma_start3A_2048, %dma_start3A_2049, %dma_start3A_2061, %dma_start3A_2062] : memref<3x4x8x1024xf32, #tpu.memory_space<vmem>> -> memref<1x1x8x1024xf32, #tpu.memory_space<vmem>>
    %dma_start3A_2064 = tpu.memref_squeeze %dma_start3A_2063 : memref<1x1x8x1024xf32, #tpu.memory_space<vmem>> -> memref<8x1024xf32, #tpu.memory_space<vmem>>
    tpu.enqueue_dma source(%dma_start3A_2064 : memref<8x1024xf32, #tpu.memory_space<vmem>>) target(%dma_start3A_2060 : memref<8x1024xf32, #tpu.memory_space<hbm>>) target_semaphore(%arg10 : memref<!tpu.dma_semaphore, #tpu.memory_space<semaphore_mem>>)
    %dma_start3A_2065 = arith.constant 0 : i32
    %dma_start3A_2066 = arith.constant 3 : i32
    %dma_start3A_2067 = arith.constant 3 : i32
    %dma_start3A_2068 = arith.constant 0 : i32
    %dma_start3A_2069 = arith.constant 0 : i32
    %dma_start3A_2070 = tpu.memref_slice %arg6[%dma_start3A_2065, %dma_start3A_2066, %dma_start3A_2068, %dma_start3A_2069] : memref<3x4x8x1024xf32, #tpu.memory_space<vmem>> -> memref<1x1x8x1024xf32, #tpu.memory_space<vmem>>
    %dma_start3A_2071 = tpu.memref_squeeze %dma_start3A_2070 : memref<1x1x8x1024xf32, #tpu.memory_space<vmem>> -> memref<8x1024xf32, #tpu.memory_space<vmem>>
    %dma_start3A_2072 = arith.constant 0 : i32
    %dma_start3A_2073 = tpu.memref_slice %arg4[%dma_start3A_2067, %add3A_2013, %dma_start3A_2072] : memref<4x2048x1024xf32, #tpu.memory_space<hbm>> -> memref<1x8x1024xf32, #tpu.memory_space<hbm>>
    %dma_start3A_2074 = tpu.memref_squeeze %dma_start3A_2073 : memref<1x8x1024xf32, #tpu.memory_space<hbm>> -> memref<8x1024xf32, #tpu.memory_space<hbm>>
    %dma_start3A_2075 = arith.constant 0 : i32
    %dma_start3A_2076 = tpu.memref_slice %arg4[%dma_start3A_2067, %add3A_2013, %dma_start3A_2075] : memref<4x2048x1024xf32, #tpu.memory_space<hbm>> -> memref<1x8x1024xf32, #tpu.memory_space<hbm>>
    %dma_start3A_2077 = tpu.memref_squeeze %dma_start3A_2076 : memref<1x8x1024xf32, #tpu.memory_space<hbm>> -> memref<8x1024xf32, #tpu.memory_space<hbm>>
    %dma_start3A_2078 = arith.constant 0 : i32
    %dma_start3A_2079 = arith.constant 0 : i32
    %dma_start3A_2080 = tpu.memref_slice %arg6[%dma_start3A_2065, %dma_start3A_2066, %dma_start3A_2078, %dma_start3A_2079] : memref<3x4x8x1024xf32, #tpu.memory_space<vmem>> -> memref<1x1x8x1024xf32, #tpu.memory_space<vmem>>
    %dma_start3A_2081 = tpu.memref_squeeze %dma_start3A_2080 : memref<1x1x8x1024xf32, #tpu.memory_space<vmem>> -> memref<8x1024xf32, #tpu.memory_space<vmem>>
    tpu.enqueue_dma source(%dma_start3A_2081 : memref<8x1024xf32, #tpu.memory_space<vmem>>) target(%dma_start3A_2077 : memref<8x1024xf32, #tpu.memory_space<hbm>>) target_semaphore(%arg10 : memref<!tpu.dma_semaphore, #tpu.memory_space<semaphore_mem>>)
    %dma_wait3A_2082 = arith.constant 1 : i32
    %dma_wait3A_2083 = arith.constant 0 : i32
    %dma_wait3A_2084 = arith.constant 0 : i32
    %dma_wait3A_2085 = tpu.memref_slice %arg5[%dma_wait3A_2082, %dma_wait3A_2083, %dma_wait3A_2084] : memref<3x8x1024xf32, #tpu.memory_space<vmem>> -> memref<1x8x1024xf32, #tpu.memory_space<vmem>>
    %dma_wait3A_2086 = tpu.memref_squeeze %dma_wait3A_2085 : memref<1x8x1024xf32, #tpu.memory_space<vmem>> -> memref<8x1024xf32, #tpu.memory_space<vmem>>
    %dma_wait3A_2087 = arith.constant 0 : i32
    %dma_wait3A_2088 = tpu.memref_slice %arg3[%add3A_1846, %dma_wait3A_2087] : memref<2048x1024xf32, #tpu.memory_space<hbm>> -> memref<8x1024xf32, #tpu.memory_space<hbm>>
    %dma_wait3A_2089 = arith.constant 0 : i32
    %dma_wait3A_2090 = arith.constant 0 : i32
    %dma_wait3A_2091 = tpu.memref_slice %arg5[%dma_wait3A_2082, %dma_wait3A_2089, %dma_wait3A_2090] : memref<3x8x1024xf32, #tpu.memory_space<vmem>> -> memref<1x8x1024xf32, #tpu.memory_space<vmem>>
    %dma_wait3A_2092 = tpu.memref_squeeze %dma_wait3A_2091 : memref<1x8x1024xf32, #tpu.memory_space<vmem>> -> memref<8x1024xf32, #tpu.memory_space<vmem>>
    %dma_wait3A_2093 = arith.constant 0 : i32
    %dma_wait3A_2094 = tpu.memref_slice %arg3[%add3A_1846, %dma_wait3A_2093] : memref<2048x1024xf32, #tpu.memory_space<hbm>> -> memref<8x1024xf32, #tpu.memory_space<hbm>>
    tpu.wait_dma2 semaphore(%arg8 : memref<!tpu.dma_semaphore, #tpu.memory_space<semaphore_mem>>) src(%dma_wait3A_2094 : memref<8x1024xf32, #tpu.memory_space<hbm>>) dst(%dma_wait3A_2092 : memref<8x1024xf32, #tpu.memory_space<vmem>>)
    %dma_wait3A_2095 = arith.constant 0 : i32
    %dma_wait3A_2096 = arith.constant 1 : i32
    %dma_wait3A_2097 = arith.constant 0 : i32
    %dma_wait3A_2098 = arith.constant 0 : i32
    %dma_wait3A_2099 = arith.constant 0 : i32
    %dma_wait3A_2100 = tpu.memref_slice %arg6[%dma_wait3A_2096, %dma_wait3A_2097, %dma_wait3A_2098, %dma_wait3A_2099] : memref<3x4x8x1024xf32, #tpu.memory_space<vmem>> -> memref<1x1x8x1024xf32, #tpu.memory_space<vmem>>
    %dma_wait3A_2101 = tpu.memref_squeeze %dma_wait3A_2100 : memref<1x1x8x1024xf32, #tpu.memory_space<vmem>> -> memref<8x1024xf32, #tpu.memory_space<vmem>>
    %dma_wait3A_2102 = arith.constant 0 : i32
    %dma_wait3A_2103 = tpu.memref_slice %arg2[%dma_wait3A_2095, %add3A_1846, %dma_wait3A_2102] : memref<4x2048x1024xf32, #tpu.memory_space<hbm>> -> memref<1x8x1024xf32, #tpu.memory_space<hbm>>
    %dma_wait3A_2104 = tpu.memref_squeeze %dma_wait3A_2103 : memref<1x8x1024xf32, #tpu.memory_space<hbm>> -> memref<8x1024xf32, #tpu.memory_space<hbm>>
    %dma_wait3A_2105 = arith.constant 0 : i32
    %dma_wait3A_2106 = arith.constant 0 : i32
    %dma_wait3A_2107 = tpu.memref_slice %arg6[%dma_wait3A_2096, %dma_wait3A_2097, %dma_wait3A_2105, %dma_wait3A_2106] : memref<3x4x8x1024xf32, #tpu.memory_space<vmem>> -> memref<1x1x8x1024xf32, #tpu.memory_space<vmem>>
    %dma_wait3A_2108 = tpu.memref_squeeze %dma_wait3A_2107 : memref<1x1x8x1024xf32, #tpu.memory_space<vmem>> -> memref<8x1024xf32, #tpu.memory_space<vmem>>
    %dma_wait3A_2109 = arith.constant 0 : i32
    %dma_wait3A_2110 = tpu.memref_slice %arg2[%dma_wait3A_2095, %add3A_1846, %dma_wait3A_2109] : memref<4x2048x1024xf32, #tpu.memory_space<hbm>> -> memref<1x8x1024xf32, #tpu.memory_space<hbm>>
    %dma_wait3A_2111 = tpu.memref_squeeze %dma_wait3A_2110 : memref<1x8x1024xf32, #tpu.memory_space<hbm>> -> memref<8x1024xf32, #tpu.memory_space<hbm>>
    tpu.wait_dma2 semaphore(%arg8 : memref<!tpu.dma_semaphore, #tpu.memory_space<semaphore_mem>>) src(%dma_wait3A_2111 : memref<8x1024xf32, #tpu.memory_space<hbm>>) dst(%dma_wait3A_2108 : memref<8x1024xf32, #tpu.memory_space<vmem>>)
    %dma_wait3A_2112 = arith.constant 1 : i32
    %dma_wait3A_2113 = arith.constant 1 : i32
    %dma_wait3A_2114 = arith.constant 1 : i32
    %dma_wait3A_2115 = arith.constant 0 : i32
    %dma_wait3A_2116 = arith.constant 0 : i32
    %dma_wait3A_2117 = tpu.memref_slice %arg6[%dma_wait3A_2113, %dma_wait3A_2114, %dma_wait3A_2115, %dma_wait3A_2116] : memref<3x4x8x1024xf32, #tpu.memory_space<vmem>> -> memref<1x1x8x1024xf32, #tpu.memory_space<vmem>>
    %dma_wait3A_2118 = tpu.memref_squeeze %dma_wait3A_2117 : memref<1x1x8x1024xf32, #tpu.memory_space<vmem>> -> memref<8x1024xf32, #tpu.memory_space<vmem>>
    %dma_wait3A_2119 = arith.constant 0 : i32
    %dma_wait3A_2120 = tpu.memref_slice %arg2[%dma_wait3A_2112, %add3A_1846, %dma_wait3A_2119] : memref<4x2048x1024xf32, #tpu.memory_space<hbm>> -> memref<1x8x1024xf32, #tpu.memory_space<hbm>>
    %dma_wait3A_2121 = tpu.memref_squeeze %dma_wait3A_2120 : memref<1x8x1024xf32, #tpu.memory_space<hbm>> -> memref<8x1024xf32, #tpu.memory_space<hbm>>
    %dma_wait3A_2122 = arith.constant 0 : i32
    %dma_wait3A_2123 = arith.constant 0 : i32
    %dma_wait3A_2124 = tpu.memref_slice %arg6[%dma_wait3A_2113, %dma_wait3A_2114, %dma_wait3A_2122, %dma_wait3A_2123] : memref<3x4x8x1024xf32, #tpu.memory_space<vmem>> -> memref<1x1x8x1024xf32, #tpu.memory_space<vmem>>
    %dma_wait3A_2125 = tpu.memref_squeeze %dma_wait3A_2124 : memref<1x1x8x1024xf32, #tpu.memory_space<vmem>> -> memref<8x1024xf32, #tpu.memory_space<vmem>>
    %dma_wait3A_2126 = arith.constant 0 : i32
    %dma_wait3A_2127 = tpu.memref_slice %arg2[%dma_wait3A_2112, %add3A_1846, %dma_wait3A_2126] : memref<4x2048x1024xf32, #tpu.memory_space<hbm>> -> memref<1x8x1024xf32, #tpu.memory_space<hbm>>
    %dma_wait3A_2128 = tpu.memref_squeeze %dma_wait3A_2127 : memref<1x8x1024xf32, #tpu.memory_space<hbm>> -> memref<8x1024xf32, #tpu.memory_space<hbm>>
    tpu.wait_dma2 semaphore(%arg8 : memref<!tpu.dma_semaphore, #tpu.memory_space<semaphore_mem>>) src(%dma_wait3A_2128 : memref<8x1024xf32, #tpu.memory_space<hbm>>) dst(%dma_wait3A_2125 : memref<8x1024xf32, #tpu.memory_space<vmem>>)
    %dma_wait3A_2129 = arith.constant 2 : i32
    %dma_wait3A_2130 = arith.constant 1 : i32
    %dma_wait3A_2131 = arith.constant 2 : i32
    %dma_wait3A_2132 = arith.constant 0 : i32
    %dma_wait3A_2133 = arith.constant 0 : i32
    %dma_wait3A_2134 = tpu.memref_slice %arg6[%dma_wait3A_2130, %dma_wait3A_2131, %dma_wait3A_2132, %dma_wait3A_2133] : memref<3x4x8x1024xf32, #tpu.memory_space<vmem>> -> memref<1x1x8x1024xf32, #tpu.memory_space<vmem>>
    %dma_wait3A_2135 = tpu.memref_squeeze %dma_wait3A_2134 : memref<1x1x8x1024xf32, #tpu.memory_space<vmem>> -> memref<8x1024xf32, #tpu.memory_space<vmem>>
    %dma_wait3A_2136 = arith.constant 0 : i32
    %dma_wait3A_2137 = tpu.memref_slice %arg2[%dma_wait3A_2129, %add3A_1846, %dma_wait3A_2136] : memref<4x2048x1024xf32, #tpu.memory_space<hbm>> -> memref<1x8x1024xf32, #tpu.memory_space<hbm>>
    %dma_wait3A_2138 = tpu.memref_squeeze %dma_wait3A_2137 : memref<1x8x1024xf32, #tpu.memory_space<hbm>> -> memref<8x1024xf32, #tpu.memory_space<hbm>>
    %dma_wait3A_2139 = arith.constant 0 : i32
    %dma_wait3A_2140 = arith.constant 0 : i32
    %dma_wait3A_2141 = tpu.memref_slice %arg6[%dma_wait3A_2130, %dma_wait3A_2131, %dma_wait3A_2139, %dma_wait3A_2140] : memref<3x4x8x1024xf32, #tpu.memory_space<vmem>> -> memref<1x1x8x1024xf32, #tpu.memory_space<vmem>>
    %dma_wait3A_2142 = tpu.memref_squeeze %dma_wait3A_2141 : memref<1x1x8x1024xf32, #tpu.memory_space<vmem>> -> memref<8x1024xf32, #tpu.memory_space<vmem>>
    %dma_wait3A_2143 = arith.constant 0 : i32
    %dma_wait3A_2144 = tpu.memref_slice %arg2[%dma_wait3A_2129, %add3A_1846, %dma_wait3A_2143] : memref<4x2048x1024xf32, #tpu.memory_space<hbm>> -> memref<1x8x1024xf32, #tpu.memory_space<hbm>>
    %dma_wait3A_2145 = tpu.memref_squeeze %dma_wait3A_2144 : memref<1x8x1024xf32, #tpu.memory_space<hbm>> -> memref<8x1024xf32, #tpu.memory_space<hbm>>
    tpu.wait_dma2 semaphore(%arg8 : memref<!tpu.dma_semaphore, #tpu.memory_space<semaphore_mem>>) src(%dma_wait3A_2145 : memref<8x1024xf32, #tpu.memory_space<hbm>>) dst(%dma_wait3A_2142 : memref<8x1024xf32, #tpu.memory_space<vmem>>)
    %dma_wait3A_2146 = arith.constant 3 : i32
    %dma_wait3A_2147 = arith.constant 1 : i32
    %dma_wait3A_2148 = arith.constant 3 : i32
    %dma_wait3A_2149 = arith.constant 0 : i32
    %dma_wait3A_2150 = arith.constant 0 : i32
    %dma_wait3A_2151 = tpu.memref_slice %arg6[%dma_wait3A_2147, %dma_wait3A_2148, %dma_wait3A_2149, %dma_wait3A_2150] : memref<3x4x8x1024xf32, #tpu.memory_space<vmem>> -> memref<1x1x8x1024xf32, #tpu.memory_space<vmem>>
    %dma_wait3A_2152 = tpu.memref_squeeze %dma_wait3A_2151 : memref<1x1x8x1024xf32, #tpu.memory_space<vmem>> -> memref<8x1024xf32, #tpu.memory_space<vmem>>
    %dma_wait3A_2153 = arith.constant 0 : i32
    %dma_wait3A_2154 = tpu.memref_slice %arg2[%dma_wait3A_2146, %add3A_1846, %dma_wait3A_2153] : memref<4x2048x1024xf32, #tpu.memory_space<hbm>> -> memref<1x8x1024xf32, #tpu.memory_space<hbm>>
    %dma_wait3A_2155 = tpu.memref_squeeze %dma_wait3A_2154 : memref<1x8x1024xf32, #tpu.memory_space<hbm>> -> memref<8x1024xf32, #tpu.memory_space<hbm>>
    %dma_wait3A_2156 = arith.constant 0 : i32
    %dma_wait3A_2157 = arith.constant 0 : i32
    %dma_wait3A_2158 = tpu.memref_slice %arg6[%dma_wait3A_2147, %dma_wait3A_2148, %dma_wait3A_2156, %dma_wait3A_2157] : memref<3x4x8x1024xf32, #tpu.memory_space<vmem>> -> memref<1x1x8x1024xf32, #tpu.memory_space<vmem>>
    %dma_wait3A_2159 = tpu.memref_squeeze %dma_wait3A_2158 : memref<1x1x8x1024xf32, #tpu.memory_space<vmem>> -> memref<8x1024xf32, #tpu.memory_space<vmem>>
    %dma_wait3A_2160 = arith.constant 0 : i32
    %dma_wait3A_2161 = tpu.memref_slice %arg2[%dma_wait3A_2146, %add3A_1846, %dma_wait3A_2160] : memref<4x2048x1024xf32, #tpu.memory_space<hbm>> -> memref<1x8x1024xf32, #tpu.memory_space<hbm>>
    %dma_wait3A_2162 = tpu.memref_squeeze %dma_wait3A_2161 : memref<1x8x1024xf32, #tpu.memory_space<hbm>> -> memref<8x1024xf32, #tpu.memory_space<hbm>>
    tpu.wait_dma2 semaphore(%arg8 : memref<!tpu.dma_semaphore, #tpu.memory_space<semaphore_mem>>) src(%dma_wait3A_2162 : memref<8x1024xf32, #tpu.memory_space<hbm>>) dst(%dma_wait3A_2159 : memref<8x1024xf32, #tpu.memory_space<vmem>>)
    %parallel_loop3A_2163 = arith.constant 0 : i32
    %parallel_loop3A_2164 = arith.constant 8192 : i32
    %parallel_loop3A_2165 = arith.constant 16 : i32
    scf.for %parallel_loop3A_2440 = %parallel_loop3A_2163 to %parallel_loop3A_2164 step %parallel_loop3A_2165  : i32 {
      %parallel_loop3A_2441 = arith.constant 10 : i32
      %parallel_loop3A_2442 = arith.shrsi %parallel_loop3A_2440, %parallel_loop3A_2441 : i32
      %parallel_loop3A_2443 = arith.constant 1023 : i32
      %parallel_loop3A_2444 = arith.andi %parallel_loop3A_2440, %parallel_loop3A_2443 : i32
      %parallel_loop3A_2445 = tpu.assume_multiple %parallel_loop3A_2444, 16 : i32
      %parallel_loop3A_2446 = arith.constant 1 : i32
      %parallel_loop3A_2447 = arith.index_cast %parallel_loop3A_2446 : i32 to index
      %parallel_loop3A_2448 = arith.index_cast %parallel_loop3A_2442 : i32 to index
      %parallel_loop3A_2449 = arith.index_cast %parallel_loop3A_2445 : i32 to index
      %parallel_loop3A_2450 = tpu.vector_load %arg5[%parallel_loop3A_2447, %parallel_loop3A_2448, %parallel_loop3A_2449] {strides = array<i32>} : memref<3x8x1024xf32, #tpu.memory_space<vmem>>, vector<1x1x16xf32>,
      %parallel_loop3A_2451 = vector.shape_cast %parallel_loop3A_2450 : vector<1x1x16xf32> to vector<16xf32>
      %parallel_loop3A_2452 = arith.constant 1 : i32
      %parallel_loop3A_2453 = arith.constant 0 : i32
      %parallel_loop3A_2454 = arith.index_cast %parallel_loop3A_2452 : i32 to index
      %parallel_loop3A_2455 = arith.index_cast %parallel_loop3A_2453 : i32 to index
      %parallel_loop3A_2456 = arith.index_cast %parallel_loop3A_2442 : i32 to index
      %parallel_loop3A_2457 = arith.index_cast %parallel_loop3A_2445 : i32 to index
      %parallel_loop3A_2458 = tpu.vector_load %arg6[%parallel_loop3A_2454, %parallel_loop3A_2455, %parallel_loop3A_2456, %parallel_loop3A_2457] {strides = array<i32>} : memref<3x4x8x1024xf32, #tpu.memory_space<vmem>>, vector<1x1x1x16xf32>,
      %parallel_loop3A_2459 = vector.shape_cast %parallel_loop3A_2458 : vector<1x1x1x16xf32> to vector<16xf32>
      %parallel_loop3A_2460 = vector.shape_cast %parallel_loop3A_2451 : vector<16xf32> to vector<1x1x1x16xf32>
      tpu.vector_store %arg6[%parallel_loop3A_2454, %parallel_loop3A_2455, %parallel_loop3A_2456, %parallel_loop3A_2457], %parallel_loop3A_2460 {add = true, strides = array<i32>} : memref<3x4x8x1024xf32, #tpu.memory_space<vmem>>, vector<1x1x1x16xf32>,
      %parallel_loop3A_2461 = arith.constant 1 : i32
      %parallel_loop3A_2462 = arith.constant 1 : i32
      %parallel_loop3A_2463 = arith.index_cast %parallel_loop3A_2461 : i32 to index
      %parallel_loop3A_2464 = arith.index_cast %parallel_loop3A_2462 : i32 to index
      %parallel_loop3A_2465 = arith.index_cast %parallel_loop3A_2442 : i32 to index
      %parallel_loop3A_2466 = arith.index_cast %parallel_loop3A_2445 : i32 to index
      %parallel_loop3A_2467 = tpu.vector_load %arg6[%parallel_loop3A_2463, %parallel_loop3A_2464, %parallel_loop3A_2465, %parallel_loop3A_2466] {strides = array<i32>} : memref<3x4x8x1024xf32, #tpu.memory_space<vmem>>, vector<1x1x1x16xf32>,
      %parallel_loop3A_2468 = vector.shape_cast %parallel_loop3A_2467 : vector<1x1x1x16xf32> to vector<16xf32>
      %parallel_loop3A_2469 = vector.shape_cast %parallel_loop3A_2451 : vector<16xf32> to vector<1x1x1x16xf32>
      tpu.vector_store %arg6[%parallel_loop3A_2463, %parallel_loop3A_2464, %parallel_loop3A_2465, %parallel_loop3A_2466], %parallel_loop3A_2469 {add = true, strides = array<i32>} : memref<3x4x8x1024xf32, #tpu.memory_space<vmem>>, vector<1x1x1x16xf32>,
      %parallel_loop3A_2470 = arith.constant 1 : i32
      %parallel_loop3A_2471 = arith.constant 2 : i32
      %parallel_loop3A_2472 = arith.index_cast %parallel_loop3A_2470 : i32 to index
      %parallel_loop3A_2473 = arith.index_cast %parallel_loop3A_2471 : i32 to index
      %parallel_loop3A_2474 = arith.index_cast %parallel_loop3A_2442 : i32 to index
      %parallel_loop3A_2475 = arith.index_cast %parallel_loop3A_2445 : i32 to index
      %parallel_loop3A_2476 = tpu.vector_load %arg6[%parallel_loop3A_2472, %parallel_loop3A_2473, %parallel_loop3A_2474, %parallel_loop3A_2475] {strides = array<i32>} : memref<3x4x8x1024xf32, #tpu.memory_space<vmem>>, vector<1x1x1x16xf32>,
      %parallel_loop3A_2477 = vector.shape_cast %parallel_loop3A_2476 : vector<1x1x1x16xf32> to vector<16xf32>
      %parallel_loop3A_2478 = vector.shape_cast %parallel_loop3A_2451 : vector<16xf32> to vector<1x1x1x16xf32>
      tpu.vector_store %arg6[%parallel_loop3A_2472, %parallel_loop3A_2473, %parallel_loop3A_2474, %parallel_loop3A_2475], %parallel_loop3A_2478 {add = true, strides = array<i32>} : memref<3x4x8x1024xf32, #tpu.memory_space<vmem>>, vector<1x1x1x16xf32>,
      %parallel_loop3A_2479 = arith.constant 1 : i32
      %parallel_loop3A_2480 = arith.constant 3 : i32
      %parallel_loop3A_2481 = arith.index_cast %parallel_loop3A_2479 : i32 to index
      %parallel_loop3A_2482 = arith.index_cast %parallel_loop3A_2480 : i32 to index
      %parallel_loop3A_2483 = arith.index_cast %parallel_loop3A_2442 : i32 to index
      %parallel_loop3A_2484 = arith.index_cast %parallel_loop3A_2445 : i32 to index
      %parallel_loop3A_2485 = tpu.vector_load %arg6[%parallel_loop3A_2481, %parallel_loop3A_2482, %parallel_loop3A_2483, %parallel_loop3A_2484] {strides = array<i32>} : memref<3x4x8x1024xf32, #tpu.memory_space<vmem>>, vector<1x1x1x16xf32>,
      %parallel_loop3A_2486 = vector.shape_cast %parallel_loop3A_2485 : vector<1x1x1x16xf32> to vector<16xf32>
      %parallel_loop3A_2487 = vector.shape_cast %parallel_loop3A_2451 : vector<16xf32> to vector<1x1x1x16xf32>
      tpu.vector_store %arg6[%parallel_loop3A_2481, %parallel_loop3A_2482, %parallel_loop3A_2483, %parallel_loop3A_2484], %parallel_loop3A_2487 {add = true, strides = array<i32>} : memref<3x4x8x1024xf32, #tpu.memory_space<vmem>>, vector<1x1x1x16xf32>,
    } {sc.loop_unroll_factor = 4 : i64, sc.parallel_access}
    %add3A_2166 = arith.constant 56 : i32
    %add3A_2167 = arith.addi %mul3A_2, %add3A_2166 : i32
    %dma_start3A_2168 = arith.constant 1 : i32
    %dma_start3A_2169 = arith.constant 0 : i32
    %dma_start3A_2170 = arith.constant 0 : i32
    %dma_start3A_2171 = arith.constant 0 : i32
    %dma_start3A_2172 = arith.constant 0 : i32
    %dma_start3A_2173 = tpu.memref_slice %arg6[%dma_start3A_2168, %dma_start3A_2169, %dma_start3A_2171, %dma_start3A_2172] : memref<3x4x8x1024xf32, #tpu.memory_space<vmem>> -> memref<1x1x8x1024xf32, #tpu.memory_space<vmem>>
    %dma_start3A_2174 = tpu.memref_squeeze %dma_start3A_2173 : memref<1x1x8x1024xf32, #tpu.memory_space<vmem>> -> memref<8x1024xf32, #tpu.memory_space<vmem>>
    %dma_start3A_2175 = arith.constant 0 : i32
    %dma_start3A_2176 = tpu.memref_slice %arg4[%dma_start3A_2170, %add3A_2167, %dma_start3A_2175] : memref<4x2048x1024xf32, #tpu.memory_space<hbm>> -> memref<1x8x1024xf32, #tpu.memory_space<hbm>>
    %dma_start3A_2177 = tpu.memref_squeeze %dma_start3A_2176 : memref<1x8x1024xf32, #tpu.memory_space<hbm>> -> memref<8x1024xf32, #tpu.memory_space<hbm>>
    %dma_start3A_2178 = arith.constant 0 : i32
    %dma_start3A_2179 = tpu.memref_slice %arg4[%dma_start3A_2170, %add3A_2167, %dma_start3A_2178] : memref<4x2048x1024xf32, #tpu.memory_space<hbm>> -> memref<1x8x1024xf32, #tpu.memory_space<hbm>>
    %dma_start3A_2180 = tpu.memref_squeeze %dma_start3A_2179 : memref<1x8x1024xf32, #tpu.memory_space<hbm>> -> memref<8x1024xf32, #tpu.memory_space<hbm>>
    %dma_start3A_2181 = arith.constant 0 : i32
    %dma_start3A_2182 = arith.constant 0 : i32
    %dma_start3A_2183 = tpu.memref_slice %arg6[%dma_start3A_2168, %dma_start3A_2169, %dma_start3A_2181, %dma_start3A_2182] : memref<3x4x8x1024xf32, #tpu.memory_space<vmem>> -> memref<1x1x8x1024xf32, #tpu.memory_space<vmem>>
    %dma_start3A_2184 = tpu.memref_squeeze %dma_start3A_2183 : memref<1x1x8x1024xf32, #tpu.memory_space<vmem>> -> memref<8x1024xf32, #tpu.memory_space<vmem>>
    tpu.enqueue_dma source(%dma_start3A_2184 : memref<8x1024xf32, #tpu.memory_space<vmem>>) target(%dma_start3A_2180 : memref<8x1024xf32, #tpu.memory_space<hbm>>) target_semaphore(%arg11 : memref<!tpu.dma_semaphore, #tpu.memory_space<semaphore_mem>>)
    %dma_start3A_2185 = arith.constant 1 : i32
    %dma_start3A_2186 = arith.constant 1 : i32
    %dma_start3A_2187 = arith.constant 1 : i32
    %dma_start3A_2188 = arith.constant 0 : i32
    %dma_start3A_2189 = arith.constant 0 : i32
    %dma_start3A_2190 = tpu.memref_slice %arg6[%dma_start3A_2185, %dma_start3A_2186, %dma_start3A_2188, %dma_start3A_2189] : memref<3x4x8x1024xf32, #tpu.memory_space<vmem>> -> memref<1x1x8x1024xf32, #tpu.memory_space<vmem>>
    %dma_start3A_2191 = tpu.memref_squeeze %dma_start3A_2190 : memref<1x1x8x1024xf32, #tpu.memory_space<vmem>> -> memref<8x1024xf32, #tpu.memory_space<vmem>>
    %dma_start3A_2192 = arith.constant 0 : i32
    %dma_start3A_2193 = tpu.memref_slice %arg4[%dma_start3A_2187, %add3A_2167, %dma_start3A_2192] : memref<4x2048x1024xf32, #tpu.memory_space<hbm>> -> memref<1x8x1024xf32, #tpu.memory_space<hbm>>
    %dma_start3A_2194 = tpu.memref_squeeze %dma_start3A_2193 : memref<1x8x1024xf32, #tpu.memory_space<hbm>> -> memref<8x1024xf32, #tpu.memory_space<hbm>>
    %dma_start3A_2195 = arith.constant 0 : i32
    %dma_start3A_2196 = tpu.memref_slice %arg4[%dma_start3A_2187, %add3A_2167, %dma_start3A_2195] : memref<4x2048x1024xf32, #tpu.memory_space<hbm>> -> memref<1x8x1024xf32, #tpu.memory_space<hbm>>
    %dma_start3A_2197 = tpu.memref_squeeze %dma_start3A_2196 : memref<1x8x1024xf32, #tpu.memory_space<hbm>> -> memref<8x1024xf32, #tpu.memory_space<hbm>>
    %dma_start3A_2198 = arith.constant 0 : i32
    %dma_start3A_2199 = arith.constant 0 : i32
    %dma_start3A_2200 = tpu.memref_slice %arg6[%dma_start3A_2185, %dma_start3A_2186, %dma_start3A_2198, %dma_start3A_2199] : memref<3x4x8x1024xf32, #tpu.memory_space<vmem>> -> memref<1x1x8x1024xf32, #tpu.memory_space<vmem>>
    %dma_start3A_2201 = tpu.memref_squeeze %dma_start3A_2200 : memref<1x1x8x1024xf32, #tpu.memory_space<vmem>> -> memref<8x1024xf32, #tpu.memory_space<vmem>>
    tpu.enqueue_dma source(%dma_start3A_2201 : memref<8x1024xf32, #tpu.memory_space<vmem>>) target(%dma_start3A_2197 : memref<8x1024xf32, #tpu.memory_space<hbm>>) target_semaphore(%arg11 : memref<!tpu.dma_semaphore, #tpu.memory_space<semaphore_mem>>)
    %dma_start3A_2202 = arith.constant 1 : i32
    %dma_start3A_2203 = arith.constant 2 : i32
    %dma_start3A_2204 = arith.constant 2 : i32
    %dma_start3A_2205 = arith.constant 0 : i32
    %dma_start3A_2206 = arith.constant 0 : i32
    %dma_start3A_2207 = tpu.memref_slice %arg6[%dma_start3A_2202, %dma_start3A_2203, %dma_start3A_2205, %dma_start3A_2206] : memref<3x4x8x1024xf32, #tpu.memory_space<vmem>> -> memref<1x1x8x1024xf32, #tpu.memory_space<vmem>>
    %dma_start3A_2208 = tpu.memref_squeeze %dma_start3A_2207 : memref<1x1x8x1024xf32, #tpu.memory_space<vmem>> -> memref<8x1024xf32, #tpu.memory_space<vmem>>
    %dma_start3A_2209 = arith.constant 0 : i32
    %dma_start3A_2210 = tpu.memref_slice %arg4[%dma_start3A_2204, %add3A_2167, %dma_start3A_2209] : memref<4x2048x1024xf32, #tpu.memory_space<hbm>> -> memref<1x8x1024xf32, #tpu.memory_space<hbm>>
    %dma_start3A_2211 = tpu.memref_squeeze %dma_start3A_2210 : memref<1x8x1024xf32, #tpu.memory_space<hbm>> -> memref<8x1024xf32, #tpu.memory_space<hbm>>
    %dma_start3A_2212 = arith.constant 0 : i32
    %dma_start3A_2213 = tpu.memref_slice %arg4[%dma_start3A_2204, %add3A_2167, %dma_start3A_2212] : memref<4x2048x1024xf32, #tpu.memory_space<hbm>> -> memref<1x8x1024xf32, #tpu.memory_space<hbm>>
    %dma_start3A_2214 = tpu.memref_squeeze %dma_start3A_2213 : memref<1x8x1024xf32, #tpu.memory_space<hbm>> -> memref<8x1024xf32, #tpu.memory_space<hbm>>
    %dma_start3A_2215 = arith.constant 0 : i32
    %dma_start3A_2216 = arith.constant 0 : i32
    %dma_start3A_2217 = tpu.memref_slice %arg6[%dma_start3A_2202, %dma_start3A_2203, %dma_start3A_2215, %dma_start3A_2216] : memref<3x4x8x1024xf32, #tpu.memory_space<vmem>> -> memref<1x1x8x1024xf32, #tpu.memory_space<vmem>>
    %dma_start3A_2218 = tpu.memref_squeeze %dma_start3A_2217 : memref<1x1x8x1024xf32, #tpu.memory_space<vmem>> -> memref<8x1024xf32, #tpu.memory_space<vmem>>
    tpu.enqueue_dma source(%dma_start3A_2218 : memref<8x1024xf32, #tpu.memory_space<vmem>>) target(%dma_start3A_2214 : memref<8x1024xf32, #tpu.memory_space<hbm>>) target_semaphore(%arg11 : memref<!tpu.dma_semaphore, #tpu.memory_space<semaphore_mem>>)
    %dma_start3A_2219 = arith.constant 1 : i32
    %dma_start3A_2220 = arith.constant 3 : i32
    %dma_start3A_2221 = arith.constant 3 : i32
    %dma_start3A_2222 = arith.constant 0 : i32
    %dma_start3A_2223 = arith.constant 0 : i32
    %dma_start3A_2224 = tpu.memref_slice %arg6[%dma_start3A_2219, %dma_start3A_2220, %dma_start3A_2222, %dma_start3A_2223] : memref<3x4x8x1024xf32, #tpu.memory_space<vmem>> -> memref<1x1x8x1024xf32, #tpu.memory_space<vmem>>
    %dma_start3A_2225 = tpu.memref_squeeze %dma_start3A_2224 : memref<1x1x8x1024xf32, #tpu.memory_space<vmem>> -> memref<8x1024xf32, #tpu.memory_space<vmem>>
    %dma_start3A_2226 = arith.constant 0 : i32
    %dma_start3A_2227 = tpu.memref_slice %arg4[%dma_start3A_2221, %add3A_2167, %dma_start3A_2226] : memref<4x2048x1024xf32, #tpu.memory_space<hbm>> -> memref<1x8x1024xf32, #tpu.memory_space<hbm>>
    %dma_start3A_2228 = tpu.memref_squeeze %dma_start3A_2227 : memref<1x8x1024xf32, #tpu.memory_space<hbm>> -> memref<8x1024xf32, #tpu.memory_space<hbm>>
    %dma_start3A_2229 = arith.constant 0 : i32
    %dma_start3A_2230 = tpu.memref_slice %arg4[%dma_start3A_2221, %add3A_2167, %dma_start3A_2229] : memref<4x2048x1024xf32, #tpu.memory_space<hbm>> -> memref<1x8x1024xf32, #tpu.memory_space<hbm>>
    %dma_start3A_2231 = tpu.memref_squeeze %dma_start3A_2230 : memref<1x8x1024xf32, #tpu.memory_space<hbm>> -> memref<8x1024xf32, #tpu.memory_space<hbm>>
    %dma_start3A_2232 = arith.constant 0 : i32
    %dma_start3A_2233 = arith.constant 0 : i32
    %dma_start3A_2234 = tpu.memref_slice %arg6[%dma_start3A_2219, %dma_start3A_2220, %dma_start3A_2232, %dma_start3A_2233] : memref<3x4x8x1024xf32, #tpu.memory_space<vmem>> -> memref<1x1x8x1024xf32, #tpu.memory_space<vmem>>
    %dma_start3A_2235 = tpu.memref_squeeze %dma_start3A_2234 : memref<1x1x8x1024xf32, #tpu.memory_space<vmem>> -> memref<8x1024xf32, #tpu.memory_space<vmem>>
    tpu.enqueue_dma source(%dma_start3A_2235 : memref<8x1024xf32, #tpu.memory_space<vmem>>) target(%dma_start3A_2231 : memref<8x1024xf32, #tpu.memory_space<hbm>>) target_semaphore(%arg11 : memref<!tpu.dma_semaphore, #tpu.memory_space<semaphore_mem>>)
    %dma_wait3A_2236 = arith.constant 2 : i32
    %dma_wait3A_2237 = arith.constant 0 : i32
    %dma_wait3A_2238 = arith.constant 0 : i32
    %dma_wait3A_2239 = arith.constant 0 : i32
    %dma_wait3A_2240 = arith.constant 0 : i32
    %dma_wait3A_2241 = tpu.memref_slice %arg6[%dma_wait3A_2236, %dma_wait3A_2237, %dma_wait3A_2239, %dma_wait3A_2240] : memref<3x4x8x1024xf32, #tpu.memory_space<vmem>> -> memref<1x1x8x1024xf32, #tpu.memory_space<vmem>>
    %dma_wait3A_2242 = tpu.memref_squeeze %dma_wait3A_2241 : memref<1x1x8x1024xf32, #tpu.memory_space<vmem>> -> memref<8x1024xf32, #tpu.memory_space<vmem>>
    %dma_wait3A_2243 = arith.constant 0 : i32
    %dma_wait3A_2244 = tpu.memref_slice %arg4[%dma_wait3A_2238, %add3A_1708, %dma_wait3A_2243] : memref<4x2048x1024xf32, #tpu.memory_space<hbm>> -> memref<1x8x1024xf32, #tpu.memory_space<hbm>>
    %dma_wait3A_2245 = tpu.memref_squeeze %dma_wait3A_2244 : memref<1x8x1024xf32, #tpu.memory_space<hbm>> -> memref<8x1024xf32, #tpu.memory_space<hbm>>
    %dma_wait3A_2246 = arith.constant 0 : i32
    %dma_wait3A_2247 = tpu.memref_slice %arg4[%dma_wait3A_2238, %add3A_1708, %dma_wait3A_2246] : memref<4x2048x1024xf32, #tpu.memory_space<hbm>> -> memref<1x8x1024xf32, #tpu.memory_space<hbm>>
    %dma_wait3A_2248 = tpu.memref_squeeze %dma_wait3A_2247 : memref<1x8x1024xf32, #tpu.memory_space<hbm>> -> memref<8x1024xf32, #tpu.memory_space<hbm>>
    %dma_wait3A_2249 = arith.constant 0 : i32
    %dma_wait3A_2250 = arith.constant 0 : i32
    %dma_wait3A_2251 = tpu.memref_slice %arg6[%dma_wait3A_2236, %dma_wait3A_2237, %dma_wait3A_2249, %dma_wait3A_2250] : memref<3x4x8x1024xf32, #tpu.memory_space<vmem>> -> memref<1x1x8x1024xf32, #tpu.memory_space<vmem>>
    %dma_wait3A_2252 = tpu.memref_squeeze %dma_wait3A_2251 : memref<1x1x8x1024xf32, #tpu.memory_space<vmem>> -> memref<8x1024xf32, #tpu.memory_space<vmem>>
    tpu.wait_dma2 semaphore(%arg12 : memref<!tpu.dma_semaphore, #tpu.memory_space<semaphore_mem>>) src(%dma_wait3A_2252 : memref<8x1024xf32, #tpu.memory_space<vmem>>) dst(%dma_wait3A_2248 : memref<8x1024xf32, #tpu.memory_space<hbm>>)
    %dma_wait3A_2253 = arith.constant 2 : i32
    %dma_wait3A_2254 = arith.constant 1 : i32
    %dma_wait3A_2255 = arith.constant 1 : i32
    %dma_wait3A_2256 = arith.constant 0 : i32
    %dma_wait3A_2257 = arith.constant 0 : i32
    %dma_wait3A_2258 = tpu.memref_slice %arg6[%dma_wait3A_2253, %dma_wait3A_2254, %dma_wait3A_2256, %dma_wait3A_2257] : memref<3x4x8x1024xf32, #tpu.memory_space<vmem>> -> memref<1x1x8x1024xf32, #tpu.memory_space<vmem>>
    %dma_wait3A_2259 = tpu.memref_squeeze %dma_wait3A_2258 : memref<1x1x8x1024xf32, #tpu.memory_space<vmem>> -> memref<8x1024xf32, #tpu.memory_space<vmem>>
    %dma_wait3A_2260 = arith.constant 0 : i32
    %dma_wait3A_2261 = tpu.memref_slice %arg4[%dma_wait3A_2255, %add3A_1708, %dma_wait3A_2260] : memref<4x2048x1024xf32, #tpu.memory_space<hbm>> -> memref<1x8x1024xf32, #tpu.memory_space<hbm>>
    %dma_wait3A_2262 = tpu.memref_squeeze %dma_wait3A_2261 : memref<1x8x1024xf32, #tpu.memory_space<hbm>> -> memref<8x1024xf32, #tpu.memory_space<hbm>>
    %dma_wait3A_2263 = arith.constant 0 : i32
    %dma_wait3A_2264 = tpu.memref_slice %arg4[%dma_wait3A_2255, %add3A_1708, %dma_wait3A_2263] : memref<4x2048x1024xf32, #tpu.memory_space<hbm>> -> memref<1x8x1024xf32, #tpu.memory_space<hbm>>
    %dma_wait3A_2265 = tpu.memref_squeeze %dma_wait3A_2264 : memref<1x8x1024xf32, #tpu.memory_space<hbm>> -> memref<8x1024xf32, #tpu.memory_space<hbm>>
    %dma_wait3A_2266 = arith.constant 0 : i32
    %dma_wait3A_2267 = arith.constant 0 : i32
    %dma_wait3A_2268 = tpu.memref_slice %arg6[%dma_wait3A_2253, %dma_wait3A_2254, %dma_wait3A_2266, %dma_wait3A_2267] : memref<3x4x8x1024xf32, #tpu.memory_space<vmem>> -> memref<1x1x8x1024xf32, #tpu.memory_space<vmem>>
    %dma_wait3A_2269 = tpu.memref_squeeze %dma_wait3A_2268 : memref<1x1x8x1024xf32, #tpu.memory_space<vmem>> -> memref<8x1024xf32, #tpu.memory_space<vmem>>
    tpu.wait_dma2 semaphore(%arg12 : memref<!tpu.dma_semaphore, #tpu.memory_space<semaphore_mem>>) src(%dma_wait3A_2269 : memref<8x1024xf32, #tpu.memory_space<vmem>>) dst(%dma_wait3A_2265 : memref<8x1024xf32, #tpu.memory_space<hbm>>)
    %dma_wait3A_2270 = arith.constant 2 : i32
    %dma_wait3A_2271 = arith.constant 2 : i32
    %dma_wait3A_2272 = arith.constant 2 : i32
    %dma_wait3A_2273 = arith.constant 0 : i32
    %dma_wait3A_2274 = arith.constant 0 : i32
    %dma_wait3A_2275 = tpu.memref_slice %arg6[%dma_wait3A_2270, %dma_wait3A_2271, %dma_wait3A_2273, %dma_wait3A_2274] : memref<3x4x8x1024xf32, #tpu.memory_space<vmem>> -> memref<1x1x8x1024xf32, #tpu.memory_space<vmem>>
    %dma_wait3A_2276 = tpu.memref_squeeze %dma_wait3A_2275 : memref<1x1x8x1024xf32, #tpu.memory_space<vmem>> -> memref<8x1024xf32, #tpu.memory_space<vmem>>
    %dma_wait3A_2277 = arith.constant 0 : i32
    %dma_wait3A_2278 = tpu.memref_slice %arg4[%dma_wait3A_2272, %add3A_1708, %dma_wait3A_2277] : memref<4x2048x1024xf32, #tpu.memory_space<hbm>> -> memref<1x8x1024xf32, #tpu.memory_space<hbm>>
    %dma_wait3A_2279 = tpu.memref_squeeze %dma_wait3A_2278 : memref<1x8x1024xf32, #tpu.memory_space<hbm>> -> memref<8x1024xf32, #tpu.memory_space<hbm>>
    %dma_wait3A_2280 = arith.constant 0 : i32
    %dma_wait3A_2281 = tpu.memref_slice %arg4[%dma_wait3A_2272, %add3A_1708, %dma_wait3A_2280] : memref<4x2048x1024xf32, #tpu.memory_space<hbm>> -> memref<1x8x1024xf32, #tpu.memory_space<hbm>>
    %dma_wait3A_2282 = tpu.memref_squeeze %dma_wait3A_2281 : memref<1x8x1024xf32, #tpu.memory_space<hbm>> -> memref<8x1024xf32, #tpu.memory_space<hbm>>
    %dma_wait3A_2283 = arith.constant 0 : i32
    %dma_wait3A_2284 = arith.constant 0 : i32
    %dma_wait3A_2285 = tpu.memref_slice %arg6[%dma_wait3A_2270, %dma_wait3A_2271, %dma_wait3A_2283, %dma_wait3A_2284] : memref<3x4x8x1024xf32, #tpu.memory_space<vmem>> -> memref<1x1x8x1024xf32, #tpu.memory_space<vmem>>
    %dma_wait3A_2286 = tpu.memref_squeeze %dma_wait3A_2285 : memref<1x1x8x1024xf32, #tpu.memory_space<vmem>> -> memref<8x1024xf32, #tpu.memory_space<vmem>>
    tpu.wait_dma2 semaphore(%arg12 : memref<!tpu.dma_semaphore, #tpu.memory_space<semaphore_mem>>) src(%dma_wait3A_2286 : memref<8x1024xf32, #tpu.memory_space<vmem>>) dst(%dma_wait3A_2282 : memref<8x1024xf32, #tpu.memory_space<hbm>>)
    %dma_wait3A_2287 = arith.constant 2 : i32
    %dma_wait3A_2288 = arith.constant 3 : i32
    %dma_wait3A_2289 = arith.constant 3 : i32
    %dma_wait3A_2290 = arith.constant 0 : i32
    %dma_wait3A_2291 = arith.constant 0 : i32
    %dma_wait3A_2292 = tpu.memref_slice %arg6[%dma_wait3A_2287, %dma_wait3A_2288, %dma_wait3A_2290, %dma_wait3A_2291] : memref<3x4x8x1024xf32, #tpu.memory_space<vmem>> -> memref<1x1x8x1024xf32, #tpu.memory_space<vmem>>
    %dma_wait3A_2293 = tpu.memref_squeeze %dma_wait3A_2292 : memref<1x1x8x1024xf32, #tpu.memory_space<vmem>> -> memref<8x1024xf32, #tpu.memory_space<vmem>>
    %dma_wait3A_2294 = arith.constant 0 : i32
    %dma_wait3A_2295 = tpu.memref_slice %arg4[%dma_wait3A_2289, %add3A_1708, %dma_wait3A_2294] : memref<4x2048x1024xf32, #tpu.memory_space<hbm>> -> memref<1x8x1024xf32, #tpu.memory_space<hbm>>
    %dma_wait3A_2296 = tpu.memref_squeeze %dma_wait3A_2295 : memref<1x8x1024xf32, #tpu.memory_space<hbm>> -> memref<8x1024xf32, #tpu.memory_space<hbm>>
    %dma_wait3A_2297 = arith.constant 0 : i32
    %dma_wait3A_2298 = tpu.memref_slice %arg4[%dma_wait3A_2289, %add3A_1708, %dma_wait3A_2297] : memref<4x2048x1024xf32, #tpu.memory_space<hbm>> -> memref<1x8x1024xf32, #tpu.memory_space<hbm>>
    %dma_wait3A_2299 = tpu.memref_squeeze %dma_wait3A_2298 : memref<1x8x1024xf32, #tpu.memory_space<hbm>> -> memref<8x1024xf32, #tpu.memory_space<hbm>>
    %dma_wait3A_2300 = arith.constant 0 : i32
    %dma_wait3A_2301 = arith.constant 0 : i32
    %dma_wait3A_2302 = tpu.memref_slice %arg6[%dma_wait3A_2287, %dma_wait3A_2288, %dma_wait3A_2300, %dma_wait3A_2301] : memref<3x4x8x1024xf32, #tpu.memory_space<vmem>> -> memref<1x1x8x1024xf32, #tpu.memory_space<vmem>>
    %dma_wait3A_2303 = tpu.memref_squeeze %dma_wait3A_2302 : memref<1x1x8x1024xf32, #tpu.memory_space<vmem>> -> memref<8x1024xf32, #tpu.memory_space<vmem>>
    tpu.wait_dma2 semaphore(%arg12 : memref<!tpu.dma_semaphore, #tpu.memory_space<semaphore_mem>>) src(%dma_wait3A_2303 : memref<8x1024xf32, #tpu.memory_space<vmem>>) dst(%dma_wait3A_2299 : memref<8x1024xf32, #tpu.memory_space<hbm>>)
    %dma_wait3A_2304 = arith.constant 0 : i32
    %dma_wait3A_2305 = arith.constant 0 : i32
    %dma_wait3A_2306 = arith.constant 0 : i32
    %dma_wait3A_2307 = arith.constant 0 : i32
    %dma_wait3A_2308 = arith.constant 0 : i32
    %dma_wait3A_2309 = tpu.memref_slice %arg6[%dma_wait3A_2304, %dma_wait3A_2305, %dma_wait3A_2307, %dma_wait3A_2308] : memref<3x4x8x1024xf32, #tpu.memory_space<vmem>> -> memref<1x1x8x1024xf32, #tpu.memory_space<vmem>>
    %dma_wait3A_2310 = tpu.memref_squeeze %dma_wait3A_2309 : memref<1x1x8x1024xf32, #tpu.memory_space<vmem>> -> memref<8x1024xf32, #tpu.memory_space<vmem>>
    %dma_wait3A_2311 = arith.constant 0 : i32
    %dma_wait3A_2312 = tpu.memref_slice %arg4[%dma_wait3A_2306, %add3A_2013, %dma_wait3A_2311] : memref<4x2048x1024xf32, #tpu.memory_space<hbm>> -> memref<1x8x1024xf32, #tpu.memory_space<hbm>>
    %dma_wait3A_2313 = tpu.memref_squeeze %dma_wait3A_2312 : memref<1x8x1024xf32, #tpu.memory_space<hbm>> -> memref<8x1024xf32, #tpu.memory_space<hbm>>
    %dma_wait3A_2314 = arith.constant 0 : i32
    %dma_wait3A_2315 = tpu.memref_slice %arg4[%dma_wait3A_2306, %add3A_2013, %dma_wait3A_2314] : memref<4x2048x1024xf32, #tpu.memory_space<hbm>> -> memref<1x8x1024xf32, #tpu.memory_space<hbm>>
    %dma_wait3A_2316 = tpu.memref_squeeze %dma_wait3A_2315 : memref<1x8x1024xf32, #tpu.memory_space<hbm>> -> memref<8x1024xf32, #tpu.memory_space<hbm>>
    %dma_wait3A_2317 = arith.constant 0 : i32
    %dma_wait3A_2318 = arith.constant 0 : i32
    %dma_wait3A_2319 = tpu.memref_slice %arg6[%dma_wait3A_2304, %dma_wait3A_2305, %dma_wait3A_2317, %dma_wait3A_2318] : memref<3x4x8x1024xf32, #tpu.memory_space<vmem>> -> memref<1x1x8x1024xf32, #tpu.memory_space<vmem>>
    %dma_wait3A_2320 = tpu.memref_squeeze %dma_wait3A_2319 : memref<1x1x8x1024xf32, #tpu.memory_space<vmem>> -> memref<8x1024xf32, #tpu.memory_space<vmem>>
    tpu.wait_dma2 semaphore(%arg10 : memref<!tpu.dma_semaphore, #tpu.memory_space<semaphore_mem>>) src(%dma_wait3A_2320 : memref<8x1024xf32, #tpu.memory_space<vmem>>) dst(%dma_wait3A_2316 : memref<8x1024xf32, #tpu.memory_space<hbm>>)
    %dma_wait3A_2321 = arith.constant 0 : i32
    %dma_wait3A_2322 = arith.constant 1 : i32
    %dma_wait3A_2323 = arith.constant 1 : i32
    %dma_wait3A_2324 = arith.constant 0 : i32
    %dma_wait3A_2325 = arith.constant 0 : i32
    %dma_wait3A_2326 = tpu.memref_slice %arg6[%dma_wait3A_2321, %dma_wait3A_2322, %dma_wait3A_2324, %dma_wait3A_2325] : memref<3x4x8x1024xf32, #tpu.memory_space<vmem>> -> memref<1x1x8x1024xf32, #tpu.memory_space<vmem>>
    %dma_wait3A_2327 = tpu.memref_squeeze %dma_wait3A_2326 : memref<1x1x8x1024xf32, #tpu.memory_space<vmem>> -> memref<8x1024xf32, #tpu.memory_space<vmem>>
    %dma_wait3A_2328 = arith.constant 0 : i32
    %dma_wait3A_2329 = tpu.memref_slice %arg4[%dma_wait3A_2323, %add3A_2013, %dma_wait3A_2328] : memref<4x2048x1024xf32, #tpu.memory_space<hbm>> -> memref<1x8x1024xf32, #tpu.memory_space<hbm>>
    %dma_wait3A_2330 = tpu.memref_squeeze %dma_wait3A_2329 : memref<1x8x1024xf32, #tpu.memory_space<hbm>> -> memref<8x1024xf32, #tpu.memory_space<hbm>>
    %dma_wait3A_2331 = arith.constant 0 : i32
    %dma_wait3A_2332 = tpu.memref_slice %arg4[%dma_wait3A_2323, %add3A_2013, %dma_wait3A_2331] : memref<4x2048x1024xf32, #tpu.memory_space<hbm>> -> memref<1x8x1024xf32, #tpu.memory_space<hbm>>
    %dma_wait3A_2333 = tpu.memref_squeeze %dma_wait3A_2332 : memref<1x8x1024xf32, #tpu.memory_space<hbm>> -> memref<8x1024xf32, #tpu.memory_space<hbm>>
    %dma_wait3A_2334 = arith.constant 0 : i32
    %dma_wait3A_2335 = arith.constant 0 : i32
    %dma_wait3A_2336 = tpu.memref_slice %arg6[%dma_wait3A_2321, %dma_wait3A_2322, %dma_wait3A_2334, %dma_wait3A_2335] : memref<3x4x8x1024xf32, #tpu.memory_space<vmem>> -> memref<1x1x8x1024xf32, #tpu.memory_space<vmem>>
    %dma_wait3A_2337 = tpu.memref_squeeze %dma_wait3A_2336 : memref<1x1x8x1024xf32, #tpu.memory_space<vmem>> -> memref<8x1024xf32, #tpu.memory_space<vmem>>
    tpu.wait_dma2 semaphore(%arg10 : memref<!tpu.dma_semaphore, #tpu.memory_space<semaphore_mem>>) src(%dma_wait3A_2337 : memref<8x1024xf32, #tpu.memory_space<vmem>>) dst(%dma_wait3A_2333 : memref<8x1024xf32, #tpu.memory_space<hbm>>)
    %dma_wait3A_2338 = arith.constant 0 : i32
    %dma_wait3A_2339 = arith.constant 2 : i32
    %dma_wait3A_2340 = arith.constant 2 : i32
    %dma_wait3A_2341 = arith.constant 0 : i32
    %dma_wait3A_2342 = arith.constant 0 : i32
    %dma_wait3A_2343 = tpu.memref_slice %arg6[%dma_wait3A_2338, %dma_wait3A_2339, %dma_wait3A_2341, %dma_wait3A_2342] : memref<3x4x8x1024xf32, #tpu.memory_space<vmem>> -> memref<1x1x8x1024xf32, #tpu.memory_space<vmem>>
    %dma_wait3A_2344 = tpu.memref_squeeze %dma_wait3A_2343 : memref<1x1x8x1024xf32, #tpu.memory_space<vmem>> -> memref<8x1024xf32, #tpu.memory_space<vmem>>
    %dma_wait3A_2345 = arith.constant 0 : i32
    %dma_wait3A_2346 = tpu.memref_slice %arg4[%dma_wait3A_2340, %add3A_2013, %dma_wait3A_2345] : memref<4x2048x1024xf32, #tpu.memory_space<hbm>> -> memref<1x8x1024xf32, #tpu.memory_space<hbm>>
    %dma_wait3A_2347 = tpu.memref_squeeze %dma_wait3A_2346 : memref<1x8x1024xf32, #tpu.memory_space<hbm>> -> memref<8x1024xf32, #tpu.memory_space<hbm>>
    %dma_wait3A_2348 = arith.constant 0 : i32
    %dma_wait3A_2349 = tpu.memref_slice %arg4[%dma_wait3A_2340, %add3A_2013, %dma_wait3A_2348] : memref<4x2048x1024xf32, #tpu.memory_space<hbm>> -> memref<1x8x1024xf32, #tpu.memory_space<hbm>>
    %dma_wait3A_2350 = tpu.memref_squeeze %dma_wait3A_2349 : memref<1x8x1024xf32, #tpu.memory_space<hbm>> -> memref<8x1024xf32, #tpu.memory_space<hbm>>
    %dma_wait3A_2351 = arith.constant 0 : i32
    %dma_wait3A_2352 = arith.constant 0 : i32
    %dma_wait3A_2353 = tpu.memref_slice %arg6[%dma_wait3A_2338, %dma_wait3A_2339, %dma_wait3A_2351, %dma_wait3A_2352] : memref<3x4x8x1024xf32, #tpu.memory_space<vmem>> -> memref<1x1x8x1024xf32, #tpu.memory_space<vmem>>
    %dma_wait3A_2354 = tpu.memref_squeeze %dma_wait3A_2353 : memref<1x1x8x1024xf32, #tpu.memory_space<vmem>> -> memref<8x1024xf32, #tpu.memory_space<vmem>>
    tpu.wait_dma2 semaphore(%arg10 : memref<!tpu.dma_semaphore, #tpu.memory_space<semaphore_mem>>) src(%dma_wait3A_2354 : memref<8x1024xf32, #tpu.memory_space<vmem>>) dst(%dma_wait3A_2350 : memref<8x1024xf32, #tpu.memory_space<hbm>>)
    %dma_wait3A_2355 = arith.constant 0 : i32
    %dma_wait3A_2356 = arith.constant 3 : i32
    %dma_wait3A_2357 = arith.constant 3 : i32
    %dma_wait3A_2358 = arith.constant 0 : i32
    %dma_wait3A_2359 = arith.constant 0 : i32
    %dma_wait3A_2360 = tpu.memref_slice %arg6[%dma_wait3A_2355, %dma_wait3A_2356, %dma_wait3A_2358, %dma_wait3A_2359] : memref<3x4x8x1024xf32, #tpu.memory_space<vmem>> -> memref<1x1x8x1024xf32, #tpu.memory_space<vmem>>
    %dma_wait3A_2361 = tpu.memref_squeeze %dma_wait3A_2360 : memref<1x1x8x1024xf32, #tpu.memory_space<vmem>> -> memref<8x1024xf32, #tpu.memory_space<vmem>>
    %dma_wait3A_2362 = arith.constant 0 : i32
    %dma_wait3A_2363 = tpu.memref_slice %arg4[%dma_wait3A_2357, %add3A_2013, %dma_wait3A_2362] : memref<4x2048x1024xf32, #tpu.memory_space<hbm>> -> memref<1x8x1024xf32, #tpu.memory_space<hbm>>
    %dma_wait3A_2364 = tpu.memref_squeeze %dma_wait3A_2363 : memref<1x8x1024xf32, #tpu.memory_space<hbm>> -> memref<8x1024xf32, #tpu.memory_space<hbm>>
    %dma_wait3A_2365 = arith.constant 0 : i32
    %dma_wait3A_2366 = tpu.memref_slice %arg4[%dma_wait3A_2357, %add3A_2013, %dma_wait3A_2365] : memref<4x2048x1024xf32, #tpu.memory_space<hbm>> -> memref<1x8x1024xf32, #tpu.memory_space<hbm>>
    %dma_wait3A_2367 = tpu.memref_squeeze %dma_wait3A_2366 : memref<1x8x1024xf32, #tpu.memory_space<hbm>> -> memref<8x1024xf32, #tpu.memory_space<hbm>>
    %dma_wait3A_2368 = arith.constant 0 : i32
    %dma_wait3A_2369 = arith.constant 0 : i32
    %dma_wait3A_2370 = tpu.memref_slice %arg6[%dma_wait3A_2355, %dma_wait3A_2356, %dma_wait3A_2368, %dma_wait3A_2369] : memref<3x4x8x1024xf32, #tpu.memory_space<vmem>> -> memref<1x1x8x1024xf32, #tpu.memory_space<vmem>>
    %dma_wait3A_2371 = tpu.memref_squeeze %dma_wait3A_2370 : memref<1x1x8x1024xf32, #tpu.memory_space<vmem>> -> memref<8x1024xf32, #tpu.memory_space<vmem>>
    tpu.wait_dma2 semaphore(%arg10 : memref<!tpu.dma_semaphore, #tpu.memory_space<semaphore_mem>>) src(%dma_wait3A_2371 : memref<8x1024xf32, #tpu.memory_space<vmem>>) dst(%dma_wait3A_2367 : memref<8x1024xf32, #tpu.memory_space<hbm>>)
    %dma_wait3A_2372 = arith.constant 1 : i32
    %dma_wait3A_2373 = arith.constant 0 : i32
    %dma_wait3A_2374 = arith.constant 0 : i32
    %dma_wait3A_2375 = arith.constant 0 : i32
    %dma_wait3A_2376 = arith.constant 0 : i32
    %dma_wait3A_2377 = tpu.memref_slice %arg6[%dma_wait3A_2372, %dma_wait3A_2373, %dma_wait3A_2375, %dma_wait3A_2376] : memref<3x4x8x1024xf32, #tpu.memory_space<vmem>> -> memref<1x1x8x1024xf32, #tpu.memory_space<vmem>>
    %dma_wait3A_2378 = tpu.memref_squeeze %dma_wait3A_2377 : memref<1x1x8x1024xf32, #tpu.memory_space<vmem>> -> memref<8x1024xf32, #tpu.memory_space<vmem>>
    %dma_wait3A_2379 = arith.constant 0 : i32
    %dma_wait3A_2380 = tpu.memref_slice %arg4[%dma_wait3A_2374, %add3A_2167, %dma_wait3A_2379] : memref<4x2048x1024xf32, #tpu.memory_space<hbm>> -> memref<1x8x1024xf32, #tpu.memory_space<hbm>>
    %dma_wait3A_2381 = tpu.memref_squeeze %dma_wait3A_2380 : memref<1x8x1024xf32, #tpu.memory_space<hbm>> -> memref<8x1024xf32, #tpu.memory_space<hbm>>
    %dma_wait3A_2382 = arith.constant 0 : i32
    %dma_wait3A_2383 = tpu.memref_slice %arg4[%dma_wait3A_2374, %add3A_2167, %dma_wait3A_2382] : memref<4x2048x1024xf32, #tpu.memory_space<hbm>> -> memref<1x8x1024xf32, #tpu.memory_space<hbm>>
    %dma_wait3A_2384 = tpu.memref_squeeze %dma_wait3A_2383 : memref<1x8x1024xf32, #tpu.memory_space<hbm>> -> memref<8x1024xf32, #tpu.memory_space<hbm>>
    %dma_wait3A_2385 = arith.constant 0 : i32
    %dma_wait3A_2386 = arith.constant 0 : i32
    %dma_wait3A_2387 = tpu.memref_slice %arg6[%dma_wait3A_2372, %dma_wait3A_2373, %dma_wait3A_2385, %dma_wait3A_2386] : memref<3x4x8x1024xf32, #tpu.memory_space<vmem>> -> memref<1x1x8x1024xf32, #tpu.memory_space<vmem>>
    %dma_wait3A_2388 = tpu.memref_squeeze %dma_wait3A_2387 : memref<1x1x8x1024xf32, #tpu.memory_space<vmem>> -> memref<8x1024xf32, #tpu.memory_space<vmem>>
    tpu.wait_dma2 semaphore(%arg11 : memref<!tpu.dma_semaphore, #tpu.memory_space<semaphore_mem>>) src(%dma_wait3A_2388 : memref<8x1024xf32, #tpu.memory_space<vmem>>) dst(%dma_wait3A_2384 : memref<8x1024xf32, #tpu.memory_space<hbm>>)
    %dma_wait3A_2389 = arith.constant 1 : i32
    %dma_wait3A_2390 = arith.constant 1 : i32
    %dma_wait3A_2391 = arith.constant 1 : i32
    %dma_wait3A_2392 = arith.constant 0 : i32
    %dma_wait3A_2393 = arith.constant 0 : i32
    %dma_wait3A_2394 = tpu.memref_slice %arg6[%dma_wait3A_2389, %dma_wait3A_2390, %dma_wait3A_2392, %dma_wait3A_2393] : memref<3x4x8x1024xf32, #tpu.memory_space<vmem>> -> memref<1x1x8x1024xf32, #tpu.memory_space<vmem>>
    %dma_wait3A_2395 = tpu.memref_squeeze %dma_wait3A_2394 : memref<1x1x8x1024xf32, #tpu.memory_space<vmem>> -> memref<8x1024xf32, #tpu.memory_space<vmem>>
    %dma_wait3A_2396 = arith.constant 0 : i32
    %dma_wait3A_2397 = tpu.memref_slice %arg4[%dma_wait3A_2391, %add3A_2167, %dma_wait3A_2396] : memref<4x2048x1024xf32, #tpu.memory_space<hbm>> -> memref<1x8x1024xf32, #tpu.memory_space<hbm>>
    %dma_wait3A_2398 = tpu.memref_squeeze %dma_wait3A_2397 : memref<1x8x1024xf32, #tpu.memory_space<hbm>> -> memref<8x1024xf32, #tpu.memory_space<hbm>>
    %dma_wait3A_2399 = arith.constant 0 : i32
    %dma_wait3A_2400 = tpu.memref_slice %arg4[%dma_wait3A_2391, %add3A_2167, %dma_wait3A_2399] : memref<4x2048x1024xf32, #tpu.memory_space<hbm>> -> memref<1x8x1024xf32, #tpu.memory_space<hbm>>
    %dma_wait3A_2401 = tpu.memref_squeeze %dma_wait3A_2400 : memref<1x8x1024xf32, #tpu.memory_space<hbm>> -> memref<8x1024xf32, #tpu.memory_space<hbm>>
    %dma_wait3A_2402 = arith.constant 0 : i32
    %dma_wait3A_2403 = arith.constant 0 : i32
    %dma_wait3A_2404 = tpu.memref_slice %arg6[%dma_wait3A_2389, %dma_wait3A_2390, %dma_wait3A_2402, %dma_wait3A_2403] : memref<3x4x8x1024xf32, #tpu.memory_space<vmem>> -> memref<1x1x8x1024xf32, #tpu.memory_space<vmem>>
    %dma_wait3A_2405 = tpu.memref_squeeze %dma_wait3A_2404 : memref<1x1x8x1024xf32, #tpu.memory_space<vmem>> -> memref<8x1024xf32, #tpu.memory_space<vmem>>
    tpu.wait_dma2 semaphore(%arg11 : memref<!tpu.dma_semaphore, #tpu.memory_space<semaphore_mem>>) src(%dma_wait3A_2405 : memref<8x1024xf32, #tpu.memory_space<vmem>>) dst(%dma_wait3A_2401 : memref<8x1024xf32, #tpu.memory_space<hbm>>)
    %dma_wait3A_2406 = arith.constant 1 : i32
    %dma_wait3A_2407 = arith.constant 2 : i32
    %dma_wait3A_2408 = arith.constant 2 : i32
    %dma_wait3A_2409 = arith.constant 0 : i32
    %dma_wait3A_2410 = arith.constant 0 : i32
    %dma_wait3A_2411 = tpu.memref_slice %arg6[%dma_wait3A_2406, %dma_wait3A_2407, %dma_wait3A_2409, %dma_wait3A_2410] : memref<3x4x8x1024xf32, #tpu.memory_space<vmem>> -> memref<1x1x8x1024xf32, #tpu.memory_space<vmem>>
    %dma_wait3A_2412 = tpu.memref_squeeze %dma_wait3A_2411 : memref<1x1x8x1024xf32, #tpu.memory_space<vmem>> -> memref<8x1024xf32, #tpu.memory_space<vmem>>
    %dma_wait3A_2413 = arith.constant 0 : i32
    %dma_wait3A_2414 = tpu.memref_slice %arg4[%dma_wait3A_2408, %add3A_2167, %dma_wait3A_2413] : memref<4x2048x1024xf32, #tpu.memory_space<hbm>> -> memref<1x8x1024xf32, #tpu.memory_space<hbm>>
    %dma_wait3A_2415 = tpu.memref_squeeze %dma_wait3A_2414 : memref<1x8x1024xf32, #tpu.memory_space<hbm>> -> memref<8x1024xf32, #tpu.memory_space<hbm>>
    %dma_wait3A_2416 = arith.constant 0 : i32
    %dma_wait3A_2417 = tpu.memref_slice %arg4[%dma_wait3A_2408, %add3A_2167, %dma_wait3A_2416] : memref<4x2048x1024xf32, #tpu.memory_space<hbm>> -> memref<1x8x1024xf32, #tpu.memory_space<hbm>>
    %dma_wait3A_2418 = tpu.memref_squeeze %dma_wait3A_2417 : memref<1x8x1024xf32, #tpu.memory_space<hbm>> -> memref<8x1024xf32, #tpu.memory_space<hbm>>
    %dma_wait3A_2419 = arith.constant 0 : i32
    %dma_wait3A_2420 = arith.constant 0 : i32
    %dma_wait3A_2421 = tpu.memref_slice %arg6[%dma_wait3A_2406, %dma_wait3A_2407, %dma_wait3A_2419, %dma_wait3A_2420] : memref<3x4x8x1024xf32, #tpu.memory_space<vmem>> -> memref<1x1x8x1024xf32, #tpu.memory_space<vmem>>
    %dma_wait3A_2422 = tpu.memref_squeeze %dma_wait3A_2421 : memref<1x1x8x1024xf32, #tpu.memory_space<vmem>> -> memref<8x1024xf32, #tpu.memory_space<vmem>>
    tpu.wait_dma2 semaphore(%arg11 : memref<!tpu.dma_semaphore, #tpu.memory_space<semaphore_mem>>) src(%dma_wait3A_2422 : memref<8x1024xf32, #tpu.memory_space<vmem>>) dst(%dma_wait3A_2418 : memref<8x1024xf32, #tpu.memory_space<hbm>>)
    %dma_wait3A_2423 = arith.constant 1 : i32
    %dma_wait3A_2424 = arith.constant 3 : i32
    %dma_wait3A_2425 = arith.constant 3 : i32
    %dma_wait3A_2426 = arith.constant 0 : i32
    %dma_wait3A_2427 = arith.constant 0 : i32
    %dma_wait3A_2428 = tpu.memref_slice %arg6[%dma_wait3A_2423, %dma_wait3A_2424, %dma_wait3A_2426, %dma_wait3A_2427] : memref<3x4x8x1024xf32, #tpu.memory_space<vmem>> -> memref<1x1x8x1024xf32, #tpu.memory_space<vmem>>
    %dma_wait3A_2429 = tpu.memref_squeeze %dma_wait3A_2428 : memref<1x1x8x1024xf32, #tpu.memory_space<vmem>> -> memref<8x1024xf32, #tpu.memory_space<vmem>>
    %dma_wait3A_2430 = arith.constant 0 : i32
    %dma_wait3A_2431 = tpu.memref_slice %arg4[%dma_wait3A_2425, %add3A_2167, %dma_wait3A_2430] : memref<4x2048x1024xf32, #tpu.memory_space<hbm>> -> memref<1x8x1024xf32, #tpu.memory_space<hbm>>
    %dma_wait3A_2432 = tpu.memref_squeeze %dma_wait3A_2431 : memref<1x8x1024xf32, #tpu.memory_space<hbm>> -> memref<8x1024xf32, #tpu.memory_space<hbm>>
    %dma_wait3A_2433 = arith.constant 0 : i32
    %dma_wait3A_2434 = tpu.memref_slice %arg4[%dma_wait3A_2425, %add3A_2167, %dma_wait3A_2433] : memref<4x2048x1024xf32, #tpu.memory_space<hbm>> -> memref<1x8x1024xf32, #tpu.memory_space<hbm>>
    %dma_wait3A_2435 = tpu.memref_squeeze %dma_wait3A_2434 : memref<1x8x1024xf32, #tpu.memory_space<hbm>> -> memref<8x1024xf32, #tpu.memory_space<hbm>>
    %dma_wait3A_2436 = arith.constant 0 : i32
    %dma_wait3A_2437 = arith.constant 0 : i32
    %dma_wait3A_2438 = tpu.memref_slice %arg6[%dma_wait3A_2423, %dma_wait3A_2424, %dma_wait3A_2436, %dma_wait3A_2437] : memref<3x4x8x1024xf32, #tpu.memory_space<vmem>> -> memref<1x1x8x1024xf32, #tpu.memory_space<vmem>>
    %dma_wait3A_2439 = tpu.memref_squeeze %dma_wait3A_2438 : memref<1x1x8x1024xf32, #tpu.memory_space<vmem>> -> memref<8x1024xf32, #tpu.memory_space<vmem>>
    tpu.wait_dma2 semaphore(%arg11 : memref<!tpu.dma_semaphore, #tpu.memory_space<semaphore_mem>>) src(%dma_wait3A_2439 : memref<8x1024xf32, #tpu.memory_space<vmem>>) dst(%dma_wait3A_2435 : memref<8x1024xf32, #tpu.memory_space<hbm>>)
    return
  }
}

</mosaic_0001>

<sc_bundles>
// kernel: kernel.3.cloned.1.call-start
scs
__scs_entry_jumppad:
0x0: {  	(pc) =	sbr.rel $0x88, $3  }
0x1: {  	(tag) =	ssettag $0x0;
	lr =	simm.s32 $0x1  }
0x2: {  	[smem:$0x3F9F] =	sst lr;
	_ =	strace $0xD0000000  }
0x3: {  	_ = 	snop  }
0x4: {  	_ = 	snop  }
0x5: {  	_ = 	snop  }
0x6: {  	_ = 	snop  }
0x7: {  	_ = 	snop  }
__scs_overlays_trampoline_lowered:
0x8: {  	[smem:$0x3FAE] =	sst s0  }
0x9: {  	[smem:$0x3FAF] =	sst s1  }
0xa: {  	[smem:$0x3FB0] =	sst s2  }
0xb: {  	[smem:$0x3FB1] =	sst s3  }
0xc: {  	[smem:$0x3FB2] =	sst s4  }
0xd: {  	[smem:$0x3FB3] =	sst s5  }
0xe: {  	[smem:$0x3FB4] =	sst s6  }
0xf: {  	[smem:$0x3FB5] =	sst s7  }
0x10: {  	[smem:$0x3FB6] =	sst s8  }
0x11: {  	[smem:$0x3FB7] =	sst s9;
	s0 =	simm.s32 @!p0 $0x0  }
0x12: {  	s1 =	sld [smem:$0x3F9D];
	s0 =	simm.s32 @p0 $0x1  }
0x13: {  	[smem:$0x3FB8] =	sst s0;
	s0 =	simm.s32 @!p1 $0x0  }
0x14: {  	s2 =	sld [smem:$0x3F9C];
	s0 =	simm.s32 @p1 $0x1  }
0x15: {  	[smem:$0x3FB9] =	sst s0;
	s0 =	simm.s32 @!p2 $0x0  }
0x16: {  	s3 =	sld [smem:$0x3FDB];
	s0 =	simm.s32 @p2 $0x1  }
0x17: {  	s4 =	simm.s32 $0x1BF5;
	[smem:$0x3FBB] =	sst s0  }
0x18: {  	s0 =	sld [smem:$0x3F9E];
	_ =	swait.ge [sflag:s4], $0x0  }
0x19: {  	s7 =	sld [smem:$0x3F9F]  }
0x1a: {  	s8 =	sadd.s32 $0xFFFFE003, lr  }
0x1b: {  	s9 =	sadd.s32 $0xFFFFFEF7, lr;
	s5 =	simm.s32 $0xFFFFFFFF;
	p2 =	slt.u32 s8, $0xFFFFF086  }
0x1c: {  	p1 =	slt.u32 s9, $0xF7A;
	s5 =	simm.s32 @!p2 $0x0  }
0x1d: {  	s5 =	simm.s32 @p1 $0x1;
	p0 =	seq.s32 s7, s2  }
0x1e: {  	s7 =	smul.u32 @!p0 $0xF7A, s2;
	p2 =	seq.s32 @!p0 s5, $0x0  }
0x1f: {  	s9 =	smul.u32 $0xF7A, s1;
	s8 =	simm.s32 @!p0 $0x1BF5;
	p2 =	por !p2, p0  }
0x20: {  	[sflag:s8] =	ssyncset.s32 @!p0 $0xFFFFF086;
	s6 =	sadd.s32 @!p0 s3, s7;
	s7 =	simm.s32 @!p0 $0x108  }
0x21: {  	s3 =	sadd.s32 s3, s9;
	s6 =	sadd.s32 @!p0 $0x88, s6;
	s7 =	simm.s32 @p2 $0x1082  }
0x22: {  	[simem:s7], [sflag:s8] =	dma.local @!p0 [hbm:s6], $0xF7A  }
0x23: {  	s9 =	sor.u32 $0xD0000000, s2;
	s6 =	simm.s32 $0x108;
	_ =	swait.ge @!p0 [sflag:s8], $0x0  }
0x24: {  	s3 =	sadd.s32 $0x88, s3;
	s6 =	simm.s32 @!p1 $0x1082;
	[sflag:s4] =	ssyncset.s32 $0xFFFFF086  }
0x25: {  	[simem:s6], [sflag:s4] =	dma.local [hbm:s3], $0xF7A  }
0x26: {  	[smem:$0x3F9F] =	sst s1;
	(tag) =	ssettag s2;
	_ =	strace s9  }
0x27: {  	s1 =	sld [smem:$0x3FAF]  }
0x28: {  	s2 =	sld [smem:$0x3FB0]  }
0x29: {  	s4 =	sld [smem:$0x3FB2]  }
0x2a: {  	p0 =	seq.s32 s5, $0x0;
	s5 =	sld [smem:$0x3FB3]  }
0x2b: {  	s6 =	sld [smem:$0x3FB4]  }
0x2c: {  	s7 =	sld [smem:$0x3FB5]  }
0x2d: {  	s3 =	simm.s32 $0x108;
	s8 =	sld [smem:$0x3FB6]  }
0x2e: {  	s3 =	simm.s32 @!p0 $0x1082;
	s9 =	sld [smem:$0x3FB7]  }
0x2f: {  	lr =	sadd.s32 s0, s3;
	s0 =	sld [smem:$0x3FAE]  }
0x30: {  	s3 =	sld [smem:$0x3FB1]  }
0x31: {  	[smem:$0x3FBA] =	sst s10  }
0x32: {  	s10 =	sld [smem:$0x3FB8];
	_ =	sdelay $0x3  }
0x33: {  	p0 =	seq.s32 s10, $0x1;
	s10 =	sld [smem:$0x3FBA];
	_ =	sdelay $0x3  }
0x34: {  	[smem:$0x3FBA] =	sst s10  }
0x35: {  	s10 =	sld [smem:$0x3FB9];
	_ =	sdelay $0x3  }
0x36: {  	p1 =	seq.s32 s10, $0x1;
	s10 =	sld [smem:$0x3FBA];
	_ =	sdelay $0x3  }
0x37: {  	[smem:$0x3FBA] =	sst s10  }
0x38: {  	s10 =	sld [smem:$0x3FBB]  }
0x39: {  	_ = 	snop;
	(pc) =	sbr.ind lr, $3  }
0x3a: {  	_ = 	snop  }
0x3b: {  	_ = 	snop  }
0x3c: {  	p2 =	seq.s32 s10, $0x1;
	s10 =	sld [smem:$0x3FBA]  }
0x3d: {  	_ =	shalt  }
0x3e: {  	_ =	shalt  }
0x3f: {  	_ =	shalt  }
0x40: {  	_ =	shalt  }
0x41: {  	_ =	shalt  }
0x42: {  	_ =	shalt  }
0x43: {  	_ =	shalt  }
0x44: {  	_ =	shalt  }
0x45: {  	_ =	shalt  }
0x46: {  	_ =	shalt  }
0x47: {  	_ =	shalt  }
0x48: {  	_ =	shalt  }
0x49: {  	_ =	shalt  }
0x4a: {  	_ =	shalt  }
0x4b: {  	_ =	shalt  }
0x4c: {  	_ =	shalt  }
0x4d: {  	_ =	shalt  }
0x4e: {  	_ =	shalt  }
0x4f: {  	_ =	shalt  }
0x50: {  	_ =	shalt  }
0x51: {  	_ =	shalt  }
0x52: {  	_ =	shalt  }
0x53: {  	_ =	shalt  }
0x54: {  	_ =	shalt  }
0x55: {  	_ =	shalt  }
0x56: {  	_ =	shalt  }
0x57: {  	_ =	shalt  }
0x58: {  	_ =	shalt  }
0x59: {  	_ =	shalt  }
0x5a: {  	_ =	shalt  }
0x5b: {  	_ =	shalt  }
0x5c: {  	_ =	shalt  }
0x5d: {  	_ =	shalt  }
0x5e: {  	_ =	shalt  }
0x5f: {  	_ =	shalt  }
0x60: {  	_ =	shalt  }
0x61: {  	_ =	shalt  }
0x62: {  	_ =	shalt  }
0x63: {  	_ =	shalt  }
0x64: {  	_ =	shalt  }
0x65: {  	_ =	shalt  }
0x66: {  	_ =	shalt  }
0x67: {  	_ =	shalt  }
0x68: {  	_ =	shalt  }
0x69: {  	_ =	shalt  }
0x6a: {  	_ =	shalt  }
0x6b: {  	_ =	shalt  }
0x6c: {  	_ =	shalt  }
0x6d: {  	_ =	shalt  }
0x6e: {  	_ =	shalt  }
0x6f: {  	_ =	shalt  }
0x70: {  	_ =	shalt  }
0x71: {  	_ =	shalt  }
0x72: {  	_ =	shalt  }
0x73: {  	_ =	shalt  }
0x74: {  	_ =	shalt  }
0x75: {  	_ =	shalt  }
0x76: {  	_ =	shalt  }
0x77: {  	_ =	shalt  }
0x78: {  	_ =	shalt  }
0x79: {  	_ =	shalt  }
0x7a: {  	_ =	shalt  }
0x7b: {  	_ =	shalt  }
0x7c: {  	_ =	shalt  }
0x7d: {  	_ =	shalt  }
0x7e: {  	_ =	shalt  }
0x7f: {  	_ =	shalt  }
0x80: {  	_ =	shalt  }
0x81: {  	_ =	shalt  }
0x82: {  	_ =	shalt  }
0x83: {  	_ =	shalt  }
0x84: {  	_ =	shalt  }
0x85: {  	_ =	shalt  }
0x86: {  	_ =	shalt  }
0x87: {  	_ =	shalt  }
.Lfunc_end0:
.L_simem_size_0:
called_computation_lowered:
.L_overlay_start_0:
0x88: {  	s2 =	sld [smem:$0x3FD9]  }
0x89: {  	s3 =	sld [smem:$0x3FFE];
	_ =	sdelay $0x1  }
0x8a: {  	s1 =	srdreg.scid  }
0x8b: {  	s0 =	sand.u32 $0x1, s1  }
0x8c: {  	s18 =	sshll.u32 s0, $0xA;
	s2 =	sadd.s32 s3, s2  }
0x8d: {  	s2 =	sadd.s32 s2, s18  }
0x8e: {  	[smem:$0x3FC6] =	sst s2  }
0x8f: {  	_ = 	snop  }
0x90: {  	s2 =	sld [smem:$0x3FC9]  }
0x91: {  	s19 =	sld [smem:$0x3FC8]  }
0x92: {  	s4 =	sld [smem:$0x3FD0];
	(tm) =	ssettm $0x1  }
0x93: {  	s5 =	sld [smem:$0x3FFB];
	_ =	sdelay $0x3  }
0x94: {  	_ =	strace s5  }
0x95: {  	s5 =	sld [smem:$0x3FFC];
	_ =	sdelay $0x3  }
0x96: {  	_ =	strace s5  }
0x97: {  	s5 =	sld [smem:$0x3FFD];
	_ =	sdelay $0x3  }
0x98: {  	_ =	strace s5  }
0x99: {  	_ =	strace $0x8FFFFFFF  }
0x9a: {  	s20 =	sld [smem:$0x3FDB];
	_ =	sdelay $0x1  }
0x9b: {  	s6 =	simm.s32 $_scs_section_size  }
0x9c: {  	s7 =	simm.s32 $_size__tile_overlayer_lowered;
	s8 =	simm.s32 $_tile_overlayer_lowered  }
0x9d: {  	s23 =	simm.s32 $0x1BFF;
	s22 =	sshll.u32 s8, $0x1;
	s5 =	sadd.s32 s6, s20  }
0x9e: {  	s9 =	simm.s32 $0x0;
	s21 =	sshll.u32 s7, $0x1;
	s7 =	sadd.s32 s22, s5  }
0x9f: {  	[timem:s9], [sflag:s23] =	dma.local [hbm:s7], s21  }
0xa0: {  	_ =	swait.ge [sflag:s23], s21  }
0xa1: {  	s6 =	ssub.s32 $0x0, s21;
	[sflag:s23] =	ssyncset.done $0x0  }
0xa2: {  	[sflag:s23] =	ssyncadd.s32 s6;
	_ =	sdelay $0x1  }
0xa3: {  	s24 =	simm.s32 $0x1B8B  }
0xa4: {  	_ =	swait.ge [sflag:s24], $0x1  }
0xa5: {  	[sflag:s24] =	ssyncset.done $0x0  }
0xa6: {  	s25 =	simm.s32 $0x1B8E;
	[sflag:s24] =	ssyncadd.s32 $0xFFFFFFFF  }
0xa7: {  	s26 =	simm.s32 $execute0_lowered;
	[smem:$0x3FD2] =	sst s25  }
0xa8: {  	s6 =	sshll.u32 s26, $0x1;
	_ =	strace $0x80000046;
	[dreg:$0x1] =	wrdreg $0xFFFFFFFF  }
0xa9: {  	s28 =	simm.s32 $_size_execute0_lowered;
	s5 =	sadd.s32 s5, s6;
	[dreg:$0x0] =	wrdreg $0x0  }
0xaa: {  	s6 =	sshll.u32 s28, $0x1;
	[dreg:$0x2] =	wrdreg s5  }
0xab: {  	[dreg:$0x3] =	wrdreg s6  }
0xac: {  	[dreg:$0x4] =	wrdreg $0xC0  }
0xad: {  	_ =	task [dreg:s9], $0x5FFFF  }
0xae: {  	[dreg:$0x1] =	wrdreg $0xFFFFFFFF  }
0xaf: {  	[dreg:$0x0] =	wrdreg $0x60  }
0xb0: {  	[dreg:$0x2] =	wrdreg s2  }
0xb1: {  	[dreg:$0x3] =	wrdreg s19  }
0xb2: {  	[dreg:$0x4] =	wrdreg s4  }
0xb3: {  	[dreg:$0x5] =	wrdreg $0x9  }
0xb4: {  	_ =	task.clear_ibuf [dreg:s9], $0x6FFFF;
	_ =	strace $0x90000046  }
0xb5: {  	s29 =	simm.s32 $0x9;
	_ =	strace $0x80000048  }
0xb6: {  	_ =	swait.ge [sflag:s29], $0x1  }
0xb7: {  	[sflag:s29] =	ssyncadd.s32 $0xFFFFFFFF  }
0xb8: {  	_ =	strace $0x90000048  }
0xb9: {  	_ =	sfence  }
0xba: {  	s30 =	sld [smem:$0x0];
	_ =	sdelay $0x2  }
0xbb: {  	s31 =	sshll.u32 s1, $0xD;
	s1 =	sshrl.u32 s1, $0x2  }
0xbc: {  	s3 =	sand.u32 $0x4000, s31;
	s1 =	sadd.s32 s1, s30  }
0xbd: {  	s0 =	sor.u32 s3, s0;
	s1 =	sshll.u32 s1, $0x11  }
0xbe: {  	s0 =	sor.u32 s1, s0  }
0xbf: {  	s0 =	sadd.s32 $0x8F2B, s0  }
0xc0: {  	[sflag:s0] =	ssyncadd.remote.s32 $0x1  }
0xc1: {  	_ =	sfence.sel $0xFFFF  }
0xc2: {  	[dreg:$0x0] =	wrdreg $0xFFFFFFFF;
	(pc) =	sbr.abs _section_cstart, $3  }
0xc3: {  	[dreg:$0x1] =	wrdreg $0xFFFFFFFF  }
0xc4: {  	_ =	task.clear_ibuf [dreg:s9], $0x2FFFF;
	_ =	strace $0x9FFFFFFF  }
0xc5: {  	(tm) =	ssettm $0x7FFFFFFF  }
tec
execute0_lowered:
.L_overlay_start_1:
0x0: {  	(tag) =	ssettag $0x1  }
0x1: {  	s1 =	srdreg.scid  }
0x2: {  	s2 =	rddreg [dreg:$0x0];
	s5 =	stileid.u32;
	s1 =	sand.u32 $0x1, s1  }
0x3: {  	s4 =	rddreg [dreg:$0x1];
	s5 =	sshll.u32 s5, $0xE;
	s6 =	sshll.u32 s1, $0xD  }
0x4: {  	s0 =	rddreg [dreg:$0x2];
	s5 =	sor.u32 s6, s5  }
0x5: {  	s3 =	ssub.s32 $0x2, s1;
	s1 =	simm.s32 $0x0;
	s6 =	sor.u32 $0x40000, s5  }
0x6: {  	[smem:$0x7FF] =	sst s1;
	s16 =	sor.u32 $0x80000, s5;
	s15 =	sadd.s32 s2, s6  }
0x7: {  	s8 =	sor.u32 $0xC0000, s5;
	s9 =	sadd.s32 s2, s16;
	[dreg:$0x4] =	wrdreg s15  }
0x8: {  	s18 =	sor.u32 $0x400, s5;
	s17 =	sadd.s32 s2, s8;
	[dreg:$0x5] =	wrdreg s9  }
0x9: {  	s10 =	sadd.s32 s4, s18;
	[dreg:$0x6] =	wrdreg s17  }
0xa: {  	s20 =	sor.u32 $0x40400, s5;
	s19 =	sadd.s32 s2, s18;
	[dreg:$0x7] =	wrdreg s10  }
0xb: {  	s21 =	sor.u32 $0x80400, s5;
	s11 =	sadd.s32 s2, s20;
	[dreg:$0x8] =	wrdreg s19  }
0xc: {  	s12 =	sor.u32 $0xC0400, s5;
	s13 =	sadd.s32 s2, s21;
	[dreg:$0x9] =	wrdreg s11  }
0xd: {  	s22 =	sadd.s32 s2, s12;
	[dreg:$0xa] =	wrdreg s13  }
0xe: {  	s6 =	sadd.s32 s0, s6;
	[dreg:$0xb] =	wrdreg s22  }
0xf: {  	s23 =	sadd.s32 s0, s16;
	[dreg:$0xc] =	wrdreg s6  }
0x10: {  	s25 =	sor.u32 $0x800, s5;
	s24 =	sadd.s32 s0, s8;
	[dreg:$0xd] =	wrdreg s23  }
0x11: {  	s26 =	sadd.s32 s4, s25;
	[dreg:$0xe] =	wrdreg s24  }
0x12: {  	s7 =	sshrl.u32 s3, $0x1;
	s28 =	sadd.s32 s2, s25;
	[dreg:$0xf] =	wrdreg s26  }
0x13: {  	s29 =	sor.u32 $0x40800, s5;
	s30 =	sadd.s32 s0, s18;
	[dreg:$0x10] =	wrdreg s28  }
0x14: {  	s3 =	ssub.s32 s3, s7;
	s7 =	sadd.s32 s0, s29;
	[dreg:$0x11] =	wrdreg s30  }
0x15: {  	s9 =	sadd.s32 s0, s20;
	[dreg:$0x17] =	wrdreg s7  }
0x16: {  	s10 =	sadd.s32 s0, s21;
	[dreg:$0x12] =	wrdreg s9  }
0x17: {  	s11 =	sadd.s32 s0, s12;
	[dreg:$0x13] =	wrdreg s10  }
0x18: {  	s6 =	sadd.s32 s0, s25;
	[dreg:$0x14] =	wrdreg s11  }
0x19: {  	s16 =	sor.u32 $0xC00, s5;
	s13 =	sadd.s32 s2, s29;
	[dreg:$0x15] =	wrdreg s6  }
0x1a: {  	s18 =	sadd.s32 s4, s16;
	[dreg:$0x16] =	wrdreg s13  }
0x1b: {  	s19 =	sadd.s32 s2, s16;
	[dreg:$0x1c] =	wrdreg s18  }
0x1c: {  	s8 =	sor.u32 $0x41000, s5;
	s20 =	sadd.s32 s0, s16;
	[dreg:$0x1d] =	wrdreg s19  }
0x1d: {  	s12 =	sor.u32 $0x80800, s5;
	s7 =	sadd.s32 s0, s8;
	[dreg:$0x1e] =	wrdreg s20  }
0x1e: {  	s14 =	sadd.s32 s2, s12;
	[smem:$0x7DA] =	sst s7  }
0x1f: {  	s15 =	sor.u32 $0xC0800, s5;
	s6 =	sadd.s32 s0, s12;
	[dreg:$0x18] =	wrdreg s14  }
0x20: {  	s21 =	sor.u32 $0x40C00, s5;
	s17 =	sadd.s32 s2, s15;
	[dreg:$0x19] =	wrdreg s6  }
0x21: {  	s23 =	sor.u32 $0x80C00, s5;
	s22 =	sadd.s32 s2, s21;
	[dreg:$0x1a] =	wrdreg s17  }
0x22: {  	s25 =	sor.u32 $0xC0C00, s5;
	s24 =	sadd.s32 s2, s23;
	[dreg:$0x1f] =	wrdreg s22  }
0x23: {  	s28 =	sor.u32 $0x1000, s5;
	s26 =	sadd.s32 s2, s25;
	[smem:$0x7D2] =	sst s24  }
0x24: {  	s29 =	sadd.s32 s4, s28;
	[smem:$0x7D4] =	sst s26  }
0x25: {  	s30 =	sadd.s32 s2, s28;
	[smem:$0x7D6] =	sst s29  }
0x26: {  	s16 =	sor.u32 $0x41400, s5;
	s9 =	sadd.s32 s2, s8;
	[smem:$0x7D7] =	sst s30  }
0x27: {  	s18 =	sadd.s32 s2, s16;
	[smem:$0x7D9] =	sst s9  }
0x28: {  	s19 =	sadd.s32 s0, s16;
	[smem:$0x7E2] =	sst s18  }
0x29: {  	s8 =	sadd.s32 s0, s5;
	[smem:$0x7E3] =	sst s19  }
0x2a: {  	s10 =	sor.u32 $0x81000, s5;
	s6 =	sadd.s32 s0, s15;
	[smem:$0x7EC] =	sst s8  }
0x2b: {  	s12 =	sor.u32 $0xC1000, s5;
	s11 =	sadd.s32 s2, s10;
	[dreg:$0x1b] =	wrdreg s6  }
0x2c: {  	s13 =	sadd.s32 s2, s12;
	[smem:$0x7DB] =	sst s11  }
0x2d: {  	s20 =	sor.u32 $0x81400, s5;
	s7 =	sadd.s32 s0, s12;
	[smem:$0x7DD] =	sst s13  }
0x2e: {  	s22 =	sadd.s32 s2, s20;
	[smem:$0x7DE] =	sst s7  }
0x2f: {  	s30 =	sadd.s32 s2, s5;
	[smem:$0x7E4] =	sst s22  }
0x30: {  	s14 =	sor.u32 $0x1400, s5;
	s6 =	sadd.s32 s0, s21;
	[smem:$0x7EB] =	sst s30  }
0x31: {  	s15 =	sadd.s32 s4, s14;
	[smem:$0x7D1] =	sst s6  }
0x32: {  	s9 =	sor.u32 $0x41800, s5;
	s17 =	sadd.s32 s2, s14;
	[smem:$0x7DF] =	sst s15  }
0x33: {  	s26 =	sor.u32 $0x1C00, s5;
	s16 =	sadd.s32 s2, s9;
	[smem:$0x7E0] =	sst s17  }
0x34: {  	s19 =	sadd.s32 s2, s26;
	[smem:$0x7EE] =	sst s16  }
0x35: {  	s21 =	sor.u32 $0xC1400, s5;
	s6 =	sadd.s32 s0, s23;
	[smem:$0x7F1] =	sst s19  }
0x36: {  	s23 =	sadd.s32 s2, s21;
	[smem:$0x7D3] =	sst s6  }
0x37: {  	s11 =	sor.u32 $0xC1800, s5;
	s24 =	sadd.s32 s0, s21;
	[smem:$0x7E6] =	sst s23  }
0x38: {  	s18 =	sadd.s32 s2, s11;
	[smem:$0x7E7] =	sst s24  }
0x39: {  	s6 =	sadd.s32 s0, s25;
	[smem:$0x7F0] =	sst s18  }
0x3a: {  	s23 =	sadd.s32 s0, s9;
	[smem:$0x7D5] =	sst s6  }
0x3b: {  	s6 =	sadd.s32 s0, s28;
	[smem:$0x7F6] =	sst s23  }
0x3c: {  	s25 =	sor.u32 $0x1800, s5;
	s28 =	sadd.s32 s4, s5;
	[smem:$0x7D8] =	sst s6  }
0x3d: {  	s29 =	sadd.s32 s4, s25;
	[smem:$0x7E8] =	sst s28  }
0x3e: {  	s4 =	sadd.s32 s4, s26;
	[smem:$0x7E9] =	sst s29  }
0x3f: {  	s15 =	sadd.s32 s2, s25;
	[smem:$0x7EA] =	sst s4  }
0x40: {  	s22 =	sadd.s32 s0, s25;
	[smem:$0x7ED] =	sst s15  }
0x41: {  	s25 =	sadd.s32 s0, s11;
	[smem:$0x7F5] =	sst s22  }
0x42: {  	s26 =	sadd.s32 s0, s26;
	[smem:$0x7F8] =	sst s25  }
0x43: {  	s13 =	sor.u32 $0x41C00, s5;
	s6 =	sadd.s32 s0, s10;
	[smem:$0x7F9] =	sst s26  }
0x44: {  	s31 =	simm.s32 $0x2;
	s28 =	sadd.s32 s0, s13;
	[smem:$0x7DC] =	sst s6  }
0x45: {  	s10 =	sor.u32 $0x81800, s5;
	s6 =	sadd.s32 s0, s14;
	[smem:$0x7FA] =	sst s28  }
0x46: {  	s30 =	smax.u32 s3, $0x1;
	s17 =	sadd.s32 s2, s10;
	[smem:$0x7E1] =	sst s6  }
0x47: {  	s3 =	simm.s32 $0x5;
	s24 =	sadd.s32 s0, s10;
	[smem:$0x7EF] =	sst s17  }
0x48: {  	s18 =	simm.s32 $0xC000;
	s6 =	sadd.s32 s0, s20;
	[smem:$0x7F7] =	sst s24  }
0x49: {  	s14 =	sor.u32 $0x81C00, s5;
	s20 =	sadd.s32 s2, s13;
	[smem:$0x7E5] =	sst s6  }
0x4a: {  	s5 =	sor.u32 $0xC1C00, s5;
	s21 =	sadd.s32 s2, s14;
	[smem:$0x7F2] =	sst s20  }
0x4b: {  	s23 =	simm.s32 $0x14000;
	s2 =	sadd.s32 s2, s5;
	[smem:$0x7F3] =	sst s21  }
0x4c: {  	s22 =	simm.s32 $0x12000;
	s29 =	sadd.s32 s0, s14;
	[smem:$0x7F4] =	sst s2  }
0x4d: {  	s4 =	simm.s32 $0x6;
	s0 =	sadd.s32 s0, s5;
	[smem:$0x7FB] =	sst s29  }
0x4e: {  	s24 =	simm.s32 $0x1;
	s5 =	simm.s32 $0x0;
	[smem:$0x7FC] =	sst s0  }
0x4f: {  	s20 =	simm.s32 $0xE000;
	s21 =	simm.s32 $0x10000;
	s0 =	simm.s32 $0x4  }
0x50: {  	s2 =	simm.s32 $0x3;
	_ =	strace $0x80000047;
	[smem:$0x7FD] =	sst s30  }
.LBB2_1:
0x51: {  	s6 =	sld [smem:$0x7E8];
	_ =	sdelay $0x1  }
0x52: {  	s8 =	sld [smem:$0x7EB]  }
0x53: {  	[tilespmem:s1], [sflag:$0x1] =	stream.linear.gather [hbm4b:s6+s1], $0x2000, $0x38;
	[tilespmem:$0x1E000] =	vst v63  }
0x54: {  	s7 =	simm.s32 $0x6000  }
0x55: {  	[tilespmem:s7], [sflag:$0x1] =	stream.linear.gather [hbm4b:s8+s1], $0x2000, $0x38;
	[tilespmem:$0x1E000] =	vst v63  }
0x56: {  	s9 =	rddreg [dreg:$0x4];
	s10 =	simm.s32 $0x8000  }
0x57: {  	[tilespmem:s10], [sflag:$0x1] =	stream.linear.gather [hbm4b:s9+s1], $0x2000, $0x38;
	[tilespmem:$0x1E000] =	vst v63  }
0x58: {  	s11 =	rddreg [dreg:$0x5];
	s12 =	simm.s32 $0xA000  }
0x59: {  	[tilespmem:s12], [sflag:$0x1] =	stream.linear.gather [hbm4b:s11+s1], $0x2000, $0x38;
	[tilespmem:$0x1E000] =	vst v63  }
0x5a: {  	s13 =	rddreg [dreg:$0x6]  }
0x5b: {  	[tilespmem:s18], [sflag:$0x1] =	stream.linear.gather [hbm4b:s13+s1], $0x2000, $0x38;
	[tilespmem:$0x1E000] =	vst v63  }
0x5c: {  	s14 =	rddreg [dreg:$0x7];
	s15 =	simm.s32 $0x2000  }
0x5d: {  	[tilespmem:s15], [sflag:$0x2] =	stream.linear.gather [hbm4b:s14+s1], $0x2000, $0x38;
	[tilespmem:$0x1E000] =	vst v63  }
0x5e: {  	s16 =	rddreg [dreg:$0x8]  }
0x5f: {  	[tilespmem:s20], [sflag:$0x2] =	stream.linear.gather [hbm4b:s16+s1], $0x2000, $0x38;
	[tilespmem:$0x1E000] =	vst v63  }
0x60: {  	s17 =	rddreg [dreg:$0x9]  }
0x61: {  	[tilespmem:s21], [sflag:$0x2] =	stream.linear.gather [hbm4b:s17+s1], $0x2000, $0x38;
	[tilespmem:$0x1E000] =	vst v63  }
0x62: {  	s19 =	rddreg [dreg:$0xa]  }
0x63: {  	[tilespmem:s22], [sflag:$0x2] =	stream.linear.gather [hbm4b:s19+s1], $0x2000, $0x38;
	[tilespmem:$0x1E000] =	vst v63  }
0x64: {  	s25 =	rddreg [dreg:$0xb]  }
0x65: {  	[tilespmem:s23], [sflag:$0x2] =	stream.linear.gather [hbm4b:s25+s1], $0x2000, $0x38;
	[tilespmem:$0x1E000] =	vst v63  }
0x66: {  	_ =	swait.ge [sflag:s24], $0x2000  }
0x67: {  	[sflag:s24] =	ssyncset.done $0x0  }
0x68: {  	[sflag:s24] =	ssyncadd.s32 $0xFFFFE000  }
0x69: {  	_ =	swait.ge [sflag:s24], $0x2000  }
0x6a: {  	[sflag:s24] =	ssyncset.done $0x0  }
0x6b: {  	[sflag:s24] =	ssyncadd.s32 $0xFFFFE000  }
0x6c: {  	_ =	swait.ge [sflag:s24], $0x2000  }
0x6d: {  	[sflag:s24] =	ssyncset.done $0x0  }
0x6e: {  	[sflag:s24] =	ssyncadd.s32 $0xFFFFE000  }
0x6f: {  	_ =	swait.ge [sflag:s24], $0x2000  }
0x70: {  	[sflag:s24] =	ssyncset.done $0x0  }
0x71: {  	s26 =	sand.u32 $0x1C00, s1;
	s25 =	simm.s32 $0x0;
	[sflag:s24] =	ssyncadd.s32 $0xFFFFE000  }
0x72: {  	s8 =	sand.u32 $0x380, s1;
	s6 =	sand.u32 $0x40, s25;
	_ =	swait.ge [sflag:s24], $0x2000  }
0x73: {  	s7 =	sor.u32 s8, s26;
	s28 =	sor.u32 $0x30, s6;
	[sflag:s24] =	ssyncset.done $0x0  }
0x74: {  	s10 =	sor.u32 $0x10, s6;
	s9 =	sor.u32 s28, s7;
	[sflag:s24] =	ssyncadd.s32 $0xFFFFE000  }
0x75: {  	s11 =	sor.u32 s10, s7;
	v0 =	vld [tilespmem:s9+$0x0]  }
0x76: {  	v2 =	vld [tilespmem:s11+$0x0]  }
0x77: {  	s19 =	sor.u32 $0x20, s6  }
0x78: {  	s15 =	sor.u32 s19, s7  }
0x79: {  	s9 =	sor.u32 $0x6000, s9;
	v1 =	vld [tilespmem:s15+$0x0]  }
0x7a: {  	s12 =	sor.u32 $0x8000, s7;
	s16 =	sor.u32 $0x6000, s11;
	[tilespmem:s9+$0x0] =	vst.add.f32.msk $0xffff, v0  }
0x7b: {  	s29 =	sor.u32 s28, s12;
	[tilespmem:s16+$0x0] =	vst.add.f32.msk $0xffff, v2  }
0x7c: {  	s13 =	sor.u32 $0xA000, s7;
	s17 =	sor.u32 s10, s12;
	[tilespmem:s29+$0x0] =	vst.add.f32.msk $0xffff, v0  }
0x7d: {  	s30 =	sor.u32 s28, s13;
	[tilespmem:s17+$0x0] =	vst.add.f32.msk $0xffff, v2  }
0x7e: {  	s14 =	sor.u32 $0xC000, s7;
	s26 =	sor.u32 s10, s13;
	[tilespmem:s30+$0x0] =	vst.add.f32.msk $0xffff, v0  }
0x7f: {  	s8 =	sor.u32 s28, s14;
	[tilespmem:s26+$0x0] =	vst.add.f32.msk $0xffff, v2  }
0x80: {  	s28 =	sor.u32 s10, s14;
	[tilespmem:s8+$0x0] =	vst.add.f32.msk $0xffff, v0  }
0x81: {  	s7 =	sor.u32 s6, s7;
	[tilespmem:s28+$0x0] =	vst.add.f32.msk $0xffff, v2  }
0x82: {  	s8 =	sor.u32 $0x6000, s15;
	v0 =	vld [tilespmem:s7+$0x0]  }
0x83: {  	s10 =	sor.u32 s6, s12;
	s11 =	sor.u32 s6, s13;
	s29 =	sor.u32 s19, s12;
	[tilespmem:s8+$0x0] =	vst.add.f32.msk $0xffff, v1  }
0x84: {  	s9 =	sor.u32 $0x6000, s7;
	s12 =	sor.u32 s19, s14;
	s30 =	sor.u32 s19, s13;
	[tilespmem:s29+$0x0] =	vst.add.f32.msk $0xffff, v1  }
0x85: {  	s7 =	simm.s32 $0x0;
	s8 =	sor.u32 s6, s14;
	s6 =	simm.s32 $0x0;
	[tilespmem:s30+$0x0] =	vst.add.f32.msk $0xffff, v1  }
.LBB2_2:
0x86: {  	s25 =	sadd.s32 $0x40, s25;
	[tilespmem:s12+$0x0] =	vst.add.f32.msk $0xffff, v1;
	s6 =	sadd.s32 $0x8, s6;
	s7 =	sadd.s32 $0x200, s7  }
0x87: {  	s12 =	sand.u32 $0x40, s25;
	s13 =	sand.u32 $0x1C00, s7;
	s14 =	sand.u32 $0x380, s6;
	[tilespmem:s9+$0x0] =	vst.add.f32.msk $0xffff, v0  }
0x88: {  	s13 =	sor.u32 s14, s13;
	s14 =	sor.u32 $0x10, s12;
	s19 =	sor.u32 $0x30, s12;
	[tilespmem:s10+$0x0] =	vst.add.f32.msk $0xffff, v0  }
0x89: {  	s26 =	sor.u32 $0x20, s12;
	s10 =	sor.u32 s14, s13;
	s28 =	sor.u32 s19, s13;
	[tilespmem:s11+$0x0] =	vst.add.f32.msk $0xffff, v0  }
0x8a: {  	s11 =	sor.u32 s12, s13;
	s30 =	sor.u32 s26, s13;
	s29 =	sor.u32 $0x6000, s10;
	v2 =	vld [tilespmem:s28+$0x0]  }
0x8b: {  	p0 =	slt.u32 s25, $0x1FC0;
	s9 =	sor.u32 $0x6000, s11;
	s15 =	sor.u32 $0x6000, s30;
	v3 =	vld [tilespmem:s10+$0x0]  }
0x8c: {  	v1 =	vld [tilespmem:s30+$0x0]  }
0x8d: {  	v4 =	vld [tilespmem:s11+$0x0]  }
0x8e: {  	s30 =	sor.u32 $0x8000, s13;
	s11 =	sor.u32 $0x6000, s28;
	[tilespmem:s8+$0x0] =	vst.add.f32.msk $0xffff, v0  }
0x8f: {  	s10 =	sor.u32 s12, s30;
	s28 =	sor.u32 $0xA000, s13;
	s8 =	sor.u32 s19, s30;
	[tilespmem:s11+$0x0] =	vst.add.f32.msk $0xffff, v2  }
0x90: {  	s13 =	sor.u32 $0xC000, s13;
	s16 =	sor.u32 s19, s28;
	s11 =	sor.u32 s12, s28;
	[tilespmem:s8+$0x0] =	vst.add.f32.msk $0xffff, v2  }
0x91: {  	s17 =	sor.u32 s14, s30;
	s8 =	sor.u32 s12, s13;
	s12 =	sor.u32 s19, s13;
	[tilespmem:s16+$0x0] =	vst.add.f32.msk $0xffff, v2  }
0x92: {  	s19 =	sor.u32 s26, s30;
	s16 =	sor.u32 s14, s28;
	s14 =	sor.u32 s14, s13;
	[tilespmem:s12+$0x0] =	vst.add.f32.msk $0xffff, v2;
	v0 =	vmov v4  }
0x93: {  	s28 =	sor.u32 s26, s28;
	s12 =	sor.u32 s26, s13;
	[tilespmem:s29+$0x0] =	vst.add.f32.msk $0xffff, v3  }
0x94: {  	[tilespmem:s17+$0x0] =	vst.add.f32.msk $0xffff, v3  }
.Ltmp0:
0x95: {  	[tilespmem:s16+$0x0] =	vst.add.f32.msk $0xffff, v3;
	(pc) =	sbr.rel @p0 .LBB2_2-.Ltmp0, $4  }
0x96: {  	[tilespmem:s14+$0x0] =	vst.add.f32.msk $0xffff, v3  }
0x97: {  	[tilespmem:s15+$0x0] =	vst.add.f32.msk $0xffff, v1  }
0x98: {  	[tilespmem:s19+$0x0] =	vst.add.f32.msk $0xffff, v1  }
0x99: {  	[tilespmem:s28+$0x0] =	vst.add.f32.msk $0xffff, v1  }
0x9a: {  	[tilespmem:s12+$0x0] =	vst.add.f32.msk $0xffff, v1  }
0x9b: {  	[tilespmem:s9+$0x0] =	vst.add.f32.msk $0xffff, v0  }
0x9c: {  	[tilespmem:s10+$0x0] =	vst.add.f32.msk $0xffff, v0  }
0x9d: {  	[tilespmem:s11+$0x0] =	vst.add.f32.msk $0xffff, v0  }
0x9e: {  	[tilespmem:s8+$0x0] =	vst.add.f32.msk $0xffff, v0  }
0x9f: {  	s7 =	sld [smem:$0x7EC];
	_ =	sdelay $0x1  }
0xa0: {  	s6 =	simm.s32 $0x0;
	s28 =	simm.s32 $0x6000  }
0xa1: {  	[hbm4b:s7+s6] =	stream.linear.scatter [tilespmem:s28], [sflag:$0x4], $0x2000, $0x38;
	[tilespmem:$0x1E000] =	vst v63  }
0xa2: {  	s30 =	simm.s32 $0x8000;
	s29 =	rddreg [dreg:$0xc]  }
0xa3: {  	[hbm4b:s29+s6] =	stream.linear.scatter [tilespmem:s30], [sflag:$0x4], $0x2000, $0x38;
	[tilespmem:$0x1E000] =	vst v63  }
0xa4: {  	s9 =	simm.s32 $0xA000;
	s8 =	rddreg [dreg:$0xd]  }
0xa5: {  	[hbm4b:s8+s6] =	stream.linear.scatter [tilespmem:s9], [sflag:$0x4], $0x2000, $0x38;
	[tilespmem:$0x1E000] =	vst v63  }
0xa6: {  	s10 =	rddreg [dreg:$0xe]  }
0xa7: {  	[hbm4b:s10+s6] =	stream.linear.scatter [tilespmem:s18], [sflag:$0x4], $0x2000, $0x38;
	[tilespmem:$0x1E000] =	vst v63  }
0xa8: {  	s12 =	simm.s32 $0x4000;
	s11 =	rddreg [dreg:$0xf]  }
0xa9: {  	[tilespmem:s12], [sflag:$0x3] =	stream.linear.gather [hbm4b:s11+s6], $0x2000, $0x38;
	[tilespmem:$0x1E000] =	vst v63  }
0xaa: {  	s14 =	simm.s32 $0x16000;
	s13 =	rddreg [dreg:$0x10]  }
0xab: {  	[tilespmem:s14], [sflag:$0x3] =	stream.linear.gather [hbm4b:s13+s6], $0x2000, $0x38;
	[tilespmem:$0x1E000] =	vst v63  }
0xac: {  	s16 =	simm.s32 $0x18000;
	s15 =	rddreg [dreg:$0x16]  }
0xad: {  	[tilespmem:s16], [sflag:$0x3] =	stream.linear.gather [hbm4b:s15+s6], $0x2000, $0x38;
	[tilespmem:$0x1E000] =	vst v63  }
0xae: {  	s19 =	simm.s32 $0x1A000;
	s17 =	rddreg [dreg:$0x18]  }
0xaf: {  	[tilespmem:s19], [sflag:$0x3] =	stream.linear.gather [hbm4b:s17+s6], $0x2000, $0x38;
	[tilespmem:$0x1E000] =	vst v63  }
0xb0: {  	s26 =	simm.s32 $0x1C000;
	s25 =	rddreg [dreg:$0x1a]  }
0xb1: {  	[tilespmem:s26], [sflag:$0x3] =	stream.linear.gather [hbm4b:s25+s6], $0x2000, $0x38;
	[tilespmem:$0x1E000] =	vst v63  }
0xb2: {  	_ =	swait.ge [sflag:s31], $0x2000  }
0xb3: {  	[sflag:s31] =	ssyncset.done $0x0  }
0xb4: {  	[sflag:s31] =	ssyncadd.s32 $0xFFFFE000  }
0xb5: {  	_ =	swait.ge [sflag:s31], $0x2000  }
0xb6: {  	[sflag:s31] =	ssyncset.done $0x0  }
0xb7: {  	[sflag:s31] =	ssyncadd.s32 $0xFFFFE000  }
0xb8: {  	_ =	swait.ge [sflag:s31], $0x2000  }
0xb9: {  	[sflag:s31] =	ssyncset.done $0x0  }
0xba: {  	[sflag:s31] =	ssyncadd.s32 $0xFFFFE000  }
0xbb: {  	_ =	swait.ge [sflag:s31], $0x2000  }
0xbc: {  	s28 =	sand.u32 $0x1C00, s6;
	[sflag:s31] =	ssyncset.done $0x0  }
0xbd: {  	s25 =	simm.s32 $0x0;
	s6 =	sand.u32 $0x380, s6;
	[sflag:s31] =	ssyncadd.s32 $0xFFFFE000  }
0xbe: {  	s29 =	sand.u32 $0x40, s25;
	s6 =	sor.u32 s6, s28;
	_ =	swait.ge [sflag:s31], $0x2000  }
0xbf: {  	s7 =	sor.u32 $0x2000, s6;
	s30 =	sor.u32 $0x30, s29;
	[sflag:s31] =	ssyncset.done $0x0  }
0xc0: {  	s11 =	sor.u32 s30, s7;
	[sflag:s31] =	ssyncadd.s32 $0xFFFFE000  }
0xc1: {  	s10 =	sor.u32 $0x10, s29;
	s12 =	sor.u32 s29, s7;
	v2 =	vld [tilespmem:s11+$0x0]  }
0xc2: {  	s14 =	sor.u32 s10, s7;
	v3 =	vld [tilespmem:s12+$0x0]  }
0xc3: {  	s13 =	sor.u32 $0x20, s29;
	v1 =	vld [tilespmem:s14+$0x0]  }
0xc4: {  	s7 =	sor.u32 s13, s7;
	s12 =	sor.u32 $0xE000, s6  }
0xc5: {  	v0 =	vld [tilespmem:s7+$0x0];
	s7 =	sor.u32 $0x10000, s6;
	s14 =	sor.u32 $0x12000, s6;
	s15 =	sor.u32 s30, s12  }
0xc6: {  	s6 =	sor.u32 $0x14000, s6;
	s19 =	sor.u32 s29, s12;
	s26 =	sor.u32 s29, s7;
	[tilespmem:s15+$0x0] =	vst.add.f32.msk $0xffff, v2  }
0xc7: {  	s28 =	sor.u32 s29, s14;
	s8 =	sor.u32 s29, s6;
	s29 =	sor.u32 s10, s12;
	[tilespmem:s19+$0x0] =	vst.add.f32.msk $0xffff, v3  }
0xc8: {  	s16 =	sor.u32 s30, s7;
	[tilespmem:s29+$0x0] =	vst.add.f32.msk $0xffff, v1  }
0xc9: {  	[tilespmem:s16+$0x0] =	vst.add.f32.msk $0xffff, v2  }
0xca: {  	s17 =	sor.u32 s30, s14;
	s9 =	sor.u32 s30, s6;
	s30 =	sor.u32 s10, s7;
	[tilespmem:s26+$0x0] =	vst.add.f32.msk $0xffff, v3  }
0xcb: {  	[tilespmem:s30+$0x0] =	vst.add.f32.msk $0xffff, v1  }
0xcc: {  	[tilespmem:s17+$0x0] =	vst.add.f32.msk $0xffff, v2  }
0xcd: {  	s15 =	sor.u32 s10, s14;
	[tilespmem:s28+$0x0] =	vst.add.f32.msk $0xffff, v3  }
0xce: {  	s11 =	sor.u32 s10, s6;
	[tilespmem:s15+$0x0] =	vst.add.f32.msk $0xffff, v1  }
0xcf: {  	s12 =	sor.u32 s13, s12;
	s10 =	sor.u32 s13, s7;
	s7 =	simm.s32 $0x200;
	[tilespmem:s9+$0x0] =	vst.add.f32.msk $0xffff, v2  }
0xd0: {  	[tilespmem:s8+$0x0] =	vst.add.f32.msk $0xffff, v3;
	s9 =	sor.u32 s13, s14;
	s8 =	sor.u32 s13, s6;
	s6 =	simm.s32 $0x8  }
.LBB2_4:
0xd1: {  	s25 =	sadd.s32 $0x40, s25;
	s13 =	sand.u32 $0x1C00, s7;
	s14 =	sand.u32 $0x380, s6;
	[tilespmem:s11+$0x0] =	vst.add.f32.msk $0xffff, v1  }
0xd2: {  	s11 =	sand.u32 $0x40, s25;
	s13 =	sor.u32 s14, s13;
	[tilespmem:s12+$0x0] =	vst.add.f32.msk $0xffff, v0  }
0xd3: {  	s12 =	sor.u32 $0x2000, s13;
	s14 =	sor.u32 $0x10, s11;
	s15 =	sor.u32 $0x30, s11;
	[tilespmem:s10+$0x0] =	vst.add.f32.msk $0xffff, v0  }
0xd4: {  	s16 =	sor.u32 $0x20, s11;
	s10 =	sor.u32 s11, s12;
	s17 =	sor.u32 s15, s12;
	[tilespmem:s9+$0x0] =	vst.add.f32.msk $0xffff, v0  }
0xd5: {  	p0 =	slt.u32 s25, $0x1FC0;
	s9 =	sor.u32 s14, s12;
	s12 =	sor.u32 s16, s12;
	v2 =	vld [tilespmem:s17+$0x0]  }
0xd6: {  	v3 =	vld [tilespmem:s10+$0x0]  }
0xd7: {  	v1 =	vld [tilespmem:s9+$0x0]  }
0xd8: {  	s9 =	sor.u32 $0xE000, s13;
	v4 =	vld [tilespmem:s12+$0x0]  }
0xd9: {  	s17 =	sor.u32 $0x10000, s13;
	s10 =	sor.u32 s11, s9;
	s12 =	sor.u32 s15, s9;
	[tilespmem:s8+$0x0] =	vst.add.f32.msk $0xffff, v0  }
0xda: {  	s19 =	sor.u32 $0x12000, s13;
	s8 =	sor.u32 s11, s17;
	[tilespmem:s12+$0x0] =	vst.add.f32.msk $0xffff, v2;
	s12 =	sor.u32 s15, s17  }
0xdb: {  	s26 =	sor.u32 s11, s19;
	s13 =	sor.u32 $0x14000, s13;
	[tilespmem:s12+$0x0] =	vst.add.f32.msk $0xffff, v2;
	s12 =	sor.u32 s15, s19  }
0xdc: {  	s28 =	sor.u32 s11, s13;
	s29 =	sor.u32 s14, s9;
	[tilespmem:s12+$0x0] =	vst.add.f32.msk $0xffff, v2;
	s12 =	sor.u32 s15, s13  }
0xdd: {  	s30 =	sor.u32 s14, s19;
	s11 =	sor.u32 s14, s13;
	s15 =	sor.u32 s14, s17;
	[tilespmem:s12+$0x0] =	vst.add.f32.msk $0xffff, v2;
	v0 =	vmov v4  }
0xde: {  	s12 =	sor.u32 s16, s9;
	s9 =	sor.u32 s16, s19;
	[tilespmem:s10+$0x0] =	vst.add.f32.msk $0xffff, v3;
	s10 =	sor.u32 s16, s17  }
0xdf: {  	[tilespmem:s8+$0x0] =	vst.add.f32.msk $0xffff, v3;
	s8 =	sor.u32 s16, s13  }
.Ltmp1:
0xe0: {  	[tilespmem:s26+$0x0] =	vst.add.f32.msk $0xffff, v3;
	(pc) =	sbr.rel @p0 .LBB2_4-.Ltmp1, $4  }
0xe1: {  	[tilespmem:s28+$0x0] =	vst.add.f32.msk $0xffff, v3  }
0xe2: {  	[tilespmem:s29+$0x0] =	vst.add.f32.msk $0xffff, v1  }
0xe3: {  	[tilespmem:s15+$0x0] =	vst.add.f32.msk $0xffff, v1  }
0xe4: {  	s6 =	sadd.s32 $0x8, s6;
	s7 =	sadd.s32 $0x200, s7;
	[tilespmem:s30+$0x0] =	vst.add.f32.msk $0xffff, v1  }
0xe5: {  	[tilespmem:s11+$0x0] =	vst.add.f32.msk $0xffff, v1  }
0xe6: {  	[tilespmem:s12+$0x0] =	vst.add.f32.msk $0xffff, v0  }
0xe7: {  	[tilespmem:s10+$0x0] =	vst.add.f32.msk $0xffff, v0  }
0xe8: {  	[tilespmem:s9+$0x0] =	vst.add.f32.msk $0xffff, v0  }
0xe9: {  	[tilespmem:s8+$0x0] =	vst.add.f32.msk $0xffff, v0  }
0xea: {  	s6 =	simm.s32 $0x0;
	s7 =	rddreg [dreg:$0x11]  }
0xeb: {  	[hbm4b:s7+s6] =	stream.linear.scatter [tilespmem:s20], [sflag:$0x5], $0x2000, $0x38;
	[tilespmem:$0x1E000] =	vst v63  }
0xec: {  	s10 =	rddreg [dreg:$0x12]  }
0xed: {  	[hbm4b:s10+s6] =	stream.linear.scatter [tilespmem:s21], [sflag:$0x5], $0x2000, $0x38;
	[tilespmem:$0x1E000] =	vst v63  }
0xee: {  	s11 =	rddreg [dreg:$0x13]  }
0xef: {  	[hbm4b:s11+s6] =	stream.linear.scatter [tilespmem:s22], [sflag:$0x5], $0x2000, $0x38;
	[tilespmem:$0x1E000] =	vst v63  }
0xf0: {  	s12 =	rddreg [dreg:$0x14]  }
0xf1: {  	[hbm4b:s12+s6] =	stream.linear.scatter [tilespmem:s23], [sflag:$0x5], $0x2000, $0x38;
	[tilespmem:$0x1E000] =	vst v63  }
0xf2: {  	_ =	swait.ge [sflag:s0], $0x2000  }
0xf3: {  	[sflag:s0] =	ssyncset.done $0x0  }
0xf4: {  	[sflag:s0] =	ssyncadd.s32 $0xFFFFE000  }
0xf5: {  	_ =	swait.ge [sflag:s0], $0x2000  }
0xf6: {  	[sflag:s0] =	ssyncset.done $0x0  }
0xf7: {  	[sflag:s0] =	ssyncadd.s32 $0xFFFFE000  }
0xf8: {  	_ =	swait.ge [sflag:s0], $0x2000  }
0xf9: {  	[sflag:s0] =	ssyncset.done $0x0  }
0xfa: {  	[sflag:s0] =	ssyncadd.s32 $0xFFFFE000  }
0xfb: {  	_ =	swait.ge [sflag:s0], $0x2000  }
0xfc: {  	[sflag:s0] =	ssyncset.done $0x0;
	s13 =	rddreg [dreg:$0x1c]  }
0xfd: {  	s14 =	rddreg [dreg:$0x1d];
	[sflag:s0] =	ssyncadd.s32 $0xFFFFE000  }
0xfe: {  	[tilespmem:s6], [sflag:$0x1] =	stream.linear.gather [hbm4b:s13+s6], $0x2000, $0x38;
	[tilespmem:$0x1E000] =	vst v63  }
0xff: {  	s15 =	simm.s32 $0x6000;
	s16 =	rddreg [dreg:$0x1f]  }
0x100: {  	[tilespmem:s15], [sflag:$0x1] =	stream.linear.gather [hbm4b:s14+s6], $0x2000, $0x38;
	[tilespmem:$0x1E000] =	vst v63  }
0x101: {  	s17 =	simm.s32 $0x8000;
	s19 =	sld [smem:$0x7D2]  }
0x102: {  	[tilespmem:s17], [sflag:$0x1] =	stream.linear.gather [hbm4b:s16+s6], $0x2000, $0x38;
	[tilespmem:$0x1E000] =	vst v63  }
0x103: {  	s25 =	simm.s32 $0xA000;
	s26 =	sld [smem:$0x7D4]  }
0x104: {  	[tilespmem:s25], [sflag:$0x1] =	stream.linear.gather [hbm4b:s19+s6], $0x2000, $0x38;
	[tilespmem:$0x1E000] =	vst v63  }
0x105: {  	_ = 	snop  }
0x106: {  	[tilespmem:s18], [sflag:$0x1] =	stream.linear.gather [hbm4b:s26+s6], $0x2000, $0x38;
	[tilespmem:$0x1E000] =	vst v63  }
0x107: {  	_ =	swait.ge [sflag:s2], $0x2000  }
0x108: {  	[sflag:s2] =	ssyncset.done $0x0  }
0x109: {  	[sflag:s2] =	ssyncadd.s32 $0xFFFFE000  }
0x10a: {  	_ =	swait.ge [sflag:s2], $0x2000  }
0x10b: {  	[sflag:s2] =	ssyncset.done $0x0  }
0x10c: {  	[sflag:s2] =	ssyncadd.s32 $0xFFFFE000  }
0x10d: {  	_ =	swait.ge [sflag:s2], $0x2000  }
0x10e: {  	[sflag:s2] =	ssyncset.done $0x0  }
0x10f: {  	[sflag:s2] =	ssyncadd.s32 $0xFFFFE000  }
0x110: {  	_ =	swait.ge [sflag:s2], $0x2000  }
0x111: {  	s28 =	sand.u32 $0x1C00, s6;
	[sflag:s2] =	ssyncset.done $0x0  }
0x112: {  	s25 =	simm.s32 $0x0;
	s6 =	sand.u32 $0x380, s6;
	[sflag:s2] =	ssyncadd.s32 $0xFFFFE000  }
0x113: {  	s29 =	sand.u32 $0x40, s25;
	s6 =	sor.u32 s6, s28;
	_ =	swait.ge [sflag:s2], $0x2000  }
0x114: {  	s30 =	sor.u32 $0x30, s29;
	s7 =	sor.u32 $0x4000, s6;
	[sflag:s2] =	ssyncset.done $0x0  }
0x115: {  	s11 =	sor.u32 s30, s7;
	[sflag:s2] =	ssyncadd.s32 $0xFFFFE000  }
0x116: {  	s10 =	sor.u32 $0x10, s29;
	s12 =	sor.u32 s29, s7;
	v2 =	vld [tilespmem:s11+$0x0]  }
0x117: {  	s14 =	sor.u32 s10, s7;
	v3 =	vld [tilespmem:s12+$0x0]  }
0x118: {  	s13 =	sor.u32 $0x20, s29;
	v1 =	vld [tilespmem:s14+$0x0]  }
0x119: {  	s7 =	sor.u32 s13, s7;
	s12 =	sor.u32 $0x16000, s6  }
0x11a: {  	v0 =	vld [tilespmem:s7+$0x0];
	s7 =	sor.u32 $0x18000, s6;
	s14 =	sor.u32 $0x1A000, s6;
	s15 =	sor.u32 s30, s12  }
0x11b: {  	s6 =	sor.u32 $0x1C000, s6;
	s19 =	sor.u32 s29, s12;
	s26 =	sor.u32 s29, s7;
	[tilespmem:s15+$0x0] =	vst.add.f32.msk $0xffff, v2  }
0x11c: {  	s28 =	sor.u32 s29, s14;
	s8 =	sor.u32 s29, s6;
	s29 =	sor.u32 s10, s12;
	[tilespmem:s19+$0x0] =	vst.add.f32.msk $0xffff, v3  }
0x11d: {  	s16 =	sor.u32 s30, s7;
	[tilespmem:s29+$0x0] =	vst.add.f32.msk $0xffff, v1  }
0x11e: {  	[tilespmem:s16+$0x0] =	vst.add.f32.msk $0xffff, v2  }
0x11f: {  	s17 =	sor.u32 s30, s14;
	s9 =	sor.u32 s30, s6;
	s30 =	sor.u32 s10, s7;
	[tilespmem:s26+$0x0] =	vst.add.f32.msk $0xffff, v3  }
0x120: {  	[tilespmem:s30+$0x0] =	vst.add.f32.msk $0xffff, v1  }
0x121: {  	[tilespmem:s17+$0x0] =	vst.add.f32.msk $0xffff, v2  }
0x122: {  	s15 =	sor.u32 s10, s14;
	[tilespmem:s28+$0x0] =	vst.add.f32.msk $0xffff, v3  }
0x123: {  	s11 =	sor.u32 s10, s6;
	[tilespmem:s15+$0x0] =	vst.add.f32.msk $0xffff, v1  }
0x124: {  	s12 =	sor.u32 s13, s12;
	s10 =	sor.u32 s13, s7;
	s7 =	simm.s32 $0x200;
	[tilespmem:s9+$0x0] =	vst.add.f32.msk $0xffff, v2  }
0x125: {  	[tilespmem:s8+$0x0] =	vst.add.f32.msk $0xffff, v3;
	s9 =	sor.u32 s13, s14;
	s8 =	sor.u32 s13, s6;
	s6 =	simm.s32 $0x8  }
.LBB2_6:
0x126: {  	s25 =	sadd.s32 $0x40, s25;
	s13 =	sand.u32 $0x1C00, s7;
	s14 =	sand.u32 $0x380, s6;
	[tilespmem:s11+$0x0] =	vst.add.f32.msk $0xffff, v1  }
0x127: {  	s11 =	sand.u32 $0x40, s25;
	s13 =	sor.u32 s14, s13;
	[tilespmem:s12+$0x0] =	vst.add.f32.msk $0xffff, v0  }
0x128: {  	s12 =	sor.u32 $0x4000, s13;
	s14 =	sor.u32 $0x10, s11;
	s15 =	sor.u32 $0x30, s11;
	[tilespmem:s10+$0x0] =	vst.add.f32.msk $0xffff, v0  }
0x129: {  	s16 =	sor.u32 $0x20, s11;
	s10 =	sor.u32 s11, s12;
	s17 =	sor.u32 s15, s12;
	[tilespmem:s9+$0x0] =	vst.add.f32.msk $0xffff, v0  }
0x12a: {  	p0 =	slt.u32 s25, $0x1FC0;
	s9 =	sor.u32 s14, s12;
	s12 =	sor.u32 s16, s12;
	v2 =	vld [tilespmem:s17+$0x0]  }
0x12b: {  	v3 =	vld [tilespmem:s10+$0x0]  }
0x12c: {  	v1 =	vld [tilespmem:s9+$0x0]  }
0x12d: {  	s9 =	sor.u32 $0x16000, s13;
	v4 =	vld [tilespmem:s12+$0x0]  }
0x12e: {  	s17 =	sor.u32 $0x18000, s13;
	s10 =	sor.u32 s11, s9;
	s12 =	sor.u32 s15, s9;
	[tilespmem:s8+$0x0] =	vst.add.f32.msk $0xffff, v0  }
0x12f: {  	s19 =	sor.u32 $0x1A000, s13;
	s8 =	sor.u32 s11, s17;
	[tilespmem:s12+$0x0] =	vst.add.f32.msk $0xffff, v2;
	s12 =	sor.u32 s15, s17  }
0x130: {  	s26 =	sor.u32 s11, s19;
	s13 =	sor.u32 $0x1C000, s13;
	[tilespmem:s12+$0x0] =	vst.add.f32.msk $0xffff, v2;
	s12 =	sor.u32 s15, s19  }
0x131: {  	s28 =	sor.u32 s11, s13;
	s29 =	sor.u32 s14, s9;
	[tilespmem:s12+$0x0] =	vst.add.f32.msk $0xffff, v2;
	s12 =	sor.u32 s15, s13  }
0x132: {  	s30 =	sor.u32 s14, s19;
	s11 =	sor.u32 s14, s13;
	s15 =	sor.u32 s14, s17;
	[tilespmem:s12+$0x0] =	vst.add.f32.msk $0xffff, v2;
	v0 =	vmov v4  }
0x133: {  	s12 =	sor.u32 s16, s9;
	s9 =	sor.u32 s16, s19;
	[tilespmem:s10+$0x0] =	vst.add.f32.msk $0xffff, v3;
	s10 =	sor.u32 s16, s17  }
0x134: {  	[tilespmem:s8+$0x0] =	vst.add.f32.msk $0xffff, v3;
	s8 =	sor.u32 s16, s13  }
.Ltmp2:
0x135: {  	[tilespmem:s26+$0x0] =	vst.add.f32.msk $0xffff, v3;
	(pc) =	sbr.rel @p0 .LBB2_6-.Ltmp2, $4  }
0x136: {  	[tilespmem:s28+$0x0] =	vst.add.f32.msk $0xffff, v3  }
0x137: {  	[tilespmem:s29+$0x0] =	vst.add.f32.msk $0xffff, v1  }
0x138: {  	[tilespmem:s15+$0x0] =	vst.add.f32.msk $0xffff, v1  }
0x139: {  	s6 =	sadd.s32 $0x8, s6;
	s7 =	sadd.s32 $0x200, s7;
	[tilespmem:s30+$0x0] =	vst.add.f32.msk $0xffff, v1  }
0x13a: {  	[tilespmem:s11+$0x0] =	vst.add.f32.msk $0xffff, v1  }
0x13b: {  	[tilespmem:s12+$0x0] =	vst.add.f32.msk $0xffff, v0  }
0x13c: {  	[tilespmem:s10+$0x0] =	vst.add.f32.msk $0xffff, v0  }
0x13d: {  	[tilespmem:s9+$0x0] =	vst.add.f32.msk $0xffff, v0  }
0x13e: {  	[tilespmem:s8+$0x0] =	vst.add.f32.msk $0xffff, v0  }
0x13f: {  	s25 =	simm.s32 $0x0;
	s7 =	simm.s32 $0x16000;
	s6 =	rddreg [dreg:$0x15]  }
0x140: {  	[hbm4b:s6+s25] =	stream.linear.scatter [tilespmem:s7], [sflag:$0x6], $0x2000, $0x38;
	[tilespmem:$0x1E000] =	vst v63  }
0x141: {  	s28 =	simm.s32 $0x18000;
	s26 =	rddreg [dreg:$0x17]  }
0x142: {  	[hbm4b:s26+s25] =	stream.linear.scatter [tilespmem:s28], [sflag:$0x6], $0x2000, $0x38;
	[tilespmem:$0x1E000] =	vst v63  }
0x143: {  	s30 =	simm.s32 $0x1A000;
	s29 =	rddreg [dreg:$0x19]  }
0x144: {  	[hbm4b:s29+s25] =	stream.linear.scatter [tilespmem:s30], [sflag:$0x6], $0x2000, $0x38;
	[tilespmem:$0x1E000] =	vst v63  }
0x145: {  	s8 =	simm.s32 $0x1C000;
	s7 =	rddreg [dreg:$0x1b]  }
0x146: {  	[hbm4b:s7+s25] =	stream.linear.scatter [tilespmem:s8], [sflag:$0x6], $0x2000, $0x38;
	[tilespmem:$0x1E000] =	vst v63  }
0x147: {  	_ =	swait.ge [sflag:s3], $0x2000  }
0x148: {  	[sflag:s3] =	ssyncset.done $0x0  }
0x149: {  	[sflag:s3] =	ssyncadd.s32 $0xFFFFE000  }
0x14a: {  	_ =	swait.ge [sflag:s3], $0x2000  }
0x14b: {  	[sflag:s3] =	ssyncset.done $0x0  }
0x14c: {  	[sflag:s3] =	ssyncadd.s32 $0xFFFFE000  }
0x14d: {  	_ =	swait.ge [sflag:s3], $0x2000  }
0x14e: {  	[sflag:s3] =	ssyncset.done $0x0  }
0x14f: {  	[sflag:s3] =	ssyncadd.s32 $0xFFFFE000  }
0x150: {  	_ =	swait.ge [sflag:s3], $0x2000  }
0x151: {  	s9 =	sld [smem:$0x7D6]  }
0x152: {  	[sflag:s3] =	ssyncset.done $0x0  }
0x153: {  	s10 =	simm.s32 $0x2000;
	s11 =	sld [smem:$0x7D7];
	[sflag:s3] =	ssyncadd.s32 $0xFFFFE000  }
0x154: {  	[tilespmem:s10], [sflag:$0x2] =	stream.linear.gather [hbm4b:s9+s25], $0x2000, $0x38;
	[tilespmem:$0x1E000] =	vst v63  }
0x155: {  	s12 =	sld [smem:$0x7D9]  }
0x156: {  	[tilespmem:s20], [sflag:$0x2] =	stream.linear.gather [hbm4b:s11+s25], $0x2000, $0x38;
	[tilespmem:$0x1E000] =	vst v63  }
0x157: {  	s13 =	sld [smem:$0x7DB]  }
0x158: {  	[tilespmem:s21], [sflag:$0x2] =	stream.linear.gather [hbm4b:s12+s25], $0x2000, $0x38;
	[tilespmem:$0x1E000] =	vst v63  }
0x159: {  	s14 =	sld [smem:$0x7DD]  }
0x15a: {  	[tilespmem:s22], [sflag:$0x2] =	stream.linear.gather [hbm4b:s13+s25], $0x2000, $0x38;
	[tilespmem:$0x1E000] =	vst v63  }
0x15b: {  	_ = 	snop  }
0x15c: {  	[tilespmem:s23], [sflag:$0x2] =	stream.linear.gather [hbm4b:s14+s25], $0x2000, $0x38;
	[tilespmem:$0x1E000] =	vst v63  }
0x15d: {  	_ =	swait.ge [sflag:s24], $0x2000  }
0x15e: {  	[sflag:s24] =	ssyncset.done $0x0  }
0x15f: {  	[sflag:s24] =	ssyncadd.s32 $0xFFFFE000  }
0x160: {  	_ =	swait.ge [sflag:s24], $0x2000  }
0x161: {  	[sflag:s24] =	ssyncset.done $0x0  }
0x162: {  	[sflag:s24] =	ssyncadd.s32 $0xFFFFE000  }
0x163: {  	_ =	swait.ge [sflag:s24], $0x2000  }
0x164: {  	[sflag:s24] =	ssyncset.done $0x0  }
0x165: {  	[sflag:s24] =	ssyncadd.s32 $0xFFFFE000  }
0x166: {  	_ =	swait.ge [sflag:s24], $0x2000  }
0x167: {  	[sflag:s24] =	ssyncset.done $0x0  }
0x168: {  	s15 =	sand.u32 $0x1C00, s25;
	s6 =	simm.s32 $0x0;
	[sflag:s24] =	ssyncadd.s32 $0xFFFFE000  }
0x169: {  	s16 =	sand.u32 $0x380, s25;
	s7 =	sand.u32 $0x40, s6;
	_ =	swait.ge [sflag:s24], $0x2000  }
0x16a: {  	s8 =	sor.u32 s16, s15;
	s17 =	sor.u32 $0x30, s7;
	[sflag:s24] =	ssyncset.done $0x0  }
0x16b: {  	s19 =	sor.u32 s17, s8;
	s11 =	sor.u32 $0x10, s7;
	[sflag:s24] =	ssyncadd.s32 $0xFFFFE000  }
0x16c: {  	s26 =	sor.u32 s11, s8;
	v0 =	vld [tilespmem:s19+$0x0]  }
0x16d: {  	v2 =	vld [tilespmem:s26+$0x0]  }
0x16e: {  	s16 =	sor.u32 $0x20, s7  }
0x16f: {  	s30 =	sor.u32 s16, s8  }
0x170: {  	s10 =	sor.u32 $0x6000, s19;
	v1 =	vld [tilespmem:s30+$0x0]  }
0x171: {  	s12 =	sor.u32 $0x6000, s26;
	s13 =	sor.u32 $0x8000, s8;
	[tilespmem:s10+$0x0] =	vst.add.f32.msk $0xffff, v0  }
0x172: {  	s15 =	sor.u32 $0xC000, s8;
	s28 =	sor.u32 s17, s13;
	s14 =	sor.u32 $0xA000, s8;
	[tilespmem:s12+$0x0] =	vst.add.f32.msk $0xffff, v2  }
0x173: {  	s9 =	sor.u32 s17, s15;
	s29 =	sor.u32 s17, s14;
	s17 =	sor.u32 s11, s13;
	[tilespmem:s28+$0x0] =	vst.add.f32.msk $0xffff, v0  }
0x174: {  	[tilespmem:s17+$0x0] =	vst.add.f32.msk $0xffff, v2  }
0x175: {  	s19 =	sor.u32 s11, s14;
	[tilespmem:s29+$0x0] =	vst.add.f32.msk $0xffff, v0  }
0x176: {  	s28 =	sor.u32 $0x6000, s30;
	[tilespmem:s19+$0x0] =	vst.add.f32.msk $0xffff, v2  }
0x177: {  	[tilespmem:s28+$0x0] =	vst.add.f32.msk $0xffff, v1  }
0x178: {  	s17 =	sor.u32 s7, s8;
	[tilespmem:s9+$0x0] =	vst.add.f32.msk $0xffff, v0  }
0x179: {  	s26 =	sor.u32 s11, s15;
	v0 =	vld [tilespmem:s17+$0x0]  }
0x17a: {  	s11 =	sor.u32 s7, s14;
	s29 =	sor.u32 s16, s13;
	[tilespmem:s26+$0x0] =	vst.add.f32.msk $0xffff, v2  }
0x17b: {  	s10 =	sor.u32 s7, s13;
	s12 =	sor.u32 s16, s15;
	s30 =	sor.u32 s16, s14;
	[tilespmem:s29+$0x0] =	vst.add.f32.msk $0xffff, v1  }
0x17c: {  	s8 =	sor.u32 s7, s15;
	s7 =	simm.s32 $0x0;
	s9 =	sor.u32 $0x6000, s17;
	[tilespmem:s30+$0x0] =	vst.add.f32.msk $0xffff, v1  }
.LBB2_8:
0x17d: {  	s6 =	sadd.s32 $0x40, s6;
	[tilespmem:s12+$0x0] =	vst.add.f32.msk $0xffff, v1;
	s25 =	sadd.s32 $0x8, s25;
	s7 =	sadd.s32 $0x200, s7  }
0x17e: {  	s12 =	sand.u32 $0x40, s6;
	s13 =	sand.u32 $0x1C00, s7;
	s14 =	sand.u32 $0x380, s25;
	[tilespmem:s9+$0x0] =	vst.add.f32.msk $0xffff, v0  }
0x17f: {  	s13 =	sor.u32 s14, s13;
	s14 =	sor.u32 $0x10, s12;
	s15 =	sor.u32 $0x30, s12;
	[tilespmem:s10+$0x0] =	vst.add.f32.msk $0xffff, v0  }
0x180: {  	s16 =	sor.u32 $0x20, s12;
	s10 =	sor.u32 s14, s13;
	s17 =	sor.u32 s15, s13;
	[tilespmem:s11+$0x0] =	vst.add.f32.msk $0xffff, v0  }
0x181: {  	s11 =	sor.u32 s12, s13;
	s26 =	sor.u32 s16, s13;
	s19 =	sor.u32 $0x6000, s10;
	v2 =	vld [tilespmem:s17+$0x0]  }
0x182: {  	p0 =	slt.u32 s6, $0x1FC0;
	s9 =	sor.u32 $0x6000, s11;
	s28 =	sor.u32 $0x6000, s26;
	v3 =	vld [tilespmem:s10+$0x0]  }
0x183: {  	v1 =	vld [tilespmem:s26+$0x0]  }
0x184: {  	v4 =	vld [tilespmem:s11+$0x0]  }
0x185: {  	s26 =	sor.u32 $0x8000, s13;
	s11 =	sor.u32 $0x6000, s17;
	[tilespmem:s8+$0x0] =	vst.add.f32.msk $0xffff, v0  }
0x186: {  	s10 =	sor.u32 s12, s26;
	s17 =	sor.u32 $0xA000, s13;
	s8 =	sor.u32 s15, s26;
	[tilespmem:s11+$0x0] =	vst.add.f32.msk $0xffff, v2  }
0x187: {  	s13 =	sor.u32 $0xC000, s13;
	s29 =	sor.u32 s15, s17;
	s11 =	sor.u32 s12, s17;
	[tilespmem:s8+$0x0] =	vst.add.f32.msk $0xffff, v2  }
0x188: {  	s30 =	sor.u32 s14, s26;
	s8 =	sor.u32 s12, s13;
	s12 =	sor.u32 s15, s13;
	[tilespmem:s29+$0x0] =	vst.add.f32.msk $0xffff, v2  }
0x189: {  	s26 =	sor.u32 s16, s26;
	s15 =	sor.u32 s14, s17;
	s14 =	sor.u32 s14, s13;
	[tilespmem:s12+$0x0] =	vst.add.f32.msk $0xffff, v2;
	v0 =	vmov v4  }
0x18a: {  	s17 =	sor.u32 s16, s17;
	s12 =	sor.u32 s16, s13;
	[tilespmem:s19+$0x0] =	vst.add.f32.msk $0xffff, v3  }
0x18b: {  	[tilespmem:s30+$0x0] =	vst.add.f32.msk $0xffff, v3  }
.Ltmp3:
0x18c: {  	[tilespmem:s15+$0x0] =	vst.add.f32.msk $0xffff, v3;
	(pc) =	sbr.rel @p0 .LBB2_8-.Ltmp3, $4  }
0x18d: {  	[tilespmem:s14+$0x0] =	vst.add.f32.msk $0xffff, v3  }
0x18e: {  	[tilespmem:s28+$0x0] =	vst.add.f32.msk $0xffff, v1  }
0x18f: {  	[tilespmem:s26+$0x0] =	vst.add.f32.msk $0xffff, v1  }
0x190: {  	[tilespmem:s17+$0x0] =	vst.add.f32.msk $0xffff, v1  }
0x191: {  	[tilespmem:s12+$0x0] =	vst.add.f32.msk $0xffff, v1  }
0x192: {  	[tilespmem:s9+$0x0] =	vst.add.f32.msk $0xffff, v0  }
0x193: {  	[tilespmem:s10+$0x0] =	vst.add.f32.msk $0xffff, v0  }
0x194: {  	[tilespmem:s11+$0x0] =	vst.add.f32.msk $0xffff, v0  }
0x195: {  	[tilespmem:s8+$0x0] =	vst.add.f32.msk $0xffff, v0  }
0x196: {  	s7 =	rddreg [dreg:$0x1e]  }
0x197: {  	s6 =	simm.s32 $0x0;
	s28 =	simm.s32 $0x6000;
	s29 =	sld [smem:$0x7D1]  }
0x198: {  	[hbm4b:s7+s6] =	stream.linear.scatter [tilespmem:s28], [sflag:$0x4], $0x2000, $0x38;
	[tilespmem:$0x1E000] =	vst v63  }
0x199: {  	s30 =	simm.s32 $0x8000;
	s8 =	sld [smem:$0x7D3]  }
0x19a: {  	[hbm4b:s29+s6] =	stream.linear.scatter [tilespmem:s30], [sflag:$0x4], $0x2000, $0x38;
	[tilespmem:$0x1E000] =	vst v63  }
0x19b: {  	s9 =	simm.s32 $0xA000;
	s10 =	sld [smem:$0x7D5]  }
0x19c: {  	[hbm4b:s8+s6] =	stream.linear.scatter [tilespmem:s9], [sflag:$0x4], $0x2000, $0x38;
	[tilespmem:$0x1E000] =	vst v63  }
0x19d: {  	_ = 	snop  }
0x19e: {  	[hbm4b:s10+s6] =	stream.linear.scatter [tilespmem:s18], [sflag:$0x4], $0x2000, $0x38;
	[tilespmem:$0x1E000] =	vst v63  }
0x19f: {  	_ =	swait.ge [sflag:s4], $0x2000  }
0x1a0: {  	[sflag:s4] =	ssyncset.done $0x0  }
0x1a1: {  	[sflag:s4] =	ssyncadd.s32 $0xFFFFE000  }
0x1a2: {  	_ =	swait.ge [sflag:s4], $0x2000  }
0x1a3: {  	[sflag:s4] =	ssyncset.done $0x0  }
0x1a4: {  	[sflag:s4] =	ssyncadd.s32 $0xFFFFE000  }
0x1a5: {  	_ =	swait.ge [sflag:s4], $0x2000  }
0x1a6: {  	[sflag:s4] =	ssyncset.done $0x0  }
0x1a7: {  	[sflag:s4] =	ssyncadd.s32 $0xFFFFE000  }
0x1a8: {  	_ =	swait.ge [sflag:s4], $0x2000  }
0x1a9: {  	s11 =	sld [smem:$0x7DF]  }
0x1aa: {  	[sflag:s4] =	ssyncset.done $0x0  }
0x1ab: {  	s12 =	simm.s32 $0x4000;
	s13 =	sld [smem:$0x7E0];
	[sflag:s4] =	ssyncadd.s32 $0xFFFFE000  }
0x1ac: {  	[tilespmem:s12], [sflag:$0x3] =	stream.linear.gather [hbm4b:s11+s6], $0x2000, $0x38;
	[tilespmem:$0x1E000] =	vst v63  }
0x1ad: {  	s14 =	simm.s32 $0x16000;
	s15 =	sld [smem:$0x7E2]  }
0x1ae: {  	[tilespmem:s14], [sflag:$0x3] =	stream.linear.gather [hbm4b:s13+s6], $0x2000, $0x38;
	[tilespmem:$0x1E000] =	vst v63  }
0x1af: {  	s16 =	simm.s32 $0x18000;
	s17 =	sld [smem:$0x7E4]  }
0x1b0: {  	[tilespmem:s16], [sflag:$0x3] =	stream.linear.gather [hbm4b:s15+s6], $0x2000, $0x38;
	[tilespmem:$0x1E000] =	vst v63  }
0x1b1: {  	s19 =	simm.s32 $0x1A000;
	s25 =	sld [smem:$0x7E6]  }
0x1b2: {  	[tilespmem:s19], [sflag:$0x3] =	stream.linear.gather [hbm4b:s17+s6], $0x2000, $0x38;
	[tilespmem:$0x1E000] =	vst v63  }
0x1b3: {  	s26 =	simm.s32 $0x1C000  }
0x1b4: {  	[tilespmem:s26], [sflag:$0x3] =	stream.linear.gather [hbm4b:s25+s6], $0x2000, $0x38;
	[tilespmem:$0x1E000] =	vst v63  }
0x1b5: {  	_ =	swait.ge [sflag:s31], $0x2000  }
0x1b6: {  	[sflag:s31] =	ssyncset.done $0x0  }
0x1b7: {  	[sflag:s31] =	ssyncadd.s32 $0xFFFFE000  }
0x1b8: {  	_ =	swait.ge [sflag:s31], $0x2000  }
0x1b9: {  	[sflag:s31] =	ssyncset.done $0x0  }
0x1ba: {  	[sflag:s31] =	ssyncadd.s32 $0xFFFFE000  }
0x1bb: {  	_ =	swait.ge [sflag:s31], $0x2000  }
0x1bc: {  	[sflag:s31] =	ssyncset.done $0x0  }
0x1bd: {  	[sflag:s31] =	ssyncadd.s32 $0xFFFFE000  }
0x1be: {  	_ =	swait.ge [sflag:s31], $0x2000  }
0x1bf: {  	s28 =	sand.u32 $0x1C00, s6;
	[sflag:s31] =	ssyncset.done $0x0  }
0x1c0: {  	s25 =	simm.s32 $0x0;
	s6 =	sand.u32 $0x380, s6;
	[sflag:s31] =	ssyncadd.s32 $0xFFFFE000  }
0x1c1: {  	s29 =	sand.u32 $0x40, s25;
	s6 =	sor.u32 s6, s28;
	_ =	swait.ge [sflag:s31], $0x2000  }
0x1c2: {  	s7 =	sor.u32 $0x2000, s6;
	s30 =	sor.u32 $0x30, s29;
	[sflag:s31] =	ssyncset.done $0x0  }
0x1c3: {  	s11 =	sor.u32 s30, s7;
	[sflag:s31] =	ssyncadd.s32 $0xFFFFE000  }
0x1c4: {  	s10 =	sor.u32 $0x10, s29;
	s12 =	sor.u32 s29, s7;
	v2 =	vld [tilespmem:s11+$0x0]  }
0x1c5: {  	s14 =	sor.u32 s10, s7;
	v3 =	vld [tilespmem:s12+$0x0]  }
0x1c6: {  	s13 =	sor.u32 $0x20, s29;
	v1 =	vld [tilespmem:s14+$0x0]  }
0x1c7: {  	s7 =	sor.u32 s13, s7;
	s12 =	sor.u32 $0xE000, s6  }
0x1c8: {  	v0 =	vld [tilespmem:s7+$0x0];
	s7 =	sor.u32 $0x10000, s6;
	s14 =	sor.u32 $0x12000, s6;
	s15 =	sor.u32 s30, s12  }
0x1c9: {  	s6 =	sor.u32 $0x14000, s6;
	s19 =	sor.u32 s29, s12;
	s26 =	sor.u32 s29, s7;
	[tilespmem:s15+$0x0] =	vst.add.f32.msk $0xffff, v2  }
0x1ca: {  	s28 =	sor.u32 s29, s14;
	s8 =	sor.u32 s29, s6;
	s29 =	sor.u32 s10, s12;
	[tilespmem:s19+$0x0] =	vst.add.f32.msk $0xffff, v3  }
0x1cb: {  	s16 =	sor.u32 s30, s7;
	[tilespmem:s29+$0x0] =	vst.add.f32.msk $0xffff, v1  }
0x1cc: {  	[tilespmem:s16+$0x0] =	vst.add.f32.msk $0xffff, v2  }
0x1cd: {  	s17 =	sor.u32 s30, s14;
	s9 =	sor.u32 s30, s6;
	s30 =	sor.u32 s10, s7;
	[tilespmem:s26+$0x0] =	vst.add.f32.msk $0xffff, v3  }
0x1ce: {  	[tilespmem:s30+$0x0] =	vst.add.f32.msk $0xffff, v1  }
0x1cf: {  	[tilespmem:s17+$0x0] =	vst.add.f32.msk $0xffff, v2  }
0x1d0: {  	s15 =	sor.u32 s10, s14;
	[tilespmem:s28+$0x0] =	vst.add.f32.msk $0xffff, v3  }
0x1d1: {  	s11 =	sor.u32 s10, s6;
	[tilespmem:s15+$0x0] =	vst.add.f32.msk $0xffff, v1  }
0x1d2: {  	s12 =	sor.u32 s13, s12;
	s10 =	sor.u32 s13, s7;
	s7 =	simm.s32 $0x200;
	[tilespmem:s9+$0x0] =	vst.add.f32.msk $0xffff, v2  }
0x1d3: {  	[tilespmem:s8+$0x0] =	vst.add.f32.msk $0xffff, v3;
	s9 =	sor.u32 s13, s14;
	s8 =	sor.u32 s13, s6;
	s6 =	simm.s32 $0x8  }
.LBB2_10:
0x1d4: {  	s25 =	sadd.s32 $0x40, s25;
	s13 =	sand.u32 $0x1C00, s7;
	s14 =	sand.u32 $0x380, s6;
	[tilespmem:s11+$0x0] =	vst.add.f32.msk $0xffff, v1  }
0x1d5: {  	s11 =	sand.u32 $0x40, s25;
	s13 =	sor.u32 s14, s13;
	[tilespmem:s12+$0x0] =	vst.add.f32.msk $0xffff, v0  }
0x1d6: {  	s12 =	sor.u32 $0x2000, s13;
	s14 =	sor.u32 $0x10, s11;
	s15 =	sor.u32 $0x30, s11;
	[tilespmem:s10+$0x0] =	vst.add.f32.msk $0xffff, v0  }
0x1d7: {  	s16 =	sor.u32 $0x20, s11;
	s10 =	sor.u32 s11, s12;
	s17 =	sor.u32 s15, s12;
	[tilespmem:s9+$0x0] =	vst.add.f32.msk $0xffff, v0  }
0x1d8: {  	p0 =	slt.u32 s25, $0x1FC0;
	s9 =	sor.u32 s14, s12;
	s12 =	sor.u32 s16, s12;
	v2 =	vld [tilespmem:s17+$0x0]  }
0x1d9: {  	v3 =	vld [tilespmem:s10+$0x0]  }
0x1da: {  	v1 =	vld [tilespmem:s9+$0x0]  }
0x1db: {  	s9 =	sor.u32 $0xE000, s13;
	v4 =	vld [tilespmem:s12+$0x0]  }
0x1dc: {  	s17 =	sor.u32 $0x10000, s13;
	s10 =	sor.u32 s11, s9;
	s12 =	sor.u32 s15, s9;
	[tilespmem:s8+$0x0] =	vst.add.f32.msk $0xffff, v0  }
0x1dd: {  	s19 =	sor.u32 $0x12000, s13;
	s8 =	sor.u32 s11, s17;
	[tilespmem:s12+$0x0] =	vst.add.f32.msk $0xffff, v2;
	s12 =	sor.u32 s15, s17  }
0x1de: {  	s26 =	sor.u32 s11, s19;
	s13 =	sor.u32 $0x14000, s13;
	[tilespmem:s12+$0x0] =	vst.add.f32.msk $0xffff, v2;
	s12 =	sor.u32 s15, s19  }
0x1df: {  	s28 =	sor.u32 s11, s13;
	s29 =	sor.u32 s14, s9;
	[tilespmem:s12+$0x0] =	vst.add.f32.msk $0xffff, v2;
	s12 =	sor.u32 s15, s13  }
0x1e0: {  	s30 =	sor.u32 s14, s19;
	s11 =	sor.u32 s14, s13;
	s15 =	sor.u32 s14, s17;
	[tilespmem:s12+$0x0] =	vst.add.f32.msk $0xffff, v2;
	v0 =	vmov v4  }
0x1e1: {  	s12 =	sor.u32 s16, s9;
	s9 =	sor.u32 s16, s19;
	[tilespmem:s10+$0x0] =	vst.add.f32.msk $0xffff, v3;
	s10 =	sor.u32 s16, s17  }
0x1e2: {  	[tilespmem:s8+$0x0] =	vst.add.f32.msk $0xffff, v3;
	s8 =	sor.u32 s16, s13  }
.Ltmp4:
0x1e3: {  	[tilespmem:s26+$0x0] =	vst.add.f32.msk $0xffff, v3;
	(pc) =	sbr.rel @p0 .LBB2_10-.Ltmp4, $4  }
0x1e4: {  	[tilespmem:s28+$0x0] =	vst.add.f32.msk $0xffff, v3  }
0x1e5: {  	[tilespmem:s29+$0x0] =	vst.add.f32.msk $0xffff, v1  }
0x1e6: {  	[tilespmem:s15+$0x0] =	vst.add.f32.msk $0xffff, v1  }
0x1e7: {  	s6 =	sadd.s32 $0x8, s6;
	s7 =	sadd.s32 $0x200, s7;
	[tilespmem:s30+$0x0] =	vst.add.f32.msk $0xffff, v1  }
0x1e8: {  	[tilespmem:s11+$0x0] =	vst.add.f32.msk $0xffff, v1  }
0x1e9: {  	[tilespmem:s12+$0x0] =	vst.add.f32.msk $0xffff, v0  }
0x1ea: {  	[tilespmem:s10+$0x0] =	vst.add.f32.msk $0xffff, v0  }
0x1eb: {  	[tilespmem:s9+$0x0] =	vst.add.f32.msk $0xffff, v0  }
0x1ec: {  	[tilespmem:s8+$0x0] =	vst.add.f32.msk $0xffff, v0  }
0x1ed: {  	s7 =	sld [smem:$0x7D8];
	_ =	sdelay $0x1  }
0x1ee: {  	s6 =	simm.s32 $0x0;
	s10 =	sld [smem:$0x7DA]  }
0x1ef: {  	[hbm4b:s7+s6] =	stream.linear.scatter [tilespmem:s20], [sflag:$0x5], $0x2000, $0x38;
	[tilespmem:$0x1E000] =	vst v63  }
0x1f0: {  	s11 =	sld [smem:$0x7DC]  }
0x1f1: {  	[hbm4b:s10+s6] =	stream.linear.scatter [tilespmem:s21], [sflag:$0x5], $0x2000, $0x38;
	[tilespmem:$0x1E000] =	vst v63  }
0x1f2: {  	s12 =	sld [smem:$0x7DE]  }
0x1f3: {  	[hbm4b:s11+s6] =	stream.linear.scatter [tilespmem:s22], [sflag:$0x5], $0x2000, $0x38;
	[tilespmem:$0x1E000] =	vst v63  }
0x1f4: {  	_ = 	snop  }
0x1f5: {  	[hbm4b:s12+s6] =	stream.linear.scatter [tilespmem:s23], [sflag:$0x5], $0x2000, $0x38;
	[tilespmem:$0x1E000] =	vst v63  }
0x1f6: {  	_ =	swait.ge [sflag:s0], $0x2000  }
0x1f7: {  	[sflag:s0] =	ssyncset.done $0x0  }
0x1f8: {  	[sflag:s0] =	ssyncadd.s32 $0xFFFFE000  }
0x1f9: {  	_ =	swait.ge [sflag:s0], $0x2000  }
0x1fa: {  	[sflag:s0] =	ssyncset.done $0x0  }
0x1fb: {  	[sflag:s0] =	ssyncadd.s32 $0xFFFFE000  }
0x1fc: {  	_ =	swait.ge [sflag:s0], $0x2000  }
0x1fd: {  	[sflag:s0] =	ssyncset.done $0x0  }
0x1fe: {  	[sflag:s0] =	ssyncadd.s32 $0xFFFFE000  }
0x1ff: {  	_ =	swait.ge [sflag:s0], $0x2000  }
0x200: {  	s13 =	sld [smem:$0x7E9]  }
0x201: {  	[sflag:s0] =	ssyncset.done $0x0  }
0x202: {  	s14 =	sld [smem:$0x7ED];
	[sflag:s0] =	ssyncadd.s32 $0xFFFFE000  }
0x203: {  	[tilespmem:s6], [sflag:$0x1] =	stream.linear.gather [hbm4b:s13+s6], $0x2000, $0x38;
	[tilespmem:$0x1E000] =	vst v63  }
0x204: {  	s15 =	simm.s32 $0x6000;
	s16 =	sld [smem:$0x7EE]  }
0x205: {  	[tilespmem:s15], [sflag:$0x1] =	stream.linear.gather [hbm4b:s14+s6], $0x2000, $0x38;
	[tilespmem:$0x1E000] =	vst v63  }
0x206: {  	s17 =	simm.s32 $0x8000;
	s19 =	sld [smem:$0x7EF]  }
0x207: {  	[tilespmem:s17], [sflag:$0x1] =	stream.linear.gather [hbm4b:s16+s6], $0x2000, $0x38;
	[tilespmem:$0x1E000] =	vst v63  }
0x208: {  	s25 =	simm.s32 $0xA000;
	s26 =	sld [smem:$0x7F0]  }
0x209: {  	[tilespmem:s25], [sflag:$0x1] =	stream.linear.gather [hbm4b:s19+s6], $0x2000, $0x38;
	[tilespmem:$0x1E000] =	vst v63  }
0x20a: {  	_ = 	snop  }
0x20b: {  	[tilespmem:s18], [sflag:$0x1] =	stream.linear.gather [hbm4b:s26+s6], $0x2000, $0x38;
	[tilespmem:$0x1E000] =	vst v63  }
0x20c: {  	_ =	swait.ge [sflag:s2], $0x2000  }
0x20d: {  	[sflag:s2] =	ssyncset.done $0x0  }
0x20e: {  	[sflag:s2] =	ssyncadd.s32 $0xFFFFE000  }
0x20f: {  	_ =	swait.ge [sflag:s2], $0x2000  }
0x210: {  	[sflag:s2] =	ssyncset.done $0x0  }
0x211: {  	[sflag:s2] =	ssyncadd.s32 $0xFFFFE000  }
0x212: {  	_ =	swait.ge [sflag:s2], $0x2000  }
0x213: {  	[sflag:s2] =	ssyncset.done $0x0  }
0x214: {  	[sflag:s2] =	ssyncadd.s32 $0xFFFFE000  }
0x215: {  	_ =	swait.ge [sflag:s2], $0x2000  }
0x216: {  	s28 =	sand.u32 $0x1C00, s6;
	[sflag:s2] =	ssyncset.done $0x0  }
0x217: {  	s25 =	simm.s32 $0x0;
	s6 =	sand.u32 $0x380, s6;
	[sflag:s2] =	ssyncadd.s32 $0xFFFFE000  }
0x218: {  	s29 =	sand.u32 $0x40, s25;
	s6 =	sor.u32 s6, s28;
	_ =	swait.ge [sflag:s2], $0x2000  }
0x219: {  	s30 =	sor.u32 $0x30, s29;
	s7 =	sor.u32 $0x4000, s6;
	[sflag:s2] =	ssyncset.done $0x0  }
0x21a: {  	s11 =	sor.u32 s30, s7;
	[sflag:s2] =	ssyncadd.s32 $0xFFFFE000  }
0x21b: {  	s10 =	sor.u32 $0x10, s29;
	s12 =	sor.u32 s29, s7;
	v2 =	vld [tilespmem:s11+$0x0]  }
0x21c: {  	s14 =	sor.u32 s10, s7;
	v3 =	vld [tilespmem:s12+$0x0]  }
0x21d: {  	s13 =	sor.u32 $0x20, s29;
	v1 =	vld [tilespmem:s14+$0x0]  }
0x21e: {  	s7 =	sor.u32 s13, s7;
	s12 =	sor.u32 $0x16000, s6  }
0x21f: {  	v0 =	vld [tilespmem:s7+$0x0];
	s7 =	sor.u32 $0x18000, s6;
	s14 =	sor.u32 $0x1A000, s6;
	s15 =	sor.u32 s30, s12  }
0x220: {  	s6 =	sor.u32 $0x1C000, s6;
	s19 =	sor.u32 s29, s12;
	s26 =	sor.u32 s29, s7;
	[tilespmem:s15+$0x0] =	vst.add.f32.msk $0xffff, v2  }
0x221: {  	s28 =	sor.u32 s29, s14;
	s8 =	sor.u32 s29, s6;
	s29 =	sor.u32 s10, s12;
	[tilespmem:s19+$0x0] =	vst.add.f32.msk $0xffff, v3  }
0x222: {  	s16 =	sor.u32 s30, s7;
	[tilespmem:s29+$0x0] =	vst.add.f32.msk $0xffff, v1  }
0x223: {  	[tilespmem:s16+$0x0] =	vst.add.f32.msk $0xffff, v2  }
0x224: {  	s17 =	sor.u32 s30, s14;
	s9 =	sor.u32 s30, s6;
	s30 =	sor.u32 s10, s7;
	[tilespmem:s26+$0x0] =	vst.add.f32.msk $0xffff, v3  }
0x225: {  	[tilespmem:s30+$0x0] =	vst.add.f32.msk $0xffff, v1  }
0x226: {  	[tilespmem:s17+$0x0] =	vst.add.f32.msk $0xffff, v2  }
0x227: {  	s15 =	sor.u32 s10, s14;
	[tilespmem:s28+$0x0] =	vst.add.f32.msk $0xffff, v3  }
0x228: {  	s11 =	sor.u32 s10, s6;
	[tilespmem:s15+$0x0] =	vst.add.f32.msk $0xffff, v1  }
0x229: {  	s12 =	sor.u32 s13, s12;
	s10 =	sor.u32 s13, s7;
	s7 =	simm.s32 $0x200;
	[tilespmem:s9+$0x0] =	vst.add.f32.msk $0xffff, v2  }
0x22a: {  	[tilespmem:s8+$0x0] =	vst.add.f32.msk $0xffff, v3;
	s9 =	sor.u32 s13, s14;
	s8 =	sor.u32 s13, s6;
	s6 =	simm.s32 $0x8  }
.LBB2_12:
0x22b: {  	s25 =	sadd.s32 $0x40, s25;
	s13 =	sand.u32 $0x1C00, s7;
	s14 =	sand.u32 $0x380, s6;
	[tilespmem:s11+$0x0] =	vst.add.f32.msk $0xffff, v1  }
0x22c: {  	s11 =	sand.u32 $0x40, s25;
	s13 =	sor.u32 s14, s13;
	[tilespmem:s12+$0x0] =	vst.add.f32.msk $0xffff, v0  }
0x22d: {  	s12 =	sor.u32 $0x4000, s13;
	s14 =	sor.u32 $0x10, s11;
	s15 =	sor.u32 $0x30, s11;
	[tilespmem:s10+$0x0] =	vst.add.f32.msk $0xffff, v0  }
0x22e: {  	s16 =	sor.u32 $0x20, s11;
	s10 =	sor.u32 s11, s12;
	s17 =	sor.u32 s15, s12;
	[tilespmem:s9+$0x0] =	vst.add.f32.msk $0xffff, v0  }
0x22f: {  	p0 =	slt.u32 s25, $0x1FC0;
	s9 =	sor.u32 s14, s12;
	s12 =	sor.u32 s16, s12;
	v2 =	vld [tilespmem:s17+$0x0]  }
0x230: {  	v3 =	vld [tilespmem:s10+$0x0]  }
0x231: {  	v1 =	vld [tilespmem:s9+$0x0]  }
0x232: {  	s9 =	sor.u32 $0x16000, s13;
	v4 =	vld [tilespmem:s12+$0x0]  }
0x233: {  	s17 =	sor.u32 $0x18000, s13;
	s10 =	sor.u32 s11, s9;
	s12 =	sor.u32 s15, s9;
	[tilespmem:s8+$0x0] =	vst.add.f32.msk $0xffff, v0  }
0x234: {  	s19 =	sor.u32 $0x1A000, s13;
	s8 =	sor.u32 s11, s17;
	[tilespmem:s12+$0x0] =	vst.add.f32.msk $0xffff, v2;
	s12 =	sor.u32 s15, s17  }
0x235: {  	s26 =	sor.u32 s11, s19;
	s13 =	sor.u32 $0x1C000, s13;
	[tilespmem:s12+$0x0] =	vst.add.f32.msk $0xffff, v2;
	s12 =	sor.u32 s15, s19  }
0x236: {  	s28 =	sor.u32 s11, s13;
	s29 =	sor.u32 s14, s9;
	[tilespmem:s12+$0x0] =	vst.add.f32.msk $0xffff, v2;
	s12 =	sor.u32 s15, s13  }
0x237: {  	s30 =	sor.u32 s14, s19;
	s11 =	sor.u32 s14, s13;
	s15 =	sor.u32 s14, s17;
	[tilespmem:s12+$0x0] =	vst.add.f32.msk $0xffff, v2;
	v0 =	vmov v4  }
0x238: {  	s12 =	sor.u32 s16, s9;
	s9 =	sor.u32 s16, s19;
	[tilespmem:s10+$0x0] =	vst.add.f32.msk $0xffff, v3;
	s10 =	sor.u32 s16, s17  }
0x239: {  	[tilespmem:s8+$0x0] =	vst.add.f32.msk $0xffff, v3;
	s8 =	sor.u32 s16, s13  }
.Ltmp5:
0x23a: {  	[tilespmem:s26+$0x0] =	vst.add.f32.msk $0xffff, v3;
	(pc) =	sbr.rel @p0 .LBB2_12-.Ltmp5, $4  }
0x23b: {  	[tilespmem:s28+$0x0] =	vst.add.f32.msk $0xffff, v3  }
0x23c: {  	[tilespmem:s29+$0x0] =	vst.add.f32.msk $0xffff, v1  }
0x23d: {  	[tilespmem:s15+$0x0] =	vst.add.f32.msk $0xffff, v1  }
0x23e: {  	s6 =	sadd.s32 $0x8, s6;
	s7 =	sadd.s32 $0x200, s7;
	[tilespmem:s30+$0x0] =	vst.add.f32.msk $0xffff, v1  }
0x23f: {  	[tilespmem:s11+$0x0] =	vst.add.f32.msk $0xffff, v1  }
0x240: {  	[tilespmem:s12+$0x0] =	vst.add.f32.msk $0xffff, v0  }
0x241: {  	[tilespmem:s10+$0x0] =	vst.add.f32.msk $0xffff, v0  }
0x242: {  	[tilespmem:s9+$0x0] =	vst.add.f32.msk $0xffff, v0  }
0x243: {  	[tilespmem:s8+$0x0] =	vst.add.f32.msk $0xffff, v0  }
0x244: {  	s6 =	sld [smem:$0x7E1];
	_ =	sdelay $0x1  }
0x245: {  	s25 =	simm.s32 $0x0;
	s7 =	simm.s32 $0x16000;
	s26 =	sld [smem:$0x7E3]  }
0x246: {  	[hbm4b:s6+s25] =	stream.linear.scatter [tilespmem:s7], [sflag:$0x6], $0x2000, $0x38;
	[tilespmem:$0x1E000] =	vst v63  }
0x247: {  	s28 =	simm.s32 $0x18000;
	s29 =	sld [smem:$0x7E5]  }
0x248: {  	[hbm4b:s26+s25] =	stream.linear.scatter [tilespmem:s28], [sflag:$0x6], $0x2000, $0x38;
	[tilespmem:$0x1E000] =	vst v63  }
0x249: {  	s30 =	simm.s32 $0x1A000;
	s7 =	sld [smem:$0x7E7]  }
0x24a: {  	[hbm4b:s29+s25] =	stream.linear.scatter [tilespmem:s30], [sflag:$0x6], $0x2000, $0x38;
	[tilespmem:$0x1E000] =	vst v63  }
0x24b: {  	s8 =	simm.s32 $0x1C000  }
0x24c: {  	[hbm4b:s7+s25] =	stream.linear.scatter [tilespmem:s8], [sflag:$0x6], $0x2000, $0x38;
	[tilespmem:$0x1E000] =	vst v63  }
0x24d: {  	_ =	swait.ge [sflag:s3], $0x2000  }
0x24e: {  	[sflag:s3] =	ssyncset.done $0x0  }
0x24f: {  	[sflag:s3] =	ssyncadd.s32 $0xFFFFE000  }
0x250: {  	_ =	swait.ge [sflag:s3], $0x2000  }
0x251: {  	[sflag:s3] =	ssyncset.done $0x0  }
0x252: {  	[sflag:s3] =	ssyncadd.s32 $0xFFFFE000  }
0x253: {  	_ =	swait.ge [sflag:s3], $0x2000  }
0x254: {  	[sflag:s3] =	ssyncset.done $0x0  }
0x255: {  	[sflag:s3] =	ssyncadd.s32 $0xFFFFE000  }
0x256: {  	_ =	swait.ge [sflag:s3], $0x2000  }
0x257: {  	s9 =	sld [smem:$0x7EA]  }
0x258: {  	[sflag:s3] =	ssyncset.done $0x0  }
0x259: {  	s10 =	simm.s32 $0x2000;
	s11 =	sld [smem:$0x7F1];
	[sflag:s3] =	ssyncadd.s32 $0xFFFFE000  }
0x25a: {  	[tilespmem:s10], [sflag:$0x2] =	stream.linear.gather [hbm4b:s9+s25], $0x2000, $0x38;
	[tilespmem:$0x1E000] =	vst v63  }
0x25b: {  	s12 =	sld [smem:$0x7F2]  }
0x25c: {  	[tilespmem:s20], [sflag:$0x2] =	stream.linear.gather [hbm4b:s11+s25], $0x2000, $0x38;
	[tilespmem:$0x1E000] =	vst v63  }
0x25d: {  	s13 =	sld [smem:$0x7F3]  }
0x25e: {  	[tilespmem:s21], [sflag:$0x2] =	stream.linear.gather [hbm4b:s12+s25], $0x2000, $0x38;
	[tilespmem:$0x1E000] =	vst v63  }
0x25f: {  	s14 =	sld [smem:$0x7F4]  }
0x260: {  	[tilespmem:s22], [sflag:$0x2] =	stream.linear.gather [hbm4b:s13+s25], $0x2000, $0x38;
	[tilespmem:$0x1E000] =	vst v63  }
0x261: {  	_ = 	snop  }
0x262: {  	[tilespmem:s23], [sflag:$0x2] =	stream.linear.gather [hbm4b:s14+s25], $0x2000, $0x38;
	[tilespmem:$0x1E000] =	vst v63  }
0x263: {  	_ =	swait.ge [sflag:s24], $0x2000  }
0x264: {  	[sflag:s24] =	ssyncset.done $0x0  }
0x265: {  	[sflag:s24] =	ssyncadd.s32 $0xFFFFE000  }
0x266: {  	_ =	swait.ge [sflag:s24], $0x2000  }
0x267: {  	[sflag:s24] =	ssyncset.done $0x0  }
0x268: {  	[sflag:s24] =	ssyncadd.s32 $0xFFFFE000  }
0x269: {  	_ =	swait.ge [sflag:s24], $0x2000  }
0x26a: {  	[sflag:s24] =	ssyncset.done $0x0  }
0x26b: {  	[sflag:s24] =	ssyncadd.s32 $0xFFFFE000  }
0x26c: {  	_ =	swait.ge [sflag:s24], $0x2000  }
0x26d: {  	[sflag:s24] =	ssyncset.done $0x0  }
0x26e: {  	s15 =	sand.u32 $0x1C00, s25;
	s6 =	simm.s32 $0x0;
	[sflag:s24] =	ssyncadd.s32 $0xFFFFE000  }
0x26f: {  	s16 =	sand.u32 $0x380, s25;
	s7 =	sand.u32 $0x40, s6;
	_ =	swait.ge [sflag:s24], $0x2000  }
0x270: {  	s8 =	sor.u32 s16, s15;
	s17 =	sor.u32 $0x30, s7;
	[sflag:s24] =	ssyncset.done $0x0  }
0x271: {  	s19 =	sor.u32 s17, s8;
	s11 =	sor.u32 $0x10, s7;
	[sflag:s24] =	ssyncadd.s32 $0xFFFFE000  }
0x272: {  	s26 =	sor.u32 s11, s8;
	v0 =	vld [tilespmem:s19+$0x0]  }
0x273: {  	v2 =	vld [tilespmem:s26+$0x0]  }
0x274: {  	s16 =	sor.u32 $0x20, s7  }
0x275: {  	s30 =	sor.u32 s16, s8  }
0x276: {  	s10 =	sor.u32 $0x6000, s19;
	v1 =	vld [tilespmem:s30+$0x0]  }
0x277: {  	s12 =	sor.u32 $0x6000, s26;
	s13 =	sor.u32 $0x8000, s8;
	[tilespmem:s10+$0x0] =	vst.add.f32.msk $0xffff, v0  }
0x278: {  	s15 =	sor.u32 $0xC000, s8;
	s28 =	sor.u32 s17, s13;
	s14 =	sor.u32 $0xA000, s8;
	[tilespmem:s12+$0x0] =	vst.add.f32.msk $0xffff, v2  }
0x279: {  	s9 =	sor.u32 s17, s15;
	s29 =	sor.u32 s17, s14;
	s17 =	sor.u32 s11, s13;
	[tilespmem:s28+$0x0] =	vst.add.f32.msk $0xffff, v0  }
0x27a: {  	[tilespmem:s17+$0x0] =	vst.add.f32.msk $0xffff, v2  }
0x27b: {  	s19 =	sor.u32 s11, s14;
	[tilespmem:s29+$0x0] =	vst.add.f32.msk $0xffff, v0  }
0x27c: {  	s28 =	sor.u32 $0x6000, s30;
	[tilespmem:s19+$0x0] =	vst.add.f32.msk $0xffff, v2  }
0x27d: {  	[tilespmem:s28+$0x0] =	vst.add.f32.msk $0xffff, v1  }
0x27e: {  	s17 =	sor.u32 s7, s8;
	[tilespmem:s9+$0x0] =	vst.add.f32.msk $0xffff, v0  }
0x27f: {  	s26 =	sor.u32 s11, s15;
	v0 =	vld [tilespmem:s17+$0x0]  }
0x280: {  	s11 =	sor.u32 s7, s14;
	s29 =	sor.u32 s16, s13;
	[tilespmem:s26+$0x0] =	vst.add.f32.msk $0xffff, v2  }
0x281: {  	s10 =	sor.u32 s7, s13;
	s12 =	sor.u32 s16, s15;
	s30 =	sor.u32 s16, s14;
	[tilespmem:s29+$0x0] =	vst.add.f32.msk $0xffff, v1  }
0x282: {  	s8 =	sor.u32 s7, s15;
	s7 =	simm.s32 $0x0;
	s9 =	sor.u32 $0x6000, s17;
	[tilespmem:s30+$0x0] =	vst.add.f32.msk $0xffff, v1  }
.LBB2_14:
0x283: {  	s6 =	sadd.s32 $0x40, s6;
	[tilespmem:s12+$0x0] =	vst.add.f32.msk $0xffff, v1;
	s25 =	sadd.s32 $0x8, s25;
	s7 =	sadd.s32 $0x200, s7  }
0x284: {  	s12 =	sand.u32 $0x40, s6;
	s13 =	sand.u32 $0x1C00, s7;
	s14 =	sand.u32 $0x380, s25;
	[tilespmem:s9+$0x0] =	vst.add.f32.msk $0xffff, v0  }
0x285: {  	s13 =	sor.u32 s14, s13;
	s14 =	sor.u32 $0x10, s12;
	s15 =	sor.u32 $0x30, s12;
	[tilespmem:s10+$0x0] =	vst.add.f32.msk $0xffff, v0  }
0x286: {  	s16 =	sor.u32 $0x20, s12;
	s10 =	sor.u32 s14, s13;
	s17 =	sor.u32 s15, s13;
	[tilespmem:s11+$0x0] =	vst.add.f32.msk $0xffff, v0  }
0x287: {  	s11 =	sor.u32 s12, s13;
	s26 =	sor.u32 s16, s13;
	s19 =	sor.u32 $0x6000, s10;
	v2 =	vld [tilespmem:s17+$0x0]  }
0x288: {  	p0 =	slt.u32 s6, $0x1FC0;
	s9 =	sor.u32 $0x6000, s11;
	s28 =	sor.u32 $0x6000, s26;
	v3 =	vld [tilespmem:s10+$0x0]  }
0x289: {  	v1 =	vld [tilespmem:s26+$0x0]  }
0x28a: {  	v4 =	vld [tilespmem:s11+$0x0]  }
0x28b: {  	s26 =	sor.u32 $0x8000, s13;
	s11 =	sor.u32 $0x6000, s17;
	[tilespmem:s8+$0x0] =	vst.add.f32.msk $0xffff, v0  }
0x28c: {  	s10 =	sor.u32 s12, s26;
	s17 =	sor.u32 $0xA000, s13;
	s8 =	sor.u32 s15, s26;
	[tilespmem:s11+$0x0] =	vst.add.f32.msk $0xffff, v2  }
0x28d: {  	s13 =	sor.u32 $0xC000, s13;
	s29 =	sor.u32 s15, s17;
	s11 =	sor.u32 s12, s17;
	[tilespmem:s8+$0x0] =	vst.add.f32.msk $0xffff, v2  }
0x28e: {  	s30 =	sor.u32 s14, s26;
	s8 =	sor.u32 s12, s13;
	s12 =	sor.u32 s15, s13;
	[tilespmem:s29+$0x0] =	vst.add.f32.msk $0xffff, v2  }
0x28f: {  	s26 =	sor.u32 s16, s26;
	s15 =	sor.u32 s14, s17;
	s14 =	sor.u32 s14, s13;
	[tilespmem:s12+$0x0] =	vst.add.f32.msk $0xffff, v2;
	v0 =	vmov v4  }
0x290: {  	s17 =	sor.u32 s16, s17;
	s12 =	sor.u32 s16, s13;
	[tilespmem:s19+$0x0] =	vst.add.f32.msk $0xffff, v3  }
0x291: {  	[tilespmem:s30+$0x0] =	vst.add.f32.msk $0xffff, v3  }
.Ltmp6:
0x292: {  	[tilespmem:s15+$0x0] =	vst.add.f32.msk $0xffff, v3;
	(pc) =	sbr.rel @p0 .LBB2_14-.Ltmp6, $4  }
0x293: {  	[tilespmem:s14+$0x0] =	vst.add.f32.msk $0xffff, v3  }
0x294: {  	[tilespmem:s28+$0x0] =	vst.add.f32.msk $0xffff, v1  }
0x295: {  	[tilespmem:s26+$0x0] =	vst.add.f32.msk $0xffff, v1  }
0x296: {  	[tilespmem:s17+$0x0] =	vst.add.f32.msk $0xffff, v1  }
0x297: {  	[tilespmem:s12+$0x0] =	vst.add.f32.msk $0xffff, v1  }
0x298: {  	[tilespmem:s9+$0x0] =	vst.add.f32.msk $0xffff, v0  }
0x299: {  	[tilespmem:s10+$0x0] =	vst.add.f32.msk $0xffff, v0  }
0x29a: {  	[tilespmem:s11+$0x0] =	vst.add.f32.msk $0xffff, v0  }
0x29b: {  	[tilespmem:s8+$0x0] =	vst.add.f32.msk $0xffff, v0  }
0x29c: {  	s7 =	sld [smem:$0x7F5];
	_ =	sdelay $0x1  }
0x29d: {  	s6 =	simm.s32 $0x0;
	s15 =	simm.s32 $0x6000;
	s16 =	sld [smem:$0x7F6]  }
0x29e: {  	[hbm4b:s7+s6] =	stream.linear.scatter [tilespmem:s15], [sflag:$0x4], $0x2000, $0x38;
	[tilespmem:$0x1E000] =	vst v63  }
0x29f: {  	s17 =	simm.s32 $0x8000;
	s19 =	sld [smem:$0x7F7]  }
0x2a0: {  	[hbm4b:s16+s6] =	stream.linear.scatter [tilespmem:s17], [sflag:$0x4], $0x2000, $0x38;
	[tilespmem:$0x1E000] =	vst v63  }
0x2a1: {  	s25 =	simm.s32 $0xA000;
	s26 =	sld [smem:$0x7F8]  }
0x2a2: {  	[hbm4b:s19+s6] =	stream.linear.scatter [tilespmem:s25], [sflag:$0x4], $0x2000, $0x38;
	[tilespmem:$0x1E000] =	vst v63  }
0x2a3: {  	_ = 	snop  }
0x2a4: {  	[hbm4b:s26+s6] =	stream.linear.scatter [tilespmem:s18], [sflag:$0x4], $0x2000, $0x38;
	[tilespmem:$0x1E000] =	vst v63  }
0x2a5: {  	_ =	swait.ge [sflag:s31], $0x2000  }
0x2a6: {  	[sflag:s31] =	ssyncset.done $0x0  }
0x2a7: {  	[sflag:s31] =	ssyncadd.s32 $0xFFFFE000  }
0x2a8: {  	_ =	swait.ge [sflag:s31], $0x2000  }
0x2a9: {  	[sflag:s31] =	ssyncset.done $0x0  }
0x2aa: {  	[sflag:s31] =	ssyncadd.s32 $0xFFFFE000  }
0x2ab: {  	_ =	swait.ge [sflag:s31], $0x2000  }
0x2ac: {  	[sflag:s31] =	ssyncset.done $0x0  }
0x2ad: {  	[sflag:s31] =	ssyncadd.s32 $0xFFFFE000  }
0x2ae: {  	_ =	swait.ge [sflag:s31], $0x2000  }
0x2af: {  	s28 =	sand.u32 $0x1C00, s6;
	[sflag:s31] =	ssyncset.done $0x0  }
0x2b0: {  	s25 =	simm.s32 $0x0;
	s6 =	sand.u32 $0x380, s6;
	[sflag:s31] =	ssyncadd.s32 $0xFFFFE000  }
0x2b1: {  	s29 =	sand.u32 $0x40, s25;
	s6 =	sor.u32 s6, s28;
	_ =	swait.ge [sflag:s31], $0x2000  }
0x2b2: {  	s30 =	sor.u32 $0x30, s29;
	s7 =	sor.u32 $0x2000, s6;
	[sflag:s31] =	ssyncset.done $0x0  }
0x2b3: {  	s11 =	sor.u32 s30, s7;
	[sflag:s31] =	ssyncadd.s32 $0xFFFFE000  }
0x2b4: {  	s10 =	sor.u32 $0x10, s29;
	s12 =	sor.u32 s29, s7;
	v2 =	vld [tilespmem:s11+$0x0]  }
0x2b5: {  	s14 =	sor.u32 s10, s7;
	v3 =	vld [tilespmem:s12+$0x0]  }
0x2b6: {  	s13 =	sor.u32 $0x20, s29;
	v1 =	vld [tilespmem:s14+$0x0]  }
0x2b7: {  	s7 =	sor.u32 s13, s7;
	s12 =	sor.u32 $0xE000, s6  }
0x2b8: {  	v0 =	vld [tilespmem:s7+$0x0];
	s7 =	sor.u32 $0x10000, s6;
	s14 =	sor.u32 $0x12000, s6;
	s15 =	sor.u32 s30, s12  }
0x2b9: {  	s6 =	sor.u32 $0x14000, s6;
	s19 =	sor.u32 s29, s12;
	s26 =	sor.u32 s29, s7;
	[tilespmem:s15+$0x0] =	vst.add.f32.msk $0xffff, v2  }
0x2ba: {  	s28 =	sor.u32 s29, s14;
	s8 =	sor.u32 s29, s6;
	s29 =	sor.u32 s10, s12;
	[tilespmem:s19+$0x0] =	vst.add.f32.msk $0xffff, v3  }
0x2bb: {  	s16 =	sor.u32 s30, s7;
	[tilespmem:s29+$0x0] =	vst.add.f32.msk $0xffff, v1  }
0x2bc: {  	[tilespmem:s16+$0x0] =	vst.add.f32.msk $0xffff, v2  }
0x2bd: {  	s17 =	sor.u32 s30, s14;
	s9 =	sor.u32 s30, s6;
	s30 =	sor.u32 s10, s7;
	[tilespmem:s26+$0x0] =	vst.add.f32.msk $0xffff, v3  }
0x2be: {  	[tilespmem:s30+$0x0] =	vst.add.f32.msk $0xffff, v1  }
0x2bf: {  	[tilespmem:s17+$0x0] =	vst.add.f32.msk $0xffff, v2  }
0x2c0: {  	s15 =	sor.u32 s10, s14;
	[tilespmem:s28+$0x0] =	vst.add.f32.msk $0xffff, v3  }
0x2c1: {  	s11 =	sor.u32 s10, s6;
	[tilespmem:s15+$0x0] =	vst.add.f32.msk $0xffff, v1  }
0x2c2: {  	s12 =	sor.u32 s13, s12;
	s10 =	sor.u32 s13, s7;
	s7 =	simm.s32 $0x200;
	[tilespmem:s9+$0x0] =	vst.add.f32.msk $0xffff, v2  }
0x2c3: {  	[tilespmem:s8+$0x0] =	vst.add.f32.msk $0xffff, v3;
	s9 =	sor.u32 s13, s14;
	s8 =	sor.u32 s13, s6;
	s6 =	simm.s32 $0x8  }
.LBB2_16:
0x2c4: {  	s25 =	sadd.s32 $0x40, s25;
	s13 =	sand.u32 $0x1C00, s7;
	s14 =	sand.u32 $0x380, s6;
	[tilespmem:s11+$0x0] =	vst.add.f32.msk $0xffff, v1  }
0x2c5: {  	s11 =	sand.u32 $0x40, s25;
	s13 =	sor.u32 s14, s13;
	[tilespmem:s12+$0x0] =	vst.add.f32.msk $0xffff, v0  }
0x2c6: {  	s12 =	sor.u32 $0x2000, s13;
	s14 =	sor.u32 $0x10, s11;
	s15 =	sor.u32 $0x30, s11;
	[tilespmem:s10+$0x0] =	vst.add.f32.msk $0xffff, v0  }
0x2c7: {  	s16 =	sor.u32 $0x20, s11;
	s10 =	sor.u32 s11, s12;
	s17 =	sor.u32 s15, s12;
	[tilespmem:s9+$0x0] =	vst.add.f32.msk $0xffff, v0  }
0x2c8: {  	p0 =	slt.u32 s25, $0x1FC0;
	s9 =	sor.u32 s14, s12;
	s12 =	sor.u32 s16, s12;
	v2 =	vld [tilespmem:s17+$0x0]  }
0x2c9: {  	v3 =	vld [tilespmem:s10+$0x0]  }
0x2ca: {  	v1 =	vld [tilespmem:s9+$0x0]  }
0x2cb: {  	s9 =	sor.u32 $0xE000, s13;
	v4 =	vld [tilespmem:s12+$0x0]  }
0x2cc: {  	s17 =	sor.u32 $0x10000, s13;
	s10 =	sor.u32 s11, s9;
	s12 =	sor.u32 s15, s9;
	[tilespmem:s8+$0x0] =	vst.add.f32.msk $0xffff, v0  }
0x2cd: {  	s19 =	sor.u32 $0x12000, s13;
	s8 =	sor.u32 s11, s17;
	[tilespmem:s12+$0x0] =	vst.add.f32.msk $0xffff, v2;
	s12 =	sor.u32 s15, s17  }
0x2ce: {  	s26 =	sor.u32 s11, s19;
	s13 =	sor.u32 $0x14000, s13;
	[tilespmem:s12+$0x0] =	vst.add.f32.msk $0xffff, v2;
	s12 =	sor.u32 s15, s19  }
0x2cf: {  	s28 =	sor.u32 s11, s13;
	s29 =	sor.u32 s14, s9;
	[tilespmem:s12+$0x0] =	vst.add.f32.msk $0xffff, v2;
	s12 =	sor.u32 s15, s13  }
0x2d0: {  	s30 =	sor.u32 s14, s19;
	s11 =	sor.u32 s14, s13;
	s15 =	sor.u32 s14, s17;
	[tilespmem:s12+$0x0] =	vst.add.f32.msk $0xffff, v2;
	v0 =	vmov v4  }
0x2d1: {  	s12 =	sor.u32 s16, s9;
	s9 =	sor.u32 s16, s19;
	[tilespmem:s10+$0x0] =	vst.add.f32.msk $0xffff, v3;
	s10 =	sor.u32 s16, s17  }
0x2d2: {  	[tilespmem:s8+$0x0] =	vst.add.f32.msk $0xffff, v3;
	s8 =	sor.u32 s16, s13  }
.Ltmp7:
0x2d3: {  	[tilespmem:s26+$0x0] =	vst.add.f32.msk $0xffff, v3;
	(pc) =	sbr.rel @p0 .LBB2_16-.Ltmp7, $4  }
0x2d4: {  	[tilespmem:s28+$0x0] =	vst.add.f32.msk $0xffff, v3  }
0x2d5: {  	[tilespmem:s29+$0x0] =	vst.add.f32.msk $0xffff, v1  }
0x2d6: {  	[tilespmem:s15+$0x0] =	vst.add.f32.msk $0xffff, v1  }
0x2d7: {  	s6 =	sadd.s32 $0x8, s6;
	s7 =	sadd.s32 $0x200, s7;
	[tilespmem:s30+$0x0] =	vst.add.f32.msk $0xffff, v1  }
0x2d8: {  	[tilespmem:s11+$0x0] =	vst.add.f32.msk $0xffff, v1  }
0x2d9: {  	[tilespmem:s12+$0x0] =	vst.add.f32.msk $0xffff, v0  }
0x2da: {  	[tilespmem:s10+$0x0] =	vst.add.f32.msk $0xffff, v0  }
0x2db: {  	[tilespmem:s9+$0x0] =	vst.add.f32.msk $0xffff, v0  }
0x2dc: {  	[tilespmem:s8+$0x0] =	vst.add.f32.msk $0xffff, v0  }
0x2dd: {  	s6 =	sld [smem:$0x7F9];
	_ =	sdelay $0x1  }
0x2de: {  	s26 =	sld [smem:$0x7FA]  }
0x2df: {  	[hbm4b:s6+s1] =	stream.linear.scatter [tilespmem:s20], [sflag:$0x5], $0x2000, $0x38;
	[tilespmem:$0x1E000] =	vst v63  }
0x2e0: {  	s28 =	sld [smem:$0x7FB]  }
0x2e1: {  	[hbm4b:s26+s1] =	stream.linear.scatter [tilespmem:s21], [sflag:$0x5], $0x2000, $0x38;
	[tilespmem:$0x1E000] =	vst v63  }
0x2e2: {  	s29 =	sld [smem:$0x7FC]  }
0x2e3: {  	[hbm4b:s28+s1] =	stream.linear.scatter [tilespmem:s22], [sflag:$0x5], $0x2000, $0x38;
	[tilespmem:$0x1E000] =	vst v63  }
0x2e4: {  	_ = 	snop  }
0x2e5: {  	[hbm4b:s29+s1] =	stream.linear.scatter [tilespmem:s23], [sflag:$0x5], $0x2000, $0x38;
	[tilespmem:$0x1E000] =	vst v63  }
0x2e6: {  	_ =	swait.ge [sflag:s4], $0x2000  }
0x2e7: {  	[sflag:s4] =	ssyncset.done $0x0  }
0x2e8: {  	[sflag:s4] =	ssyncadd.s32 $0xFFFFE000  }
0x2e9: {  	_ =	swait.ge [sflag:s4], $0x2000  }
0x2ea: {  	[sflag:s4] =	ssyncset.done $0x0  }
0x2eb: {  	[sflag:s4] =	ssyncadd.s32 $0xFFFFE000  }
0x2ec: {  	_ =	swait.ge [sflag:s4], $0x2000  }
0x2ed: {  	[sflag:s4] =	ssyncset.done $0x0  }
0x2ee: {  	[sflag:s4] =	ssyncadd.s32 $0xFFFFE000  }
0x2ef: {  	_ =	swait.ge [sflag:s4], $0x2000  }
0x2f0: {  	[sflag:s4] =	ssyncset.done $0x0  }
0x2f1: {  	[sflag:s4] =	ssyncadd.s32 $0xFFFFE000  }
0x2f2: {  	_ =	swait.ge [sflag:s0], $0x2000  }
0x2f3: {  	[sflag:s0] =	ssyncset.done $0x0  }
0x2f4: {  	[sflag:s0] =	ssyncadd.s32 $0xFFFFE000  }
0x2f5: {  	_ =	swait.ge [sflag:s0], $0x2000  }
0x2f6: {  	[sflag:s0] =	ssyncset.done $0x0  }
0x2f7: {  	[sflag:s0] =	ssyncadd.s32 $0xFFFFE000  }
0x2f8: {  	_ =	swait.ge [sflag:s0], $0x2000  }
0x2f9: {  	[sflag:s0] =	ssyncset.done $0x0  }
0x2fa: {  	[sflag:s0] =	ssyncadd.s32 $0xFFFFE000  }
0x2fb: {  	_ =	swait.ge [sflag:s0], $0x2000  }
0x2fc: {  	[sflag:s0] =	ssyncset.done $0x0  }
0x2fd: {  	[sflag:s0] =	ssyncadd.s32 $0xFFFFE000  }
0x2fe: {  	_ =	swait.ge [sflag:s3], $0x2000  }
0x2ff: {  	[sflag:s3] =	ssyncset.done $0x0  }
0x300: {  	[sflag:s3] =	ssyncadd.s32 $0xFFFFE000  }
0x301: {  	_ =	swait.ge [sflag:s3], $0x2000  }
0x302: {  	[sflag:s3] =	ssyncset.done $0x0  }
0x303: {  	[sflag:s3] =	ssyncadd.s32 $0xFFFFE000  }
0x304: {  	_ =	swait.ge [sflag:s3], $0x2000  }
0x305: {  	[sflag:s3] =	ssyncset.done $0x0  }
0x306: {  	[sflag:s3] =	ssyncadd.s32 $0xFFFFE000  }
0x307: {  	_ =	swait.ge [sflag:s3], $0x2000  }
0x308: {  	s30 =	sld [smem:$0x7FD];
	_ =	sdelay $0x1  }
0x309: {  	s5 =	sadd.s32 $0x1, s5  }
0x30a: {  	p0 =	sne.s32 s5, s30  }
.Ltmp8:
0x30b: {  	_ = 	snop;
	(pc) =	sbr.rel @p0 .LBB2_1-.Ltmp8, $3  }
0x30c: {  	_ =	sdelay $0x1  }
0x30d: {  	[sflag:s3] =	ssyncset.done $0x0  }
0x30e: {  	[sflag:s3] =	ssyncadd.s32 $0xFFFFE000  }
0x30f: {  	_ =	sfence.sel $0x180000  }
0x310: {  	[bflag:$0x0] =	sbarrier.arrive $0xFFFF  }
0x311: {  	_ =	strace $0x90000047  }
0x312: {  	s0 =	stileid.u32;
	[bflag:$0x2] =	sbarrier.arrive $0xFFFF  }
0x313: {  	p0 =	sne.s32 s0, $0x0;
	s0 =	rddreg [dreg:$0x3]  }
0x314: {  	s0 =	sadd.s32 @!p0 $0x100000, s0  }
0x315: {  	[sflag:s0] =	ssyncadd.tile.s32 @!p0 $0x1;
	_ =	shalt  }
.Lfunc_end2:
_tile_overlayer_lowered:
.L_overlay_start_2:
0x316: {  	(tag) =	ssettag $0x2  }
0x317: {  	s0 =	rddreg [dreg:$0x0];
	s2 =	stileid.u32  }
0x318: {  	s1 =	rddreg [dreg:$0x1];
	p0 =	sne.s32 s2, $0x0  }
0x319: {  	s3 =	rddreg [dreg:$0x2];
	[bflag:$0x3] =	sbarrier.arrive $0xFFFF;
	s2 =	simm.s32 @!p0 $0x1C07  }
0x31a: {  	[timem:s3], [sflag:s2] =	dma.local @!p0 [hbm:s0], s1  }
0x31b: {  	s0 =	simm.s32 @!p0 $0x7  }
0x31c: {  	_ =	swait.ge @!p0 [sflag:s0], s1  }
0x31d: {  	s1 =	ssub.s32 @!p0 $0x0, s1;
	[sflag:s0] =	ssyncset.done @!p0 $0x0  }
0x31e: {  	[sflag:s0] =	ssyncadd.s32 @!p0 s1  }
0x31f: {  	[bflag:$0x3] =	sbarrier.arrive $0xFFFF  }
0x320: {  	_ =	shalt  }

</sc_bundles>
